<compile_context>
chip_gen: v7x
topology: tpu7x:2x2x1
jax: 0.10.2.dev20260603
libtpu: 0.0.44.dev20260713+nightly
codegen_flags: <defaults>
</compile_context>

<pallas_src>
import jax
import jax.numpy as jnp
from jax.experimental import pallas as pl

_NSAMPLE = 32
_TEMP = 0.02
_BM = 128
_NC = 1024


def _qg_kernel(rt_ref, xyzT_ref, fx_ref, q_ref, r_ref, rr_ref, nf_ref, w_ref,
               idx_ref):
    nch = xyzT_ref.shape[1]
    bm = q_ref.shape[1]
    rt = rt_ref[0, 0]
    q3 = q_ref[0]
    qx = q_ref[0, :, 0:1]
    qy = q_ref[0, :, 1:2]
    qz = q_ref[0, :, 2:3]
    r = r_ref[0, :, 0:1]
    rr = rr_ref[0, :, 0:1]
    rr2 = rr * rr
    qq = qx * qx + qy * qy + qz * qz

    nf_ref[...] = jnp.zeros_like(nf_ref)
    idx_ref[...] = jnp.zeros_like(idx_ref)

    jloc = jax.lax.broadcasted_iota(jnp.int32, (1, _NC), 1)

    def chunk_body(state):
        c, carry = state
        base = c * _NC
        p3 = xyzT_ref[0, c]
        px = p3[0, :][None, :]
        py = p3[1, :][None, :]
        pz = p3[2, :][None, :]
        fxc = fx_ref[0, c]
        pp = px * px + py * py + pz * pz
        dot = jax.lax.dot_general(
            q3, p3, (((1,), (0,)), ((), ())),
            preferred_element_type=jnp.float32)
        d2 = qq + pp - 2.0 * dot
        mask = d2 < rr2
        mi = mask.astype(jnp.int32)
        incl = mi
        sh = 1
        while sh < _NC:
            zeros = jnp.zeros((bm, sh), jnp.int32)
            incl = incl + jnp.concatenate([zeros, incl[:, :_NC - sh]], axis=1)
            sh *= 2
        excl = incl - mi + carry
        jglob = jloc + base
        for s in range(_NSAMPLE):
            hit = mask & (excl == s)
            ind = jnp.where(hit, 1.0, 0.0)
            raw = jax.lax.dot_general(
                ind, fxc, (((1,), (0,)), ((), ())),
                precision=jax.lax.Precision.HIGHEST,
                preferred_element_type=jnp.float32)
            nf_ref[:, s, :] += raw
            idx_ref[:, s] += jnp.sum(
                jnp.where(hit, jglob, 0), axis=1)
        carry = carry + incl[:, _NC - 1:_NC]
        return c + 1, carry

    def chunk_cond(state):
        c, carry = state
        return (c < nch) & (jnp.min(carry) < _NSAMPLE)

    carry0 = jnp.zeros((bm, 1), jnp.int32)
    _, cnt = jax.lax.while_loop(chunk_cond, chunk_body,
                                (jnp.int32(0), carry0))

    empty = cnt == 0
    raw0 = nf_ref[:, 0, :]
    id0 = idx_ref[:, 0]
    for s in range(_NSAMPLE):
        valid = s < jnp.maximum(cnt, 1)
        sel = jnp.where(valid, nf_ref[:, s, :], raw0)
        gx = jnp.where(empty, 0.0, sel[:, 0:1] - qx)
        gy = jnp.where(empty, 0.0, sel[:, 1:2] - qy)
        gz = jnp.where(empty, 0.0, sel[:, 2:3] - qz)
        dist = jnp.sqrt(gx * gx + gy * gy + gz * gz)
        w = 1.0 - jax.nn.sigmoid((dist - r) / rt)
        out = jnp.concatenate([gx, gy, gz, sel[:, 3:]], axis=1)
        nf_ref[:, s, :] = out
        w_ref[:, s] = w[:, 0]
        idx_ref[:, s] = jnp.where(valid[:, 0], idx_ref[:, s], id0)


def kernel(xyz, xyz_batch_cnt, new_xyz, new_xyz_r, new_xyz_batch_cnt,
           features, temperature_decay):
    b = xyz_batch_cnt.shape[0]
    n = xyz.shape[0] // b
    m = new_xyz.shape[0] // b
    ns = _NSAMPLE
    cdim = 3 + features.shape[1]
    real_t = _TEMP * temperature_decay
    explore_r = new_xyz_r + real_t * 5.0
    rt = jnp.reshape(jnp.asarray(real_t, jnp.float32), (1, 1))
    nch = n // _NC
    xyzT = (xyz.reshape(b, n, 3).transpose(0, 2, 1)
            .reshape(b, 3, nch, _NC).transpose(0, 2, 1, 3))
    fx = (jnp.concatenate([xyz, features], axis=1)
          .reshape(b, nch, _NC, cdim))
    qb = new_xyz.reshape(b, m, 3)
    rb = new_xyz_r.reshape(b, m, 1)
    rrb = explore_r.reshape(b, m, 1)
    nblk = m // _BM
    nf_t, w, idx = pl.pallas_call(
        _qg_kernel,
        grid=(b, nblk),
        in_specs=[
            pl.BlockSpec((1, 1), lambda bi, mi: (0, 0)),
            pl.BlockSpec((1, nch, 3, _NC), lambda bi, mi: (bi, 0, 0, 0)),
            pl.BlockSpec((1, nch, _NC, cdim), lambda bi, mi: (bi, 0, 0, 0)),
            pl.BlockSpec((1, _BM, 3), lambda bi, mi: (bi, mi, 0)),
            pl.BlockSpec((1, _BM, 1), lambda bi, mi: (bi, mi, 0)),
            pl.BlockSpec((1, _BM, 1), lambda bi, mi: (bi, mi, 0)),
        ],
        out_specs=[
            pl.BlockSpec((_BM, ns, cdim), lambda bi, mi: (bi * nblk + mi, 0, 0)),
            pl.BlockSpec((_BM, ns), lambda bi, mi: (bi * nblk + mi, 0)),
            pl.BlockSpec((_BM, ns), lambda bi, mi: (bi * nblk + mi, 0)),
        ],
        out_shape=[
            jax.ShapeDtypeStruct((b * m, ns, cdim), jnp.float32),
            jax.ShapeDtypeStruct((b * m, ns), jnp.float32),
            jax.ShapeDtypeStruct((b * m, ns), jnp.int32),
        ],
    )(rt, xyzT, fx, qb, rb, rrb)
    new_features = nf_t.transpose(0, 2, 1)
    return new_features, w, idx

# --- scband reference (transcript-rebuilt; emitter-appended) ---
"""Pipeline reference for scband-query-and-group-deform-85323820302743 (READ-ONLY COPY).

The authoritative reference and input builder live on the scoring server;
editing this copy changes nothing except your own understanding.
"""

import jax, jax.numpy as jnp
import numpy as np

B = 4
N_PER = 8192
M_PER = 2048
C_FEAT = 64
NSAMPLE = 32
TEMPERATURE = 0.02
USE_XYZ = True


def _ball_query(xyz_b, new_b, r_b, nsample):
    # Faithful to the CUDA kernel: scan points in increasing index order,
    # first `cnt` slots hold the first cnt in-ball indices, remaining slots
    # replicate the first found index; empty balls -> idx 0 + mask.
    def per_batch(args):
        px, nx, rr = args
        d2 = (jnp.sum(nx * nx, axis=-1)[:, None]
              + jnp.sum(px * px, axis=-1)[None, :]
              - 2.0 * (nx @ px.T))
        mask = d2 < (rr[:, None] * rr[:, None])
        keys = jnp.where(mask, 0, 1).astype(jnp.int32)
        order = jnp.argsort(keys, axis=1)  # stable: in-ball indices first, ascending
        cand = order[:, :nsample]
        cnt = jnp.sum(mask, axis=1)
        slots = jnp.arange(nsample)[None, :]
        first = cand[:, :1]
        idx = jnp.where(slots < jnp.maximum(cnt, 1)[:, None], cand, first)
        empty = cnt == 0
        idx = jnp.where(empty[:, None], 0, idx)
        return idx.astype(jnp.int32), empty
    return jax.lax.map(per_batch, (xyz_b, new_b, r_b))


def _forward(xyz, xyz_batch_cnt, new_xyz, new_xyz_r, new_xyz_batch_cnt, features, temperature_decay):
    real_t = TEMPERATURE * temperature_decay
    explore_r = new_xyz_r + real_t * 5.0
    b = xyz_batch_cnt.shape[0]
    n_per = xyz.shape[0] // b
    m_per = new_xyz.shape[0] // b
    xyz_b = xyz.reshape(b, n_per, 3)
    new_b = new_xyz.reshape(b, m_per, 3)
    r_b = explore_r.reshape(b, m_per)
    idx_b, empty_b = _ball_query(jax.lax.stop_gradient(xyz_b),
                                 jax.lax.stop_gradient(new_b),
                                 jax.lax.stop_gradient(r_b), NSAMPLE)
    idx = idx_b.reshape(b * m_per, NSAMPLE)
    empty = empty_b.reshape(b * m_per)
    offsets = jnp.repeat(jnp.arange(b, dtype=jnp.int32) * n_per, m_per)
    gidx = idx + offsets[:, None]
    grouped_xyz = jnp.transpose(jnp.take(xyz, gidx, axis=0), (0, 2, 1))  # (M, 3, ns)
    grouped_xyz = grouped_xyz - new_xyz[:, :, None]
    grouped_xyz = jnp.where(empty[:, None, None], 0.0, grouped_xyz)
    dist_xyz = jnp.sqrt(jnp.sum(grouped_xyz * grouped_xyz, axis=1))  # (M, ns)
    weights = 1.0 - jax.nn.sigmoid((dist_xyz - new_xyz_r) / real_t)
    grouped_features = jnp.transpose(jnp.take(features, gidx, axis=0), (0, 2, 1))  # (M, C, ns)
    grouped_features = jnp.where(empty[:, None, None], 0.0, grouped_features)
    if USE_XYZ:
        new_features = jnp.concatenate([grouped_xyz, grouped_features], axis=1)
    else:
        new_features = grouped_features
    return new_features, weights, idx


def setup_inputs(seed: int = 0):
    key = jax.random.key(seed)
    k1, k2, k3, k4 = jax.random.split(key, 4)
    xyz = jax.random.uniform(k1, (B * N_PER, 3), dtype=jnp.float32)
    new_xyz = jax.random.uniform(k2, (B * M_PER, 3), dtype=jnp.float32)
    new_xyz_r = jax.random.uniform(k3, (B * M_PER, 1), dtype=jnp.float32) * 0.15 + 0.05
    features = jax.random.normal(k4, (B * N_PER, C_FEAT), dtype=jnp.float32)
    return {
        "xyz": xyz,
        "xyz_batch_cnt": jnp.full((B,), N_PER, dtype=jnp.int32),
        "new_xyz": new_xyz,
        "new_xyz_r": new_xyz_r,
        "new_xyz_batch_cnt": jnp.full((B,), M_PER, dtype=jnp.int32),
        "features": features,
        "temperature_decay": 1,
    }


def reference(xyz, xyz_batch_cnt, new_xyz, new_xyz_r, new_xyz_batch_cnt, features, temperature_decay):
    return _forward(xyz, xyz_batch_cnt, new_xyz, new_xyz_r, new_xyz_batch_cnt, features, temperature_decay)

if __name__ == "__main__":
    import jax
    _d = setup_inputs()
    print(jax.jit(kernel)(*tuple(_d.values())))

</pallas_src>

<mosaic_0001>
module attributes {stable_mosaic.version = 14 : i64} {
  func.func @_qg_kernel(%arg0: i32, %arg1: i32, %arg2: memref<1x1xf32, #tpu.memory_space<vmem>>, %arg3: memref<1x8x3x1024xf32, #tpu.memory_space<vmem>>, %arg4: memref<1x8x1024x67xf32, #tpu.memory_space<vmem>>, %arg5: memref<1x128x3xf32, #tpu.memory_space<vmem>>, %arg6: memref<1x128x1xf32, #tpu.memory_space<vmem>>, %arg7: memref<1x128x1xf32, #tpu.memory_space<vmem>>, %arg8: memref<128x32x67xf32, #tpu.memory_space<vmem>>, %arg9: memref<128x32xf32, #tpu.memory_space<vmem>>, %arg10: memref<128x32xi32, #tpu.memory_space<vmem>>) attributes {dimension_semantics = [#tpu.dimension_semantics<arbitrary>, #tpu.dimension_semantics<arbitrary>], iteration_bounds = array<i64: 4, 16>, scalar_prefetch = 0 : i64, scratch_operands = 0 : i64, tpu.core_type = #tpu.core_type<tc>, window_params = [{pipeline_mode = #tpu.pipeline_mode<synchronous>, transform_indices = @transform_0, window_bounds = array<i64: 1, 1>}, {transform_indices = @transform_1, window_bounds = array<i64: 1, 8, 3, 1024>}, {transform_indices = @transform_2, window_bounds = array<i64: 1, 8, 1024, 67>}, {transform_indices = @transform_3, window_bounds = array<i64: 1, 128, 3>}, {transform_indices = @transform_4, window_bounds = array<i64: 1, 128, 1>}, {transform_indices = @transform_5, window_bounds = array<i64: 1, 128, 1>}, {transform_indices = @transform_6, window_bounds = array<i64: 128, 32, 67>}, {transform_indices = @transform_7, window_bounds = array<i64: 128, 32>}, {transform_indices = @transform_8, window_bounds = array<i64: 128, 32>}]} {
    %get3A = arith.constant 0 : index
    %get3A_0 = arith.constant 0 : index
    %get3A_1 = vector.load %arg2[%get3A, %get3A_0] : memref<1x1xf32, #tpu.memory_space<vmem>>, vector<1x1xf32>
    %get3A_2 = vector.extract %get3A_1[0, 0] : f32 from vector<1x1xf32>
    %get3A_3 = arith.constant 0 : index
    %get3A_4 = arith.constant 0 : index
    %get3A_5 = arith.constant 0 : index
    %get3A_6 = vector.load %arg5[%get3A_3, %get3A_4, %get3A_5] : memref<1x128x3xf32, #tpu.memory_space<vmem>>, vector<1x128x3xf32>
    %get3A_7 = vector.shape_cast %get3A_6 : vector<1x128x3xf32> to vector<128x3xf32>
    %get3A_8 = arith.constant 0 : index
    %get3A_9 = arith.constant 0 : index
    %get3A_10 = arith.constant 0 : index
    %get3A_11 = vector.load %arg5[%get3A_8, %get3A_9, %get3A_10] : memref<1x128x3xf32, #tpu.memory_space<vmem>>, vector<1x128x1xf32>
    %get3A_12 = vector.shape_cast %get3A_11 : vector<1x128x1xf32> to vector<128x1xf32>
    %get3A_13 = arith.constant 0 : index
    %get3A_14 = arith.constant 0 : index
    %get3A_15 = arith.constant 1 : index
    %get3A_16 = vector.load %arg5[%get3A_13, %get3A_14, %get3A_15] : memref<1x128x3xf32, #tpu.memory_space<vmem>>, vector<1x128x1xf32>
    %get3A_17 = vector.shape_cast %get3A_16 : vector<1x128x1xf32> to vector<128x1xf32>
    %get3A_18 = arith.constant 0 : index
    %get3A_19 = arith.constant 0 : index
    %get3A_20 = arith.constant 2 : index
    %get3A_21 = vector.load %arg5[%get3A_18, %get3A_19, %get3A_20] : memref<1x128x3xf32, #tpu.memory_space<vmem>>, vector<1x128x1xf32>
    %get3A_22 = vector.shape_cast %get3A_21 : vector<1x128x1xf32> to vector<128x1xf32>
    %get3A_23 = arith.constant 0 : index
    %get3A_24 = arith.constant 0 : index
    %get3A_25 = arith.constant 0 : index
    %get3A_26 = vector.load %arg6[%get3A_23, %get3A_24, %get3A_25] : memref<1x128x1xf32, #tpu.memory_space<vmem>>, vector<1x128x1xf32>
    %get3A_27 = vector.shape_cast %get3A_26 : vector<1x128x1xf32> to vector<128x1xf32>
    %get3A_28 = arith.constant 0 : index
    %get3A_29 = arith.constant 0 : index
    %get3A_30 = arith.constant 0 : index
    %get3A_31 = vector.load %arg7[%get3A_28, %get3A_29, %get3A_30] : memref<1x128x1xf32, #tpu.memory_space<vmem>>, vector<1x128x1xf32>
    %get3A_32 = vector.shape_cast %get3A_31 : vector<1x128x1xf32> to vector<128x1xf32>
    %mul3A = arith.mulf %get3A_32, %get3A_32 : vector<128x1xf32>
    %mul3A_33 = arith.mulf %get3A_12, %get3A_12 : vector<128x1xf32>
    %mul3A_34 = arith.mulf %get3A_17, %get3A_17 : vector<128x1xf32>
    %add3A = arith.addf %mul3A_33, %mul3A_34 : vector<128x1xf32>
    %mul3A_35 = arith.mulf %get3A_22, %get3A_22 : vector<128x1xf32>
    %add3A_36 = arith.addf %add3A, %mul3A_35 : vector<128x1xf32>
    %broadcast_in_dim3A = arith.constant 0.000000e+00 : f32
    %broadcast_in_dim3A_37 = vector.broadcast %broadcast_in_dim3A : f32 to vector<128x32x67xf32>
    %swap3A = arith.constant 0 : index
    %swap3A_38 = arith.constant 0 : index
    %swap3A_39 = arith.constant 0 : index
    %swap3A_40 = vector.load %arg8[%swap3A, %swap3A_38, %swap3A_39] : memref<128x32x67xf32, #tpu.memory_space<vmem>>, vector<128x32x67xf32>
    tpu.vector_store %arg8[%swap3A, %swap3A_38, %swap3A_39], %broadcast_in_dim3A_37 {strides = array<i32>} : memref<128x32x67xf32, #tpu.memory_space<vmem>>, vector<128x32x67xf32>,
    %broadcast_in_dim3A_41 = arith.constant 0 : i32
    %broadcast_in_dim3A_42 = vector.broadcast %broadcast_in_dim3A_41 : i32 to vector<128x32xi32>
    %swap3A_43 = arith.constant 0 : index
    %swap3A_44 = arith.constant 0 : index
    %swap3A_45 = vector.load %arg10[%swap3A_43, %swap3A_44] : memref<128x32xi32, #tpu.memory_space<vmem>>, vector<128x32xi32>
    tpu.vector_store %arg10[%swap3A_43, %swap3A_44], %broadcast_in_dim3A_42 {strides = array<i32>} : memref<128x32xi32, #tpu.memory_space<vmem>>, vector<128x32xi32>,
    %iota3A = tpu.iota {dimensions = array<i32: 1>} : vector<1x1024xi32>
    %broadcast_in_dim3A_46 = arith.constant 0 : i32
    %broadcast_in_dim3A_47 = vector.broadcast %broadcast_in_dim3A_46 : i32 to vector<128x1xi32>
    %while3A = arith.constant 0 : i32
    %while3A_48:2 = scf.while (%while3A_2353 = %while3A, %while3A_2354 = %broadcast_in_dim3A_47) : (i32, vector<128x1xi32>) -> (i32, vector<128x1xi32>) {
      %lt3A = arith.constant 8 : i32
      %lt3A_2355 = arith.cmpi slt, %while3A_2353, %lt3A : i32
      %reduce_min3A = vector.shape_cast %while3A_2354 : vector<128x1xi32> to vector<1x128x1xi32>
      %reduce_min3A_2356 = arith.constant dense<2147483647> : vector<1xi32>
      %reduce_min3A_2357 = vector.multi_reduction <minsi>, %reduce_min3A, %reduce_min3A_2356 [1, 2] : vector<1x128x1xi32> to vector<1xi32>
      %reduce_min3A_2358 = vector.shape_cast %reduce_min3A_2357 : vector<1xi32> to vector<1x1x1xi32>
      %reduce_min3A_2359 = vector.extract %reduce_min3A_2358[0, 0, 0] : i32 from vector<1x1x1xi32>
      %lt3A_2360 = arith.constant 32 : i32
      %lt3A_2361 = arith.cmpi slt, %reduce_min3A_2359, %lt3A_2360 : i32
      %and3A = arith.andi %lt3A_2355, %lt3A_2361 : i1
      scf.condition(%and3A) %while3A_2353, %while3A_2354 : i32, vector<128x1xi32>
    } do {
    ^bb0(%while3A_2353: i32, %while3A_2354: vector<128x1xi32>):
      %mul3A_2355 = arith.constant 1024 : i32
      %mul3A_2356 = arith.muli %while3A_2353, %mul3A_2355 : i32
      %get3A_2357 = arith.constant 0 : index
      %get3A_2358 = arith.index_cast %while3A_2353 : i32 to index
      %get3A_2359 = arith.constant 0 : index
      %get3A_2360 = arith.constant 0 : index
      %get3A_2361 = vector.load %arg3[%get3A_2357, %get3A_2358, %get3A_2359, %get3A_2360] : memref<1x8x3x1024xf32, #tpu.memory_space<vmem>>, vector<1x1x3x1024xf32>
      %get3A_2362 = vector.shape_cast %get3A_2361 : vector<1x1x3x1024xf32> to vector<3x1024xf32>
      %slice3A_2363 = vector.extract_strided_slice %get3A_2362 {offsets = [0, 0], sizes = [1, 1024], strides = [1, 1]} : vector<3x1024xf32> to vector<1x1024xf32>
      %squeeze3A_2364 = vector.shape_cast %slice3A_2363 : vector<1x1024xf32> to vector<1024xf32>
      %broadcast_in_dim3A_2365 = vector.shape_cast %squeeze3A_2364 : vector<1024xf32> to vector<1x1024xf32>
      %slice3A_2366 = vector.extract_strided_slice %get3A_2362 {offsets = [1, 0], sizes = [1, 1024], strides = [1, 1]} : vector<3x1024xf32> to vector<1x1024xf32>
      %squeeze3A_2367 = vector.shape_cast %slice3A_2366 : vector<1x1024xf32> to vector<1024xf32>
      %broadcast_in_dim3A_2368 = vector.shape_cast %squeeze3A_2367 : vector<1024xf32> to vector<1x1024xf32>
      %slice3A_2369 = vector.extract_strided_slice %get3A_2362 {offsets = [2, 0], sizes = [1, 1024], strides = [1, 1]} : vector<3x1024xf32> to vector<1x1024xf32>
      %squeeze3A_2370 = vector.shape_cast %slice3A_2369 : vector<1x1024xf32> to vector<1024xf32>
      %broadcast_in_dim3A_2371 = vector.shape_cast %squeeze3A_2370 : vector<1024xf32> to vector<1x1024xf32>
      %get3A_2372 = arith.constant 0 : index
      %get3A_2373 = arith.index_cast %while3A_2353 : i32 to index
      %get3A_2374 = arith.constant 0 : index
      %get3A_2375 = arith.constant 0 : index
      %get3A_2376 = vector.load %arg4[%get3A_2372, %get3A_2373, %get3A_2374, %get3A_2375] : memref<1x8x1024x67xf32, #tpu.memory_space<vmem>>, vector<1x1x1024x67xf32>
      %get3A_2377 = vector.shape_cast %get3A_2376 : vector<1x1x1024x67xf32> to vector<1024x67xf32>
      %mul3A_2378 = arith.mulf %broadcast_in_dim3A_2365, %broadcast_in_dim3A_2365 : vector<1x1024xf32>
      %mul3A_2379 = arith.mulf %broadcast_in_dim3A_2368, %broadcast_in_dim3A_2368 : vector<1x1024xf32>
      %add3A_2380 = arith.addf %mul3A_2378, %mul3A_2379 : vector<1x1024xf32>
      %mul3A_2381 = arith.mulf %broadcast_in_dim3A_2371, %broadcast_in_dim3A_2371 : vector<1x1024xf32>
      %add3A_2382 = arith.addf %add3A_2380, %mul3A_2381 : vector<1x1024xf32>
      %dot_general3A = arith.constant dense<0.000000e+00> : vector<128x1024xf32>
      %dot_general3A_2383 = tpu.matmul %get3A_7, %get3A_2362, %dot_general3A {dimension_numbers = #tpu.dot_dimension_numbers<[1], [0], [0], [1], [0, 0, 1, 1], [], []>, transpose_lhs_hint = false} : vector<128x3xf32>, vector<3x1024xf32>, vector<128x1024xf32> -> vector<128x1024xf32>
      %add3A_2384 = vector.broadcast %add3A_36 : vector<128x1xf32> to vector<128x1024xf32>
      %add3A_2385 = vector.broadcast %add3A_2382 : vector<1x1024xf32> to vector<128x1024xf32>
      %add3A_2386 = arith.addf %add3A_2384, %add3A_2385 : vector<128x1024xf32>
      %mul3A_2387 = arith.constant 2.000000e+00 : f32
      %mul3A_2388 = vector.broadcast %mul3A_2387 : f32 to vector<128x1024xf32>
      %mul3A_2389 = arith.mulf %mul3A_2388, %dot_general3A_2383 : vector<128x1024xf32>
      %sub3A_2390 = arith.subf %add3A_2386, %mul3A_2389 : vector<128x1024xf32>
      %lt3A = vector.broadcast %mul3A : vector<128x1xf32> to vector<128x1024xf32>
      %lt3A_2391 = arith.cmpf olt, %sub3A_2390, %lt3A : vector<128x1024xf32>
      %convert_element_type3A = arith.extui %lt3A_2391 : vector<128x1024xi1> to vector<128x1024xi32>
      %broadcast_in_dim3A_2392 = arith.constant 0 : i32
      %broadcast_in_dim3A_2393 = vector.broadcast %broadcast_in_dim3A_2392 : i32 to vector<128x1xi32>
      %slice3A_2394 = vector.extract_strided_slice %convert_element_type3A {offsets = [0, 0], sizes = [128, 1023], strides = [1, 1]} : vector<128x1024xi32> to vector<128x1023xi32>
      %concatenate3A_2395 = tpu.concatenate %broadcast_in_dim3A_2393, %slice3A_2394 in 1 : vector<128x1xi32>, vector<128x1023xi32> -> vector<128x1024xi32>
      %add3A_2396 = arith.addi %convert_element_type3A, %concatenate3A_2395 : vector<128x1024xi32>
      %broadcast_in_dim3A_2397 = arith.constant 0 : i32
      %broadcast_in_dim3A_2398 = vector.broadcast %broadcast_in_dim3A_2397 : i32 to vector<128x2xi32>
      %slice3A_2399 = vector.extract_strided_slice %add3A_2396 {offsets = [0, 0], sizes = [128, 1022], strides = [1, 1]} : vector<128x1024xi32> to vector<128x1022xi32>
      %concatenate3A_2400 = tpu.concatenate %broadcast_in_dim3A_2398, %slice3A_2399 in 1 : vector<128x2xi32>, vector<128x1022xi32> -> vector<128x1024xi32>
      %add3A_2401 = arith.addi %add3A_2396, %concatenate3A_2400 : vector<128x1024xi32>
      %broadcast_in_dim3A_2402 = arith.constant 0 : i32
      %broadcast_in_dim3A_2403 = vector.broadcast %broadcast_in_dim3A_2402 : i32 to vector<128x4xi32>
      %slice3A_2404 = vector.extract_strided_slice %add3A_2401 {offsets = [0, 0], sizes = [128, 1020], strides = [1, 1]} : vector<128x1024xi32> to vector<128x1020xi32>
      %concatenate3A_2405 = tpu.concatenate %broadcast_in_dim3A_2403, %slice3A_2404 in 1 : vector<128x4xi32>, vector<128x1020xi32> -> vector<128x1024xi32>
      %add3A_2406 = arith.addi %add3A_2401, %concatenate3A_2405 : vector<128x1024xi32>
      %broadcast_in_dim3A_2407 = arith.constant 0 : i32
      %broadcast_in_dim3A_2408 = vector.broadcast %broadcast_in_dim3A_2407 : i32 to vector<128x8xi32>
      %slice3A_2409 = vector.extract_strided_slice %add3A_2406 {offsets = [0, 0], sizes = [128, 1016], strides = [1, 1]} : vector<128x1024xi32> to vector<128x1016xi32>
      %concatenate3A_2410 = tpu.concatenate %broadcast_in_dim3A_2408, %slice3A_2409 in 1 : vector<128x8xi32>, vector<128x1016xi32> -> vector<128x1024xi32>
      %add3A_2411 = arith.addi %add3A_2406, %concatenate3A_2410 : vector<128x1024xi32>
      %broadcast_in_dim3A_2412 = arith.constant 0 : i32
      %broadcast_in_dim3A_2413 = vector.broadcast %broadcast_in_dim3A_2412 : i32 to vector<128x16xi32>
      %slice3A_2414 = vector.extract_strided_slice %add3A_2411 {offsets = [0, 0], sizes = [128, 1008], strides = [1, 1]} : vector<128x1024xi32> to vector<128x1008xi32>
      %concatenate3A_2415 = tpu.concatenate %broadcast_in_dim3A_2413, %slice3A_2414 in 1 : vector<128x16xi32>, vector<128x1008xi32> -> vector<128x1024xi32>
      %add3A_2416 = arith.addi %add3A_2411, %concatenate3A_2415 : vector<128x1024xi32>
      %broadcast_in_dim3A_2417 = arith.constant 0 : i32
      %broadcast_in_dim3A_2418 = vector.broadcast %broadcast_in_dim3A_2417 : i32 to vector<128x32xi32>
      %slice3A_2419 = vector.extract_strided_slice %add3A_2416 {offsets = [0, 0], sizes = [128, 992], strides = [1, 1]} : vector<128x1024xi32> to vector<128x992xi32>
      %concatenate3A_2420 = tpu.concatenate %broadcast_in_dim3A_2418, %slice3A_2419 in 1 : vector<128x32xi32>, vector<128x992xi32> -> vector<128x1024xi32>
      %add3A_2421 = arith.addi %add3A_2416, %concatenate3A_2420 : vector<128x1024xi32>
      %broadcast_in_dim3A_2422 = arith.constant 0 : i32
      %broadcast_in_dim3A_2423 = vector.broadcast %broadcast_in_dim3A_2422 : i32 to vector<128x64xi32>
      %slice3A_2424 = vector.extract_strided_slice %add3A_2421 {offsets = [0, 0], sizes = [128, 960], strides = [1, 1]} : vector<128x1024xi32> to vector<128x960xi32>
      %concatenate3A_2425 = tpu.concatenate %broadcast_in_dim3A_2423, %slice3A_2424 in 1 : vector<128x64xi32>, vector<128x960xi32> -> vector<128x1024xi32>
      %add3A_2426 = arith.addi %add3A_2421, %concatenate3A_2425 : vector<128x1024xi32>
      %broadcast_in_dim3A_2427 = arith.constant 0 : i32
      %broadcast_in_dim3A_2428 = vector.broadcast %broadcast_in_dim3A_2427 : i32 to vector<128x128xi32>
      %slice3A_2429 = vector.extract_strided_slice %add3A_2426 {offsets = [0, 0], sizes = [128, 896], strides = [1, 1]} : vector<128x1024xi32> to vector<128x896xi32>
      %concatenate3A_2430 = tpu.concatenate %broadcast_in_dim3A_2428, %slice3A_2429 in 1 : vector<128x128xi32>, vector<128x896xi32> -> vector<128x1024xi32>
      %add3A_2431 = arith.addi %add3A_2426, %concatenate3A_2430 : vector<128x1024xi32>
      %broadcast_in_dim3A_2432 = arith.constant 0 : i32
      %broadcast_in_dim3A_2433 = vector.broadcast %broadcast_in_dim3A_2432 : i32 to vector<128x256xi32>
      %slice3A_2434 = vector.extract_strided_slice %add3A_2431 {offsets = [0, 0], sizes = [128, 768], strides = [1, 1]} : vector<128x1024xi32> to vector<128x768xi32>
      %concatenate3A_2435 = tpu.concatenate %broadcast_in_dim3A_2433, %slice3A_2434 in 1 : vector<128x256xi32>, vector<128x768xi32> -> vector<128x1024xi32>
      %add3A_2436 = arith.addi %add3A_2431, %concatenate3A_2435 : vector<128x1024xi32>
      %broadcast_in_dim3A_2437 = arith.constant 0 : i32
      %broadcast_in_dim3A_2438 = vector.broadcast %broadcast_in_dim3A_2437 : i32 to vector<128x512xi32>
      %slice3A_2439 = vector.extract_strided_slice %add3A_2436 {offsets = [0, 0], sizes = [128, 512], strides = [1, 1]} : vector<128x1024xi32> to vector<128x512xi32>
      %concatenate3A_2440 = tpu.concatenate %broadcast_in_dim3A_2438, %slice3A_2439 in 1 : vector<128x512xi32>, vector<128x512xi32> -> vector<128x1024xi32>
      %add3A_2441 = arith.addi %add3A_2436, %concatenate3A_2440 : vector<128x1024xi32>
      %sub3A_2442 = arith.subi %add3A_2441, %convert_element_type3A : vector<128x1024xi32>
      %add3A_2443 = vector.broadcast %while3A_2354 : vector<128x1xi32> to vector<128x1024xi32>
      %add3A_2444 = arith.addi %sub3A_2442, %add3A_2443 : vector<128x1024xi32>
      %add3A_2445 = vector.broadcast %mul3A_2356 : i32 to vector<1x1024xi32>
      %add3A_2446 = arith.addi %iota3A, %add3A_2445 : vector<1x1024xi32>
      %eq3A_2447 = arith.constant 0 : i32
      %eq3A_2448 = vector.broadcast %eq3A_2447 : i32 to vector<128x1024xi32>
      %eq3A_2449 = arith.cmpi eq, %add3A_2444, %eq3A_2448 : vector<128x1024xi32>
      %and3A = arith.andi %lt3A_2391, %eq3A_2449 : vector<128x1024xi1>
      %jit3A_2450 = arith.constant 1.000000e+00 : f32
      %jit3A_2451 = arith.constant 0.000000e+00 : f32
      %broadcast_in_dim3A_2452 = vector.broadcast %jit3A_2450 : f32 to vector<128x1024xf32>
      %broadcast_in_dim3A_2453 = vector.broadcast %jit3A_2451 : f32 to vector<128x1024xf32>
      %select_n3A_2454 = arith.select %and3A, %broadcast_in_dim3A_2452, %broadcast_in_dim3A_2453 : vector<128x1024xi1>, vector<128x1024xf32>
      %dot_general3A_2455 = arith.constant dense<0.000000e+00> : vector<128x67xf32>
      %dot_general3A_2456 = tpu.matmul %select_n3A_2454, %get3A_2377, %dot_general3A_2455 {dimension_numbers = #tpu.dot_dimension_numbers<[1], [0], [0], [1], [0, 0, 1, 1], [], []>, precision = #tpu.contract_precision<fp32>, transpose_lhs_hint = false} : vector<128x1024xf32>, vector<1024x67xf32>, vector<128x67xf32> -> vector<128x67xf32>
      %get3A_2457 = arith.constant 0 : index
      %get3A_2458 = arith.constant 0 : index
      %get3A_2459 = arith.constant 0 : index
      %get3A_2460 = vector.load %arg8[%get3A_2457, %get3A_2458, %get3A_2459] : memref<128x32x67xf32, #tpu.memory_space<vmem>>, vector<128x1x67xf32>
      %get3A_2461 = vector.shape_cast %get3A_2460 : vector<128x1x67xf32> to vector<128x67xf32>
      %add3A_2462 = arith.addf %get3A_2461, %dot_general3A_2456 : vector<128x67xf32>
      %swap3A_2463 = arith.constant 0 : index
      %swap3A_2464 = arith.constant 0 : index
      %swap3A_2465 = arith.constant 0 : index
      %swap3A_2466 = vector.load %arg8[%swap3A_2463, %swap3A_2464, %swap3A_2465] : memref<128x32x67xf32, #tpu.memory_space<vmem>>, vector<128x1x67xf32>
      %swap3A_2467 = vector.shape_cast %swap3A_2466 : vector<128x1x67xf32> to vector<128x67xf32>
      %swap3A_2468 = vector.shape_cast %add3A_2462 : vector<128x67xf32> to vector<128x1x67xf32>
      tpu.vector_store %arg8[%swap3A_2463, %swap3A_2464, %swap3A_2465], %swap3A_2468 {strides = array<i32>} : memref<128x32x67xf32, #tpu.memory_space<vmem>>, vector<128x1x67xf32>,
      %get3A_2469 = arith.constant 0 : index
      %get3A_2470 = arith.constant 0 : index
      %get3A_2471 = vector.load %arg10[%get3A_2469, %get3A_2470] : memref<128x32xi32, #tpu.memory_space<vmem>>, vector<128x1xi32>
      %get3A_2472 = vector.shape_cast %get3A_2471 : vector<128x1xi32> to vector<128xi32>
      %jit3A_2473 = arith.constant 0 : i32
      %broadcast_in_dim3A_2474 = vector.shape_cast %add3A_2446 : vector<1x1024xi32> to vector<1x1024xi32>
      %broadcast_in_dim3A_2475 = vector.broadcast %broadcast_in_dim3A_2474 : vector<1x1024xi32> to vector<128x1024xi32>
      %broadcast_in_dim3A_2476 = vector.broadcast %jit3A_2473 : i32 to vector<128x1024xi32>
      %select_n3A_2477 = arith.select %and3A, %broadcast_in_dim3A_2475, %broadcast_in_dim3A_2476 : vector<128x1024xi1>, vector<128x1024xi32>
      %reduce_sum3A = arith.constant dense<0> : vector<128xi32>
      %reduce_sum3A_2478 = vector.multi_reduction <add>, %select_n3A_2477, %reduce_sum3A [1] : vector<128x1024xi32> to vector<128xi32>
      %add3A_2479 = arith.addi %get3A_2472, %reduce_sum3A_2478 : vector<128xi32>
      %swap3A_2480 = arith.constant 0 : index
      %swap3A_2481 = arith.constant 0 : index
      %swap3A_2482 = vector.load %arg10[%swap3A_2480, %swap3A_2481] : memref<128x32xi32, #tpu.memory_space<vmem>>, vector<128x1xi32>
      %swap3A_2483 = vector.shape_cast %swap3A_2482 : vector<128x1xi32> to vector<128xi32>
      %swap3A_2484 = vector.shape_cast %add3A_2479 : vector<128xi32> to vector<128x1xi32>
      tpu.vector_store %arg10[%swap3A_2480, %swap3A_2481], %swap3A_2484 {strides = array<i32>} : memref<128x32xi32, #tpu.memory_space<vmem>>, vector<128x1xi32>,
      %eq3A_2485 = arith.constant 1 : i32
      %eq3A_2486 = vector.broadcast %eq3A_2485 : i32 to vector<128x1024xi32>
      %eq3A_2487 = arith.cmpi eq, %add3A_2444, %eq3A_2486 : vector<128x1024xi32>
      %and3A_2488 = arith.andi %lt3A_2391, %eq3A_2487 : vector<128x1024xi1>
      %jit3A_2489 = arith.constant 1.000000e+00 : f32
      %jit3A_2490 = arith.constant 0.000000e+00 : f32
      %broadcast_in_dim3A_2491 = vector.broadcast %jit3A_2489 : f32 to vector<128x1024xf32>
      %broadcast_in_dim3A_2492 = vector.broadcast %jit3A_2490 : f32 to vector<128x1024xf32>
      %select_n3A_2493 = arith.select %and3A_2488, %broadcast_in_dim3A_2491, %broadcast_in_dim3A_2492 : vector<128x1024xi1>, vector<128x1024xf32>
      %dot_general3A_2494 = arith.constant dense<0.000000e+00> : vector<128x67xf32>
      %dot_general3A_2495 = tpu.matmul %select_n3A_2493, %get3A_2377, %dot_general3A_2494 {dimension_numbers = #tpu.dot_dimension_numbers<[1], [0], [0], [1], [0, 0, 1, 1], [], []>, precision = #tpu.contract_precision<fp32>, transpose_lhs_hint = false} : vector<128x1024xf32>, vector<1024x67xf32>, vector<128x67xf32> -> vector<128x67xf32>
      %get3A_2496 = arith.constant 0 : index
      %get3A_2497 = arith.constant 1 : index
      %get3A_2498 = arith.constant 0 : index
      %get3A_2499 = vector.load %arg8[%get3A_2496, %get3A_2497, %get3A_2498] : memref<128x32x67xf32, #tpu.memory_space<vmem>>, vector<128x1x67xf32>
      %get3A_2500 = vector.shape_cast %get3A_2499 : vector<128x1x67xf32> to vector<128x67xf32>
      %add3A_2501 = arith.addf %get3A_2500, %dot_general3A_2495 : vector<128x67xf32>
      %swap3A_2502 = arith.constant 0 : index
      %swap3A_2503 = arith.constant 1 : index
      %swap3A_2504 = arith.constant 0 : index
      %swap3A_2505 = vector.load %arg8[%swap3A_2502, %swap3A_2503, %swap3A_2504] : memref<128x32x67xf32, #tpu.memory_space<vmem>>, vector<128x1x67xf32>
      %swap3A_2506 = vector.shape_cast %swap3A_2505 : vector<128x1x67xf32> to vector<128x67xf32>
      %swap3A_2507 = vector.shape_cast %add3A_2501 : vector<128x67xf32> to vector<128x1x67xf32>
      tpu.vector_store %arg8[%swap3A_2502, %swap3A_2503, %swap3A_2504], %swap3A_2507 {strides = array<i32>} : memref<128x32x67xf32, #tpu.memory_space<vmem>>, vector<128x1x67xf32>,
      %get3A_2508 = arith.constant 0 : index
      %get3A_2509 = arith.constant 1 : index
      %get3A_2510 = vector.load %arg10[%get3A_2508, %get3A_2509] : memref<128x32xi32, #tpu.memory_space<vmem>>, vector<128x1xi32>
      %get3A_2511 = vector.shape_cast %get3A_2510 : vector<128x1xi32> to vector<128xi32>
      %jit3A_2512 = arith.constant 0 : i32
      %broadcast_in_dim3A_2513 = vector.shape_cast %add3A_2446 : vector<1x1024xi32> to vector<1x1024xi32>
      %broadcast_in_dim3A_2514 = vector.broadcast %broadcast_in_dim3A_2513 : vector<1x1024xi32> to vector<128x1024xi32>
      %broadcast_in_dim3A_2515 = vector.broadcast %jit3A_2512 : i32 to vector<128x1024xi32>
      %select_n3A_2516 = arith.select %and3A_2488, %broadcast_in_dim3A_2514, %broadcast_in_dim3A_2515 : vector<128x1024xi1>, vector<128x1024xi32>
      %reduce_sum3A_2517 = arith.constant dense<0> : vector<128xi32>
      %reduce_sum3A_2518 = vector.multi_reduction <add>, %select_n3A_2516, %reduce_sum3A_2517 [1] : vector<128x1024xi32> to vector<128xi32>
      %add3A_2519 = arith.addi %get3A_2511, %reduce_sum3A_2518 : vector<128xi32>
      %swap3A_2520 = arith.constant 0 : index
      %swap3A_2521 = arith.constant 1 : index
      %swap3A_2522 = vector.load %arg10[%swap3A_2520, %swap3A_2521] : memref<128x32xi32, #tpu.memory_space<vmem>>, vector<128x1xi32>
      %swap3A_2523 = vector.shape_cast %swap3A_2522 : vector<128x1xi32> to vector<128xi32>
      %swap3A_2524 = vector.shape_cast %add3A_2519 : vector<128xi32> to vector<128x1xi32>
      tpu.vector_store %arg10[%swap3A_2520, %swap3A_2521], %swap3A_2524 {strides = array<i32>} : memref<128x32xi32, #tpu.memory_space<vmem>>, vector<128x1xi32>,
      %eq3A_2525 = arith.constant 2 : i32
      %eq3A_2526 = vector.broadcast %eq3A_2525 : i32 to vector<128x1024xi32>
      %eq3A_2527 = arith.cmpi eq, %add3A_2444, %eq3A_2526 : vector<128x1024xi32>
      %and3A_2528 = arith.andi %lt3A_2391, %eq3A_2527 : vector<128x1024xi1>
      %jit3A_2529 = arith.constant 1.000000e+00 : f32
      %jit3A_2530 = arith.constant 0.000000e+00 : f32
      %broadcast_in_dim3A_2531 = vector.broadcast %jit3A_2529 : f32 to vector<128x1024xf32>
      %broadcast_in_dim3A_2532 = vector.broadcast %jit3A_2530 : f32 to vector<128x1024xf32>
      %select_n3A_2533 = arith.select %and3A_2528, %broadcast_in_dim3A_2531, %broadcast_in_dim3A_2532 : vector<128x1024xi1>, vector<128x1024xf32>
      %dot_general3A_2534 = arith.constant dense<0.000000e+00> : vector<128x67xf32>
      %dot_general3A_2535 = tpu.matmul %select_n3A_2533, %get3A_2377, %dot_general3A_2534 {dimension_numbers = #tpu.dot_dimension_numbers<[1], [0], [0], [1], [0, 0, 1, 1], [], []>, precision = #tpu.contract_precision<fp32>, transpose_lhs_hint = false} : vector<128x1024xf32>, vector<1024x67xf32>, vector<128x67xf32> -> vector<128x67xf32>
      %get3A_2536 = arith.constant 0 : index
      %get3A_2537 = arith.constant 2 : index
      %get3A_2538 = arith.constant 0 : index
      %get3A_2539 = vector.load %arg8[%get3A_2536, %get3A_2537, %get3A_2538] : memref<128x32x67xf32, #tpu.memory_space<vmem>>, vector<128x1x67xf32>
      %get3A_2540 = vector.shape_cast %get3A_2539 : vector<128x1x67xf32> to vector<128x67xf32>
      %add3A_2541 = arith.addf %get3A_2540, %dot_general3A_2535 : vector<128x67xf32>
      %swap3A_2542 = arith.constant 0 : index
      %swap3A_2543 = arith.constant 2 : index
      %swap3A_2544 = arith.constant 0 : index
      %swap3A_2545 = vector.load %arg8[%swap3A_2542, %swap3A_2543, %swap3A_2544] : memref<128x32x67xf32, #tpu.memory_space<vmem>>, vector<128x1x67xf32>
      %swap3A_2546 = vector.shape_cast %swap3A_2545 : vector<128x1x67xf32> to vector<128x67xf32>
      %swap3A_2547 = vector.shape_cast %add3A_2541 : vector<128x67xf32> to vector<128x1x67xf32>
      tpu.vector_store %arg8[%swap3A_2542, %swap3A_2543, %swap3A_2544], %swap3A_2547 {strides = array<i32>} : memref<128x32x67xf32, #tpu.memory_space<vmem>>, vector<128x1x67xf32>,
      %get3A_2548 = arith.constant 0 : index
      %get3A_2549 = arith.constant 2 : index
      %get3A_2550 = vector.load %arg10[%get3A_2548, %get3A_2549] : memref<128x32xi32, #tpu.memory_space<vmem>>, vector<128x1xi32>
      %get3A_2551 = vector.shape_cast %get3A_2550 : vector<128x1xi32> to vector<128xi32>
      %jit3A_2552 = arith.constant 0 : i32
      %broadcast_in_dim3A_2553 = vector.shape_cast %add3A_2446 : vector<1x1024xi32> to vector<1x1024xi32>
      %broadcast_in_dim3A_2554 = vector.broadcast %broadcast_in_dim3A_2553 : vector<1x1024xi32> to vector<128x1024xi32>
      %broadcast_in_dim3A_2555 = vector.broadcast %jit3A_2552 : i32 to vector<128x1024xi32>
      %select_n3A_2556 = arith.select %and3A_2528, %broadcast_in_dim3A_2554, %broadcast_in_dim3A_2555 : vector<128x1024xi1>, vector<128x1024xi32>
      %reduce_sum3A_2557 = arith.constant dense<0> : vector<128xi32>
      %reduce_sum3A_2558 = vector.multi_reduction <add>, %select_n3A_2556, %reduce_sum3A_2557 [1] : vector<128x1024xi32> to vector<128xi32>
      %add3A_2559 = arith.addi %get3A_2551, %reduce_sum3A_2558 : vector<128xi32>
      %swap3A_2560 = arith.constant 0 : index
      %swap3A_2561 = arith.constant 2 : index
      %swap3A_2562 = vector.load %arg10[%swap3A_2560, %swap3A_2561] : memref<128x32xi32, #tpu.memory_space<vmem>>, vector<128x1xi32>
      %swap3A_2563 = vector.shape_cast %swap3A_2562 : vector<128x1xi32> to vector<128xi32>
      %swap3A_2564 = vector.shape_cast %add3A_2559 : vector<128xi32> to vector<128x1xi32>
      tpu.vector_store %arg10[%swap3A_2560, %swap3A_2561], %swap3A_2564 {strides = array<i32>} : memref<128x32xi32, #tpu.memory_space<vmem>>, vector<128x1xi32>,
      %eq3A_2565 = arith.constant 3 : i32
      %eq3A_2566 = vector.broadcast %eq3A_2565 : i32 to vector<128x1024xi32>
      %eq3A_2567 = arith.cmpi eq, %add3A_2444, %eq3A_2566 : vector<128x1024xi32>
      %and3A_2568 = arith.andi %lt3A_2391, %eq3A_2567 : vector<128x1024xi1>
      %jit3A_2569 = arith.constant 1.000000e+00 : f32
      %jit3A_2570 = arith.constant 0.000000e+00 : f32
      %broadcast_in_dim3A_2571 = vector.broadcast %jit3A_2569 : f32 to vector<128x1024xf32>
      %broadcast_in_dim3A_2572 = vector.broadcast %jit3A_2570 : f32 to vector<128x1024xf32>
      %select_n3A_2573 = arith.select %and3A_2568, %broadcast_in_dim3A_2571, %broadcast_in_dim3A_2572 : vector<128x1024xi1>, vector<128x1024xf32>
      %dot_general3A_2574 = arith.constant dense<0.000000e+00> : vector<128x67xf32>
      %dot_general3A_2575 = tpu.matmul %select_n3A_2573, %get3A_2377, %dot_general3A_2574 {dimension_numbers = #tpu.dot_dimension_numbers<[1], [0], [0], [1], [0, 0, 1, 1], [], []>, precision = #tpu.contract_precision<fp32>, transpose_lhs_hint = false} : vector<128x1024xf32>, vector<1024x67xf32>, vector<128x67xf32> -> vector<128x67xf32>
      %get3A_2576 = arith.constant 0 : index
      %get3A_2577 = arith.constant 3 : index
      %get3A_2578 = arith.constant 0 : index
      %get3A_2579 = vector.load %arg8[%get3A_2576, %get3A_2577, %get3A_2578] : memref<128x32x67xf32, #tpu.memory_space<vmem>>, vector<128x1x67xf32>
      %get3A_2580 = vector.shape_cast %get3A_2579 : vector<128x1x67xf32> to vector<128x67xf32>
      %add3A_2581 = arith.addf %get3A_2580, %dot_general3A_2575 : vector<128x67xf32>
      %swap3A_2582 = arith.constant 0 : index
      %swap3A_2583 = arith.constant 3 : index
      %swap3A_2584 = arith.constant 0 : index
      %swap3A_2585 = vector.load %arg8[%swap3A_2582, %swap3A_2583, %swap3A_2584] : memref<128x32x67xf32, #tpu.memory_space<vmem>>, vector<128x1x67xf32>
      %swap3A_2586 = vector.shape_cast %swap3A_2585 : vector<128x1x67xf32> to vector<128x67xf32>
      %swap3A_2587 = vector.shape_cast %add3A_2581 : vector<128x67xf32> to vector<128x1x67xf32>
      tpu.vector_store %arg8[%swap3A_2582, %swap3A_2583, %swap3A_2584], %swap3A_2587 {strides = array<i32>} : memref<128x32x67xf32, #tpu.memory_space<vmem>>, vector<128x1x67xf32>,
      %get3A_2588 = arith.constant 0 : index
      %get3A_2589 = arith.constant 3 : index
      %get3A_2590 = vector.load %arg10[%get3A_2588, %get3A_2589] : memref<128x32xi32, #tpu.memory_space<vmem>>, vector<128x1xi32>
      %get3A_2591 = vector.shape_cast %get3A_2590 : vector<128x1xi32> to vector<128xi32>
      %jit3A_2592 = arith.constant 0 : i32
      %broadcast_in_dim3A_2593 = vector.shape_cast %add3A_2446 : vector<1x1024xi32> to vector<1x1024xi32>
      %broadcast_in_dim3A_2594 = vector.broadcast %broadcast_in_dim3A_2593 : vector<1x1024xi32> to vector<128x1024xi32>
      %broadcast_in_dim3A_2595 = vector.broadcast %jit3A_2592 : i32 to vector<128x1024xi32>
      %select_n3A_2596 = arith.select %and3A_2568, %broadcast_in_dim3A_2594, %broadcast_in_dim3A_2595 : vector<128x1024xi1>, vector<128x1024xi32>
      %reduce_sum3A_2597 = arith.constant dense<0> : vector<128xi32>
      %reduce_sum3A_2598 = vector.multi_reduction <add>, %select_n3A_2596, %reduce_sum3A_2597 [1] : vector<128x1024xi32> to vector<128xi32>
      %add3A_2599 = arith.addi %get3A_2591, %reduce_sum3A_2598 : vector<128xi32>
      %swap3A_2600 = arith.constant 0 : index
      %swap3A_2601 = arith.constant 3 : index
      %swap3A_2602 = vector.load %arg10[%swap3A_2600, %swap3A_2601] : memref<128x32xi32, #tpu.memory_space<vmem>>, vector<128x1xi32>
      %swap3A_2603 = vector.shape_cast %swap3A_2602 : vector<128x1xi32> to vector<128xi32>
      %swap3A_2604 = vector.shape_cast %add3A_2599 : vector<128xi32> to vector<128x1xi32>
      tpu.vector_store %arg10[%swap3A_2600, %swap3A_2601], %swap3A_2604 {strides = array<i32>} : memref<128x32xi32, #tpu.memory_space<vmem>>, vector<128x1xi32>,
      %eq3A_2605 = arith.constant 4 : i32
      %eq3A_2606 = vector.broadcast %eq3A_2605 : i32 to vector<128x1024xi32>
      %eq3A_2607 = arith.cmpi eq, %add3A_2444, %eq3A_2606 : vector<128x1024xi32>
      %and3A_2608 = arith.andi %lt3A_2391, %eq3A_2607 : vector<128x1024xi1>
      %jit3A_2609 = arith.constant 1.000000e+00 : f32
      %jit3A_2610 = arith.constant 0.000000e+00 : f32
      %broadcast_in_dim3A_2611 = vector.broadcast %jit3A_2609 : f32 to vector<128x1024xf32>
      %broadcast_in_dim3A_2612 = vector.broadcast %jit3A_2610 : f32 to vector<128x1024xf32>
      %select_n3A_2613 = arith.select %and3A_2608, %broadcast_in_dim3A_2611, %broadcast_in_dim3A_2612 : vector<128x1024xi1>, vector<128x1024xf32>
      %dot_general3A_2614 = arith.constant dense<0.000000e+00> : vector<128x67xf32>
      %dot_general3A_2615 = tpu.matmul %select_n3A_2613, %get3A_2377, %dot_general3A_2614 {dimension_numbers = #tpu.dot_dimension_numbers<[1], [0], [0], [1], [0, 0, 1, 1], [], []>, precision = #tpu.contract_precision<fp32>, transpose_lhs_hint = false} : vector<128x1024xf32>, vector<1024x67xf32>, vector<128x67xf32> -> vector<128x67xf32>
      %get3A_2616 = arith.constant 0 : index
      %get3A_2617 = arith.constant 4 : index
      %get3A_2618 = arith.constant 0 : index
      %get3A_2619 = vector.load %arg8[%get3A_2616, %get3A_2617, %get3A_2618] : memref<128x32x67xf32, #tpu.memory_space<vmem>>, vector<128x1x67xf32>
      %get3A_2620 = vector.shape_cast %get3A_2619 : vector<128x1x67xf32> to vector<128x67xf32>
      %add3A_2621 = arith.addf %get3A_2620, %dot_general3A_2615 : vector<128x67xf32>
      %swap3A_2622 = arith.constant 0 : index
      %swap3A_2623 = arith.constant 4 : index
      %swap3A_2624 = arith.constant 0 : index
      %swap3A_2625 = vector.load %arg8[%swap3A_2622, %swap3A_2623, %swap3A_2624] : memref<128x32x67xf32, #tpu.memory_space<vmem>>, vector<128x1x67xf32>
      %swap3A_2626 = vector.shape_cast %swap3A_2625 : vector<128x1x67xf32> to vector<128x67xf32>
      %swap3A_2627 = vector.shape_cast %add3A_2621 : vector<128x67xf32> to vector<128x1x67xf32>
      tpu.vector_store %arg8[%swap3A_2622, %swap3A_2623, %swap3A_2624], %swap3A_2627 {strides = array<i32>} : memref<128x32x67xf32, #tpu.memory_space<vmem>>, vector<128x1x67xf32>,
      %get3A_2628 = arith.constant 0 : index
      %get3A_2629 = arith.constant 4 : index
      %get3A_2630 = vector.load %arg10[%get3A_2628, %get3A_2629] : memref<128x32xi32, #tpu.memory_space<vmem>>, vector<128x1xi32>
      %get3A_2631 = vector.shape_cast %get3A_2630 : vector<128x1xi32> to vector<128xi32>
      %jit3A_2632 = arith.constant 0 : i32
      %broadcast_in_dim3A_2633 = vector.shape_cast %add3A_2446 : vector<1x1024xi32> to vector<1x1024xi32>
      %broadcast_in_dim3A_2634 = vector.broadcast %broadcast_in_dim3A_2633 : vector<1x1024xi32> to vector<128x1024xi32>
      %broadcast_in_dim3A_2635 = vector.broadcast %jit3A_2632 : i32 to vector<128x1024xi32>
      %select_n3A_2636 = arith.select %and3A_2608, %broadcast_in_dim3A_2634, %broadcast_in_dim3A_2635 : vector<128x1024xi1>, vector<128x1024xi32>
      %reduce_sum3A_2637 = arith.constant dense<0> : vector<128xi32>
      %reduce_sum3A_2638 = vector.multi_reduction <add>, %select_n3A_2636, %reduce_sum3A_2637 [1] : vector<128x1024xi32> to vector<128xi32>
      %add3A_2639 = arith.addi %get3A_2631, %reduce_sum3A_2638 : vector<128xi32>
      %swap3A_2640 = arith.constant 0 : index
      %swap3A_2641 = arith.constant 4 : index
      %swap3A_2642 = vector.load %arg10[%swap3A_2640, %swap3A_2641] : memref<128x32xi32, #tpu.memory_space<vmem>>, vector<128x1xi32>
      %swap3A_2643 = vector.shape_cast %swap3A_2642 : vector<128x1xi32> to vector<128xi32>
      %swap3A_2644 = vector.shape_cast %add3A_2639 : vector<128xi32> to vector<128x1xi32>
      tpu.vector_store %arg10[%swap3A_2640, %swap3A_2641], %swap3A_2644 {strides = array<i32>} : memref<128x32xi32, #tpu.memory_space<vmem>>, vector<128x1xi32>,
      %eq3A_2645 = arith.constant 5 : i32
      %eq3A_2646 = vector.broadcast %eq3A_2645 : i32 to vector<128x1024xi32>
      %eq3A_2647 = arith.cmpi eq, %add3A_2444, %eq3A_2646 : vector<128x1024xi32>
      %and3A_2648 = arith.andi %lt3A_2391, %eq3A_2647 : vector<128x1024xi1>
      %jit3A_2649 = arith.constant 1.000000e+00 : f32
      %jit3A_2650 = arith.constant 0.000000e+00 : f32
      %broadcast_in_dim3A_2651 = vector.broadcast %jit3A_2649 : f32 to vector<128x1024xf32>
      %broadcast_in_dim3A_2652 = vector.broadcast %jit3A_2650 : f32 to vector<128x1024xf32>
      %select_n3A_2653 = arith.select %and3A_2648, %broadcast_in_dim3A_2651, %broadcast_in_dim3A_2652 : vector<128x1024xi1>, vector<128x1024xf32>
      %dot_general3A_2654 = arith.constant dense<0.000000e+00> : vector<128x67xf32>
      %dot_general3A_2655 = tpu.matmul %select_n3A_2653, %get3A_2377, %dot_general3A_2654 {dimension_numbers = #tpu.dot_dimension_numbers<[1], [0], [0], [1], [0, 0, 1, 1], [], []>, precision = #tpu.contract_precision<fp32>, transpose_lhs_hint = false} : vector<128x1024xf32>, vector<1024x67xf32>, vector<128x67xf32> -> vector<128x67xf32>
      %get3A_2656 = arith.constant 0 : index
      %get3A_2657 = arith.constant 5 : index
      %get3A_2658 = arith.constant 0 : index
      %get3A_2659 = vector.load %arg8[%get3A_2656, %get3A_2657, %get3A_2658] : memref<128x32x67xf32, #tpu.memory_space<vmem>>, vector<128x1x67xf32>
      %get3A_2660 = vector.shape_cast %get3A_2659 : vector<128x1x67xf32> to vector<128x67xf32>
      %add3A_2661 = arith.addf %get3A_2660, %dot_general3A_2655 : vector<128x67xf32>
      %swap3A_2662 = arith.constant 0 : index
      %swap3A_2663 = arith.constant 5 : index
      %swap3A_2664 = arith.constant 0 : index
      %swap3A_2665 = vector.load %arg8[%swap3A_2662, %swap3A_2663, %swap3A_2664] : memref<128x32x67xf32, #tpu.memory_space<vmem>>, vector<128x1x67xf32>
      %swap3A_2666 = vector.shape_cast %swap3A_2665 : vector<128x1x67xf32> to vector<128x67xf32>
      %swap3A_2667 = vector.shape_cast %add3A_2661 : vector<128x67xf32> to vector<128x1x67xf32>
      tpu.vector_store %arg8[%swap3A_2662, %swap3A_2663, %swap3A_2664], %swap3A_2667 {strides = array<i32>} : memref<128x32x67xf32, #tpu.memory_space<vmem>>, vector<128x1x67xf32>,
      %get3A_2668 = arith.constant 0 : index
      %get3A_2669 = arith.constant 5 : index
      %get3A_2670 = vector.load %arg10[%get3A_2668, %get3A_2669] : memref<128x32xi32, #tpu.memory_space<vmem>>, vector<128x1xi32>
      %get3A_2671 = vector.shape_cast %get3A_2670 : vector<128x1xi32> to vector<128xi32>
      %jit3A_2672 = arith.constant 0 : i32
      %broadcast_in_dim3A_2673 = vector.shape_cast %add3A_2446 : vector<1x1024xi32> to vector<1x1024xi32>
      %broadcast_in_dim3A_2674 = vector.broadcast %broadcast_in_dim3A_2673 : vector<1x1024xi32> to vector<128x1024xi32>
      %broadcast_in_dim3A_2675 = vector.broadcast %jit3A_2672 : i32 to vector<128x1024xi32>
      %select_n3A_2676 = arith.select %and3A_2648, %broadcast_in_dim3A_2674, %broadcast_in_dim3A_2675 : vector<128x1024xi1>, vector<128x1024xi32>
      %reduce_sum3A_2677 = arith.constant dense<0> : vector<128xi32>
      %reduce_sum3A_2678 = vector.multi_reduction <add>, %select_n3A_2676, %reduce_sum3A_2677 [1] : vector<128x1024xi32> to vector<128xi32>
      %add3A_2679 = arith.addi %get3A_2671, %reduce_sum3A_2678 : vector<128xi32>
      %swap3A_2680 = arith.constant 0 : index
      %swap3A_2681 = arith.constant 5 : index
      %swap3A_2682 = vector.load %arg10[%swap3A_2680, %swap3A_2681] : memref<128x32xi32, #tpu.memory_space<vmem>>, vector<128x1xi32>
      %swap3A_2683 = vector.shape_cast %swap3A_2682 : vector<128x1xi32> to vector<128xi32>
      %swap3A_2684 = vector.shape_cast %add3A_2679 : vector<128xi32> to vector<128x1xi32>
      tpu.vector_store %arg10[%swap3A_2680, %swap3A_2681], %swap3A_2684 {strides = array<i32>} : memref<128x32xi32, #tpu.memory_space<vmem>>, vector<128x1xi32>,
      %eq3A_2685 = arith.constant 6 : i32
      %eq3A_2686 = vector.broadcast %eq3A_2685 : i32 to vector<128x1024xi32>
      %eq3A_2687 = arith.cmpi eq, %add3A_2444, %eq3A_2686 : vector<128x1024xi32>
      %and3A_2688 = arith.andi %lt3A_2391, %eq3A_2687 : vector<128x1024xi1>
      %jit3A_2689 = arith.constant 1.000000e+00 : f32
      %jit3A_2690 = arith.constant 0.000000e+00 : f32
      %broadcast_in_dim3A_2691 = vector.broadcast %jit3A_2689 : f32 to vector<128x1024xf32>
      %broadcast_in_dim3A_2692 = vector.broadcast %jit3A_2690 : f32 to vector<128x1024xf32>
      %select_n3A_2693 = arith.select %and3A_2688, %broadcast_in_dim3A_2691, %broadcast_in_dim3A_2692 : vector<128x1024xi1>, vector<128x1024xf32>
      %dot_general3A_2694 = arith.constant dense<0.000000e+00> : vector<128x67xf32>
      %dot_general3A_2695 = tpu.matmul %select_n3A_2693, %get3A_2377, %dot_general3A_2694 {dimension_numbers = #tpu.dot_dimension_numbers<[1], [0], [0], [1], [0, 0, 1, 1], [], []>, precision = #tpu.contract_precision<fp32>, transpose_lhs_hint = false} : vector<128x1024xf32>, vector<1024x67xf32>, vector<128x67xf32> -> vector<128x67xf32>
      %get3A_2696 = arith.constant 0 : index
      %get3A_2697 = arith.constant 6 : index
      %get3A_2698 = arith.constant 0 : index
      %get3A_2699 = vector.load %arg8[%get3A_2696, %get3A_2697, %get3A_2698] : memref<128x32x67xf32, #tpu.memory_space<vmem>>, vector<128x1x67xf32>
      %get3A_2700 = vector.shape_cast %get3A_2699 : vector<128x1x67xf32> to vector<128x67xf32>
      %add3A_2701 = arith.addf %get3A_2700, %dot_general3A_2695 : vector<128x67xf32>
      %swap3A_2702 = arith.constant 0 : index
      %swap3A_2703 = arith.constant 6 : index
      %swap3A_2704 = arith.constant 0 : index
      %swap3A_2705 = vector.load %arg8[%swap3A_2702, %swap3A_2703, %swap3A_2704] : memref<128x32x67xf32, #tpu.memory_space<vmem>>, vector<128x1x67xf32>
      %swap3A_2706 = vector.shape_cast %swap3A_2705 : vector<128x1x67xf32> to vector<128x67xf32>
      %swap3A_2707 = vector.shape_cast %add3A_2701 : vector<128x67xf32> to vector<128x1x67xf32>
      tpu.vector_store %arg8[%swap3A_2702, %swap3A_2703, %swap3A_2704], %swap3A_2707 {strides = array<i32>} : memref<128x32x67xf32, #tpu.memory_space<vmem>>, vector<128x1x67xf32>,
      %get3A_2708 = arith.constant 0 : index
      %get3A_2709 = arith.constant 6 : index
      %get3A_2710 = vector.load %arg10[%get3A_2708, %get3A_2709] : memref<128x32xi32, #tpu.memory_space<vmem>>, vector<128x1xi32>
      %get3A_2711 = vector.shape_cast %get3A_2710 : vector<128x1xi32> to vector<128xi32>
      %jit3A_2712 = arith.constant 0 : i32
      %broadcast_in_dim3A_2713 = vector.shape_cast %add3A_2446 : vector<1x1024xi32> to vector<1x1024xi32>
      %broadcast_in_dim3A_2714 = vector.broadcast %broadcast_in_dim3A_2713 : vector<1x1024xi32> to vector<128x1024xi32>
      %broadcast_in_dim3A_2715 = vector.broadcast %jit3A_2712 : i32 to vector<128x1024xi32>
      %select_n3A_2716 = arith.select %and3A_2688, %broadcast_in_dim3A_2714, %broadcast_in_dim3A_2715 : vector<128x1024xi1>, vector<128x1024xi32>
      %reduce_sum3A_2717 = arith.constant dense<0> : vector<128xi32>
      %reduce_sum3A_2718 = vector.multi_reduction <add>, %select_n3A_2716, %reduce_sum3A_2717 [1] : vector<128x1024xi32> to vector<128xi32>
      %add3A_2719 = arith.addi %get3A_2711, %reduce_sum3A_2718 : vector<128xi32>
      %swap3A_2720 = arith.constant 0 : index
      %swap3A_2721 = arith.constant 6 : index
      %swap3A_2722 = vector.load %arg10[%swap3A_2720, %swap3A_2721] : memref<128x32xi32, #tpu.memory_space<vmem>>, vector<128x1xi32>
      %swap3A_2723 = vector.shape_cast %swap3A_2722 : vector<128x1xi32> to vector<128xi32>
      %swap3A_2724 = vector.shape_cast %add3A_2719 : vector<128xi32> to vector<128x1xi32>
      tpu.vector_store %arg10[%swap3A_2720, %swap3A_2721], %swap3A_2724 {strides = array<i32>} : memref<128x32xi32, #tpu.memory_space<vmem>>, vector<128x1xi32>,
      %eq3A_2725 = arith.constant 7 : i32
      %eq3A_2726 = vector.broadcast %eq3A_2725 : i32 to vector<128x1024xi32>
      %eq3A_2727 = arith.cmpi eq, %add3A_2444, %eq3A_2726 : vector<128x1024xi32>
      %and3A_2728 = arith.andi %lt3A_2391, %eq3A_2727 : vector<128x1024xi1>
      %jit3A_2729 = arith.constant 1.000000e+00 : f32
      %jit3A_2730 = arith.constant 0.000000e+00 : f32
      %broadcast_in_dim3A_2731 = vector.broadcast %jit3A_2729 : f32 to vector<128x1024xf32>
      %broadcast_in_dim3A_2732 = vector.broadcast %jit3A_2730 : f32 to vector<128x1024xf32>
      %select_n3A_2733 = arith.select %and3A_2728, %broadcast_in_dim3A_2731, %broadcast_in_dim3A_2732 : vector<128x1024xi1>, vector<128x1024xf32>
      %dot_general3A_2734 = arith.constant dense<0.000000e+00> : vector<128x67xf32>
      %dot_general3A_2735 = tpu.matmul %select_n3A_2733, %get3A_2377, %dot_general3A_2734 {dimension_numbers = #tpu.dot_dimension_numbers<[1], [0], [0], [1], [0, 0, 1, 1], [], []>, precision = #tpu.contract_precision<fp32>, transpose_lhs_hint = false} : vector<128x1024xf32>, vector<1024x67xf32>, vector<128x67xf32> -> vector<128x67xf32>
      %get3A_2736 = arith.constant 0 : index
      %get3A_2737 = arith.constant 7 : index
      %get3A_2738 = arith.constant 0 : index
      %get3A_2739 = vector.load %arg8[%get3A_2736, %get3A_2737, %get3A_2738] : memref<128x32x67xf32, #tpu.memory_space<vmem>>, vector<128x1x67xf32>
      %get3A_2740 = vector.shape_cast %get3A_2739 : vector<128x1x67xf32> to vector<128x67xf32>
      %add3A_2741 = arith.addf %get3A_2740, %dot_general3A_2735 : vector<128x67xf32>
      %swap3A_2742 = arith.constant 0 : index
      %swap3A_2743 = arith.constant 7 : index
      %swap3A_2744 = arith.constant 0 : index
      %swap3A_2745 = vector.load %arg8[%swap3A_2742, %swap3A_2743, %swap3A_2744] : memref<128x32x67xf32, #tpu.memory_space<vmem>>, vector<128x1x67xf32>
      %swap3A_2746 = vector.shape_cast %swap3A_2745 : vector<128x1x67xf32> to vector<128x67xf32>
      %swap3A_2747 = vector.shape_cast %add3A_2741 : vector<128x67xf32> to vector<128x1x67xf32>
      tpu.vector_store %arg8[%swap3A_2742, %swap3A_2743, %swap3A_2744], %swap3A_2747 {strides = array<i32>} : memref<128x32x67xf32, #tpu.memory_space<vmem>>, vector<128x1x67xf32>,
      %get3A_2748 = arith.constant 0 : index
      %get3A_2749 = arith.constant 7 : index
      %get3A_2750 = vector.load %arg10[%get3A_2748, %get3A_2749] : memref<128x32xi32, #tpu.memory_space<vmem>>, vector<128x1xi32>
      %get3A_2751 = vector.shape_cast %get3A_2750 : vector<128x1xi32> to vector<128xi32>
      %jit3A_2752 = arith.constant 0 : i32
      %broadcast_in_dim3A_2753 = vector.shape_cast %add3A_2446 : vector<1x1024xi32> to vector<1x1024xi32>
      %broadcast_in_dim3A_2754 = vector.broadcast %broadcast_in_dim3A_2753 : vector<1x1024xi32> to vector<128x1024xi32>
      %broadcast_in_dim3A_2755 = vector.broadcast %jit3A_2752 : i32 to vector<128x1024xi32>
      %select_n3A_2756 = arith.select %and3A_2728, %broadcast_in_dim3A_2754, %broadcast_in_dim3A_2755 : vector<128x1024xi1>, vector<128x1024xi32>
      %reduce_sum3A_2757 = arith.constant dense<0> : vector<128xi32>
      %reduce_sum3A_2758 = vector.multi_reduction <add>, %select_n3A_2756, %reduce_sum3A_2757 [1] : vector<128x1024xi32> to vector<128xi32>
      %add3A_2759 = arith.addi %get3A_2751, %reduce_sum3A_2758 : vector<128xi32>
      %swap3A_2760 = arith.constant 0 : index
      %swap3A_2761 = arith.constant 7 : index
      %swap3A_2762 = vector.load %arg10[%swap3A_2760, %swap3A_2761] : memref<128x32xi32, #tpu.memory_space<vmem>>, vector<128x1xi32>
      %swap3A_2763 = vector.shape_cast %swap3A_2762 : vector<128x1xi32> to vector<128xi32>
      %swap3A_2764 = vector.shape_cast %add3A_2759 : vector<128xi32> to vector<128x1xi32>
      tpu.vector_store %arg10[%swap3A_2760, %swap3A_2761], %swap3A_2764 {strides = array<i32>} : memref<128x32xi32, #tpu.memory_space<vmem>>, vector<128x1xi32>,
      %eq3A_2765 = arith.constant 8 : i32
      %eq3A_2766 = vector.broadcast %eq3A_2765 : i32 to vector<128x1024xi32>
      %eq3A_2767 = arith.cmpi eq, %add3A_2444, %eq3A_2766 : vector<128x1024xi32>
      %and3A_2768 = arith.andi %lt3A_2391, %eq3A_2767 : vector<128x1024xi1>
      %jit3A_2769 = arith.constant 1.000000e+00 : f32
      %jit3A_2770 = arith.constant 0.000000e+00 : f32
      %broadcast_in_dim3A_2771 = vector.broadcast %jit3A_2769 : f32 to vector<128x1024xf32>
      %broadcast_in_dim3A_2772 = vector.broadcast %jit3A_2770 : f32 to vector<128x1024xf32>
      %select_n3A_2773 = arith.select %and3A_2768, %broadcast_in_dim3A_2771, %broadcast_in_dim3A_2772 : vector<128x1024xi1>, vector<128x1024xf32>
      %dot_general3A_2774 = arith.constant dense<0.000000e+00> : vector<128x67xf32>
      %dot_general3A_2775 = tpu.matmul %select_n3A_2773, %get3A_2377, %dot_general3A_2774 {dimension_numbers = #tpu.dot_dimension_numbers<[1], [0], [0], [1], [0, 0, 1, 1], [], []>, precision = #tpu.contract_precision<fp32>, transpose_lhs_hint = false} : vector<128x1024xf32>, vector<1024x67xf32>, vector<128x67xf32> -> vector<128x67xf32>
      %get3A_2776 = arith.constant 0 : index
      %get3A_2777 = arith.constant 8 : index
      %get3A_2778 = arith.constant 0 : index
      %get3A_2779 = vector.load %arg8[%get3A_2776, %get3A_2777, %get3A_2778] : memref<128x32x67xf32, #tpu.memory_space<vmem>>, vector<128x1x67xf32>
      %get3A_2780 = vector.shape_cast %get3A_2779 : vector<128x1x67xf32> to vector<128x67xf32>
      %add3A_2781 = arith.addf %get3A_2780, %dot_general3A_2775 : vector<128x67xf32>
      %swap3A_2782 = arith.constant 0 : index
      %swap3A_2783 = arith.constant 8 : index
      %swap3A_2784 = arith.constant 0 : index
      %swap3A_2785 = vector.load %arg8[%swap3A_2782, %swap3A_2783, %swap3A_2784] : memref<128x32x67xf32, #tpu.memory_space<vmem>>, vector<128x1x67xf32>
      %swap3A_2786 = vector.shape_cast %swap3A_2785 : vector<128x1x67xf32> to vector<128x67xf32>
      %swap3A_2787 = vector.shape_cast %add3A_2781 : vector<128x67xf32> to vector<128x1x67xf32>
      tpu.vector_store %arg8[%swap3A_2782, %swap3A_2783, %swap3A_2784], %swap3A_2787 {strides = array<i32>} : memref<128x32x67xf32, #tpu.memory_space<vmem>>, vector<128x1x67xf32>,
      %get3A_2788 = arith.constant 0 : index
      %get3A_2789 = arith.constant 8 : index
      %get3A_2790 = vector.load %arg10[%get3A_2788, %get3A_2789] : memref<128x32xi32, #tpu.memory_space<vmem>>, vector<128x1xi32>
      %get3A_2791 = vector.shape_cast %get3A_2790 : vector<128x1xi32> to vector<128xi32>
      %jit3A_2792 = arith.constant 0 : i32
      %broadcast_in_dim3A_2793 = vector.shape_cast %add3A_2446 : vector<1x1024xi32> to vector<1x1024xi32>
      %broadcast_in_dim3A_2794 = vector.broadcast %broadcast_in_dim3A_2793 : vector<1x1024xi32> to vector<128x1024xi32>
      %broadcast_in_dim3A_2795 = vector.broadcast %jit3A_2792 : i32 to vector<128x1024xi32>
      %select_n3A_2796 = arith.select %and3A_2768, %broadcast_in_dim3A_2794, %broadcast_in_dim3A_2795 : vector<128x1024xi1>, vector<128x1024xi32>
      %reduce_sum3A_2797 = arith.constant dense<0> : vector<128xi32>
      %reduce_sum3A_2798 = vector.multi_reduction <add>, %select_n3A_2796, %reduce_sum3A_2797 [1] : vector<128x1024xi32> to vector<128xi32>
      %add3A_2799 = arith.addi %get3A_2791, %reduce_sum3A_2798 : vector<128xi32>
      %swap3A_2800 = arith.constant 0 : index
      %swap3A_2801 = arith.constant 8 : index
      %swap3A_2802 = vector.load %arg10[%swap3A_2800, %swap3A_2801] : memref<128x32xi32, #tpu.memory_space<vmem>>, vector<128x1xi32>
      %swap3A_2803 = vector.shape_cast %swap3A_2802 : vector<128x1xi32> to vector<128xi32>
      %swap3A_2804 = vector.shape_cast %add3A_2799 : vector<128xi32> to vector<128x1xi32>
      tpu.vector_store %arg10[%swap3A_2800, %swap3A_2801], %swap3A_2804 {strides = array<i32>} : memref<128x32xi32, #tpu.memory_space<vmem>>, vector<128x1xi32>,
      %eq3A_2805 = arith.constant 9 : i32
      %eq3A_2806 = vector.broadcast %eq3A_2805 : i32 to vector<128x1024xi32>
      %eq3A_2807 = arith.cmpi eq, %add3A_2444, %eq3A_2806 : vector<128x1024xi32>
      %and3A_2808 = arith.andi %lt3A_2391, %eq3A_2807 : vector<128x1024xi1>
      %jit3A_2809 = arith.constant 1.000000e+00 : f32
      %jit3A_2810 = arith.constant 0.000000e+00 : f32
      %broadcast_in_dim3A_2811 = vector.broadcast %jit3A_2809 : f32 to vector<128x1024xf32>
      %broadcast_in_dim3A_2812 = vector.broadcast %jit3A_2810 : f32 to vector<128x1024xf32>
      %select_n3A_2813 = arith.select %and3A_2808, %broadcast_in_dim3A_2811, %broadcast_in_dim3A_2812 : vector<128x1024xi1>, vector<128x1024xf32>
      %dot_general3A_2814 = arith.constant dense<0.000000e+00> : vector<128x67xf32>
      %dot_general3A_2815 = tpu.matmul %select_n3A_2813, %get3A_2377, %dot_general3A_2814 {dimension_numbers = #tpu.dot_dimension_numbers<[1], [0], [0], [1], [0, 0, 1, 1], [], []>, precision = #tpu.contract_precision<fp32>, transpose_lhs_hint = false} : vector<128x1024xf32>, vector<1024x67xf32>, vector<128x67xf32> -> vector<128x67xf32>
      %get3A_2816 = arith.constant 0 : index
      %get3A_2817 = arith.constant 9 : index
      %get3A_2818 = arith.constant 0 : index
      %get3A_2819 = vector.load %arg8[%get3A_2816, %get3A_2817, %get3A_2818] : memref<128x32x67xf32, #tpu.memory_space<vmem>>, vector<128x1x67xf32>
      %get3A_2820 = vector.shape_cast %get3A_2819 : vector<128x1x67xf32> to vector<128x67xf32>
      %add3A_2821 = arith.addf %get3A_2820, %dot_general3A_2815 : vector<128x67xf32>
      %swap3A_2822 = arith.constant 0 : index
      %swap3A_2823 = arith.constant 9 : index
      %swap3A_2824 = arith.constant 0 : index
      %swap3A_2825 = vector.load %arg8[%swap3A_2822, %swap3A_2823, %swap3A_2824] : memref<128x32x67xf32, #tpu.memory_space<vmem>>, vector<128x1x67xf32>
      %swap3A_2826 = vector.shape_cast %swap3A_2825 : vector<128x1x67xf32> to vector<128x67xf32>
      %swap3A_2827 = vector.shape_cast %add3A_2821 : vector<128x67xf32> to vector<128x1x67xf32>
      tpu.vector_store %arg8[%swap3A_2822, %swap3A_2823, %swap3A_2824], %swap3A_2827 {strides = array<i32>} : memref<128x32x67xf32, #tpu.memory_space<vmem>>, vector<128x1x67xf32>,
      %get3A_2828 = arith.constant 0 : index
      %get3A_2829 = arith.constant 9 : index
      %get3A_2830 = vector.load %arg10[%get3A_2828, %get3A_2829] : memref<128x32xi32, #tpu.memory_space<vmem>>, vector<128x1xi32>
      %get3A_2831 = vector.shape_cast %get3A_2830 : vector<128x1xi32> to vector<128xi32>
      %jit3A_2832 = arith.constant 0 : i32
      %broadcast_in_dim3A_2833 = vector.shape_cast %add3A_2446 : vector<1x1024xi32> to vector<1x1024xi32>
      %broadcast_in_dim3A_2834 = vector.broadcast %broadcast_in_dim3A_2833 : vector<1x1024xi32> to vector<128x1024xi32>
      %broadcast_in_dim3A_2835 = vector.broadcast %jit3A_2832 : i32 to vector<128x1024xi32>
      %select_n3A_2836 = arith.select %and3A_2808, %broadcast_in_dim3A_2834, %broadcast_in_dim3A_2835 : vector<128x1024xi1>, vector<128x1024xi32>
      %reduce_sum3A_2837 = arith.constant dense<0> : vector<128xi32>
      %reduce_sum3A_2838 = vector.multi_reduction <add>, %select_n3A_2836, %reduce_sum3A_2837 [1] : vector<128x1024xi32> to vector<128xi32>
      %add3A_2839 = arith.addi %get3A_2831, %reduce_sum3A_2838 : vector<128xi32>
      %swap3A_2840 = arith.constant 0 : index
      %swap3A_2841 = arith.constant 9 : index
      %swap3A_2842 = vector.load %arg10[%swap3A_2840, %swap3A_2841] : memref<128x32xi32, #tpu.memory_space<vmem>>, vector<128x1xi32>
      %swap3A_2843 = vector.shape_cast %swap3A_2842 : vector<128x1xi32> to vector<128xi32>
      %swap3A_2844 = vector.shape_cast %add3A_2839 : vector<128xi32> to vector<128x1xi32>
      tpu.vector_store %arg10[%swap3A_2840, %swap3A_2841], %swap3A_2844 {strides = array<i32>} : memref<128x32xi32, #tpu.memory_space<vmem>>, vector<128x1xi32>,
      %eq3A_2845 = arith.constant 10 : i32
      %eq3A_2846 = vector.broadcast %eq3A_2845 : i32 to vector<128x1024xi32>
      %eq3A_2847 = arith.cmpi eq, %add3A_2444, %eq3A_2846 : vector<128x1024xi32>
      %and3A_2848 = arith.andi %lt3A_2391, %eq3A_2847 : vector<128x1024xi1>
      %jit3A_2849 = arith.constant 1.000000e+00 : f32
      %jit3A_2850 = arith.constant 0.000000e+00 : f32
      %broadcast_in_dim3A_2851 = vector.broadcast %jit3A_2849 : f32 to vector<128x1024xf32>
      %broadcast_in_dim3A_2852 = vector.broadcast %jit3A_2850 : f32 to vector<128x1024xf32>
      %select_n3A_2853 = arith.select %and3A_2848, %broadcast_in_dim3A_2851, %broadcast_in_dim3A_2852 : vector<128x1024xi1>, vector<128x1024xf32>
      %dot_general3A_2854 = arith.constant dense<0.000000e+00> : vector<128x67xf32>
      %dot_general3A_2855 = tpu.matmul %select_n3A_2853, %get3A_2377, %dot_general3A_2854 {dimension_numbers = #tpu.dot_dimension_numbers<[1], [0], [0], [1], [0, 0, 1, 1], [], []>, precision = #tpu.contract_precision<fp32>, transpose_lhs_hint = false} : vector<128x1024xf32>, vector<1024x67xf32>, vector<128x67xf32> -> vector<128x67xf32>
      %get3A_2856 = arith.constant 0 : index
      %get3A_2857 = arith.constant 10 : index
      %get3A_2858 = arith.constant 0 : index
      %get3A_2859 = vector.load %arg8[%get3A_2856, %get3A_2857, %get3A_2858] : memref<128x32x67xf32, #tpu.memory_space<vmem>>, vector<128x1x67xf32>
      %get3A_2860 = vector.shape_cast %get3A_2859 : vector<128x1x67xf32> to vector<128x67xf32>
      %add3A_2861 = arith.addf %get3A_2860, %dot_general3A_2855 : vector<128x67xf32>
      %swap3A_2862 = arith.constant 0 : index
      %swap3A_2863 = arith.constant 10 : index
      %swap3A_2864 = arith.constant 0 : index
      %swap3A_2865 = vector.load %arg8[%swap3A_2862, %swap3A_2863, %swap3A_2864] : memref<128x32x67xf32, #tpu.memory_space<vmem>>, vector<128x1x67xf32>
      %swap3A_2866 = vector.shape_cast %swap3A_2865 : vector<128x1x67xf32> to vector<128x67xf32>
      %swap3A_2867 = vector.shape_cast %add3A_2861 : vector<128x67xf32> to vector<128x1x67xf32>
      tpu.vector_store %arg8[%swap3A_2862, %swap3A_2863, %swap3A_2864], %swap3A_2867 {strides = array<i32>} : memref<128x32x67xf32, #tpu.memory_space<vmem>>, vector<128x1x67xf32>,
      %get3A_2868 = arith.constant 0 : index
      %get3A_2869 = arith.constant 10 : index
      %get3A_2870 = vector.load %arg10[%get3A_2868, %get3A_2869] : memref<128x32xi32, #tpu.memory_space<vmem>>, vector<128x1xi32>
      %get3A_2871 = vector.shape_cast %get3A_2870 : vector<128x1xi32> to vector<128xi32>
      %jit3A_2872 = arith.constant 0 : i32
      %broadcast_in_dim3A_2873 = vector.shape_cast %add3A_2446 : vector<1x1024xi32> to vector<1x1024xi32>
      %broadcast_in_dim3A_2874 = vector.broadcast %broadcast_in_dim3A_2873 : vector<1x1024xi32> to vector<128x1024xi32>
      %broadcast_in_dim3A_2875 = vector.broadcast %jit3A_2872 : i32 to vector<128x1024xi32>
      %select_n3A_2876 = arith.select %and3A_2848, %broadcast_in_dim3A_2874, %broadcast_in_dim3A_2875 : vector<128x1024xi1>, vector<128x1024xi32>
      %reduce_sum3A_2877 = arith.constant dense<0> : vector<128xi32>
      %reduce_sum3A_2878 = vector.multi_reduction <add>, %select_n3A_2876, %reduce_sum3A_2877 [1] : vector<128x1024xi32> to vector<128xi32>
      %add3A_2879 = arith.addi %get3A_2871, %reduce_sum3A_2878 : vector<128xi32>
      %swap3A_2880 = arith.constant 0 : index
      %swap3A_2881 = arith.constant 10 : index
      %swap3A_2882 = vector.load %arg10[%swap3A_2880, %swap3A_2881] : memref<128x32xi32, #tpu.memory_space<vmem>>, vector<128x1xi32>
      %swap3A_2883 = vector.shape_cast %swap3A_2882 : vector<128x1xi32> to vector<128xi32>
      %swap3A_2884 = vector.shape_cast %add3A_2879 : vector<128xi32> to vector<128x1xi32>
      tpu.vector_store %arg10[%swap3A_2880, %swap3A_2881], %swap3A_2884 {strides = array<i32>} : memref<128x32xi32, #tpu.memory_space<vmem>>, vector<128x1xi32>,
      %eq3A_2885 = arith.constant 11 : i32
      %eq3A_2886 = vector.broadcast %eq3A_2885 : i32 to vector<128x1024xi32>
      %eq3A_2887 = arith.cmpi eq, %add3A_2444, %eq3A_2886 : vector<128x1024xi32>
      %and3A_2888 = arith.andi %lt3A_2391, %eq3A_2887 : vector<128x1024xi1>
      %jit3A_2889 = arith.constant 1.000000e+00 : f32
      %jit3A_2890 = arith.constant 0.000000e+00 : f32
      %broadcast_in_dim3A_2891 = vector.broadcast %jit3A_2889 : f32 to vector<128x1024xf32>
      %broadcast_in_dim3A_2892 = vector.broadcast %jit3A_2890 : f32 to vector<128x1024xf32>
      %select_n3A_2893 = arith.select %and3A_2888, %broadcast_in_dim3A_2891, %broadcast_in_dim3A_2892 : vector<128x1024xi1>, vector<128x1024xf32>
      %dot_general3A_2894 = arith.constant dense<0.000000e+00> : vector<128x67xf32>
      %dot_general3A_2895 = tpu.matmul %select_n3A_2893, %get3A_2377, %dot_general3A_2894 {dimension_numbers = #tpu.dot_dimension_numbers<[1], [0], [0], [1], [0, 0, 1, 1], [], []>, precision = #tpu.contract_precision<fp32>, transpose_lhs_hint = false} : vector<128x1024xf32>, vector<1024x67xf32>, vector<128x67xf32> -> vector<128x67xf32>
      %get3A_2896 = arith.constant 0 : index
      %get3A_2897 = arith.constant 11 : index
      %get3A_2898 = arith.constant 0 : index
      %get3A_2899 = vector.load %arg8[%get3A_2896, %get3A_2897, %get3A_2898] : memref<128x32x67xf32, #tpu.memory_space<vmem>>, vector<128x1x67xf32>
      %get3A_2900 = vector.shape_cast %get3A_2899 : vector<128x1x67xf32> to vector<128x67xf32>
      %add3A_2901 = arith.addf %get3A_2900, %dot_general3A_2895 : vector<128x67xf32>
      %swap3A_2902 = arith.constant 0 : index
      %swap3A_2903 = arith.constant 11 : index
      %swap3A_2904 = arith.constant 0 : index
      %swap3A_2905 = vector.load %arg8[%swap3A_2902, %swap3A_2903, %swap3A_2904] : memref<128x32x67xf32, #tpu.memory_space<vmem>>, vector<128x1x67xf32>
      %swap3A_2906 = vector.shape_cast %swap3A_2905 : vector<128x1x67xf32> to vector<128x67xf32>
      %swap3A_2907 = vector.shape_cast %add3A_2901 : vector<128x67xf32> to vector<128x1x67xf32>
      tpu.vector_store %arg8[%swap3A_2902, %swap3A_2903, %swap3A_2904], %swap3A_2907 {strides = array<i32>} : memref<128x32x67xf32, #tpu.memory_space<vmem>>, vector<128x1x67xf32>,
      %get3A_2908 = arith.constant 0 : index
      %get3A_2909 = arith.constant 11 : index
      %get3A_2910 = vector.load %arg10[%get3A_2908, %get3A_2909] : memref<128x32xi32, #tpu.memory_space<vmem>>, vector<128x1xi32>
      %get3A_2911 = vector.shape_cast %get3A_2910 : vector<128x1xi32> to vector<128xi32>
      %jit3A_2912 = arith.constant 0 : i32
      %broadcast_in_dim3A_2913 = vector.shape_cast %add3A_2446 : vector<1x1024xi32> to vector<1x1024xi32>
      %broadcast_in_dim3A_2914 = vector.broadcast %broadcast_in_dim3A_2913 : vector<1x1024xi32> to vector<128x1024xi32>
      %broadcast_in_dim3A_2915 = vector.broadcast %jit3A_2912 : i32 to vector<128x1024xi32>
      %select_n3A_2916 = arith.select %and3A_2888, %broadcast_in_dim3A_2914, %broadcast_in_dim3A_2915 : vector<128x1024xi1>, vector<128x1024xi32>
      %reduce_sum3A_2917 = arith.constant dense<0> : vector<128xi32>
      %reduce_sum3A_2918 = vector.multi_reduction <add>, %select_n3A_2916, %reduce_sum3A_2917 [1] : vector<128x1024xi32> to vector<128xi32>
      %add3A_2919 = arith.addi %get3A_2911, %reduce_sum3A_2918 : vector<128xi32>
      %swap3A_2920 = arith.constant 0 : index
      %swap3A_2921 = arith.constant 11 : index
      %swap3A_2922 = vector.load %arg10[%swap3A_2920, %swap3A_2921] : memref<128x32xi32, #tpu.memory_space<vmem>>, vector<128x1xi32>
      %swap3A_2923 = vector.shape_cast %swap3A_2922 : vector<128x1xi32> to vector<128xi32>
      %swap3A_2924 = vector.shape_cast %add3A_2919 : vector<128xi32> to vector<128x1xi32>
      tpu.vector_store %arg10[%swap3A_2920, %swap3A_2921], %swap3A_2924 {strides = array<i32>} : memref<128x32xi32, #tpu.memory_space<vmem>>, vector<128x1xi32>,
      %eq3A_2925 = arith.constant 12 : i32
      %eq3A_2926 = vector.broadcast %eq3A_2925 : i32 to vector<128x1024xi32>
      %eq3A_2927 = arith.cmpi eq, %add3A_2444, %eq3A_2926 : vector<128x1024xi32>
      %and3A_2928 = arith.andi %lt3A_2391, %eq3A_2927 : vector<128x1024xi1>
      %jit3A_2929 = arith.constant 1.000000e+00 : f32
      %jit3A_2930 = arith.constant 0.000000e+00 : f32
      %broadcast_in_dim3A_2931 = vector.broadcast %jit3A_2929 : f32 to vector<128x1024xf32>
      %broadcast_in_dim3A_2932 = vector.broadcast %jit3A_2930 : f32 to vector<128x1024xf32>
      %select_n3A_2933 = arith.select %and3A_2928, %broadcast_in_dim3A_2931, %broadcast_in_dim3A_2932 : vector<128x1024xi1>, vector<128x1024xf32>
      %dot_general3A_2934 = arith.constant dense<0.000000e+00> : vector<128x67xf32>
      %dot_general3A_2935 = tpu.matmul %select_n3A_2933, %get3A_2377, %dot_general3A_2934 {dimension_numbers = #tpu.dot_dimension_numbers<[1], [0], [0], [1], [0, 0, 1, 1], [], []>, precision = #tpu.contract_precision<fp32>, transpose_lhs_hint = false} : vector<128x1024xf32>, vector<1024x67xf32>, vector<128x67xf32> -> vector<128x67xf32>
      %get3A_2936 = arith.constant 0 : index
      %get3A_2937 = arith.constant 12 : index
      %get3A_2938 = arith.constant 0 : index
      %get3A_2939 = vector.load %arg8[%get3A_2936, %get3A_2937, %get3A_2938] : memref<128x32x67xf32, #tpu.memory_space<vmem>>, vector<128x1x67xf32>
      %get3A_2940 = vector.shape_cast %get3A_2939 : vector<128x1x67xf32> to vector<128x67xf32>
      %add3A_2941 = arith.addf %get3A_2940, %dot_general3A_2935 : vector<128x67xf32>
      %swap3A_2942 = arith.constant 0 : index
      %swap3A_2943 = arith.constant 12 : index
      %swap3A_2944 = arith.constant 0 : index
      %swap3A_2945 = vector.load %arg8[%swap3A_2942, %swap3A_2943, %swap3A_2944] : memref<128x32x67xf32, #tpu.memory_space<vmem>>, vector<128x1x67xf32>
      %swap3A_2946 = vector.shape_cast %swap3A_2945 : vector<128x1x67xf32> to vector<128x67xf32>
      %swap3A_2947 = vector.shape_cast %add3A_2941 : vector<128x67xf32> to vector<128x1x67xf32>
      tpu.vector_store %arg8[%swap3A_2942, %swap3A_2943, %swap3A_2944], %swap3A_2947 {strides = array<i32>} : memref<128x32x67xf32, #tpu.memory_space<vmem>>, vector<128x1x67xf32>,
      %get3A_2948 = arith.constant 0 : index
      %get3A_2949 = arith.constant 12 : index
      %get3A_2950 = vector.load %arg10[%get3A_2948, %get3A_2949] : memref<128x32xi32, #tpu.memory_space<vmem>>, vector<128x1xi32>
      %get3A_2951 = vector.shape_cast %get3A_2950 : vector<128x1xi32> to vector<128xi32>
      %jit3A_2952 = arith.constant 0 : i32
      %broadcast_in_dim3A_2953 = vector.shape_cast %add3A_2446 : vector<1x1024xi32> to vector<1x1024xi32>
      %broadcast_in_dim3A_2954 = vector.broadcast %broadcast_in_dim3A_2953 : vector<1x1024xi32> to vector<128x1024xi32>
      %broadcast_in_dim3A_2955 = vector.broadcast %jit3A_2952 : i32 to vector<128x1024xi32>
      %select_n3A_2956 = arith.select %and3A_2928, %broadcast_in_dim3A_2954, %broadcast_in_dim3A_2955 : vector<128x1024xi1>, vector<128x1024xi32>
      %reduce_sum3A_2957 = arith.constant dense<0> : vector<128xi32>
      %reduce_sum3A_2958 = vector.multi_reduction <add>, %select_n3A_2956, %reduce_sum3A_2957 [1] : vector<128x1024xi32> to vector<128xi32>
      %add3A_2959 = arith.addi %get3A_2951, %reduce_sum3A_2958 : vector<128xi32>
      %swap3A_2960 = arith.constant 0 : index
      %swap3A_2961 = arith.constant 12 : index
      %swap3A_2962 = vector.load %arg10[%swap3A_2960, %swap3A_2961] : memref<128x32xi32, #tpu.memory_space<vmem>>, vector<128x1xi32>
      %swap3A_2963 = vector.shape_cast %swap3A_2962 : vector<128x1xi32> to vector<128xi32>
      %swap3A_2964 = vector.shape_cast %add3A_2959 : vector<128xi32> to vector<128x1xi32>
      tpu.vector_store %arg10[%swap3A_2960, %swap3A_2961], %swap3A_2964 {strides = array<i32>} : memref<128x32xi32, #tpu.memory_space<vmem>>, vector<128x1xi32>,
      %eq3A_2965 = arith.constant 13 : i32
      %eq3A_2966 = vector.broadcast %eq3A_2965 : i32 to vector<128x1024xi32>
      %eq3A_2967 = arith.cmpi eq, %add3A_2444, %eq3A_2966 : vector<128x1024xi32>
      %and3A_2968 = arith.andi %lt3A_2391, %eq3A_2967 : vector<128x1024xi1>
      %jit3A_2969 = arith.constant 1.000000e+00 : f32
      %jit3A_2970 = arith.constant 0.000000e+00 : f32
      %broadcast_in_dim3A_2971 = vector.broadcast %jit3A_2969 : f32 to vector<128x1024xf32>
      %broadcast_in_dim3A_2972 = vector.broadcast %jit3A_2970 : f32 to vector<128x1024xf32>
      %select_n3A_2973 = arith.select %and3A_2968, %broadcast_in_dim3A_2971, %broadcast_in_dim3A_2972 : vector<128x1024xi1>, vector<128x1024xf32>
      %dot_general3A_2974 = arith.constant dense<0.000000e+00> : vector<128x67xf32>
      %dot_general3A_2975 = tpu.matmul %select_n3A_2973, %get3A_2377, %dot_general3A_2974 {dimension_numbers = #tpu.dot_dimension_numbers<[1], [0], [0], [1], [0, 0, 1, 1], [], []>, precision = #tpu.contract_precision<fp32>, transpose_lhs_hint = false} : vector<128x1024xf32>, vector<1024x67xf32>, vector<128x67xf32> -> vector<128x67xf32>
      %get3A_2976 = arith.constant 0 : index
      %get3A_2977 = arith.constant 13 : index
      %get3A_2978 = arith.constant 0 : index
      %get3A_2979 = vector.load %arg8[%get3A_2976, %get3A_2977, %get3A_2978] : memref<128x32x67xf32, #tpu.memory_space<vmem>>, vector<128x1x67xf32>
      %get3A_2980 = vector.shape_cast %get3A_2979 : vector<128x1x67xf32> to vector<128x67xf32>
      %add3A_2981 = arith.addf %get3A_2980, %dot_general3A_2975 : vector<128x67xf32>
      %swap3A_2982 = arith.constant 0 : index
      %swap3A_2983 = arith.constant 13 : index
      %swap3A_2984 = arith.constant 0 : index
      %swap3A_2985 = vector.load %arg8[%swap3A_2982, %swap3A_2983, %swap3A_2984] : memref<128x32x67xf32, #tpu.memory_space<vmem>>, vector<128x1x67xf32>
      %swap3A_2986 = vector.shape_cast %swap3A_2985 : vector<128x1x67xf32> to vector<128x67xf32>
      %swap3A_2987 = vector.shape_cast %add3A_2981 : vector<128x67xf32> to vector<128x1x67xf32>
      tpu.vector_store %arg8[%swap3A_2982, %swap3A_2983, %swap3A_2984], %swap3A_2987 {strides = array<i32>} : memref<128x32x67xf32, #tpu.memory_space<vmem>>, vector<128x1x67xf32>,
      %get3A_2988 = arith.constant 0 : index
      %get3A_2989 = arith.constant 13 : index
      %get3A_2990 = vector.load %arg10[%get3A_2988, %get3A_2989] : memref<128x32xi32, #tpu.memory_space<vmem>>, vector<128x1xi32>
      %get3A_2991 = vector.shape_cast %get3A_2990 : vector<128x1xi32> to vector<128xi32>
      %jit3A_2992 = arith.constant 0 : i32
      %broadcast_in_dim3A_2993 = vector.shape_cast %add3A_2446 : vector<1x1024xi32> to vector<1x1024xi32>
      %broadcast_in_dim3A_2994 = vector.broadcast %broadcast_in_dim3A_2993 : vector<1x1024xi32> to vector<128x1024xi32>
      %broadcast_in_dim3A_2995 = vector.broadcast %jit3A_2992 : i32 to vector<128x1024xi32>
      %select_n3A_2996 = arith.select %and3A_2968, %broadcast_in_dim3A_2994, %broadcast_in_dim3A_2995 : vector<128x1024xi1>, vector<128x1024xi32>
      %reduce_sum3A_2997 = arith.constant dense<0> : vector<128xi32>
      %reduce_sum3A_2998 = vector.multi_reduction <add>, %select_n3A_2996, %reduce_sum3A_2997 [1] : vector<128x1024xi32> to vector<128xi32>
      %add3A_2999 = arith.addi %get3A_2991, %reduce_sum3A_2998 : vector<128xi32>
      %swap3A_3000 = arith.constant 0 : index
      %swap3A_3001 = arith.constant 13 : index
      %swap3A_3002 = vector.load %arg10[%swap3A_3000, %swap3A_3001] : memref<128x32xi32, #tpu.memory_space<vmem>>, vector<128x1xi32>
      %swap3A_3003 = vector.shape_cast %swap3A_3002 : vector<128x1xi32> to vector<128xi32>
      %swap3A_3004 = vector.shape_cast %add3A_2999 : vector<128xi32> to vector<128x1xi32>
      tpu.vector_store %arg10[%swap3A_3000, %swap3A_3001], %swap3A_3004 {strides = array<i32>} : memref<128x32xi32, #tpu.memory_space<vmem>>, vector<128x1xi32>,
      %eq3A_3005 = arith.constant 14 : i32
      %eq3A_3006 = vector.broadcast %eq3A_3005 : i32 to vector<128x1024xi32>
      %eq3A_3007 = arith.cmpi eq, %add3A_2444, %eq3A_3006 : vector<128x1024xi32>
      %and3A_3008 = arith.andi %lt3A_2391, %eq3A_3007 : vector<128x1024xi1>
      %jit3A_3009 = arith.constant 1.000000e+00 : f32
      %jit3A_3010 = arith.constant 0.000000e+00 : f32
      %broadcast_in_dim3A_3011 = vector.broadcast %jit3A_3009 : f32 to vector<128x1024xf32>
      %broadcast_in_dim3A_3012 = vector.broadcast %jit3A_3010 : f32 to vector<128x1024xf32>
      %select_n3A_3013 = arith.select %and3A_3008, %broadcast_in_dim3A_3011, %broadcast_in_dim3A_3012 : vector<128x1024xi1>, vector<128x1024xf32>
      %dot_general3A_3014 = arith.constant dense<0.000000e+00> : vector<128x67xf32>
      %dot_general3A_3015 = tpu.matmul %select_n3A_3013, %get3A_2377, %dot_general3A_3014 {dimension_numbers = #tpu.dot_dimension_numbers<[1], [0], [0], [1], [0, 0, 1, 1], [], []>, precision = #tpu.contract_precision<fp32>, transpose_lhs_hint = false} : vector<128x1024xf32>, vector<1024x67xf32>, vector<128x67xf32> -> vector<128x67xf32>
      %get3A_3016 = arith.constant 0 : index
      %get3A_3017 = arith.constant 14 : index
      %get3A_3018 = arith.constant 0 : index
      %get3A_3019 = vector.load %arg8[%get3A_3016, %get3A_3017, %get3A_3018] : memref<128x32x67xf32, #tpu.memory_space<vmem>>, vector<128x1x67xf32>
      %get3A_3020 = vector.shape_cast %get3A_3019 : vector<128x1x67xf32> to vector<128x67xf32>
      %add3A_3021 = arith.addf %get3A_3020, %dot_general3A_3015 : vector<128x67xf32>
      %swap3A_3022 = arith.constant 0 : index
      %swap3A_3023 = arith.constant 14 : index
      %swap3A_3024 = arith.constant 0 : index
      %swap3A_3025 = vector.load %arg8[%swap3A_3022, %swap3A_3023, %swap3A_3024] : memref<128x32x67xf32, #tpu.memory_space<vmem>>, vector<128x1x67xf32>
      %swap3A_3026 = vector.shape_cast %swap3A_3025 : vector<128x1x67xf32> to vector<128x67xf32>
      %swap3A_3027 = vector.shape_cast %add3A_3021 : vector<128x67xf32> to vector<128x1x67xf32>
      tpu.vector_store %arg8[%swap3A_3022, %swap3A_3023, %swap3A_3024], %swap3A_3027 {strides = array<i32>} : memref<128x32x67xf32, #tpu.memory_space<vmem>>, vector<128x1x67xf32>,
      %get3A_3028 = arith.constant 0 : index
      %get3A_3029 = arith.constant 14 : index
      %get3A_3030 = vector.load %arg10[%get3A_3028, %get3A_3029] : memref<128x32xi32, #tpu.memory_space<vmem>>, vector<128x1xi32>
      %get3A_3031 = vector.shape_cast %get3A_3030 : vector<128x1xi32> to vector<128xi32>
      %jit3A_3032 = arith.constant 0 : i32
      %broadcast_in_dim3A_3033 = vector.shape_cast %add3A_2446 : vector<1x1024xi32> to vector<1x1024xi32>
      %broadcast_in_dim3A_3034 = vector.broadcast %broadcast_in_dim3A_3033 : vector<1x1024xi32> to vector<128x1024xi32>
      %broadcast_in_dim3A_3035 = vector.broadcast %jit3A_3032 : i32 to vector<128x1024xi32>
      %select_n3A_3036 = arith.select %and3A_3008, %broadcast_in_dim3A_3034, %broadcast_in_dim3A_3035 : vector<128x1024xi1>, vector<128x1024xi32>
      %reduce_sum3A_3037 = arith.constant dense<0> : vector<128xi32>
      %reduce_sum3A_3038 = vector.multi_reduction <add>, %select_n3A_3036, %reduce_sum3A_3037 [1] : vector<128x1024xi32> to vector<128xi32>
      %add3A_3039 = arith.addi %get3A_3031, %reduce_sum3A_3038 : vector<128xi32>
      %swap3A_3040 = arith.constant 0 : index
      %swap3A_3041 = arith.constant 14 : index
      %swap3A_3042 = vector.load %arg10[%swap3A_3040, %swap3A_3041] : memref<128x32xi32, #tpu.memory_space<vmem>>, vector<128x1xi32>
      %swap3A_3043 = vector.shape_cast %swap3A_3042 : vector<128x1xi32> to vector<128xi32>
      %swap3A_3044 = vector.shape_cast %add3A_3039 : vector<128xi32> to vector<128x1xi32>
      tpu.vector_store %arg10[%swap3A_3040, %swap3A_3041], %swap3A_3044 {strides = array<i32>} : memref<128x32xi32, #tpu.memory_space<vmem>>, vector<128x1xi32>,
      %eq3A_3045 = arith.constant 15 : i32
      %eq3A_3046 = vector.broadcast %eq3A_3045 : i32 to vector<128x1024xi32>
      %eq3A_3047 = arith.cmpi eq, %add3A_2444, %eq3A_3046 : vector<128x1024xi32>
      %and3A_3048 = arith.andi %lt3A_2391, %eq3A_3047 : vector<128x1024xi1>
      %jit3A_3049 = arith.constant 1.000000e+00 : f32
      %jit3A_3050 = arith.constant 0.000000e+00 : f32
      %broadcast_in_dim3A_3051 = vector.broadcast %jit3A_3049 : f32 to vector<128x1024xf32>
      %broadcast_in_dim3A_3052 = vector.broadcast %jit3A_3050 : f32 to vector<128x1024xf32>
      %select_n3A_3053 = arith.select %and3A_3048, %broadcast_in_dim3A_3051, %broadcast_in_dim3A_3052 : vector<128x1024xi1>, vector<128x1024xf32>
      %dot_general3A_3054 = arith.constant dense<0.000000e+00> : vector<128x67xf32>
      %dot_general3A_3055 = tpu.matmul %select_n3A_3053, %get3A_2377, %dot_general3A_3054 {dimension_numbers = #tpu.dot_dimension_numbers<[1], [0], [0], [1], [0, 0, 1, 1], [], []>, precision = #tpu.contract_precision<fp32>, transpose_lhs_hint = false} : vector<128x1024xf32>, vector<1024x67xf32>, vector<128x67xf32> -> vector<128x67xf32>
      %get3A_3056 = arith.constant 0 : index
      %get3A_3057 = arith.constant 15 : index
      %get3A_3058 = arith.constant 0 : index
      %get3A_3059 = vector.load %arg8[%get3A_3056, %get3A_3057, %get3A_3058] : memref<128x32x67xf32, #tpu.memory_space<vmem>>, vector<128x1x67xf32>
      %get3A_3060 = vector.shape_cast %get3A_3059 : vector<128x1x67xf32> to vector<128x67xf32>
      %add3A_3061 = arith.addf %get3A_3060, %dot_general3A_3055 : vector<128x67xf32>
      %swap3A_3062 = arith.constant 0 : index
      %swap3A_3063 = arith.constant 15 : index
      %swap3A_3064 = arith.constant 0 : index
      %swap3A_3065 = vector.load %arg8[%swap3A_3062, %swap3A_3063, %swap3A_3064] : memref<128x32x67xf32, #tpu.memory_space<vmem>>, vector<128x1x67xf32>
      %swap3A_3066 = vector.shape_cast %swap3A_3065 : vector<128x1x67xf32> to vector<128x67xf32>
      %swap3A_3067 = vector.shape_cast %add3A_3061 : vector<128x67xf32> to vector<128x1x67xf32>
      tpu.vector_store %arg8[%swap3A_3062, %swap3A_3063, %swap3A_3064], %swap3A_3067 {strides = array<i32>} : memref<128x32x67xf32, #tpu.memory_space<vmem>>, vector<128x1x67xf32>,
      %get3A_3068 = arith.constant 0 : index
      %get3A_3069 = arith.constant 15 : index
      %get3A_3070 = vector.load %arg10[%get3A_3068, %get3A_3069] : memref<128x32xi32, #tpu.memory_space<vmem>>, vector<128x1xi32>
      %get3A_3071 = vector.shape_cast %get3A_3070 : vector<128x1xi32> to vector<128xi32>
      %jit3A_3072 = arith.constant 0 : i32
      %broadcast_in_dim3A_3073 = vector.shape_cast %add3A_2446 : vector<1x1024xi32> to vector<1x1024xi32>
      %broadcast_in_dim3A_3074 = vector.broadcast %broadcast_in_dim3A_3073 : vector<1x1024xi32> to vector<128x1024xi32>
      %broadcast_in_dim3A_3075 = vector.broadcast %jit3A_3072 : i32 to vector<128x1024xi32>
      %select_n3A_3076 = arith.select %and3A_3048, %broadcast_in_dim3A_3074, %broadcast_in_dim3A_3075 : vector<128x1024xi1>, vector<128x1024xi32>
      %reduce_sum3A_3077 = arith.constant dense<0> : vector<128xi32>
      %reduce_sum3A_3078 = vector.multi_reduction <add>, %select_n3A_3076, %reduce_sum3A_3077 [1] : vector<128x1024xi32> to vector<128xi32>
      %add3A_3079 = arith.addi %get3A_3071, %reduce_sum3A_3078 : vector<128xi32>
      %swap3A_3080 = arith.constant 0 : index
      %swap3A_3081 = arith.constant 15 : index
      %swap3A_3082 = vector.load %arg10[%swap3A_3080, %swap3A_3081] : memref<128x32xi32, #tpu.memory_space<vmem>>, vector<128x1xi32>
      %swap3A_3083 = vector.shape_cast %swap3A_3082 : vector<128x1xi32> to vector<128xi32>
      %swap3A_3084 = vector.shape_cast %add3A_3079 : vector<128xi32> to vector<128x1xi32>
      tpu.vector_store %arg10[%swap3A_3080, %swap3A_3081], %swap3A_3084 {strides = array<i32>} : memref<128x32xi32, #tpu.memory_space<vmem>>, vector<128x1xi32>,
      %eq3A_3085 = arith.constant 16 : i32
      %eq3A_3086 = vector.broadcast %eq3A_3085 : i32 to vector<128x1024xi32>
      %eq3A_3087 = arith.cmpi eq, %add3A_2444, %eq3A_3086 : vector<128x1024xi32>
      %and3A_3088 = arith.andi %lt3A_2391, %eq3A_3087 : vector<128x1024xi1>
      %jit3A_3089 = arith.constant 1.000000e+00 : f32
      %jit3A_3090 = arith.constant 0.000000e+00 : f32
      %broadcast_in_dim3A_3091 = vector.broadcast %jit3A_3089 : f32 to vector<128x1024xf32>
      %broadcast_in_dim3A_3092 = vector.broadcast %jit3A_3090 : f32 to vector<128x1024xf32>
      %select_n3A_3093 = arith.select %and3A_3088, %broadcast_in_dim3A_3091, %broadcast_in_dim3A_3092 : vector<128x1024xi1>, vector<128x1024xf32>
      %dot_general3A_3094 = arith.constant dense<0.000000e+00> : vector<128x67xf32>
      %dot_general3A_3095 = tpu.matmul %select_n3A_3093, %get3A_2377, %dot_general3A_3094 {dimension_numbers = #tpu.dot_dimension_numbers<[1], [0], [0], [1], [0, 0, 1, 1], [], []>, precision = #tpu.contract_precision<fp32>, transpose_lhs_hint = false} : vector<128x1024xf32>, vector<1024x67xf32>, vector<128x67xf32> -> vector<128x67xf32>
      %get3A_3096 = arith.constant 0 : index
      %get3A_3097 = arith.constant 16 : index
      %get3A_3098 = arith.constant 0 : index
      %get3A_3099 = vector.load %arg8[%get3A_3096, %get3A_3097, %get3A_3098] : memref<128x32x67xf32, #tpu.memory_space<vmem>>, vector<128x1x67xf32>
      %get3A_3100 = vector.shape_cast %get3A_3099 : vector<128x1x67xf32> to vector<128x67xf32>
      %add3A_3101 = arith.addf %get3A_3100, %dot_general3A_3095 : vector<128x67xf32>
      %swap3A_3102 = arith.constant 0 : index
      %swap3A_3103 = arith.constant 16 : index
      %swap3A_3104 = arith.constant 0 : index
      %swap3A_3105 = vector.load %arg8[%swap3A_3102, %swap3A_3103, %swap3A_3104] : memref<128x32x67xf32, #tpu.memory_space<vmem>>, vector<128x1x67xf32>
      %swap3A_3106 = vector.shape_cast %swap3A_3105 : vector<128x1x67xf32> to vector<128x67xf32>
      %swap3A_3107 = vector.shape_cast %add3A_3101 : vector<128x67xf32> to vector<128x1x67xf32>
      tpu.vector_store %arg8[%swap3A_3102, %swap3A_3103, %swap3A_3104], %swap3A_3107 {strides = array<i32>} : memref<128x32x67xf32, #tpu.memory_space<vmem>>, vector<128x1x67xf32>,
      %get3A_3108 = arith.constant 0 : index
      %get3A_3109 = arith.constant 16 : index
      %get3A_3110 = vector.load %arg10[%get3A_3108, %get3A_3109] : memref<128x32xi32, #tpu.memory_space<vmem>>, vector<128x1xi32>
      %get3A_3111 = vector.shape_cast %get3A_3110 : vector<128x1xi32> to vector<128xi32>
      %jit3A_3112 = arith.constant 0 : i32
      %broadcast_in_dim3A_3113 = vector.shape_cast %add3A_2446 : vector<1x1024xi32> to vector<1x1024xi32>
      %broadcast_in_dim3A_3114 = vector.broadcast %broadcast_in_dim3A_3113 : vector<1x1024xi32> to vector<128x1024xi32>
      %broadcast_in_dim3A_3115 = vector.broadcast %jit3A_3112 : i32 to vector<128x1024xi32>
      %select_n3A_3116 = arith.select %and3A_3088, %broadcast_in_dim3A_3114, %broadcast_in_dim3A_3115 : vector<128x1024xi1>, vector<128x1024xi32>
      %reduce_sum3A_3117 = arith.constant dense<0> : vector<128xi32>
      %reduce_sum3A_3118 = vector.multi_reduction <add>, %select_n3A_3116, %reduce_sum3A_3117 [1] : vector<128x1024xi32> to vector<128xi32>
      %add3A_3119 = arith.addi %get3A_3111, %reduce_sum3A_3118 : vector<128xi32>
      %swap3A_3120 = arith.constant 0 : index
      %swap3A_3121 = arith.constant 16 : index
      %swap3A_3122 = vector.load %arg10[%swap3A_3120, %swap3A_3121] : memref<128x32xi32, #tpu.memory_space<vmem>>, vector<128x1xi32>
      %swap3A_3123 = vector.shape_cast %swap3A_3122 : vector<128x1xi32> to vector<128xi32>
      %swap3A_3124 = vector.shape_cast %add3A_3119 : vector<128xi32> to vector<128x1xi32>
      tpu.vector_store %arg10[%swap3A_3120, %swap3A_3121], %swap3A_3124 {strides = array<i32>} : memref<128x32xi32, #tpu.memory_space<vmem>>, vector<128x1xi32>,
      %eq3A_3125 = arith.constant 17 : i32
      %eq3A_3126 = vector.broadcast %eq3A_3125 : i32 to vector<128x1024xi32>
      %eq3A_3127 = arith.cmpi eq, %add3A_2444, %eq3A_3126 : vector<128x1024xi32>
      %and3A_3128 = arith.andi %lt3A_2391, %eq3A_3127 : vector<128x1024xi1>
      %jit3A_3129 = arith.constant 1.000000e+00 : f32
      %jit3A_3130 = arith.constant 0.000000e+00 : f32
      %broadcast_in_dim3A_3131 = vector.broadcast %jit3A_3129 : f32 to vector<128x1024xf32>
      %broadcast_in_dim3A_3132 = vector.broadcast %jit3A_3130 : f32 to vector<128x1024xf32>
      %select_n3A_3133 = arith.select %and3A_3128, %broadcast_in_dim3A_3131, %broadcast_in_dim3A_3132 : vector<128x1024xi1>, vector<128x1024xf32>
      %dot_general3A_3134 = arith.constant dense<0.000000e+00> : vector<128x67xf32>
      %dot_general3A_3135 = tpu.matmul %select_n3A_3133, %get3A_2377, %dot_general3A_3134 {dimension_numbers = #tpu.dot_dimension_numbers<[1], [0], [0], [1], [0, 0, 1, 1], [], []>, precision = #tpu.contract_precision<fp32>, transpose_lhs_hint = false} : vector<128x1024xf32>, vector<1024x67xf32>, vector<128x67xf32> -> vector<128x67xf32>
      %get3A_3136 = arith.constant 0 : index
      %get3A_3137 = arith.constant 17 : index
      %get3A_3138 = arith.constant 0 : index
      %get3A_3139 = vector.load %arg8[%get3A_3136, %get3A_3137, %get3A_3138] : memref<128x32x67xf32, #tpu.memory_space<vmem>>, vector<128x1x67xf32>
      %get3A_3140 = vector.shape_cast %get3A_3139 : vector<128x1x67xf32> to vector<128x67xf32>
      %add3A_3141 = arith.addf %get3A_3140, %dot_general3A_3135 : vector<128x67xf32>
      %swap3A_3142 = arith.constant 0 : index
      %swap3A_3143 = arith.constant 17 : index
      %swap3A_3144 = arith.constant 0 : index
      %swap3A_3145 = vector.load %arg8[%swap3A_3142, %swap3A_3143, %swap3A_3144] : memref<128x32x67xf32, #tpu.memory_space<vmem>>, vector<128x1x67xf32>
      %swap3A_3146 = vector.shape_cast %swap3A_3145 : vector<128x1x67xf32> to vector<128x67xf32>
      %swap3A_3147 = vector.shape_cast %add3A_3141 : vector<128x67xf32> to vector<128x1x67xf32>
      tpu.vector_store %arg8[%swap3A_3142, %swap3A_3143, %swap3A_3144], %swap3A_3147 {strides = array<i32>} : memref<128x32x67xf32, #tpu.memory_space<vmem>>, vector<128x1x67xf32>,
      %get3A_3148 = arith.constant 0 : index
      %get3A_3149 = arith.constant 17 : index
      %get3A_3150 = vector.load %arg10[%get3A_3148, %get3A_3149] : memref<128x32xi32, #tpu.memory_space<vmem>>, vector<128x1xi32>
      %get3A_3151 = vector.shape_cast %get3A_3150 : vector<128x1xi32> to vector<128xi32>
      %jit3A_3152 = arith.constant 0 : i32
      %broadcast_in_dim3A_3153 = vector.shape_cast %add3A_2446 : vector<1x1024xi32> to vector<1x1024xi32>
      %broadcast_in_dim3A_3154 = vector.broadcast %broadcast_in_dim3A_3153 : vector<1x1024xi32> to vector<128x1024xi32>
      %broadcast_in_dim3A_3155 = vector.broadcast %jit3A_3152 : i32 to vector<128x1024xi32>
      %select_n3A_3156 = arith.select %and3A_3128, %broadcast_in_dim3A_3154, %broadcast_in_dim3A_3155 : vector<128x1024xi1>, vector<128x1024xi32>
      %reduce_sum3A_3157 = arith.constant dense<0> : vector<128xi32>
      %reduce_sum3A_3158 = vector.multi_reduction <add>, %select_n3A_3156, %reduce_sum3A_3157 [1] : vector<128x1024xi32> to vector<128xi32>
      %add3A_3159 = arith.addi %get3A_3151, %reduce_sum3A_3158 : vector<128xi32>
      %swap3A_3160 = arith.constant 0 : index
      %swap3A_3161 = arith.constant 17 : index
      %swap3A_3162 = vector.load %arg10[%swap3A_3160, %swap3A_3161] : memref<128x32xi32, #tpu.memory_space<vmem>>, vector<128x1xi32>
      %swap3A_3163 = vector.shape_cast %swap3A_3162 : vector<128x1xi32> to vector<128xi32>
      %swap3A_3164 = vector.shape_cast %add3A_3159 : vector<128xi32> to vector<128x1xi32>
      tpu.vector_store %arg10[%swap3A_3160, %swap3A_3161], %swap3A_3164 {strides = array<i32>} : memref<128x32xi32, #tpu.memory_space<vmem>>, vector<128x1xi32>,
      %eq3A_3165 = arith.constant 18 : i32
      %eq3A_3166 = vector.broadcast %eq3A_3165 : i32 to vector<128x1024xi32>
      %eq3A_3167 = arith.cmpi eq, %add3A_2444, %eq3A_3166 : vector<128x1024xi32>
      %and3A_3168 = arith.andi %lt3A_2391, %eq3A_3167 : vector<128x1024xi1>
      %jit3A_3169 = arith.constant 1.000000e+00 : f32
      %jit3A_3170 = arith.constant 0.000000e+00 : f32
      %broadcast_in_dim3A_3171 = vector.broadcast %jit3A_3169 : f32 to vector<128x1024xf32>
      %broadcast_in_dim3A_3172 = vector.broadcast %jit3A_3170 : f32 to vector<128x1024xf32>
      %select_n3A_3173 = arith.select %and3A_3168, %broadcast_in_dim3A_3171, %broadcast_in_dim3A_3172 : vector<128x1024xi1>, vector<128x1024xf32>
      %dot_general3A_3174 = arith.constant dense<0.000000e+00> : vector<128x67xf32>
      %dot_general3A_3175 = tpu.matmul %select_n3A_3173, %get3A_2377, %dot_general3A_3174 {dimension_numbers = #tpu.dot_dimension_numbers<[1], [0], [0], [1], [0, 0, 1, 1], [], []>, precision = #tpu.contract_precision<fp32>, transpose_lhs_hint = false} : vector<128x1024xf32>, vector<1024x67xf32>, vector<128x67xf32> -> vector<128x67xf32>
      %get3A_3176 = arith.constant 0 : index
      %get3A_3177 = arith.constant 18 : index
      %get3A_3178 = arith.constant 0 : index
      %get3A_3179 = vector.load %arg8[%get3A_3176, %get3A_3177, %get3A_3178] : memref<128x32x67xf32, #tpu.memory_space<vmem>>, vector<128x1x67xf32>
      %get3A_3180 = vector.shape_cast %get3A_3179 : vector<128x1x67xf32> to vector<128x67xf32>
      %add3A_3181 = arith.addf %get3A_3180, %dot_general3A_3175 : vector<128x67xf32>
      %swap3A_3182 = arith.constant 0 : index
      %swap3A_3183 = arith.constant 18 : index
      %swap3A_3184 = arith.constant 0 : index
      %swap3A_3185 = vector.load %arg8[%swap3A_3182, %swap3A_3183, %swap3A_3184] : memref<128x32x67xf32, #tpu.memory_space<vmem>>, vector<128x1x67xf32>
      %swap3A_3186 = vector.shape_cast %swap3A_3185 : vector<128x1x67xf32> to vector<128x67xf32>
      %swap3A_3187 = vector.shape_cast %add3A_3181 : vector<128x67xf32> to vector<128x1x67xf32>
      tpu.vector_store %arg8[%swap3A_3182, %swap3A_3183, %swap3A_3184], %swap3A_3187 {strides = array<i32>} : memref<128x32x67xf32, #tpu.memory_space<vmem>>, vector<128x1x67xf32>,
      %get3A_3188 = arith.constant 0 : index
      %get3A_3189 = arith.constant 18 : index
      %get3A_3190 = vector.load %arg10[%get3A_3188, %get3A_3189] : memref<128x32xi32, #tpu.memory_space<vmem>>, vector<128x1xi32>
      %get3A_3191 = vector.shape_cast %get3A_3190 : vector<128x1xi32> to vector<128xi32>
      %jit3A_3192 = arith.constant 0 : i32
      %broadcast_in_dim3A_3193 = vector.shape_cast %add3A_2446 : vector<1x1024xi32> to vector<1x1024xi32>
      %broadcast_in_dim3A_3194 = vector.broadcast %broadcast_in_dim3A_3193 : vector<1x1024xi32> to vector<128x1024xi32>
      %broadcast_in_dim3A_3195 = vector.broadcast %jit3A_3192 : i32 to vector<128x1024xi32>
      %select_n3A_3196 = arith.select %and3A_3168, %broadcast_in_dim3A_3194, %broadcast_in_dim3A_3195 : vector<128x1024xi1>, vector<128x1024xi32>
      %reduce_sum3A_3197 = arith.constant dense<0> : vector<128xi32>
      %reduce_sum3A_3198 = vector.multi_reduction <add>, %select_n3A_3196, %reduce_sum3A_3197 [1] : vector<128x1024xi32> to vector<128xi32>
      %add3A_3199 = arith.addi %get3A_3191, %reduce_sum3A_3198 : vector<128xi32>
      %swap3A_3200 = arith.constant 0 : index
      %swap3A_3201 = arith.constant 18 : index
      %swap3A_3202 = vector.load %arg10[%swap3A_3200, %swap3A_3201] : memref<128x32xi32, #tpu.memory_space<vmem>>, vector<128x1xi32>
      %swap3A_3203 = vector.shape_cast %swap3A_3202 : vector<128x1xi32> to vector<128xi32>
      %swap3A_3204 = vector.shape_cast %add3A_3199 : vector<128xi32> to vector<128x1xi32>
      tpu.vector_store %arg10[%swap3A_3200, %swap3A_3201], %swap3A_3204 {strides = array<i32>} : memref<128x32xi32, #tpu.memory_space<vmem>>, vector<128x1xi32>,
      %eq3A_3205 = arith.constant 19 : i32
      %eq3A_3206 = vector.broadcast %eq3A_3205 : i32 to vector<128x1024xi32>
      %eq3A_3207 = arith.cmpi eq, %add3A_2444, %eq3A_3206 : vector<128x1024xi32>
      %and3A_3208 = arith.andi %lt3A_2391, %eq3A_3207 : vector<128x1024xi1>
      %jit3A_3209 = arith.constant 1.000000e+00 : f32
      %jit3A_3210 = arith.constant 0.000000e+00 : f32
      %broadcast_in_dim3A_3211 = vector.broadcast %jit3A_3209 : f32 to vector<128x1024xf32>
      %broadcast_in_dim3A_3212 = vector.broadcast %jit3A_3210 : f32 to vector<128x1024xf32>
      %select_n3A_3213 = arith.select %and3A_3208, %broadcast_in_dim3A_3211, %broadcast_in_dim3A_3212 : vector<128x1024xi1>, vector<128x1024xf32>
      %dot_general3A_3214 = arith.constant dense<0.000000e+00> : vector<128x67xf32>
      %dot_general3A_3215 = tpu.matmul %select_n3A_3213, %get3A_2377, %dot_general3A_3214 {dimension_numbers = #tpu.dot_dimension_numbers<[1], [0], [0], [1], [0, 0, 1, 1], [], []>, precision = #tpu.contract_precision<fp32>, transpose_lhs_hint = false} : vector<128x1024xf32>, vector<1024x67xf32>, vector<128x67xf32> -> vector<128x67xf32>
      %get3A_3216 = arith.constant 0 : index
      %get3A_3217 = arith.constant 19 : index
      %get3A_3218 = arith.constant 0 : index
      %get3A_3219 = vector.load %arg8[%get3A_3216, %get3A_3217, %get3A_3218] : memref<128x32x67xf32, #tpu.memory_space<vmem>>, vector<128x1x67xf32>
      %get3A_3220 = vector.shape_cast %get3A_3219 : vector<128x1x67xf32> to vector<128x67xf32>
      %add3A_3221 = arith.addf %get3A_3220, %dot_general3A_3215 : vector<128x67xf32>
      %swap3A_3222 = arith.constant 0 : index
      %swap3A_3223 = arith.constant 19 : index
      %swap3A_3224 = arith.constant 0 : index
      %swap3A_3225 = vector.load %arg8[%swap3A_3222, %swap3A_3223, %swap3A_3224] : memref<128x32x67xf32, #tpu.memory_space<vmem>>, vector<128x1x67xf32>
      %swap3A_3226 = vector.shape_cast %swap3A_3225 : vector<128x1x67xf32> to vector<128x67xf32>
      %swap3A_3227 = vector.shape_cast %add3A_3221 : vector<128x67xf32> to vector<128x1x67xf32>
      tpu.vector_store %arg8[%swap3A_3222, %swap3A_3223, %swap3A_3224], %swap3A_3227 {strides = array<i32>} : memref<128x32x67xf32, #tpu.memory_space<vmem>>, vector<128x1x67xf32>,
      %get3A_3228 = arith.constant 0 : index
      %get3A_3229 = arith.constant 19 : index
      %get3A_3230 = vector.load %arg10[%get3A_3228, %get3A_3229] : memref<128x32xi32, #tpu.memory_space<vmem>>, vector<128x1xi32>
      %get3A_3231 = vector.shape_cast %get3A_3230 : vector<128x1xi32> to vector<128xi32>
      %jit3A_3232 = arith.constant 0 : i32
      %broadcast_in_dim3A_3233 = vector.shape_cast %add3A_2446 : vector<1x1024xi32> to vector<1x1024xi32>
      %broadcast_in_dim3A_3234 = vector.broadcast %broadcast_in_dim3A_3233 : vector<1x1024xi32> to vector<128x1024xi32>
      %broadcast_in_dim3A_3235 = vector.broadcast %jit3A_3232 : i32 to vector<128x1024xi32>
      %select_n3A_3236 = arith.select %and3A_3208, %broadcast_in_dim3A_3234, %broadcast_in_dim3A_3235 : vector<128x1024xi1>, vector<128x1024xi32>
      %reduce_sum3A_3237 = arith.constant dense<0> : vector<128xi32>
      %reduce_sum3A_3238 = vector.multi_reduction <add>, %select_n3A_3236, %reduce_sum3A_3237 [1] : vector<128x1024xi32> to vector<128xi32>
      %add3A_3239 = arith.addi %get3A_3231, %reduce_sum3A_3238 : vector<128xi32>
      %swap3A_3240 = arith.constant 0 : index
      %swap3A_3241 = arith.constant 19 : index
      %swap3A_3242 = vector.load %arg10[%swap3A_3240, %swap3A_3241] : memref<128x32xi32, #tpu.memory_space<vmem>>, vector<128x1xi32>
      %swap3A_3243 = vector.shape_cast %swap3A_3242 : vector<128x1xi32> to vector<128xi32>
      %swap3A_3244 = vector.shape_cast %add3A_3239 : vector<128xi32> to vector<128x1xi32>
      tpu.vector_store %arg10[%swap3A_3240, %swap3A_3241], %swap3A_3244 {strides = array<i32>} : memref<128x32xi32, #tpu.memory_space<vmem>>, vector<128x1xi32>,
      %eq3A_3245 = arith.constant 20 : i32
      %eq3A_3246 = vector.broadcast %eq3A_3245 : i32 to vector<128x1024xi32>
      %eq3A_3247 = arith.cmpi eq, %add3A_2444, %eq3A_3246 : vector<128x1024xi32>
      %and3A_3248 = arith.andi %lt3A_2391, %eq3A_3247 : vector<128x1024xi1>
      %jit3A_3249 = arith.constant 1.000000e+00 : f32
      %jit3A_3250 = arith.constant 0.000000e+00 : f32
      %broadcast_in_dim3A_3251 = vector.broadcast %jit3A_3249 : f32 to vector<128x1024xf32>
      %broadcast_in_dim3A_3252 = vector.broadcast %jit3A_3250 : f32 to vector<128x1024xf32>
      %select_n3A_3253 = arith.select %and3A_3248, %broadcast_in_dim3A_3251, %broadcast_in_dim3A_3252 : vector<128x1024xi1>, vector<128x1024xf32>
      %dot_general3A_3254 = arith.constant dense<0.000000e+00> : vector<128x67xf32>
      %dot_general3A_3255 = tpu.matmul %select_n3A_3253, %get3A_2377, %dot_general3A_3254 {dimension_numbers = #tpu.dot_dimension_numbers<[1], [0], [0], [1], [0, 0, 1, 1], [], []>, precision = #tpu.contract_precision<fp32>, transpose_lhs_hint = false} : vector<128x1024xf32>, vector<1024x67xf32>, vector<128x67xf32> -> vector<128x67xf32>
      %get3A_3256 = arith.constant 0 : index
      %get3A_3257 = arith.constant 20 : index
      %get3A_3258 = arith.constant 0 : index
      %get3A_3259 = vector.load %arg8[%get3A_3256, %get3A_3257, %get3A_3258] : memref<128x32x67xf32, #tpu.memory_space<vmem>>, vector<128x1x67xf32>
      %get3A_3260 = vector.shape_cast %get3A_3259 : vector<128x1x67xf32> to vector<128x67xf32>
      %add3A_3261 = arith.addf %get3A_3260, %dot_general3A_3255 : vector<128x67xf32>
      %swap3A_3262 = arith.constant 0 : index
      %swap3A_3263 = arith.constant 20 : index
      %swap3A_3264 = arith.constant 0 : index
      %swap3A_3265 = vector.load %arg8[%swap3A_3262, %swap3A_3263, %swap3A_3264] : memref<128x32x67xf32, #tpu.memory_space<vmem>>, vector<128x1x67xf32>
      %swap3A_3266 = vector.shape_cast %swap3A_3265 : vector<128x1x67xf32> to vector<128x67xf32>
      %swap3A_3267 = vector.shape_cast %add3A_3261 : vector<128x67xf32> to vector<128x1x67xf32>
      tpu.vector_store %arg8[%swap3A_3262, %swap3A_3263, %swap3A_3264], %swap3A_3267 {strides = array<i32>} : memref<128x32x67xf32, #tpu.memory_space<vmem>>, vector<128x1x67xf32>,
      %get3A_3268 = arith.constant 0 : index
      %get3A_3269 = arith.constant 20 : index
      %get3A_3270 = vector.load %arg10[%get3A_3268, %get3A_3269] : memref<128x32xi32, #tpu.memory_space<vmem>>, vector<128x1xi32>
      %get3A_3271 = vector.shape_cast %get3A_3270 : vector<128x1xi32> to vector<128xi32>
      %jit3A_3272 = arith.constant 0 : i32
      %broadcast_in_dim3A_3273 = vector.shape_cast %add3A_2446 : vector<1x1024xi32> to vector<1x1024xi32>
      %broadcast_in_dim3A_3274 = vector.broadcast %broadcast_in_dim3A_3273 : vector<1x1024xi32> to vector<128x1024xi32>
      %broadcast_in_dim3A_3275 = vector.broadcast %jit3A_3272 : i32 to vector<128x1024xi32>
      %select_n3A_3276 = arith.select %and3A_3248, %broadcast_in_dim3A_3274, %broadcast_in_dim3A_3275 : vector<128x1024xi1>, vector<128x1024xi32>
      %reduce_sum3A_3277 = arith.constant dense<0> : vector<128xi32>
      %reduce_sum3A_3278 = vector.multi_reduction <add>, %select_n3A_3276, %reduce_sum3A_3277 [1] : vector<128x1024xi32> to vector<128xi32>
      %add3A_3279 = arith.addi %get3A_3271, %reduce_sum3A_3278 : vector<128xi32>
      %swap3A_3280 = arith.constant 0 : index
      %swap3A_3281 = arith.constant 20 : index
      %swap3A_3282 = vector.load %arg10[%swap3A_3280, %swap3A_3281] : memref<128x32xi32, #tpu.memory_space<vmem>>, vector<128x1xi32>
      %swap3A_3283 = vector.shape_cast %swap3A_3282 : vector<128x1xi32> to vector<128xi32>
      %swap3A_3284 = vector.shape_cast %add3A_3279 : vector<128xi32> to vector<128x1xi32>
      tpu.vector_store %arg10[%swap3A_3280, %swap3A_3281], %swap3A_3284 {strides = array<i32>} : memref<128x32xi32, #tpu.memory_space<vmem>>, vector<128x1xi32>,
      %eq3A_3285 = arith.constant 21 : i32
      %eq3A_3286 = vector.broadcast %eq3A_3285 : i32 to vector<128x1024xi32>
      %eq3A_3287 = arith.cmpi eq, %add3A_2444, %eq3A_3286 : vector<128x1024xi32>
      %and3A_3288 = arith.andi %lt3A_2391, %eq3A_3287 : vector<128x1024xi1>
      %jit3A_3289 = arith.constant 1.000000e+00 : f32
      %jit3A_3290 = arith.constant 0.000000e+00 : f32
      %broadcast_in_dim3A_3291 = vector.broadcast %jit3A_3289 : f32 to vector<128x1024xf32>
      %broadcast_in_dim3A_3292 = vector.broadcast %jit3A_3290 : f32 to vector<128x1024xf32>
      %select_n3A_3293 = arith.select %and3A_3288, %broadcast_in_dim3A_3291, %broadcast_in_dim3A_3292 : vector<128x1024xi1>, vector<128x1024xf32>
      %dot_general3A_3294 = arith.constant dense<0.000000e+00> : vector<128x67xf32>
      %dot_general3A_3295 = tpu.matmul %select_n3A_3293, %get3A_2377, %dot_general3A_3294 {dimension_numbers = #tpu.dot_dimension_numbers<[1], [0], [0], [1], [0, 0, 1, 1], [], []>, precision = #tpu.contract_precision<fp32>, transpose_lhs_hint = false} : vector<128x1024xf32>, vector<1024x67xf32>, vector<128x67xf32> -> vector<128x67xf32>
      %get3A_3296 = arith.constant 0 : index
      %get3A_3297 = arith.constant 21 : index
      %get3A_3298 = arith.constant 0 : index
      %get3A_3299 = vector.load %arg8[%get3A_3296, %get3A_3297, %get3A_3298] : memref<128x32x67xf32, #tpu.memory_space<vmem>>, vector<128x1x67xf32>
      %get3A_3300 = vector.shape_cast %get3A_3299 : vector<128x1x67xf32> to vector<128x67xf32>
      %add3A_3301 = arith.addf %get3A_3300, %dot_general3A_3295 : vector<128x67xf32>
      %swap3A_3302 = arith.constant 0 : index
      %swap3A_3303 = arith.constant 21 : index
      %swap3A_3304 = arith.constant 0 : index
      %swap3A_3305 = vector.load %arg8[%swap3A_3302, %swap3A_3303, %swap3A_3304] : memref<128x32x67xf32, #tpu.memory_space<vmem>>, vector<128x1x67xf32>
      %swap3A_3306 = vector.shape_cast %swap3A_3305 : vector<128x1x67xf32> to vector<128x67xf32>
      %swap3A_3307 = vector.shape_cast %add3A_3301 : vector<128x67xf32> to vector<128x1x67xf32>
      tpu.vector_store %arg8[%swap3A_3302, %swap3A_3303, %swap3A_3304], %swap3A_3307 {strides = array<i32>} : memref<128x32x67xf32, #tpu.memory_space<vmem>>, vector<128x1x67xf32>,
      %get3A_3308 = arith.constant 0 : index
      %get3A_3309 = arith.constant 21 : index
      %get3A_3310 = vector.load %arg10[%get3A_3308, %get3A_3309] : memref<128x32xi32, #tpu.memory_space<vmem>>, vector<128x1xi32>
      %get3A_3311 = vector.shape_cast %get3A_3310 : vector<128x1xi32> to vector<128xi32>
      %jit3A_3312 = arith.constant 0 : i32
      %broadcast_in_dim3A_3313 = vector.shape_cast %add3A_2446 : vector<1x1024xi32> to vector<1x1024xi32>
      %broadcast_in_dim3A_3314 = vector.broadcast %broadcast_in_dim3A_3313 : vector<1x1024xi32> to vector<128x1024xi32>
      %broadcast_in_dim3A_3315 = vector.broadcast %jit3A_3312 : i32 to vector<128x1024xi32>
      %select_n3A_3316 = arith.select %and3A_3288, %broadcast_in_dim3A_3314, %broadcast_in_dim3A_3315 : vector<128x1024xi1>, vector<128x1024xi32>
      %reduce_sum3A_3317 = arith.constant dense<0> : vector<128xi32>
      %reduce_sum3A_3318 = vector.multi_reduction <add>, %select_n3A_3316, %reduce_sum3A_3317 [1] : vector<128x1024xi32> to vector<128xi32>
      %add3A_3319 = arith.addi %get3A_3311, %reduce_sum3A_3318 : vector<128xi32>
      %swap3A_3320 = arith.constant 0 : index
      %swap3A_3321 = arith.constant 21 : index
      %swap3A_3322 = vector.load %arg10[%swap3A_3320, %swap3A_3321] : memref<128x32xi32, #tpu.memory_space<vmem>>, vector<128x1xi32>
      %swap3A_3323 = vector.shape_cast %swap3A_3322 : vector<128x1xi32> to vector<128xi32>
      %swap3A_3324 = vector.shape_cast %add3A_3319 : vector<128xi32> to vector<128x1xi32>
      tpu.vector_store %arg10[%swap3A_3320, %swap3A_3321], %swap3A_3324 {strides = array<i32>} : memref<128x32xi32, #tpu.memory_space<vmem>>, vector<128x1xi32>,
      %eq3A_3325 = arith.constant 22 : i32
      %eq3A_3326 = vector.broadcast %eq3A_3325 : i32 to vector<128x1024xi32>
      %eq3A_3327 = arith.cmpi eq, %add3A_2444, %eq3A_3326 : vector<128x1024xi32>
      %and3A_3328 = arith.andi %lt3A_2391, %eq3A_3327 : vector<128x1024xi1>
      %jit3A_3329 = arith.constant 1.000000e+00 : f32
      %jit3A_3330 = arith.constant 0.000000e+00 : f32
      %broadcast_in_dim3A_3331 = vector.broadcast %jit3A_3329 : f32 to vector<128x1024xf32>
      %broadcast_in_dim3A_3332 = vector.broadcast %jit3A_3330 : f32 to vector<128x1024xf32>
      %select_n3A_3333 = arith.select %and3A_3328, %broadcast_in_dim3A_3331, %broadcast_in_dim3A_3332 : vector<128x1024xi1>, vector<128x1024xf32>
      %dot_general3A_3334 = arith.constant dense<0.000000e+00> : vector<128x67xf32>
      %dot_general3A_3335 = tpu.matmul %select_n3A_3333, %get3A_2377, %dot_general3A_3334 {dimension_numbers = #tpu.dot_dimension_numbers<[1], [0], [0], [1], [0, 0, 1, 1], [], []>, precision = #tpu.contract_precision<fp32>, transpose_lhs_hint = false} : vector<128x1024xf32>, vector<1024x67xf32>, vector<128x67xf32> -> vector<128x67xf32>
      %get3A_3336 = arith.constant 0 : index
      %get3A_3337 = arith.constant 22 : index
      %get3A_3338 = arith.constant 0 : index
      %get3A_3339 = vector.load %arg8[%get3A_3336, %get3A_3337, %get3A_3338] : memref<128x32x67xf32, #tpu.memory_space<vmem>>, vector<128x1x67xf32>
      %get3A_3340 = vector.shape_cast %get3A_3339 : vector<128x1x67xf32> to vector<128x67xf32>
      %add3A_3341 = arith.addf %get3A_3340, %dot_general3A_3335 : vector<128x67xf32>
      %swap3A_3342 = arith.constant 0 : index
      %swap3A_3343 = arith.constant 22 : index
      %swap3A_3344 = arith.constant 0 : index
      %swap3A_3345 = vector.load %arg8[%swap3A_3342, %swap3A_3343, %swap3A_3344] : memref<128x32x67xf32, #tpu.memory_space<vmem>>, vector<128x1x67xf32>
      %swap3A_3346 = vector.shape_cast %swap3A_3345 : vector<128x1x67xf32> to vector<128x67xf32>
      %swap3A_3347 = vector.shape_cast %add3A_3341 : vector<128x67xf32> to vector<128x1x67xf32>
      tpu.vector_store %arg8[%swap3A_3342, %swap3A_3343, %swap3A_3344], %swap3A_3347 {strides = array<i32>} : memref<128x32x67xf32, #tpu.memory_space<vmem>>, vector<128x1x67xf32>,
      %get3A_3348 = arith.constant 0 : index
      %get3A_3349 = arith.constant 22 : index
      %get3A_3350 = vector.load %arg10[%get3A_3348, %get3A_3349] : memref<128x32xi32, #tpu.memory_space<vmem>>, vector<128x1xi32>
      %get3A_3351 = vector.shape_cast %get3A_3350 : vector<128x1xi32> to vector<128xi32>
      %jit3A_3352 = arith.constant 0 : i32
      %broadcast_in_dim3A_3353 = vector.shape_cast %add3A_2446 : vector<1x1024xi32> to vector<1x1024xi32>
      %broadcast_in_dim3A_3354 = vector.broadcast %broadcast_in_dim3A_3353 : vector<1x1024xi32> to vector<128x1024xi32>
      %broadcast_in_dim3A_3355 = vector.broadcast %jit3A_3352 : i32 to vector<128x1024xi32>
      %select_n3A_3356 = arith.select %and3A_3328, %broadcast_in_dim3A_3354, %broadcast_in_dim3A_3355 : vector<128x1024xi1>, vector<128x1024xi32>
      %reduce_sum3A_3357 = arith.constant dense<0> : vector<128xi32>
      %reduce_sum3A_3358 = vector.multi_reduction <add>, %select_n3A_3356, %reduce_sum3A_3357 [1] : vector<128x1024xi32> to vector<128xi32>
      %add3A_3359 = arith.addi %get3A_3351, %reduce_sum3A_3358 : vector<128xi32>
      %swap3A_3360 = arith.constant 0 : index
      %swap3A_3361 = arith.constant 22 : index
      %swap3A_3362 = vector.load %arg10[%swap3A_3360, %swap3A_3361] : memref<128x32xi32, #tpu.memory_space<vmem>>, vector<128x1xi32>
      %swap3A_3363 = vector.shape_cast %swap3A_3362 : vector<128x1xi32> to vector<128xi32>
      %swap3A_3364 = vector.shape_cast %add3A_3359 : vector<128xi32> to vector<128x1xi32>
      tpu.vector_store %arg10[%swap3A_3360, %swap3A_3361], %swap3A_3364 {strides = array<i32>} : memref<128x32xi32, #tpu.memory_space<vmem>>, vector<128x1xi32>,
      %eq3A_3365 = arith.constant 23 : i32
      %eq3A_3366 = vector.broadcast %eq3A_3365 : i32 to vector<128x1024xi32>
      %eq3A_3367 = arith.cmpi eq, %add3A_2444, %eq3A_3366 : vector<128x1024xi32>
      %and3A_3368 = arith.andi %lt3A_2391, %eq3A_3367 : vector<128x1024xi1>
      %jit3A_3369 = arith.constant 1.000000e+00 : f32
      %jit3A_3370 = arith.constant 0.000000e+00 : f32
      %broadcast_in_dim3A_3371 = vector.broadcast %jit3A_3369 : f32 to vector<128x1024xf32>
      %broadcast_in_dim3A_3372 = vector.broadcast %jit3A_3370 : f32 to vector<128x1024xf32>
      %select_n3A_3373 = arith.select %and3A_3368, %broadcast_in_dim3A_3371, %broadcast_in_dim3A_3372 : vector<128x1024xi1>, vector<128x1024xf32>
      %dot_general3A_3374 = arith.constant dense<0.000000e+00> : vector<128x67xf32>
      %dot_general3A_3375 = tpu.matmul %select_n3A_3373, %get3A_2377, %dot_general3A_3374 {dimension_numbers = #tpu.dot_dimension_numbers<[1], [0], [0], [1], [0, 0, 1, 1], [], []>, precision = #tpu.contract_precision<fp32>, transpose_lhs_hint = false} : vector<128x1024xf32>, vector<1024x67xf32>, vector<128x67xf32> -> vector<128x67xf32>
      %get3A_3376 = arith.constant 0 : index
      %get3A_3377 = arith.constant 23 : index
      %get3A_3378 = arith.constant 0 : index
      %get3A_3379 = vector.load %arg8[%get3A_3376, %get3A_3377, %get3A_3378] : memref<128x32x67xf32, #tpu.memory_space<vmem>>, vector<128x1x67xf32>
      %get3A_3380 = vector.shape_cast %get3A_3379 : vector<128x1x67xf32> to vector<128x67xf32>
      %add3A_3381 = arith.addf %get3A_3380, %dot_general3A_3375 : vector<128x67xf32>
      %swap3A_3382 = arith.constant 0 : index
      %swap3A_3383 = arith.constant 23 : index
      %swap3A_3384 = arith.constant 0 : index
      %swap3A_3385 = vector.load %arg8[%swap3A_3382, %swap3A_3383, %swap3A_3384] : memref<128x32x67xf32, #tpu.memory_space<vmem>>, vector<128x1x67xf32>
      %swap3A_3386 = vector.shape_cast %swap3A_3385 : vector<128x1x67xf32> to vector<128x67xf32>
      %swap3A_3387 = vector.shape_cast %add3A_3381 : vector<128x67xf32> to vector<128x1x67xf32>
      tpu.vector_store %arg8[%swap3A_3382, %swap3A_3383, %swap3A_3384], %swap3A_3387 {strides = array<i32>} : memref<128x32x67xf32, #tpu.memory_space<vmem>>, vector<128x1x67xf32>,
      %get3A_3388 = arith.constant 0 : index
      %get3A_3389 = arith.constant 23 : index
      %get3A_3390 = vector.load %arg10[%get3A_3388, %get3A_3389] : memref<128x32xi32, #tpu.memory_space<vmem>>, vector<128x1xi32>
      %get3A_3391 = vector.shape_cast %get3A_3390 : vector<128x1xi32> to vector<128xi32>
      %jit3A_3392 = arith.constant 0 : i32
      %broadcast_in_dim3A_3393 = vector.shape_cast %add3A_2446 : vector<1x1024xi32> to vector<1x1024xi32>
      %broadcast_in_dim3A_3394 = vector.broadcast %broadcast_in_dim3A_3393 : vector<1x1024xi32> to vector<128x1024xi32>
      %broadcast_in_dim3A_3395 = vector.broadcast %jit3A_3392 : i32 to vector<128x1024xi32>
      %select_n3A_3396 = arith.select %and3A_3368, %broadcast_in_dim3A_3394, %broadcast_in_dim3A_3395 : vector<128x1024xi1>, vector<128x1024xi32>
      %reduce_sum3A_3397 = arith.constant dense<0> : vector<128xi32>
      %reduce_sum3A_3398 = vector.multi_reduction <add>, %select_n3A_3396, %reduce_sum3A_3397 [1] : vector<128x1024xi32> to vector<128xi32>
      %add3A_3399 = arith.addi %get3A_3391, %reduce_sum3A_3398 : vector<128xi32>
      %swap3A_3400 = arith.constant 0 : index
      %swap3A_3401 = arith.constant 23 : index
      %swap3A_3402 = vector.load %arg10[%swap3A_3400, %swap3A_3401] : memref<128x32xi32, #tpu.memory_space<vmem>>, vector<128x1xi32>
      %swap3A_3403 = vector.shape_cast %swap3A_3402 : vector<128x1xi32> to vector<128xi32>
      %swap3A_3404 = vector.shape_cast %add3A_3399 : vector<128xi32> to vector<128x1xi32>
      tpu.vector_store %arg10[%swap3A_3400, %swap3A_3401], %swap3A_3404 {strides = array<i32>} : memref<128x32xi32, #tpu.memory_space<vmem>>, vector<128x1xi32>,
      %eq3A_3405 = arith.constant 24 : i32
      %eq3A_3406 = vector.broadcast %eq3A_3405 : i32 to vector<128x1024xi32>
      %eq3A_3407 = arith.cmpi eq, %add3A_2444, %eq3A_3406 : vector<128x1024xi32>
      %and3A_3408 = arith.andi %lt3A_2391, %eq3A_3407 : vector<128x1024xi1>
      %jit3A_3409 = arith.constant 1.000000e+00 : f32
      %jit3A_3410 = arith.constant 0.000000e+00 : f32
      %broadcast_in_dim3A_3411 = vector.broadcast %jit3A_3409 : f32 to vector<128x1024xf32>
      %broadcast_in_dim3A_3412 = vector.broadcast %jit3A_3410 : f32 to vector<128x1024xf32>
      %select_n3A_3413 = arith.select %and3A_3408, %broadcast_in_dim3A_3411, %broadcast_in_dim3A_3412 : vector<128x1024xi1>, vector<128x1024xf32>
      %dot_general3A_3414 = arith.constant dense<0.000000e+00> : vector<128x67xf32>
      %dot_general3A_3415 = tpu.matmul %select_n3A_3413, %get3A_2377, %dot_general3A_3414 {dimension_numbers = #tpu.dot_dimension_numbers<[1], [0], [0], [1], [0, 0, 1, 1], [], []>, precision = #tpu.contract_precision<fp32>, transpose_lhs_hint = false} : vector<128x1024xf32>, vector<1024x67xf32>, vector<128x67xf32> -> vector<128x67xf32>
      %get3A_3416 = arith.constant 0 : index
      %get3A_3417 = arith.constant 24 : index
      %get3A_3418 = arith.constant 0 : index
      %get3A_3419 = vector.load %arg8[%get3A_3416, %get3A_3417, %get3A_3418] : memref<128x32x67xf32, #tpu.memory_space<vmem>>, vector<128x1x67xf32>
      %get3A_3420 = vector.shape_cast %get3A_3419 : vector<128x1x67xf32> to vector<128x67xf32>
      %add3A_3421 = arith.addf %get3A_3420, %dot_general3A_3415 : vector<128x67xf32>
      %swap3A_3422 = arith.constant 0 : index
      %swap3A_3423 = arith.constant 24 : index
      %swap3A_3424 = arith.constant 0 : index
      %swap3A_3425 = vector.load %arg8[%swap3A_3422, %swap3A_3423, %swap3A_3424] : memref<128x32x67xf32, #tpu.memory_space<vmem>>, vector<128x1x67xf32>
      %swap3A_3426 = vector.shape_cast %swap3A_3425 : vector<128x1x67xf32> to vector<128x67xf32>
      %swap3A_3427 = vector.shape_cast %add3A_3421 : vector<128x67xf32> to vector<128x1x67xf32>
      tpu.vector_store %arg8[%swap3A_3422, %swap3A_3423, %swap3A_3424], %swap3A_3427 {strides = array<i32>} : memref<128x32x67xf32, #tpu.memory_space<vmem>>, vector<128x1x67xf32>,
      %get3A_3428 = arith.constant 0 : index
      %get3A_3429 = arith.constant 24 : index
      %get3A_3430 = vector.load %arg10[%get3A_3428, %get3A_3429] : memref<128x32xi32, #tpu.memory_space<vmem>>, vector<128x1xi32>
      %get3A_3431 = vector.shape_cast %get3A_3430 : vector<128x1xi32> to vector<128xi32>
      %jit3A_3432 = arith.constant 0 : i32
      %broadcast_in_dim3A_3433 = vector.shape_cast %add3A_2446 : vector<1x1024xi32> to vector<1x1024xi32>
      %broadcast_in_dim3A_3434 = vector.broadcast %broadcast_in_dim3A_3433 : vector<1x1024xi32> to vector<128x1024xi32>
      %broadcast_in_dim3A_3435 = vector.broadcast %jit3A_3432 : i32 to vector<128x1024xi32>
      %select_n3A_3436 = arith.select %and3A_3408, %broadcast_in_dim3A_3434, %broadcast_in_dim3A_3435 : vector<128x1024xi1>, vector<128x1024xi32>
      %reduce_sum3A_3437 = arith.constant dense<0> : vector<128xi32>
      %reduce_sum3A_3438 = vector.multi_reduction <add>, %select_n3A_3436, %reduce_sum3A_3437 [1] : vector<128x1024xi32> to vector<128xi32>
      %add3A_3439 = arith.addi %get3A_3431, %reduce_sum3A_3438 : vector<128xi32>
      %swap3A_3440 = arith.constant 0 : index
      %swap3A_3441 = arith.constant 24 : index
      %swap3A_3442 = vector.load %arg10[%swap3A_3440, %swap3A_3441] : memref<128x32xi32, #tpu.memory_space<vmem>>, vector<128x1xi32>
      %swap3A_3443 = vector.shape_cast %swap3A_3442 : vector<128x1xi32> to vector<128xi32>
      %swap3A_3444 = vector.shape_cast %add3A_3439 : vector<128xi32> to vector<128x1xi32>
      tpu.vector_store %arg10[%swap3A_3440, %swap3A_3441], %swap3A_3444 {strides = array<i32>} : memref<128x32xi32, #tpu.memory_space<vmem>>, vector<128x1xi32>,
      %eq3A_3445 = arith.constant 25 : i32
      %eq3A_3446 = vector.broadcast %eq3A_3445 : i32 to vector<128x1024xi32>
      %eq3A_3447 = arith.cmpi eq, %add3A_2444, %eq3A_3446 : vector<128x1024xi32>
      %and3A_3448 = arith.andi %lt3A_2391, %eq3A_3447 : vector<128x1024xi1>
      %jit3A_3449 = arith.constant 1.000000e+00 : f32
      %jit3A_3450 = arith.constant 0.000000e+00 : f32
      %broadcast_in_dim3A_3451 = vector.broadcast %jit3A_3449 : f32 to vector<128x1024xf32>
      %broadcast_in_dim3A_3452 = vector.broadcast %jit3A_3450 : f32 to vector<128x1024xf32>
      %select_n3A_3453 = arith.select %and3A_3448, %broadcast_in_dim3A_3451, %broadcast_in_dim3A_3452 : vector<128x1024xi1>, vector<128x1024xf32>
      %dot_general3A_3454 = arith.constant dense<0.000000e+00> : vector<128x67xf32>
      %dot_general3A_3455 = tpu.matmul %select_n3A_3453, %get3A_2377, %dot_general3A_3454 {dimension_numbers = #tpu.dot_dimension_numbers<[1], [0], [0], [1], [0, 0, 1, 1], [], []>, precision = #tpu.contract_precision<fp32>, transpose_lhs_hint = false} : vector<128x1024xf32>, vector<1024x67xf32>, vector<128x67xf32> -> vector<128x67xf32>
      %get3A_3456 = arith.constant 0 : index
      %get3A_3457 = arith.constant 25 : index
      %get3A_3458 = arith.constant 0 : index
      %get3A_3459 = vector.load %arg8[%get3A_3456, %get3A_3457, %get3A_3458] : memref<128x32x67xf32, #tpu.memory_space<vmem>>, vector<128x1x67xf32>
      %get3A_3460 = vector.shape_cast %get3A_3459 : vector<128x1x67xf32> to vector<128x67xf32>
      %add3A_3461 = arith.addf %get3A_3460, %dot_general3A_3455 : vector<128x67xf32>
      %swap3A_3462 = arith.constant 0 : index
      %swap3A_3463 = arith.constant 25 : index
      %swap3A_3464 = arith.constant 0 : index
      %swap3A_3465 = vector.load %arg8[%swap3A_3462, %swap3A_3463, %swap3A_3464] : memref<128x32x67xf32, #tpu.memory_space<vmem>>, vector<128x1x67xf32>
      %swap3A_3466 = vector.shape_cast %swap3A_3465 : vector<128x1x67xf32> to vector<128x67xf32>
      %swap3A_3467 = vector.shape_cast %add3A_3461 : vector<128x67xf32> to vector<128x1x67xf32>
      tpu.vector_store %arg8[%swap3A_3462, %swap3A_3463, %swap3A_3464], %swap3A_3467 {strides = array<i32>} : memref<128x32x67xf32, #tpu.memory_space<vmem>>, vector<128x1x67xf32>,
      %get3A_3468 = arith.constant 0 : index
      %get3A_3469 = arith.constant 25 : index
      %get3A_3470 = vector.load %arg10[%get3A_3468, %get3A_3469] : memref<128x32xi32, #tpu.memory_space<vmem>>, vector<128x1xi32>
      %get3A_3471 = vector.shape_cast %get3A_3470 : vector<128x1xi32> to vector<128xi32>
      %jit3A_3472 = arith.constant 0 : i32
      %broadcast_in_dim3A_3473 = vector.shape_cast %add3A_2446 : vector<1x1024xi32> to vector<1x1024xi32>
      %broadcast_in_dim3A_3474 = vector.broadcast %broadcast_in_dim3A_3473 : vector<1x1024xi32> to vector<128x1024xi32>
      %broadcast_in_dim3A_3475 = vector.broadcast %jit3A_3472 : i32 to vector<128x1024xi32>
      %select_n3A_3476 = arith.select %and3A_3448, %broadcast_in_dim3A_3474, %broadcast_in_dim3A_3475 : vector<128x1024xi1>, vector<128x1024xi32>
      %reduce_sum3A_3477 = arith.constant dense<0> : vector<128xi32>
      %reduce_sum3A_3478 = vector.multi_reduction <add>, %select_n3A_3476, %reduce_sum3A_3477 [1] : vector<128x1024xi32> to vector<128xi32>
      %add3A_3479 = arith.addi %get3A_3471, %reduce_sum3A_3478 : vector<128xi32>
      %swap3A_3480 = arith.constant 0 : index
      %swap3A_3481 = arith.constant 25 : index
      %swap3A_3482 = vector.load %arg10[%swap3A_3480, %swap3A_3481] : memref<128x32xi32, #tpu.memory_space<vmem>>, vector<128x1xi32>
      %swap3A_3483 = vector.shape_cast %swap3A_3482 : vector<128x1xi32> to vector<128xi32>
      %swap3A_3484 = vector.shape_cast %add3A_3479 : vector<128xi32> to vector<128x1xi32>
      tpu.vector_store %arg10[%swap3A_3480, %swap3A_3481], %swap3A_3484 {strides = array<i32>} : memref<128x32xi32, #tpu.memory_space<vmem>>, vector<128x1xi32>,
      %eq3A_3485 = arith.constant 26 : i32
      %eq3A_3486 = vector.broadcast %eq3A_3485 : i32 to vector<128x1024xi32>
      %eq3A_3487 = arith.cmpi eq, %add3A_2444, %eq3A_3486 : vector<128x1024xi32>
      %and3A_3488 = arith.andi %lt3A_2391, %eq3A_3487 : vector<128x1024xi1>
      %jit3A_3489 = arith.constant 1.000000e+00 : f32
      %jit3A_3490 = arith.constant 0.000000e+00 : f32
      %broadcast_in_dim3A_3491 = vector.broadcast %jit3A_3489 : f32 to vector<128x1024xf32>
      %broadcast_in_dim3A_3492 = vector.broadcast %jit3A_3490 : f32 to vector<128x1024xf32>
      %select_n3A_3493 = arith.select %and3A_3488, %broadcast_in_dim3A_3491, %broadcast_in_dim3A_3492 : vector<128x1024xi1>, vector<128x1024xf32>
      %dot_general3A_3494 = arith.constant dense<0.000000e+00> : vector<128x67xf32>
      %dot_general3A_3495 = tpu.matmul %select_n3A_3493, %get3A_2377, %dot_general3A_3494 {dimension_numbers = #tpu.dot_dimension_numbers<[1], [0], [0], [1], [0, 0, 1, 1], [], []>, precision = #tpu.contract_precision<fp32>, transpose_lhs_hint = false} : vector<128x1024xf32>, vector<1024x67xf32>, vector<128x67xf32> -> vector<128x67xf32>
      %get3A_3496 = arith.constant 0 : index
      %get3A_3497 = arith.constant 26 : index
      %get3A_3498 = arith.constant 0 : index
      %get3A_3499 = vector.load %arg8[%get3A_3496, %get3A_3497, %get3A_3498] : memref<128x32x67xf32, #tpu.memory_space<vmem>>, vector<128x1x67xf32>
      %get3A_3500 = vector.shape_cast %get3A_3499 : vector<128x1x67xf32> to vector<128x67xf32>
      %add3A_3501 = arith.addf %get3A_3500, %dot_general3A_3495 : vector<128x67xf32>
      %swap3A_3502 = arith.constant 0 : index
      %swap3A_3503 = arith.constant 26 : index
      %swap3A_3504 = arith.constant 0 : index
      %swap3A_3505 = vector.load %arg8[%swap3A_3502, %swap3A_3503, %swap3A_3504] : memref<128x32x67xf32, #tpu.memory_space<vmem>>, vector<128x1x67xf32>
      %swap3A_3506 = vector.shape_cast %swap3A_3505 : vector<128x1x67xf32> to vector<128x67xf32>
      %swap3A_3507 = vector.shape_cast %add3A_3501 : vector<128x67xf32> to vector<128x1x67xf32>
      tpu.vector_store %arg8[%swap3A_3502, %swap3A_3503, %swap3A_3504], %swap3A_3507 {strides = array<i32>} : memref<128x32x67xf32, #tpu.memory_space<vmem>>, vector<128x1x67xf32>,
      %get3A_3508 = arith.constant 0 : index
      %get3A_3509 = arith.constant 26 : index
      %get3A_3510 = vector.load %arg10[%get3A_3508, %get3A_3509] : memref<128x32xi32, #tpu.memory_space<vmem>>, vector<128x1xi32>
      %get3A_3511 = vector.shape_cast %get3A_3510 : vector<128x1xi32> to vector<128xi32>
      %jit3A_3512 = arith.constant 0 : i32
      %broadcast_in_dim3A_3513 = vector.shape_cast %add3A_2446 : vector<1x1024xi32> to vector<1x1024xi32>
      %broadcast_in_dim3A_3514 = vector.broadcast %broadcast_in_dim3A_3513 : vector<1x1024xi32> to vector<128x1024xi32>
      %broadcast_in_dim3A_3515 = vector.broadcast %jit3A_3512 : i32 to vector<128x1024xi32>
      %select_n3A_3516 = arith.select %and3A_3488, %broadcast_in_dim3A_3514, %broadcast_in_dim3A_3515 : vector<128x1024xi1>, vector<128x1024xi32>
      %reduce_sum3A_3517 = arith.constant dense<0> : vector<128xi32>
      %reduce_sum3A_3518 = vector.multi_reduction <add>, %select_n3A_3516, %reduce_sum3A_3517 [1] : vector<128x1024xi32> to vector<128xi32>
      %add3A_3519 = arith.addi %get3A_3511, %reduce_sum3A_3518 : vector<128xi32>
      %swap3A_3520 = arith.constant 0 : index
      %swap3A_3521 = arith.constant 26 : index
      %swap3A_3522 = vector.load %arg10[%swap3A_3520, %swap3A_3521] : memref<128x32xi32, #tpu.memory_space<vmem>>, vector<128x1xi32>
      %swap3A_3523 = vector.shape_cast %swap3A_3522 : vector<128x1xi32> to vector<128xi32>
      %swap3A_3524 = vector.shape_cast %add3A_3519 : vector<128xi32> to vector<128x1xi32>
      tpu.vector_store %arg10[%swap3A_3520, %swap3A_3521], %swap3A_3524 {strides = array<i32>} : memref<128x32xi32, #tpu.memory_space<vmem>>, vector<128x1xi32>,
      %eq3A_3525 = arith.constant 27 : i32
      %eq3A_3526 = vector.broadcast %eq3A_3525 : i32 to vector<128x1024xi32>
      %eq3A_3527 = arith.cmpi eq, %add3A_2444, %eq3A_3526 : vector<128x1024xi32>
      %and3A_3528 = arith.andi %lt3A_2391, %eq3A_3527 : vector<128x1024xi1>
      %jit3A_3529 = arith.constant 1.000000e+00 : f32
      %jit3A_3530 = arith.constant 0.000000e+00 : f32
      %broadcast_in_dim3A_3531 = vector.broadcast %jit3A_3529 : f32 to vector<128x1024xf32>
      %broadcast_in_dim3A_3532 = vector.broadcast %jit3A_3530 : f32 to vector<128x1024xf32>
      %select_n3A_3533 = arith.select %and3A_3528, %broadcast_in_dim3A_3531, %broadcast_in_dim3A_3532 : vector<128x1024xi1>, vector<128x1024xf32>
      %dot_general3A_3534 = arith.constant dense<0.000000e+00> : vector<128x67xf32>
      %dot_general3A_3535 = tpu.matmul %select_n3A_3533, %get3A_2377, %dot_general3A_3534 {dimension_numbers = #tpu.dot_dimension_numbers<[1], [0], [0], [1], [0, 0, 1, 1], [], []>, precision = #tpu.contract_precision<fp32>, transpose_lhs_hint = false} : vector<128x1024xf32>, vector<1024x67xf32>, vector<128x67xf32> -> vector<128x67xf32>
      %get3A_3536 = arith.constant 0 : index
      %get3A_3537 = arith.constant 27 : index
      %get3A_3538 = arith.constant 0 : index
      %get3A_3539 = vector.load %arg8[%get3A_3536, %get3A_3537, %get3A_3538] : memref<128x32x67xf32, #tpu.memory_space<vmem>>, vector<128x1x67xf32>
      %get3A_3540 = vector.shape_cast %get3A_3539 : vector<128x1x67xf32> to vector<128x67xf32>
      %add3A_3541 = arith.addf %get3A_3540, %dot_general3A_3535 : vector<128x67xf32>
      %swap3A_3542 = arith.constant 0 : index
      %swap3A_3543 = arith.constant 27 : index
      %swap3A_3544 = arith.constant 0 : index
      %swap3A_3545 = vector.load %arg8[%swap3A_3542, %swap3A_3543, %swap3A_3544] : memref<128x32x67xf32, #tpu.memory_space<vmem>>, vector<128x1x67xf32>
      %swap3A_3546 = vector.shape_cast %swap3A_3545 : vector<128x1x67xf32> to vector<128x67xf32>
      %swap3A_3547 = vector.shape_cast %add3A_3541 : vector<128x67xf32> to vector<128x1x67xf32>
      tpu.vector_store %arg8[%swap3A_3542, %swap3A_3543, %swap3A_3544], %swap3A_3547 {strides = array<i32>} : memref<128x32x67xf32, #tpu.memory_space<vmem>>, vector<128x1x67xf32>,
      %get3A_3548 = arith.constant 0 : index
      %get3A_3549 = arith.constant 27 : index
      %get3A_3550 = vector.load %arg10[%get3A_3548, %get3A_3549] : memref<128x32xi32, #tpu.memory_space<vmem>>, vector<128x1xi32>
      %get3A_3551 = vector.shape_cast %get3A_3550 : vector<128x1xi32> to vector<128xi32>
      %jit3A_3552 = arith.constant 0 : i32
      %broadcast_in_dim3A_3553 = vector.shape_cast %add3A_2446 : vector<1x1024xi32> to vector<1x1024xi32>
      %broadcast_in_dim3A_3554 = vector.broadcast %broadcast_in_dim3A_3553 : vector<1x1024xi32> to vector<128x1024xi32>
      %broadcast_in_dim3A_3555 = vector.broadcast %jit3A_3552 : i32 to vector<128x1024xi32>
      %select_n3A_3556 = arith.select %and3A_3528, %broadcast_in_dim3A_3554, %broadcast_in_dim3A_3555 : vector<128x1024xi1>, vector<128x1024xi32>
      %reduce_sum3A_3557 = arith.constant dense<0> : vector<128xi32>
      %reduce_sum3A_3558 = vector.multi_reduction <add>, %select_n3A_3556, %reduce_sum3A_3557 [1] : vector<128x1024xi32> to vector<128xi32>
      %add3A_3559 = arith.addi %get3A_3551, %reduce_sum3A_3558 : vector<128xi32>
      %swap3A_3560 = arith.constant 0 : index
      %swap3A_3561 = arith.constant 27 : index
      %swap3A_3562 = vector.load %arg10[%swap3A_3560, %swap3A_3561] : memref<128x32xi32, #tpu.memory_space<vmem>>, vector<128x1xi32>
      %swap3A_3563 = vector.shape_cast %swap3A_3562 : vector<128x1xi32> to vector<128xi32>
      %swap3A_3564 = vector.shape_cast %add3A_3559 : vector<128xi32> to vector<128x1xi32>
      tpu.vector_store %arg10[%swap3A_3560, %swap3A_3561], %swap3A_3564 {strides = array<i32>} : memref<128x32xi32, #tpu.memory_space<vmem>>, vector<128x1xi32>,
      %eq3A_3565 = arith.constant 28 : i32
      %eq3A_3566 = vector.broadcast %eq3A_3565 : i32 to vector<128x1024xi32>
      %eq3A_3567 = arith.cmpi eq, %add3A_2444, %eq3A_3566 : vector<128x1024xi32>
      %and3A_3568 = arith.andi %lt3A_2391, %eq3A_3567 : vector<128x1024xi1>
      %jit3A_3569 = arith.constant 1.000000e+00 : f32
      %jit3A_3570 = arith.constant 0.000000e+00 : f32
      %broadcast_in_dim3A_3571 = vector.broadcast %jit3A_3569 : f32 to vector<128x1024xf32>
      %broadcast_in_dim3A_3572 = vector.broadcast %jit3A_3570 : f32 to vector<128x1024xf32>
      %select_n3A_3573 = arith.select %and3A_3568, %broadcast_in_dim3A_3571, %broadcast_in_dim3A_3572 : vector<128x1024xi1>, vector<128x1024xf32>
      %dot_general3A_3574 = arith.constant dense<0.000000e+00> : vector<128x67xf32>
      %dot_general3A_3575 = tpu.matmul %select_n3A_3573, %get3A_2377, %dot_general3A_3574 {dimension_numbers = #tpu.dot_dimension_numbers<[1], [0], [0], [1], [0, 0, 1, 1], [], []>, precision = #tpu.contract_precision<fp32>, transpose_lhs_hint = false} : vector<128x1024xf32>, vector<1024x67xf32>, vector<128x67xf32> -> vector<128x67xf32>
      %get3A_3576 = arith.constant 0 : index
      %get3A_3577 = arith.constant 28 : index
      %get3A_3578 = arith.constant 0 : index
      %get3A_3579 = vector.load %arg8[%get3A_3576, %get3A_3577, %get3A_3578] : memref<128x32x67xf32, #tpu.memory_space<vmem>>, vector<128x1x67xf32>
      %get3A_3580 = vector.shape_cast %get3A_3579 : vector<128x1x67xf32> to vector<128x67xf32>
      %add3A_3581 = arith.addf %get3A_3580, %dot_general3A_3575 : vector<128x67xf32>
      %swap3A_3582 = arith.constant 0 : index
      %swap3A_3583 = arith.constant 28 : index
      %swap3A_3584 = arith.constant 0 : index
      %swap3A_3585 = vector.load %arg8[%swap3A_3582, %swap3A_3583, %swap3A_3584] : memref<128x32x67xf32, #tpu.memory_space<vmem>>, vector<128x1x67xf32>
      %swap3A_3586 = vector.shape_cast %swap3A_3585 : vector<128x1x67xf32> to vector<128x67xf32>
      %swap3A_3587 = vector.shape_cast %add3A_3581 : vector<128x67xf32> to vector<128x1x67xf32>
      tpu.vector_store %arg8[%swap3A_3582, %swap3A_3583, %swap3A_3584], %swap3A_3587 {strides = array<i32>} : memref<128x32x67xf32, #tpu.memory_space<vmem>>, vector<128x1x67xf32>,
      %get3A_3588 = arith.constant 0 : index
      %get3A_3589 = arith.constant 28 : index
      %get3A_3590 = vector.load %arg10[%get3A_3588, %get3A_3589] : memref<128x32xi32, #tpu.memory_space<vmem>>, vector<128x1xi32>
      %get3A_3591 = vector.shape_cast %get3A_3590 : vector<128x1xi32> to vector<128xi32>
      %jit3A_3592 = arith.constant 0 : i32
      %broadcast_in_dim3A_3593 = vector.shape_cast %add3A_2446 : vector<1x1024xi32> to vector<1x1024xi32>
      %broadcast_in_dim3A_3594 = vector.broadcast %broadcast_in_dim3A_3593 : vector<1x1024xi32> to vector<128x1024xi32>
      %broadcast_in_dim3A_3595 = vector.broadcast %jit3A_3592 : i32 to vector<128x1024xi32>
      %select_n3A_3596 = arith.select %and3A_3568, %broadcast_in_dim3A_3594, %broadcast_in_dim3A_3595 : vector<128x1024xi1>, vector<128x1024xi32>
      %reduce_sum3A_3597 = arith.constant dense<0> : vector<128xi32>
      %reduce_sum3A_3598 = vector.multi_reduction <add>, %select_n3A_3596, %reduce_sum3A_3597 [1] : vector<128x1024xi32> to vector<128xi32>
      %add3A_3599 = arith.addi %get3A_3591, %reduce_sum3A_3598 : vector<128xi32>
      %swap3A_3600 = arith.constant 0 : index
      %swap3A_3601 = arith.constant 28 : index
      %swap3A_3602 = vector.load %arg10[%swap3A_3600, %swap3A_3601] : memref<128x32xi32, #tpu.memory_space<vmem>>, vector<128x1xi32>
      %swap3A_3603 = vector.shape_cast %swap3A_3602 : vector<128x1xi32> to vector<128xi32>
      %swap3A_3604 = vector.shape_cast %add3A_3599 : vector<128xi32> to vector<128x1xi32>
      tpu.vector_store %arg10[%swap3A_3600, %swap3A_3601], %swap3A_3604 {strides = array<i32>} : memref<128x32xi32, #tpu.memory_space<vmem>>, vector<128x1xi32>,
      %eq3A_3605 = arith.constant 29 : i32
      %eq3A_3606 = vector.broadcast %eq3A_3605 : i32 to vector<128x1024xi32>
      %eq3A_3607 = arith.cmpi eq, %add3A_2444, %eq3A_3606 : vector<128x1024xi32>
      %and3A_3608 = arith.andi %lt3A_2391, %eq3A_3607 : vector<128x1024xi1>
      %jit3A_3609 = arith.constant 1.000000e+00 : f32
      %jit3A_3610 = arith.constant 0.000000e+00 : f32
      %broadcast_in_dim3A_3611 = vector.broadcast %jit3A_3609 : f32 to vector<128x1024xf32>
      %broadcast_in_dim3A_3612 = vector.broadcast %jit3A_3610 : f32 to vector<128x1024xf32>
      %select_n3A_3613 = arith.select %and3A_3608, %broadcast_in_dim3A_3611, %broadcast_in_dim3A_3612 : vector<128x1024xi1>, vector<128x1024xf32>
      %dot_general3A_3614 = arith.constant dense<0.000000e+00> : vector<128x67xf32>
      %dot_general3A_3615 = tpu.matmul %select_n3A_3613, %get3A_2377, %dot_general3A_3614 {dimension_numbers = #tpu.dot_dimension_numbers<[1], [0], [0], [1], [0, 0, 1, 1], [], []>, precision = #tpu.contract_precision<fp32>, transpose_lhs_hint = false} : vector<128x1024xf32>, vector<1024x67xf32>, vector<128x67xf32> -> vector<128x67xf32>
      %get3A_3616 = arith.constant 0 : index
      %get3A_3617 = arith.constant 29 : index
      %get3A_3618 = arith.constant 0 : index
      %get3A_3619 = vector.load %arg8[%get3A_3616, %get3A_3617, %get3A_3618] : memref<128x32x67xf32, #tpu.memory_space<vmem>>, vector<128x1x67xf32>
      %get3A_3620 = vector.shape_cast %get3A_3619 : vector<128x1x67xf32> to vector<128x67xf32>
      %add3A_3621 = arith.addf %get3A_3620, %dot_general3A_3615 : vector<128x67xf32>
      %swap3A_3622 = arith.constant 0 : index
      %swap3A_3623 = arith.constant 29 : index
      %swap3A_3624 = arith.constant 0 : index
      %swap3A_3625 = vector.load %arg8[%swap3A_3622, %swap3A_3623, %swap3A_3624] : memref<128x32x67xf32, #tpu.memory_space<vmem>>, vector<128x1x67xf32>
      %swap3A_3626 = vector.shape_cast %swap3A_3625 : vector<128x1x67xf32> to vector<128x67xf32>
      %swap3A_3627 = vector.shape_cast %add3A_3621 : vector<128x67xf32> to vector<128x1x67xf32>
      tpu.vector_store %arg8[%swap3A_3622, %swap3A_3623, %swap3A_3624], %swap3A_3627 {strides = array<i32>} : memref<128x32x67xf32, #tpu.memory_space<vmem>>, vector<128x1x67xf32>,
      %get3A_3628 = arith.constant 0 : index
      %get3A_3629 = arith.constant 29 : index
      %get3A_3630 = vector.load %arg10[%get3A_3628, %get3A_3629] : memref<128x32xi32, #tpu.memory_space<vmem>>, vector<128x1xi32>
      %get3A_3631 = vector.shape_cast %get3A_3630 : vector<128x1xi32> to vector<128xi32>
      %jit3A_3632 = arith.constant 0 : i32
      %broadcast_in_dim3A_3633 = vector.shape_cast %add3A_2446 : vector<1x1024xi32> to vector<1x1024xi32>
      %broadcast_in_dim3A_3634 = vector.broadcast %broadcast_in_dim3A_3633 : vector<1x1024xi32> to vector<128x1024xi32>
      %broadcast_in_dim3A_3635 = vector.broadcast %jit3A_3632 : i32 to vector<128x1024xi32>
      %select_n3A_3636 = arith.select %and3A_3608, %broadcast_in_dim3A_3634, %broadcast_in_dim3A_3635 : vector<128x1024xi1>, vector<128x1024xi32>
      %reduce_sum3A_3637 = arith.constant dense<0> : vector<128xi32>
      %reduce_sum3A_3638 = vector.multi_reduction <add>, %select_n3A_3636, %reduce_sum3A_3637 [1] : vector<128x1024xi32> to vector<128xi32>
      %add3A_3639 = arith.addi %get3A_3631, %reduce_sum3A_3638 : vector<128xi32>
      %swap3A_3640 = arith.constant 0 : index
      %swap3A_3641 = arith.constant 29 : index
      %swap3A_3642 = vector.load %arg10[%swap3A_3640, %swap3A_3641] : memref<128x32xi32, #tpu.memory_space<vmem>>, vector<128x1xi32>
      %swap3A_3643 = vector.shape_cast %swap3A_3642 : vector<128x1xi32> to vector<128xi32>
      %swap3A_3644 = vector.shape_cast %add3A_3639 : vector<128xi32> to vector<128x1xi32>
      tpu.vector_store %arg10[%swap3A_3640, %swap3A_3641], %swap3A_3644 {strides = array<i32>} : memref<128x32xi32, #tpu.memory_space<vmem>>, vector<128x1xi32>,
      %eq3A_3645 = arith.constant 30 : i32
      %eq3A_3646 = vector.broadcast %eq3A_3645 : i32 to vector<128x1024xi32>
      %eq3A_3647 = arith.cmpi eq, %add3A_2444, %eq3A_3646 : vector<128x1024xi32>
      %and3A_3648 = arith.andi %lt3A_2391, %eq3A_3647 : vector<128x1024xi1>
      %jit3A_3649 = arith.constant 1.000000e+00 : f32
      %jit3A_3650 = arith.constant 0.000000e+00 : f32
      %broadcast_in_dim3A_3651 = vector.broadcast %jit3A_3649 : f32 to vector<128x1024xf32>
      %broadcast_in_dim3A_3652 = vector.broadcast %jit3A_3650 : f32 to vector<128x1024xf32>
      %select_n3A_3653 = arith.select %and3A_3648, %broadcast_in_dim3A_3651, %broadcast_in_dim3A_3652 : vector<128x1024xi1>, vector<128x1024xf32>
      %dot_general3A_3654 = arith.constant dense<0.000000e+00> : vector<128x67xf32>
      %dot_general3A_3655 = tpu.matmul %select_n3A_3653, %get3A_2377, %dot_general3A_3654 {dimension_numbers = #tpu.dot_dimension_numbers<[1], [0], [0], [1], [0, 0, 1, 1], [], []>, precision = #tpu.contract_precision<fp32>, transpose_lhs_hint = false} : vector<128x1024xf32>, vector<1024x67xf32>, vector<128x67xf32> -> vector<128x67xf32>
      %get3A_3656 = arith.constant 0 : index
      %get3A_3657 = arith.constant 30 : index
      %get3A_3658 = arith.constant 0 : index
      %get3A_3659 = vector.load %arg8[%get3A_3656, %get3A_3657, %get3A_3658] : memref<128x32x67xf32, #tpu.memory_space<vmem>>, vector<128x1x67xf32>
      %get3A_3660 = vector.shape_cast %get3A_3659 : vector<128x1x67xf32> to vector<128x67xf32>
      %add3A_3661 = arith.addf %get3A_3660, %dot_general3A_3655 : vector<128x67xf32>
      %swap3A_3662 = arith.constant 0 : index
      %swap3A_3663 = arith.constant 30 : index
      %swap3A_3664 = arith.constant 0 : index
      %swap3A_3665 = vector.load %arg8[%swap3A_3662, %swap3A_3663, %swap3A_3664] : memref<128x32x67xf32, #tpu.memory_space<vmem>>, vector<128x1x67xf32>
      %swap3A_3666 = vector.shape_cast %swap3A_3665 : vector<128x1x67xf32> to vector<128x67xf32>
      %swap3A_3667 = vector.shape_cast %add3A_3661 : vector<128x67xf32> to vector<128x1x67xf32>
      tpu.vector_store %arg8[%swap3A_3662, %swap3A_3663, %swap3A_3664], %swap3A_3667 {strides = array<i32>} : memref<128x32x67xf32, #tpu.memory_space<vmem>>, vector<128x1x67xf32>,
      %get3A_3668 = arith.constant 0 : index
      %get3A_3669 = arith.constant 30 : index
      %get3A_3670 = vector.load %arg10[%get3A_3668, %get3A_3669] : memref<128x32xi32, #tpu.memory_space<vmem>>, vector<128x1xi32>
      %get3A_3671 = vector.shape_cast %get3A_3670 : vector<128x1xi32> to vector<128xi32>
      %jit3A_3672 = arith.constant 0 : i32
      %broadcast_in_dim3A_3673 = vector.shape_cast %add3A_2446 : vector<1x1024xi32> to vector<1x1024xi32>
      %broadcast_in_dim3A_3674 = vector.broadcast %broadcast_in_dim3A_3673 : vector<1x1024xi32> to vector<128x1024xi32>
      %broadcast_in_dim3A_3675 = vector.broadcast %jit3A_3672 : i32 to vector<128x1024xi32>
      %select_n3A_3676 = arith.select %and3A_3648, %broadcast_in_dim3A_3674, %broadcast_in_dim3A_3675 : vector<128x1024xi1>, vector<128x1024xi32>
      %reduce_sum3A_3677 = arith.constant dense<0> : vector<128xi32>
      %reduce_sum3A_3678 = vector.multi_reduction <add>, %select_n3A_3676, %reduce_sum3A_3677 [1] : vector<128x1024xi32> to vector<128xi32>
      %add3A_3679 = arith.addi %get3A_3671, %reduce_sum3A_3678 : vector<128xi32>
      %swap3A_3680 = arith.constant 0 : index
      %swap3A_3681 = arith.constant 30 : index
      %swap3A_3682 = vector.load %arg10[%swap3A_3680, %swap3A_3681] : memref<128x32xi32, #tpu.memory_space<vmem>>, vector<128x1xi32>
      %swap3A_3683 = vector.shape_cast %swap3A_3682 : vector<128x1xi32> to vector<128xi32>
      %swap3A_3684 = vector.shape_cast %add3A_3679 : vector<128xi32> to vector<128x1xi32>
      tpu.vector_store %arg10[%swap3A_3680, %swap3A_3681], %swap3A_3684 {strides = array<i32>} : memref<128x32xi32, #tpu.memory_space<vmem>>, vector<128x1xi32>,
      %eq3A_3685 = arith.constant 31 : i32
      %eq3A_3686 = vector.broadcast %eq3A_3685 : i32 to vector<128x1024xi32>
      %eq3A_3687 = arith.cmpi eq, %add3A_2444, %eq3A_3686 : vector<128x1024xi32>
      %and3A_3688 = arith.andi %lt3A_2391, %eq3A_3687 : vector<128x1024xi1>
      %jit3A_3689 = arith.constant 1.000000e+00 : f32
      %jit3A_3690 = arith.constant 0.000000e+00 : f32
      %broadcast_in_dim3A_3691 = vector.broadcast %jit3A_3689 : f32 to vector<128x1024xf32>
      %broadcast_in_dim3A_3692 = vector.broadcast %jit3A_3690 : f32 to vector<128x1024xf32>
      %select_n3A_3693 = arith.select %and3A_3688, %broadcast_in_dim3A_3691, %broadcast_in_dim3A_3692 : vector<128x1024xi1>, vector<128x1024xf32>
      %dot_general3A_3694 = arith.constant dense<0.000000e+00> : vector<128x67xf32>
      %dot_general3A_3695 = tpu.matmul %select_n3A_3693, %get3A_2377, %dot_general3A_3694 {dimension_numbers = #tpu.dot_dimension_numbers<[1], [0], [0], [1], [0, 0, 1, 1], [], []>, precision = #tpu.contract_precision<fp32>, transpose_lhs_hint = false} : vector<128x1024xf32>, vector<1024x67xf32>, vector<128x67xf32> -> vector<128x67xf32>
      %get3A_3696 = arith.constant 0 : index
      %get3A_3697 = arith.constant 31 : index
      %get3A_3698 = arith.constant 0 : index
      %get3A_3699 = vector.load %arg8[%get3A_3696, %get3A_3697, %get3A_3698] : memref<128x32x67xf32, #tpu.memory_space<vmem>>, vector<128x1x67xf32>
      %get3A_3700 = vector.shape_cast %get3A_3699 : vector<128x1x67xf32> to vector<128x67xf32>
      %add3A_3701 = arith.addf %get3A_3700, %dot_general3A_3695 : vector<128x67xf32>
      %swap3A_3702 = arith.constant 0 : index
      %swap3A_3703 = arith.constant 31 : index
      %swap3A_3704 = arith.constant 0 : index
      %swap3A_3705 = vector.load %arg8[%swap3A_3702, %swap3A_3703, %swap3A_3704] : memref<128x32x67xf32, #tpu.memory_space<vmem>>, vector<128x1x67xf32>
      %swap3A_3706 = vector.shape_cast %swap3A_3705 : vector<128x1x67xf32> to vector<128x67xf32>
      %swap3A_3707 = vector.shape_cast %add3A_3701 : vector<128x67xf32> to vector<128x1x67xf32>
      tpu.vector_store %arg8[%swap3A_3702, %swap3A_3703, %swap3A_3704], %swap3A_3707 {strides = array<i32>} : memref<128x32x67xf32, #tpu.memory_space<vmem>>, vector<128x1x67xf32>,
      %get3A_3708 = arith.constant 0 : index
      %get3A_3709 = arith.constant 31 : index
      %get3A_3710 = vector.load %arg10[%get3A_3708, %get3A_3709] : memref<128x32xi32, #tpu.memory_space<vmem>>, vector<128x1xi32>
      %get3A_3711 = vector.shape_cast %get3A_3710 : vector<128x1xi32> to vector<128xi32>
      %jit3A_3712 = arith.constant 0 : i32
      %broadcast_in_dim3A_3713 = vector.shape_cast %add3A_2446 : vector<1x1024xi32> to vector<1x1024xi32>
      %broadcast_in_dim3A_3714 = vector.broadcast %broadcast_in_dim3A_3713 : vector<1x1024xi32> to vector<128x1024xi32>
      %broadcast_in_dim3A_3715 = vector.broadcast %jit3A_3712 : i32 to vector<128x1024xi32>
      %select_n3A_3716 = arith.select %and3A_3688, %broadcast_in_dim3A_3714, %broadcast_in_dim3A_3715 : vector<128x1024xi1>, vector<128x1024xi32>
      %reduce_sum3A_3717 = arith.constant dense<0> : vector<128xi32>
      %reduce_sum3A_3718 = vector.multi_reduction <add>, %select_n3A_3716, %reduce_sum3A_3717 [1] : vector<128x1024xi32> to vector<128xi32>
      %add3A_3719 = arith.addi %get3A_3711, %reduce_sum3A_3718 : vector<128xi32>
      %swap3A_3720 = arith.constant 0 : index
      %swap3A_3721 = arith.constant 31 : index
      %swap3A_3722 = vector.load %arg10[%swap3A_3720, %swap3A_3721] : memref<128x32xi32, #tpu.memory_space<vmem>>, vector<128x1xi32>
      %swap3A_3723 = vector.shape_cast %swap3A_3722 : vector<128x1xi32> to vector<128xi32>
      %swap3A_3724 = vector.shape_cast %add3A_3719 : vector<128xi32> to vector<128x1xi32>
      tpu.vector_store %arg10[%swap3A_3720, %swap3A_3721], %swap3A_3724 {strides = array<i32>} : memref<128x32xi32, #tpu.memory_space<vmem>>, vector<128x1xi32>,
      %slice3A_3725 = vector.extract_strided_slice %add3A_2441 {offsets = [0, 1023], sizes = [128, 1], strides = [1, 1]} : vector<128x1024xi32> to vector<128x1xi32>
      %add3A_3726 = arith.addi %while3A_2354, %slice3A_3725 : vector<128x1xi32>
      %add3A_3727 = arith.constant 1 : i32
      %add3A_3728 = arith.addi %while3A_2353, %add3A_3727 : i32
      scf.yield %add3A_3728, %add3A_3726 : i32, vector<128x1xi32>
    }
    %eq3A = arith.constant 0 : i32
    %eq3A_49 = vector.broadcast %eq3A : i32 to vector<128x1xi32>
    %eq3A_50 = arith.cmpi eq, %while3A_48#1, %eq3A_49 : vector<128x1xi32>
    %get3A_51 = arith.constant 0 : index
    %get3A_52 = arith.constant 0 : index
    %get3A_53 = arith.constant 0 : index
    %get3A_54 = vector.load %arg8[%get3A_51, %get3A_52, %get3A_53] : memref<128x32x67xf32, #tpu.memory_space<vmem>>, vector<128x1x67xf32>
    %get3A_55 = vector.shape_cast %get3A_54 : vector<128x1x67xf32> to vector<128x67xf32>
    %get3A_56 = arith.constant 0 : index
    %get3A_57 = arith.constant 0 : index
    %get3A_58 = vector.load %arg10[%get3A_56, %get3A_57] : memref<128x32xi32, #tpu.memory_space<vmem>>, vector<128x1xi32>
    %get3A_59 = vector.shape_cast %get3A_58 : vector<128x1xi32> to vector<128xi32>
    %max3A = arith.constant 1 : i32
    %max3A_60 = vector.broadcast %max3A : i32 to vector<128x1xi32>
    %max3A_61 = arith.maxsi %while3A_48#1, %max3A_60 : vector<128x1xi32>
    %gt3A = arith.constant 0 : i32
    %gt3A_62 = vector.broadcast %gt3A : i32 to vector<128x1xi32>
    %gt3A_63 = arith.cmpi sgt, %max3A_61, %gt3A_62 : vector<128x1xi32>
    %get3A_64 = arith.constant 0 : index
    %get3A_65 = arith.constant 0 : index
    %get3A_66 = arith.constant 0 : index
    %get3A_67 = vector.load %arg8[%get3A_64, %get3A_65, %get3A_66] : memref<128x32x67xf32, #tpu.memory_space<vmem>>, vector<128x1x67xf32>
    %get3A_68 = vector.shape_cast %get3A_67 : vector<128x1x67xf32> to vector<128x67xf32>
    %broadcast_in_dim3A_69 = vector.shape_cast %gt3A_63 : vector<128x1xi1> to vector<128x1xi1>
    %broadcast_in_dim3A_70 = vector.broadcast %broadcast_in_dim3A_69 : vector<128x1xi1> to vector<128x67xi1>
    %select_n3A = arith.select %broadcast_in_dim3A_70, %get3A_68, %get3A_55 : vector<128x67xi1>, vector<128x67xf32>
    %slice3A = vector.extract_strided_slice %select_n3A {offsets = [0, 0], sizes = [128, 1], strides = [1, 1]} : vector<128x67xf32> to vector<128x1xf32>
    %sub3A = arith.subf %slice3A, %get3A_12 : vector<128x1xf32>
    %jit3A = arith.constant 0.000000e+00 : f32
    %broadcast_in_dim3A_71 = vector.broadcast %jit3A : f32 to vector<128x1xf32>
    %select_n3A_72 = arith.select %eq3A_50, %broadcast_in_dim3A_71, %sub3A : vector<128x1xi1>, vector<128x1xf32>
    %slice3A_73 = vector.extract_strided_slice %select_n3A {offsets = [0, 1], sizes = [128, 1], strides = [1, 1]} : vector<128x67xf32> to vector<128x1xf32>
    %sub3A_74 = arith.subf %slice3A_73, %get3A_17 : vector<128x1xf32>
    %jit3A_75 = arith.constant 0.000000e+00 : f32
    %broadcast_in_dim3A_76 = vector.broadcast %jit3A_75 : f32 to vector<128x1xf32>
    %select_n3A_77 = arith.select %eq3A_50, %broadcast_in_dim3A_76, %sub3A_74 : vector<128x1xi1>, vector<128x1xf32>
    %slice3A_78 = vector.extract_strided_slice %select_n3A {offsets = [0, 2], sizes = [128, 1], strides = [1, 1]} : vector<128x67xf32> to vector<128x1xf32>
    %sub3A_79 = arith.subf %slice3A_78, %get3A_22 : vector<128x1xf32>
    %jit3A_80 = arith.constant 0.000000e+00 : f32
    %broadcast_in_dim3A_81 = vector.broadcast %jit3A_80 : f32 to vector<128x1xf32>
    %select_n3A_82 = arith.select %eq3A_50, %broadcast_in_dim3A_81, %sub3A_79 : vector<128x1xi1>, vector<128x1xf32>
    %mul3A_83 = arith.mulf %select_n3A_72, %select_n3A_72 : vector<128x1xf32>
    %mul3A_84 = arith.mulf %select_n3A_77, %select_n3A_77 : vector<128x1xf32>
    %add3A_85 = arith.addf %mul3A_83, %mul3A_84 : vector<128x1xf32>
    %mul3A_86 = arith.mulf %select_n3A_82, %select_n3A_82 : vector<128x1xf32>
    %add3A_87 = arith.addf %add3A_85, %mul3A_86 : vector<128x1xf32>
    %sqrt3A = math.sqrt %add3A_87 : vector<128x1xf32>
    %sub3A_88 = arith.subf %sqrt3A, %get3A_27 : vector<128x1xf32>
    %div3A = vector.broadcast %get3A_2 : f32 to vector<128x1xf32>
    %div3A_89 = arith.divf %sub3A_88, %div3A : vector<128x1xf32>
    %logistic3A = arith.negf %div3A_89 : vector<128x1xf32>
    %logistic3A_90 = math.exp %logistic3A : vector<128x1xf32>
    %logistic3A_91 = arith.constant 1.000000e+00 : f32
    %logistic3A_92 = vector.broadcast %logistic3A_91 : f32 to vector<128x1xf32>
    %logistic3A_93 = arith.addf %logistic3A_92, %logistic3A_90 : vector<128x1xf32>
    %logistic3A_94 = arith.divf %logistic3A_92, %logistic3A_93 : vector<128x1xf32>
    %sub3A_95 = arith.constant 1.000000e+00 : f32
    %sub3A_96 = vector.broadcast %sub3A_95 : f32 to vector<128x1xf32>
    %sub3A_97 = arith.subf %sub3A_96, %logistic3A_94 : vector<128x1xf32>
    %slice3A_98 = vector.extract_strided_slice %select_n3A {offsets = [0, 3], sizes = [128, 64], strides = [1, 1]} : vector<128x67xf32> to vector<128x64xf32>
    %concatenate3A = tpu.concatenate %select_n3A_72, %select_n3A_77, %select_n3A_82, %slice3A_98 in 1 : vector<128x1xf32>, vector<128x1xf32>, vector<128x1xf32>, vector<128x64xf32> -> vector<128x67xf32>
    %swap3A_99 = arith.constant 0 : index
    %swap3A_100 = arith.constant 0 : index
    %swap3A_101 = arith.constant 0 : index
    %swap3A_102 = vector.load %arg8[%swap3A_99, %swap3A_100, %swap3A_101] : memref<128x32x67xf32, #tpu.memory_space<vmem>>, vector<128x1x67xf32>
    %swap3A_103 = vector.shape_cast %swap3A_102 : vector<128x1x67xf32> to vector<128x67xf32>
    %swap3A_104 = vector.shape_cast %concatenate3A : vector<128x67xf32> to vector<128x1x67xf32>
    tpu.vector_store %arg8[%swap3A_99, %swap3A_100, %swap3A_101], %swap3A_104 {strides = array<i32>} : memref<128x32x67xf32, #tpu.memory_space<vmem>>, vector<128x1x67xf32>,
    %squeeze3A = vector.shape_cast %sub3A_97 : vector<128x1xf32> to vector<128xf32>
    %swap3A_105 = arith.constant 0 : index
    %swap3A_106 = arith.constant 0 : index
    %swap3A_107 = vector.load %arg9[%swap3A_105, %swap3A_106] : memref<128x32xf32, #tpu.memory_space<vmem>>, vector<128x1xf32>
    %swap3A_108 = vector.shape_cast %swap3A_107 : vector<128x1xf32> to vector<128xf32>
    %swap3A_109 = vector.shape_cast %squeeze3A : vector<128xf32> to vector<128x1xf32>
    tpu.vector_store %arg9[%swap3A_105, %swap3A_106], %swap3A_109 {strides = array<i32>} : memref<128x32xf32, #tpu.memory_space<vmem>>, vector<128x1xf32>,
    %squeeze3A_110 = vector.shape_cast %gt3A_63 : vector<128x1xi1> to vector<128xi1>
    %get3A_111 = arith.constant 0 : index
    %get3A_112 = arith.constant 0 : index
    %get3A_113 = vector.load %arg10[%get3A_111, %get3A_112] : memref<128x32xi32, #tpu.memory_space<vmem>>, vector<128x1xi32>
    %get3A_114 = vector.shape_cast %get3A_113 : vector<128x1xi32> to vector<128xi32>
    %select_n3A_115 = arith.select %squeeze3A_110, %get3A_114, %get3A_59 : vector<128xi1>, vector<128xi32>
    %swap3A_116 = arith.constant 0 : index
    %swap3A_117 = arith.constant 0 : index
    %swap3A_118 = vector.load %arg10[%swap3A_116, %swap3A_117] : memref<128x32xi32, #tpu.memory_space<vmem>>, vector<128x1xi32>
    %swap3A_119 = vector.shape_cast %swap3A_118 : vector<128x1xi32> to vector<128xi32>
    %swap3A_120 = vector.shape_cast %select_n3A_115 : vector<128xi32> to vector<128x1xi32>
    tpu.vector_store %arg10[%swap3A_116, %swap3A_117], %swap3A_120 {strides = array<i32>} : memref<128x32xi32, #tpu.memory_space<vmem>>, vector<128x1xi32>,
    %max3A_121 = arith.constant 1 : i32
    %max3A_122 = vector.broadcast %max3A_121 : i32 to vector<128x1xi32>
    %max3A_123 = arith.maxsi %while3A_48#1, %max3A_122 : vector<128x1xi32>
    %gt3A_124 = arith.constant 1 : i32
    %gt3A_125 = vector.broadcast %gt3A_124 : i32 to vector<128x1xi32>
    %gt3A_126 = arith.cmpi sgt, %max3A_123, %gt3A_125 : vector<128x1xi32>
    %get3A_127 = arith.constant 0 : index
    %get3A_128 = arith.constant 1 : index
    %get3A_129 = arith.constant 0 : index
    %get3A_130 = vector.load %arg8[%get3A_127, %get3A_128, %get3A_129] : memref<128x32x67xf32, #tpu.memory_space<vmem>>, vector<128x1x67xf32>
    %get3A_131 = vector.shape_cast %get3A_130 : vector<128x1x67xf32> to vector<128x67xf32>
    %broadcast_in_dim3A_132 = vector.shape_cast %gt3A_126 : vector<128x1xi1> to vector<128x1xi1>
    %broadcast_in_dim3A_133 = vector.broadcast %broadcast_in_dim3A_132 : vector<128x1xi1> to vector<128x67xi1>
    %select_n3A_134 = arith.select %broadcast_in_dim3A_133, %get3A_131, %get3A_55 : vector<128x67xi1>, vector<128x67xf32>
    %slice3A_135 = vector.extract_strided_slice %select_n3A_134 {offsets = [0, 0], sizes = [128, 1], strides = [1, 1]} : vector<128x67xf32> to vector<128x1xf32>
    %sub3A_136 = arith.subf %slice3A_135, %get3A_12 : vector<128x1xf32>
    %jit3A_137 = arith.constant 0.000000e+00 : f32
    %broadcast_in_dim3A_138 = vector.broadcast %jit3A_137 : f32 to vector<128x1xf32>
    %select_n3A_139 = arith.select %eq3A_50, %broadcast_in_dim3A_138, %sub3A_136 : vector<128x1xi1>, vector<128x1xf32>
    %slice3A_140 = vector.extract_strided_slice %select_n3A_134 {offsets = [0, 1], sizes = [128, 1], strides = [1, 1]} : vector<128x67xf32> to vector<128x1xf32>
    %sub3A_141 = arith.subf %slice3A_140, %get3A_17 : vector<128x1xf32>
    %jit3A_142 = arith.constant 0.000000e+00 : f32
    %broadcast_in_dim3A_143 = vector.broadcast %jit3A_142 : f32 to vector<128x1xf32>
    %select_n3A_144 = arith.select %eq3A_50, %broadcast_in_dim3A_143, %sub3A_141 : vector<128x1xi1>, vector<128x1xf32>
    %slice3A_145 = vector.extract_strided_slice %select_n3A_134 {offsets = [0, 2], sizes = [128, 1], strides = [1, 1]} : vector<128x67xf32> to vector<128x1xf32>
    %sub3A_146 = arith.subf %slice3A_145, %get3A_22 : vector<128x1xf32>
    %jit3A_147 = arith.constant 0.000000e+00 : f32
    %broadcast_in_dim3A_148 = vector.broadcast %jit3A_147 : f32 to vector<128x1xf32>
    %select_n3A_149 = arith.select %eq3A_50, %broadcast_in_dim3A_148, %sub3A_146 : vector<128x1xi1>, vector<128x1xf32>
    %mul3A_150 = arith.mulf %select_n3A_139, %select_n3A_139 : vector<128x1xf32>
    %mul3A_151 = arith.mulf %select_n3A_144, %select_n3A_144 : vector<128x1xf32>
    %add3A_152 = arith.addf %mul3A_150, %mul3A_151 : vector<128x1xf32>
    %mul3A_153 = arith.mulf %select_n3A_149, %select_n3A_149 : vector<128x1xf32>
    %add3A_154 = arith.addf %add3A_152, %mul3A_153 : vector<128x1xf32>
    %sqrt3A_155 = math.sqrt %add3A_154 : vector<128x1xf32>
    %sub3A_156 = arith.subf %sqrt3A_155, %get3A_27 : vector<128x1xf32>
    %div3A_157 = vector.broadcast %get3A_2 : f32 to vector<128x1xf32>
    %div3A_158 = arith.divf %sub3A_156, %div3A_157 : vector<128x1xf32>
    %logistic3A_159 = arith.negf %div3A_158 : vector<128x1xf32>
    %logistic3A_160 = math.exp %logistic3A_159 : vector<128x1xf32>
    %logistic3A_161 = arith.constant 1.000000e+00 : f32
    %logistic3A_162 = vector.broadcast %logistic3A_161 : f32 to vector<128x1xf32>
    %logistic3A_163 = arith.addf %logistic3A_162, %logistic3A_160 : vector<128x1xf32>
    %logistic3A_164 = arith.divf %logistic3A_162, %logistic3A_163 : vector<128x1xf32>
    %sub3A_165 = arith.constant 1.000000e+00 : f32
    %sub3A_166 = vector.broadcast %sub3A_165 : f32 to vector<128x1xf32>
    %sub3A_167 = arith.subf %sub3A_166, %logistic3A_164 : vector<128x1xf32>
    %slice3A_168 = vector.extract_strided_slice %select_n3A_134 {offsets = [0, 3], sizes = [128, 64], strides = [1, 1]} : vector<128x67xf32> to vector<128x64xf32>
    %concatenate3A_169 = tpu.concatenate %select_n3A_139, %select_n3A_144, %select_n3A_149, %slice3A_168 in 1 : vector<128x1xf32>, vector<128x1xf32>, vector<128x1xf32>, vector<128x64xf32> -> vector<128x67xf32>
    %swap3A_170 = arith.constant 0 : index
    %swap3A_171 = arith.constant 1 : index
    %swap3A_172 = arith.constant 0 : index
    %swap3A_173 = vector.load %arg8[%swap3A_170, %swap3A_171, %swap3A_172] : memref<128x32x67xf32, #tpu.memory_space<vmem>>, vector<128x1x67xf32>
    %swap3A_174 = vector.shape_cast %swap3A_173 : vector<128x1x67xf32> to vector<128x67xf32>
    %swap3A_175 = vector.shape_cast %concatenate3A_169 : vector<128x67xf32> to vector<128x1x67xf32>
    tpu.vector_store %arg8[%swap3A_170, %swap3A_171, %swap3A_172], %swap3A_175 {strides = array<i32>} : memref<128x32x67xf32, #tpu.memory_space<vmem>>, vector<128x1x67xf32>,
    %squeeze3A_176 = vector.shape_cast %sub3A_167 : vector<128x1xf32> to vector<128xf32>
    %swap3A_177 = arith.constant 0 : index
    %swap3A_178 = arith.constant 1 : index
    %swap3A_179 = vector.load %arg9[%swap3A_177, %swap3A_178] : memref<128x32xf32, #tpu.memory_space<vmem>>, vector<128x1xf32>
    %swap3A_180 = vector.shape_cast %swap3A_179 : vector<128x1xf32> to vector<128xf32>
    %swap3A_181 = vector.shape_cast %squeeze3A_176 : vector<128xf32> to vector<128x1xf32>
    tpu.vector_store %arg9[%swap3A_177, %swap3A_178], %swap3A_181 {strides = array<i32>} : memref<128x32xf32, #tpu.memory_space<vmem>>, vector<128x1xf32>,
    %squeeze3A_182 = vector.shape_cast %gt3A_126 : vector<128x1xi1> to vector<128xi1>
    %get3A_183 = arith.constant 0 : index
    %get3A_184 = arith.constant 1 : index
    %get3A_185 = vector.load %arg10[%get3A_183, %get3A_184] : memref<128x32xi32, #tpu.memory_space<vmem>>, vector<128x1xi32>
    %get3A_186 = vector.shape_cast %get3A_185 : vector<128x1xi32> to vector<128xi32>
    %select_n3A_187 = arith.select %squeeze3A_182, %get3A_186, %get3A_59 : vector<128xi1>, vector<128xi32>
    %swap3A_188 = arith.constant 0 : index
    %swap3A_189 = arith.constant 1 : index
    %swap3A_190 = vector.load %arg10[%swap3A_188, %swap3A_189] : memref<128x32xi32, #tpu.memory_space<vmem>>, vector<128x1xi32>
    %swap3A_191 = vector.shape_cast %swap3A_190 : vector<128x1xi32> to vector<128xi32>
    %swap3A_192 = vector.shape_cast %select_n3A_187 : vector<128xi32> to vector<128x1xi32>
    tpu.vector_store %arg10[%swap3A_188, %swap3A_189], %swap3A_192 {strides = array<i32>} : memref<128x32xi32, #tpu.memory_space<vmem>>, vector<128x1xi32>,
    %max3A_193 = arith.constant 1 : i32
    %max3A_194 = vector.broadcast %max3A_193 : i32 to vector<128x1xi32>
    %max3A_195 = arith.maxsi %while3A_48#1, %max3A_194 : vector<128x1xi32>
    %gt3A_196 = arith.constant 2 : i32
    %gt3A_197 = vector.broadcast %gt3A_196 : i32 to vector<128x1xi32>
    %gt3A_198 = arith.cmpi sgt, %max3A_195, %gt3A_197 : vector<128x1xi32>
    %get3A_199 = arith.constant 0 : index
    %get3A_200 = arith.constant 2 : index
    %get3A_201 = arith.constant 0 : index
    %get3A_202 = vector.load %arg8[%get3A_199, %get3A_200, %get3A_201] : memref<128x32x67xf32, #tpu.memory_space<vmem>>, vector<128x1x67xf32>
    %get3A_203 = vector.shape_cast %get3A_202 : vector<128x1x67xf32> to vector<128x67xf32>
    %broadcast_in_dim3A_204 = vector.shape_cast %gt3A_198 : vector<128x1xi1> to vector<128x1xi1>
    %broadcast_in_dim3A_205 = vector.broadcast %broadcast_in_dim3A_204 : vector<128x1xi1> to vector<128x67xi1>
    %select_n3A_206 = arith.select %broadcast_in_dim3A_205, %get3A_203, %get3A_55 : vector<128x67xi1>, vector<128x67xf32>
    %slice3A_207 = vector.extract_strided_slice %select_n3A_206 {offsets = [0, 0], sizes = [128, 1], strides = [1, 1]} : vector<128x67xf32> to vector<128x1xf32>
    %sub3A_208 = arith.subf %slice3A_207, %get3A_12 : vector<128x1xf32>
    %jit3A_209 = arith.constant 0.000000e+00 : f32
    %broadcast_in_dim3A_210 = vector.broadcast %jit3A_209 : f32 to vector<128x1xf32>
    %select_n3A_211 = arith.select %eq3A_50, %broadcast_in_dim3A_210, %sub3A_208 : vector<128x1xi1>, vector<128x1xf32>
    %slice3A_212 = vector.extract_strided_slice %select_n3A_206 {offsets = [0, 1], sizes = [128, 1], strides = [1, 1]} : vector<128x67xf32> to vector<128x1xf32>
    %sub3A_213 = arith.subf %slice3A_212, %get3A_17 : vector<128x1xf32>
    %jit3A_214 = arith.constant 0.000000e+00 : f32
    %broadcast_in_dim3A_215 = vector.broadcast %jit3A_214 : f32 to vector<128x1xf32>
    %select_n3A_216 = arith.select %eq3A_50, %broadcast_in_dim3A_215, %sub3A_213 : vector<128x1xi1>, vector<128x1xf32>
    %slice3A_217 = vector.extract_strided_slice %select_n3A_206 {offsets = [0, 2], sizes = [128, 1], strides = [1, 1]} : vector<128x67xf32> to vector<128x1xf32>
    %sub3A_218 = arith.subf %slice3A_217, %get3A_22 : vector<128x1xf32>
    %jit3A_219 = arith.constant 0.000000e+00 : f32
    %broadcast_in_dim3A_220 = vector.broadcast %jit3A_219 : f32 to vector<128x1xf32>
    %select_n3A_221 = arith.select %eq3A_50, %broadcast_in_dim3A_220, %sub3A_218 : vector<128x1xi1>, vector<128x1xf32>
    %mul3A_222 = arith.mulf %select_n3A_211, %select_n3A_211 : vector<128x1xf32>
    %mul3A_223 = arith.mulf %select_n3A_216, %select_n3A_216 : vector<128x1xf32>
    %add3A_224 = arith.addf %mul3A_222, %mul3A_223 : vector<128x1xf32>
    %mul3A_225 = arith.mulf %select_n3A_221, %select_n3A_221 : vector<128x1xf32>
    %add3A_226 = arith.addf %add3A_224, %mul3A_225 : vector<128x1xf32>
    %sqrt3A_227 = math.sqrt %add3A_226 : vector<128x1xf32>
    %sub3A_228 = arith.subf %sqrt3A_227, %get3A_27 : vector<128x1xf32>
    %div3A_229 = vector.broadcast %get3A_2 : f32 to vector<128x1xf32>
    %div3A_230 = arith.divf %sub3A_228, %div3A_229 : vector<128x1xf32>
    %logistic3A_231 = arith.negf %div3A_230 : vector<128x1xf32>
    %logistic3A_232 = math.exp %logistic3A_231 : vector<128x1xf32>
    %logistic3A_233 = arith.constant 1.000000e+00 : f32
    %logistic3A_234 = vector.broadcast %logistic3A_233 : f32 to vector<128x1xf32>
    %logistic3A_235 = arith.addf %logistic3A_234, %logistic3A_232 : vector<128x1xf32>
    %logistic3A_236 = arith.divf %logistic3A_234, %logistic3A_235 : vector<128x1xf32>
    %sub3A_237 = arith.constant 1.000000e+00 : f32
    %sub3A_238 = vector.broadcast %sub3A_237 : f32 to vector<128x1xf32>
    %sub3A_239 = arith.subf %sub3A_238, %logistic3A_236 : vector<128x1xf32>
    %slice3A_240 = vector.extract_strided_slice %select_n3A_206 {offsets = [0, 3], sizes = [128, 64], strides = [1, 1]} : vector<128x67xf32> to vector<128x64xf32>
    %concatenate3A_241 = tpu.concatenate %select_n3A_211, %select_n3A_216, %select_n3A_221, %slice3A_240 in 1 : vector<128x1xf32>, vector<128x1xf32>, vector<128x1xf32>, vector<128x64xf32> -> vector<128x67xf32>
    %swap3A_242 = arith.constant 0 : index
    %swap3A_243 = arith.constant 2 : index
    %swap3A_244 = arith.constant 0 : index
    %swap3A_245 = vector.load %arg8[%swap3A_242, %swap3A_243, %swap3A_244] : memref<128x32x67xf32, #tpu.memory_space<vmem>>, vector<128x1x67xf32>
    %swap3A_246 = vector.shape_cast %swap3A_245 : vector<128x1x67xf32> to vector<128x67xf32>
    %swap3A_247 = vector.shape_cast %concatenate3A_241 : vector<128x67xf32> to vector<128x1x67xf32>
    tpu.vector_store %arg8[%swap3A_242, %swap3A_243, %swap3A_244], %swap3A_247 {strides = array<i32>} : memref<128x32x67xf32, #tpu.memory_space<vmem>>, vector<128x1x67xf32>,
    %squeeze3A_248 = vector.shape_cast %sub3A_239 : vector<128x1xf32> to vector<128xf32>
    %swap3A_249 = arith.constant 0 : index
    %swap3A_250 = arith.constant 2 : index
    %swap3A_251 = vector.load %arg9[%swap3A_249, %swap3A_250] : memref<128x32xf32, #tpu.memory_space<vmem>>, vector<128x1xf32>
    %swap3A_252 = vector.shape_cast %swap3A_251 : vector<128x1xf32> to vector<128xf32>
    %swap3A_253 = vector.shape_cast %squeeze3A_248 : vector<128xf32> to vector<128x1xf32>
    tpu.vector_store %arg9[%swap3A_249, %swap3A_250], %swap3A_253 {strides = array<i32>} : memref<128x32xf32, #tpu.memory_space<vmem>>, vector<128x1xf32>,
    %squeeze3A_254 = vector.shape_cast %gt3A_198 : vector<128x1xi1> to vector<128xi1>
    %get3A_255 = arith.constant 0 : index
    %get3A_256 = arith.constant 2 : index
    %get3A_257 = vector.load %arg10[%get3A_255, %get3A_256] : memref<128x32xi32, #tpu.memory_space<vmem>>, vector<128x1xi32>
    %get3A_258 = vector.shape_cast %get3A_257 : vector<128x1xi32> to vector<128xi32>
    %select_n3A_259 = arith.select %squeeze3A_254, %get3A_258, %get3A_59 : vector<128xi1>, vector<128xi32>
    %swap3A_260 = arith.constant 0 : index
    %swap3A_261 = arith.constant 2 : index
    %swap3A_262 = vector.load %arg10[%swap3A_260, %swap3A_261] : memref<128x32xi32, #tpu.memory_space<vmem>>, vector<128x1xi32>
    %swap3A_263 = vector.shape_cast %swap3A_262 : vector<128x1xi32> to vector<128xi32>
    %swap3A_264 = vector.shape_cast %select_n3A_259 : vector<128xi32> to vector<128x1xi32>
    tpu.vector_store %arg10[%swap3A_260, %swap3A_261], %swap3A_264 {strides = array<i32>} : memref<128x32xi32, #tpu.memory_space<vmem>>, vector<128x1xi32>,
    %max3A_265 = arith.constant 1 : i32
    %max3A_266 = vector.broadcast %max3A_265 : i32 to vector<128x1xi32>
    %max3A_267 = arith.maxsi %while3A_48#1, %max3A_266 : vector<128x1xi32>
    %gt3A_268 = arith.constant 3 : i32
    %gt3A_269 = vector.broadcast %gt3A_268 : i32 to vector<128x1xi32>
    %gt3A_270 = arith.cmpi sgt, %max3A_267, %gt3A_269 : vector<128x1xi32>
    %get3A_271 = arith.constant 0 : index
    %get3A_272 = arith.constant 3 : index
    %get3A_273 = arith.constant 0 : index
    %get3A_274 = vector.load %arg8[%get3A_271, %get3A_272, %get3A_273] : memref<128x32x67xf32, #tpu.memory_space<vmem>>, vector<128x1x67xf32>
    %get3A_275 = vector.shape_cast %get3A_274 : vector<128x1x67xf32> to vector<128x67xf32>
    %broadcast_in_dim3A_276 = vector.shape_cast %gt3A_270 : vector<128x1xi1> to vector<128x1xi1>
    %broadcast_in_dim3A_277 = vector.broadcast %broadcast_in_dim3A_276 : vector<128x1xi1> to vector<128x67xi1>
    %select_n3A_278 = arith.select %broadcast_in_dim3A_277, %get3A_275, %get3A_55 : vector<128x67xi1>, vector<128x67xf32>
    %slice3A_279 = vector.extract_strided_slice %select_n3A_278 {offsets = [0, 0], sizes = [128, 1], strides = [1, 1]} : vector<128x67xf32> to vector<128x1xf32>
    %sub3A_280 = arith.subf %slice3A_279, %get3A_12 : vector<128x1xf32>
    %jit3A_281 = arith.constant 0.000000e+00 : f32
    %broadcast_in_dim3A_282 = vector.broadcast %jit3A_281 : f32 to vector<128x1xf32>
    %select_n3A_283 = arith.select %eq3A_50, %broadcast_in_dim3A_282, %sub3A_280 : vector<128x1xi1>, vector<128x1xf32>
    %slice3A_284 = vector.extract_strided_slice %select_n3A_278 {offsets = [0, 1], sizes = [128, 1], strides = [1, 1]} : vector<128x67xf32> to vector<128x1xf32>
    %sub3A_285 = arith.subf %slice3A_284, %get3A_17 : vector<128x1xf32>
    %jit3A_286 = arith.constant 0.000000e+00 : f32
    %broadcast_in_dim3A_287 = vector.broadcast %jit3A_286 : f32 to vector<128x1xf32>
    %select_n3A_288 = arith.select %eq3A_50, %broadcast_in_dim3A_287, %sub3A_285 : vector<128x1xi1>, vector<128x1xf32>
    %slice3A_289 = vector.extract_strided_slice %select_n3A_278 {offsets = [0, 2], sizes = [128, 1], strides = [1, 1]} : vector<128x67xf32> to vector<128x1xf32>
    %sub3A_290 = arith.subf %slice3A_289, %get3A_22 : vector<128x1xf32>
    %jit3A_291 = arith.constant 0.000000e+00 : f32
    %broadcast_in_dim3A_292 = vector.broadcast %jit3A_291 : f32 to vector<128x1xf32>
    %select_n3A_293 = arith.select %eq3A_50, %broadcast_in_dim3A_292, %sub3A_290 : vector<128x1xi1>, vector<128x1xf32>
    %mul3A_294 = arith.mulf %select_n3A_283, %select_n3A_283 : vector<128x1xf32>
    %mul3A_295 = arith.mulf %select_n3A_288, %select_n3A_288 : vector<128x1xf32>
    %add3A_296 = arith.addf %mul3A_294, %mul3A_295 : vector<128x1xf32>
    %mul3A_297 = arith.mulf %select_n3A_293, %select_n3A_293 : vector<128x1xf32>
    %add3A_298 = arith.addf %add3A_296, %mul3A_297 : vector<128x1xf32>
    %sqrt3A_299 = math.sqrt %add3A_298 : vector<128x1xf32>
    %sub3A_300 = arith.subf %sqrt3A_299, %get3A_27 : vector<128x1xf32>
    %div3A_301 = vector.broadcast %get3A_2 : f32 to vector<128x1xf32>
    %div3A_302 = arith.divf %sub3A_300, %div3A_301 : vector<128x1xf32>
    %logistic3A_303 = arith.negf %div3A_302 : vector<128x1xf32>
    %logistic3A_304 = math.exp %logistic3A_303 : vector<128x1xf32>
    %logistic3A_305 = arith.constant 1.000000e+00 : f32
    %logistic3A_306 = vector.broadcast %logistic3A_305 : f32 to vector<128x1xf32>
    %logistic3A_307 = arith.addf %logistic3A_306, %logistic3A_304 : vector<128x1xf32>
    %logistic3A_308 = arith.divf %logistic3A_306, %logistic3A_307 : vector<128x1xf32>
    %sub3A_309 = arith.constant 1.000000e+00 : f32
    %sub3A_310 = vector.broadcast %sub3A_309 : f32 to vector<128x1xf32>
    %sub3A_311 = arith.subf %sub3A_310, %logistic3A_308 : vector<128x1xf32>
    %slice3A_312 = vector.extract_strided_slice %select_n3A_278 {offsets = [0, 3], sizes = [128, 64], strides = [1, 1]} : vector<128x67xf32> to vector<128x64xf32>
    %concatenate3A_313 = tpu.concatenate %select_n3A_283, %select_n3A_288, %select_n3A_293, %slice3A_312 in 1 : vector<128x1xf32>, vector<128x1xf32>, vector<128x1xf32>, vector<128x64xf32> -> vector<128x67xf32>
    %swap3A_314 = arith.constant 0 : index
    %swap3A_315 = arith.constant 3 : index
    %swap3A_316 = arith.constant 0 : index
    %swap3A_317 = vector.load %arg8[%swap3A_314, %swap3A_315, %swap3A_316] : memref<128x32x67xf32, #tpu.memory_space<vmem>>, vector<128x1x67xf32>
    %swap3A_318 = vector.shape_cast %swap3A_317 : vector<128x1x67xf32> to vector<128x67xf32>
    %swap3A_319 = vector.shape_cast %concatenate3A_313 : vector<128x67xf32> to vector<128x1x67xf32>
    tpu.vector_store %arg8[%swap3A_314, %swap3A_315, %swap3A_316], %swap3A_319 {strides = array<i32>} : memref<128x32x67xf32, #tpu.memory_space<vmem>>, vector<128x1x67xf32>,
    %squeeze3A_320 = vector.shape_cast %sub3A_311 : vector<128x1xf32> to vector<128xf32>
    %swap3A_321 = arith.constant 0 : index
    %swap3A_322 = arith.constant 3 : index
    %swap3A_323 = vector.load %arg9[%swap3A_321, %swap3A_322] : memref<128x32xf32, #tpu.memory_space<vmem>>, vector<128x1xf32>
    %swap3A_324 = vector.shape_cast %swap3A_323 : vector<128x1xf32> to vector<128xf32>
    %swap3A_325 = vector.shape_cast %squeeze3A_320 : vector<128xf32> to vector<128x1xf32>
    tpu.vector_store %arg9[%swap3A_321, %swap3A_322], %swap3A_325 {strides = array<i32>} : memref<128x32xf32, #tpu.memory_space<vmem>>, vector<128x1xf32>,
    %squeeze3A_326 = vector.shape_cast %gt3A_270 : vector<128x1xi1> to vector<128xi1>
    %get3A_327 = arith.constant 0 : index
    %get3A_328 = arith.constant 3 : index
    %get3A_329 = vector.load %arg10[%get3A_327, %get3A_328] : memref<128x32xi32, #tpu.memory_space<vmem>>, vector<128x1xi32>
    %get3A_330 = vector.shape_cast %get3A_329 : vector<128x1xi32> to vector<128xi32>
    %select_n3A_331 = arith.select %squeeze3A_326, %get3A_330, %get3A_59 : vector<128xi1>, vector<128xi32>
    %swap3A_332 = arith.constant 0 : index
    %swap3A_333 = arith.constant 3 : index
    %swap3A_334 = vector.load %arg10[%swap3A_332, %swap3A_333] : memref<128x32xi32, #tpu.memory_space<vmem>>, vector<128x1xi32>
    %swap3A_335 = vector.shape_cast %swap3A_334 : vector<128x1xi32> to vector<128xi32>
    %swap3A_336 = vector.shape_cast %select_n3A_331 : vector<128xi32> to vector<128x1xi32>
    tpu.vector_store %arg10[%swap3A_332, %swap3A_333], %swap3A_336 {strides = array<i32>} : memref<128x32xi32, #tpu.memory_space<vmem>>, vector<128x1xi32>,
    %max3A_337 = arith.constant 1 : i32
    %max3A_338 = vector.broadcast %max3A_337 : i32 to vector<128x1xi32>
    %max3A_339 = arith.maxsi %while3A_48#1, %max3A_338 : vector<128x1xi32>
    %gt3A_340 = arith.constant 4 : i32
    %gt3A_341 = vector.broadcast %gt3A_340 : i32 to vector<128x1xi32>
    %gt3A_342 = arith.cmpi sgt, %max3A_339, %gt3A_341 : vector<128x1xi32>
    %get3A_343 = arith.constant 0 : index
    %get3A_344 = arith.constant 4 : index
    %get3A_345 = arith.constant 0 : index
    %get3A_346 = vector.load %arg8[%get3A_343, %get3A_344, %get3A_345] : memref<128x32x67xf32, #tpu.memory_space<vmem>>, vector<128x1x67xf32>
    %get3A_347 = vector.shape_cast %get3A_346 : vector<128x1x67xf32> to vector<128x67xf32>
    %broadcast_in_dim3A_348 = vector.shape_cast %gt3A_342 : vector<128x1xi1> to vector<128x1xi1>
    %broadcast_in_dim3A_349 = vector.broadcast %broadcast_in_dim3A_348 : vector<128x1xi1> to vector<128x67xi1>
    %select_n3A_350 = arith.select %broadcast_in_dim3A_349, %get3A_347, %get3A_55 : vector<128x67xi1>, vector<128x67xf32>
    %slice3A_351 = vector.extract_strided_slice %select_n3A_350 {offsets = [0, 0], sizes = [128, 1], strides = [1, 1]} : vector<128x67xf32> to vector<128x1xf32>
    %sub3A_352 = arith.subf %slice3A_351, %get3A_12 : vector<128x1xf32>
    %jit3A_353 = arith.constant 0.000000e+00 : f32
    %broadcast_in_dim3A_354 = vector.broadcast %jit3A_353 : f32 to vector<128x1xf32>
    %select_n3A_355 = arith.select %eq3A_50, %broadcast_in_dim3A_354, %sub3A_352 : vector<128x1xi1>, vector<128x1xf32>
    %slice3A_356 = vector.extract_strided_slice %select_n3A_350 {offsets = [0, 1], sizes = [128, 1], strides = [1, 1]} : vector<128x67xf32> to vector<128x1xf32>
    %sub3A_357 = arith.subf %slice3A_356, %get3A_17 : vector<128x1xf32>
    %jit3A_358 = arith.constant 0.000000e+00 : f32
    %broadcast_in_dim3A_359 = vector.broadcast %jit3A_358 : f32 to vector<128x1xf32>
    %select_n3A_360 = arith.select %eq3A_50, %broadcast_in_dim3A_359, %sub3A_357 : vector<128x1xi1>, vector<128x1xf32>
    %slice3A_361 = vector.extract_strided_slice %select_n3A_350 {offsets = [0, 2], sizes = [128, 1], strides = [1, 1]} : vector<128x67xf32> to vector<128x1xf32>
    %sub3A_362 = arith.subf %slice3A_361, %get3A_22 : vector<128x1xf32>
    %jit3A_363 = arith.constant 0.000000e+00 : f32
    %broadcast_in_dim3A_364 = vector.broadcast %jit3A_363 : f32 to vector<128x1xf32>
    %select_n3A_365 = arith.select %eq3A_50, %broadcast_in_dim3A_364, %sub3A_362 : vector<128x1xi1>, vector<128x1xf32>
    %mul3A_366 = arith.mulf %select_n3A_355, %select_n3A_355 : vector<128x1xf32>
    %mul3A_367 = arith.mulf %select_n3A_360, %select_n3A_360 : vector<128x1xf32>
    %add3A_368 = arith.addf %mul3A_366, %mul3A_367 : vector<128x1xf32>
    %mul3A_369 = arith.mulf %select_n3A_365, %select_n3A_365 : vector<128x1xf32>
    %add3A_370 = arith.addf %add3A_368, %mul3A_369 : vector<128x1xf32>
    %sqrt3A_371 = math.sqrt %add3A_370 : vector<128x1xf32>
    %sub3A_372 = arith.subf %sqrt3A_371, %get3A_27 : vector<128x1xf32>
    %div3A_373 = vector.broadcast %get3A_2 : f32 to vector<128x1xf32>
    %div3A_374 = arith.divf %sub3A_372, %div3A_373 : vector<128x1xf32>
    %logistic3A_375 = arith.negf %div3A_374 : vector<128x1xf32>
    %logistic3A_376 = math.exp %logistic3A_375 : vector<128x1xf32>
    %logistic3A_377 = arith.constant 1.000000e+00 : f32
    %logistic3A_378 = vector.broadcast %logistic3A_377 : f32 to vector<128x1xf32>
    %logistic3A_379 = arith.addf %logistic3A_378, %logistic3A_376 : vector<128x1xf32>
    %logistic3A_380 = arith.divf %logistic3A_378, %logistic3A_379 : vector<128x1xf32>
    %sub3A_381 = arith.constant 1.000000e+00 : f32
    %sub3A_382 = vector.broadcast %sub3A_381 : f32 to vector<128x1xf32>
    %sub3A_383 = arith.subf %sub3A_382, %logistic3A_380 : vector<128x1xf32>
    %slice3A_384 = vector.extract_strided_slice %select_n3A_350 {offsets = [0, 3], sizes = [128, 64], strides = [1, 1]} : vector<128x67xf32> to vector<128x64xf32>
    %concatenate3A_385 = tpu.concatenate %select_n3A_355, %select_n3A_360, %select_n3A_365, %slice3A_384 in 1 : vector<128x1xf32>, vector<128x1xf32>, vector<128x1xf32>, vector<128x64xf32> -> vector<128x67xf32>
    %swap3A_386 = arith.constant 0 : index
    %swap3A_387 = arith.constant 4 : index
    %swap3A_388 = arith.constant 0 : index
    %swap3A_389 = vector.load %arg8[%swap3A_386, %swap3A_387, %swap3A_388] : memref<128x32x67xf32, #tpu.memory_space<vmem>>, vector<128x1x67xf32>
    %swap3A_390 = vector.shape_cast %swap3A_389 : vector<128x1x67xf32> to vector<128x67xf32>
    %swap3A_391 = vector.shape_cast %concatenate3A_385 : vector<128x67xf32> to vector<128x1x67xf32>
    tpu.vector_store %arg8[%swap3A_386, %swap3A_387, %swap3A_388], %swap3A_391 {strides = array<i32>} : memref<128x32x67xf32, #tpu.memory_space<vmem>>, vector<128x1x67xf32>,
    %squeeze3A_392 = vector.shape_cast %sub3A_383 : vector<128x1xf32> to vector<128xf32>
    %swap3A_393 = arith.constant 0 : index
    %swap3A_394 = arith.constant 4 : index
    %swap3A_395 = vector.load %arg9[%swap3A_393, %swap3A_394] : memref<128x32xf32, #tpu.memory_space<vmem>>, vector<128x1xf32>
    %swap3A_396 = vector.shape_cast %swap3A_395 : vector<128x1xf32> to vector<128xf32>
    %swap3A_397 = vector.shape_cast %squeeze3A_392 : vector<128xf32> to vector<128x1xf32>
    tpu.vector_store %arg9[%swap3A_393, %swap3A_394], %swap3A_397 {strides = array<i32>} : memref<128x32xf32, #tpu.memory_space<vmem>>, vector<128x1xf32>,
    %squeeze3A_398 = vector.shape_cast %gt3A_342 : vector<128x1xi1> to vector<128xi1>
    %get3A_399 = arith.constant 0 : index
    %get3A_400 = arith.constant 4 : index
    %get3A_401 = vector.load %arg10[%get3A_399, %get3A_400] : memref<128x32xi32, #tpu.memory_space<vmem>>, vector<128x1xi32>
    %get3A_402 = vector.shape_cast %get3A_401 : vector<128x1xi32> to vector<128xi32>
    %select_n3A_403 = arith.select %squeeze3A_398, %get3A_402, %get3A_59 : vector<128xi1>, vector<128xi32>
    %swap3A_404 = arith.constant 0 : index
    %swap3A_405 = arith.constant 4 : index
    %swap3A_406 = vector.load %arg10[%swap3A_404, %swap3A_405] : memref<128x32xi32, #tpu.memory_space<vmem>>, vector<128x1xi32>
    %swap3A_407 = vector.shape_cast %swap3A_406 : vector<128x1xi32> to vector<128xi32>
    %swap3A_408 = vector.shape_cast %select_n3A_403 : vector<128xi32> to vector<128x1xi32>
    tpu.vector_store %arg10[%swap3A_404, %swap3A_405], %swap3A_408 {strides = array<i32>} : memref<128x32xi32, #tpu.memory_space<vmem>>, vector<128x1xi32>,
    %max3A_409 = arith.constant 1 : i32
    %max3A_410 = vector.broadcast %max3A_409 : i32 to vector<128x1xi32>
    %max3A_411 = arith.maxsi %while3A_48#1, %max3A_410 : vector<128x1xi32>
    %gt3A_412 = arith.constant 5 : i32
    %gt3A_413 = vector.broadcast %gt3A_412 : i32 to vector<128x1xi32>
    %gt3A_414 = arith.cmpi sgt, %max3A_411, %gt3A_413 : vector<128x1xi32>
    %get3A_415 = arith.constant 0 : index
    %get3A_416 = arith.constant 5 : index
    %get3A_417 = arith.constant 0 : index
    %get3A_418 = vector.load %arg8[%get3A_415, %get3A_416, %get3A_417] : memref<128x32x67xf32, #tpu.memory_space<vmem>>, vector<128x1x67xf32>
    %get3A_419 = vector.shape_cast %get3A_418 : vector<128x1x67xf32> to vector<128x67xf32>
    %broadcast_in_dim3A_420 = vector.shape_cast %gt3A_414 : vector<128x1xi1> to vector<128x1xi1>
    %broadcast_in_dim3A_421 = vector.broadcast %broadcast_in_dim3A_420 : vector<128x1xi1> to vector<128x67xi1>
    %select_n3A_422 = arith.select %broadcast_in_dim3A_421, %get3A_419, %get3A_55 : vector<128x67xi1>, vector<128x67xf32>
    %slice3A_423 = vector.extract_strided_slice %select_n3A_422 {offsets = [0, 0], sizes = [128, 1], strides = [1, 1]} : vector<128x67xf32> to vector<128x1xf32>
    %sub3A_424 = arith.subf %slice3A_423, %get3A_12 : vector<128x1xf32>
    %jit3A_425 = arith.constant 0.000000e+00 : f32
    %broadcast_in_dim3A_426 = vector.broadcast %jit3A_425 : f32 to vector<128x1xf32>
    %select_n3A_427 = arith.select %eq3A_50, %broadcast_in_dim3A_426, %sub3A_424 : vector<128x1xi1>, vector<128x1xf32>
    %slice3A_428 = vector.extract_strided_slice %select_n3A_422 {offsets = [0, 1], sizes = [128, 1], strides = [1, 1]} : vector<128x67xf32> to vector<128x1xf32>
    %sub3A_429 = arith.subf %slice3A_428, %get3A_17 : vector<128x1xf32>
    %jit3A_430 = arith.constant 0.000000e+00 : f32
    %broadcast_in_dim3A_431 = vector.broadcast %jit3A_430 : f32 to vector<128x1xf32>
    %select_n3A_432 = arith.select %eq3A_50, %broadcast_in_dim3A_431, %sub3A_429 : vector<128x1xi1>, vector<128x1xf32>
    %slice3A_433 = vector.extract_strided_slice %select_n3A_422 {offsets = [0, 2], sizes = [128, 1], strides = [1, 1]} : vector<128x67xf32> to vector<128x1xf32>
    %sub3A_434 = arith.subf %slice3A_433, %get3A_22 : vector<128x1xf32>
    %jit3A_435 = arith.constant 0.000000e+00 : f32
    %broadcast_in_dim3A_436 = vector.broadcast %jit3A_435 : f32 to vector<128x1xf32>
    %select_n3A_437 = arith.select %eq3A_50, %broadcast_in_dim3A_436, %sub3A_434 : vector<128x1xi1>, vector<128x1xf32>
    %mul3A_438 = arith.mulf %select_n3A_427, %select_n3A_427 : vector<128x1xf32>
    %mul3A_439 = arith.mulf %select_n3A_432, %select_n3A_432 : vector<128x1xf32>
    %add3A_440 = arith.addf %mul3A_438, %mul3A_439 : vector<128x1xf32>
    %mul3A_441 = arith.mulf %select_n3A_437, %select_n3A_437 : vector<128x1xf32>
    %add3A_442 = arith.addf %add3A_440, %mul3A_441 : vector<128x1xf32>
    %sqrt3A_443 = math.sqrt %add3A_442 : vector<128x1xf32>
    %sub3A_444 = arith.subf %sqrt3A_443, %get3A_27 : vector<128x1xf32>
    %div3A_445 = vector.broadcast %get3A_2 : f32 to vector<128x1xf32>
    %div3A_446 = arith.divf %sub3A_444, %div3A_445 : vector<128x1xf32>
    %logistic3A_447 = arith.negf %div3A_446 : vector<128x1xf32>
    %logistic3A_448 = math.exp %logistic3A_447 : vector<128x1xf32>
    %logistic3A_449 = arith.constant 1.000000e+00 : f32
    %logistic3A_450 = vector.broadcast %logistic3A_449 : f32 to vector<128x1xf32>
    %logistic3A_451 = arith.addf %logistic3A_450, %logistic3A_448 : vector<128x1xf32>
    %logistic3A_452 = arith.divf %logistic3A_450, %logistic3A_451 : vector<128x1xf32>
    %sub3A_453 = arith.constant 1.000000e+00 : f32
    %sub3A_454 = vector.broadcast %sub3A_453 : f32 to vector<128x1xf32>
    %sub3A_455 = arith.subf %sub3A_454, %logistic3A_452 : vector<128x1xf32>
    %slice3A_456 = vector.extract_strided_slice %select_n3A_422 {offsets = [0, 3], sizes = [128, 64], strides = [1, 1]} : vector<128x67xf32> to vector<128x64xf32>
    %concatenate3A_457 = tpu.concatenate %select_n3A_427, %select_n3A_432, %select_n3A_437, %slice3A_456 in 1 : vector<128x1xf32>, vector<128x1xf32>, vector<128x1xf32>, vector<128x64xf32> -> vector<128x67xf32>
    %swap3A_458 = arith.constant 0 : index
    %swap3A_459 = arith.constant 5 : index
    %swap3A_460 = arith.constant 0 : index
    %swap3A_461 = vector.load %arg8[%swap3A_458, %swap3A_459, %swap3A_460] : memref<128x32x67xf32, #tpu.memory_space<vmem>>, vector<128x1x67xf32>
    %swap3A_462 = vector.shape_cast %swap3A_461 : vector<128x1x67xf32> to vector<128x67xf32>
    %swap3A_463 = vector.shape_cast %concatenate3A_457 : vector<128x67xf32> to vector<128x1x67xf32>
    tpu.vector_store %arg8[%swap3A_458, %swap3A_459, %swap3A_460], %swap3A_463 {strides = array<i32>} : memref<128x32x67xf32, #tpu.memory_space<vmem>>, vector<128x1x67xf32>,
    %squeeze3A_464 = vector.shape_cast %sub3A_455 : vector<128x1xf32> to vector<128xf32>
    %swap3A_465 = arith.constant 0 : index
    %swap3A_466 = arith.constant 5 : index
    %swap3A_467 = vector.load %arg9[%swap3A_465, %swap3A_466] : memref<128x32xf32, #tpu.memory_space<vmem>>, vector<128x1xf32>
    %swap3A_468 = vector.shape_cast %swap3A_467 : vector<128x1xf32> to vector<128xf32>
    %swap3A_469 = vector.shape_cast %squeeze3A_464 : vector<128xf32> to vector<128x1xf32>
    tpu.vector_store %arg9[%swap3A_465, %swap3A_466], %swap3A_469 {strides = array<i32>} : memref<128x32xf32, #tpu.memory_space<vmem>>, vector<128x1xf32>,
    %squeeze3A_470 = vector.shape_cast %gt3A_414 : vector<128x1xi1> to vector<128xi1>
    %get3A_471 = arith.constant 0 : index
    %get3A_472 = arith.constant 5 : index
    %get3A_473 = vector.load %arg10[%get3A_471, %get3A_472] : memref<128x32xi32, #tpu.memory_space<vmem>>, vector<128x1xi32>
    %get3A_474 = vector.shape_cast %get3A_473 : vector<128x1xi32> to vector<128xi32>
    %select_n3A_475 = arith.select %squeeze3A_470, %get3A_474, %get3A_59 : vector<128xi1>, vector<128xi32>
    %swap3A_476 = arith.constant 0 : index
    %swap3A_477 = arith.constant 5 : index
    %swap3A_478 = vector.load %arg10[%swap3A_476, %swap3A_477] : memref<128x32xi32, #tpu.memory_space<vmem>>, vector<128x1xi32>
    %swap3A_479 = vector.shape_cast %swap3A_478 : vector<128x1xi32> to vector<128xi32>
    %swap3A_480 = vector.shape_cast %select_n3A_475 : vector<128xi32> to vector<128x1xi32>
    tpu.vector_store %arg10[%swap3A_476, %swap3A_477], %swap3A_480 {strides = array<i32>} : memref<128x32xi32, #tpu.memory_space<vmem>>, vector<128x1xi32>,
    %max3A_481 = arith.constant 1 : i32
    %max3A_482 = vector.broadcast %max3A_481 : i32 to vector<128x1xi32>
    %max3A_483 = arith.maxsi %while3A_48#1, %max3A_482 : vector<128x1xi32>
    %gt3A_484 = arith.constant 6 : i32
    %gt3A_485 = vector.broadcast %gt3A_484 : i32 to vector<128x1xi32>
    %gt3A_486 = arith.cmpi sgt, %max3A_483, %gt3A_485 : vector<128x1xi32>
    %get3A_487 = arith.constant 0 : index
    %get3A_488 = arith.constant 6 : index
    %get3A_489 = arith.constant 0 : index
    %get3A_490 = vector.load %arg8[%get3A_487, %get3A_488, %get3A_489] : memref<128x32x67xf32, #tpu.memory_space<vmem>>, vector<128x1x67xf32>
    %get3A_491 = vector.shape_cast %get3A_490 : vector<128x1x67xf32> to vector<128x67xf32>
    %broadcast_in_dim3A_492 = vector.shape_cast %gt3A_486 : vector<128x1xi1> to vector<128x1xi1>
    %broadcast_in_dim3A_493 = vector.broadcast %broadcast_in_dim3A_492 : vector<128x1xi1> to vector<128x67xi1>
    %select_n3A_494 = arith.select %broadcast_in_dim3A_493, %get3A_491, %get3A_55 : vector<128x67xi1>, vector<128x67xf32>
    %slice3A_495 = vector.extract_strided_slice %select_n3A_494 {offsets = [0, 0], sizes = [128, 1], strides = [1, 1]} : vector<128x67xf32> to vector<128x1xf32>
    %sub3A_496 = arith.subf %slice3A_495, %get3A_12 : vector<128x1xf32>
    %jit3A_497 = arith.constant 0.000000e+00 : f32
    %broadcast_in_dim3A_498 = vector.broadcast %jit3A_497 : f32 to vector<128x1xf32>
    %select_n3A_499 = arith.select %eq3A_50, %broadcast_in_dim3A_498, %sub3A_496 : vector<128x1xi1>, vector<128x1xf32>
    %slice3A_500 = vector.extract_strided_slice %select_n3A_494 {offsets = [0, 1], sizes = [128, 1], strides = [1, 1]} : vector<128x67xf32> to vector<128x1xf32>
    %sub3A_501 = arith.subf %slice3A_500, %get3A_17 : vector<128x1xf32>
    %jit3A_502 = arith.constant 0.000000e+00 : f32
    %broadcast_in_dim3A_503 = vector.broadcast %jit3A_502 : f32 to vector<128x1xf32>
    %select_n3A_504 = arith.select %eq3A_50, %broadcast_in_dim3A_503, %sub3A_501 : vector<128x1xi1>, vector<128x1xf32>
    %slice3A_505 = vector.extract_strided_slice %select_n3A_494 {offsets = [0, 2], sizes = [128, 1], strides = [1, 1]} : vector<128x67xf32> to vector<128x1xf32>
    %sub3A_506 = arith.subf %slice3A_505, %get3A_22 : vector<128x1xf32>
    %jit3A_507 = arith.constant 0.000000e+00 : f32
    %broadcast_in_dim3A_508 = vector.broadcast %jit3A_507 : f32 to vector<128x1xf32>
    %select_n3A_509 = arith.select %eq3A_50, %broadcast_in_dim3A_508, %sub3A_506 : vector<128x1xi1>, vector<128x1xf32>
    %mul3A_510 = arith.mulf %select_n3A_499, %select_n3A_499 : vector<128x1xf32>
    %mul3A_511 = arith.mulf %select_n3A_504, %select_n3A_504 : vector<128x1xf32>
    %add3A_512 = arith.addf %mul3A_510, %mul3A_511 : vector<128x1xf32>
    %mul3A_513 = arith.mulf %select_n3A_509, %select_n3A_509 : vector<128x1xf32>
    %add3A_514 = arith.addf %add3A_512, %mul3A_513 : vector<128x1xf32>
    %sqrt3A_515 = math.sqrt %add3A_514 : vector<128x1xf32>
    %sub3A_516 = arith.subf %sqrt3A_515, %get3A_27 : vector<128x1xf32>
    %div3A_517 = vector.broadcast %get3A_2 : f32 to vector<128x1xf32>
    %div3A_518 = arith.divf %sub3A_516, %div3A_517 : vector<128x1xf32>
    %logistic3A_519 = arith.negf %div3A_518 : vector<128x1xf32>
    %logistic3A_520 = math.exp %logistic3A_519 : vector<128x1xf32>
    %logistic3A_521 = arith.constant 1.000000e+00 : f32
    %logistic3A_522 = vector.broadcast %logistic3A_521 : f32 to vector<128x1xf32>
    %logistic3A_523 = arith.addf %logistic3A_522, %logistic3A_520 : vector<128x1xf32>
    %logistic3A_524 = arith.divf %logistic3A_522, %logistic3A_523 : vector<128x1xf32>
    %sub3A_525 = arith.constant 1.000000e+00 : f32
    %sub3A_526 = vector.broadcast %sub3A_525 : f32 to vector<128x1xf32>
    %sub3A_527 = arith.subf %sub3A_526, %logistic3A_524 : vector<128x1xf32>
    %slice3A_528 = vector.extract_strided_slice %select_n3A_494 {offsets = [0, 3], sizes = [128, 64], strides = [1, 1]} : vector<128x67xf32> to vector<128x64xf32>
    %concatenate3A_529 = tpu.concatenate %select_n3A_499, %select_n3A_504, %select_n3A_509, %slice3A_528 in 1 : vector<128x1xf32>, vector<128x1xf32>, vector<128x1xf32>, vector<128x64xf32> -> vector<128x67xf32>
    %swap3A_530 = arith.constant 0 : index
    %swap3A_531 = arith.constant 6 : index
    %swap3A_532 = arith.constant 0 : index
    %swap3A_533 = vector.load %arg8[%swap3A_530, %swap3A_531, %swap3A_532] : memref<128x32x67xf32, #tpu.memory_space<vmem>>, vector<128x1x67xf32>
    %swap3A_534 = vector.shape_cast %swap3A_533 : vector<128x1x67xf32> to vector<128x67xf32>
    %swap3A_535 = vector.shape_cast %concatenate3A_529 : vector<128x67xf32> to vector<128x1x67xf32>
    tpu.vector_store %arg8[%swap3A_530, %swap3A_531, %swap3A_532], %swap3A_535 {strides = array<i32>} : memref<128x32x67xf32, #tpu.memory_space<vmem>>, vector<128x1x67xf32>,
    %squeeze3A_536 = vector.shape_cast %sub3A_527 : vector<128x1xf32> to vector<128xf32>
    %swap3A_537 = arith.constant 0 : index
    %swap3A_538 = arith.constant 6 : index
    %swap3A_539 = vector.load %arg9[%swap3A_537, %swap3A_538] : memref<128x32xf32, #tpu.memory_space<vmem>>, vector<128x1xf32>
    %swap3A_540 = vector.shape_cast %swap3A_539 : vector<128x1xf32> to vector<128xf32>
    %swap3A_541 = vector.shape_cast %squeeze3A_536 : vector<128xf32> to vector<128x1xf32>
    tpu.vector_store %arg9[%swap3A_537, %swap3A_538], %swap3A_541 {strides = array<i32>} : memref<128x32xf32, #tpu.memory_space<vmem>>, vector<128x1xf32>,
    %squeeze3A_542 = vector.shape_cast %gt3A_486 : vector<128x1xi1> to vector<128xi1>
    %get3A_543 = arith.constant 0 : index
    %get3A_544 = arith.constant 6 : index
    %get3A_545 = vector.load %arg10[%get3A_543, %get3A_544] : memref<128x32xi32, #tpu.memory_space<vmem>>, vector<128x1xi32>
    %get3A_546 = vector.shape_cast %get3A_545 : vector<128x1xi32> to vector<128xi32>
    %select_n3A_547 = arith.select %squeeze3A_542, %get3A_546, %get3A_59 : vector<128xi1>, vector<128xi32>
    %swap3A_548 = arith.constant 0 : index
    %swap3A_549 = arith.constant 6 : index
    %swap3A_550 = vector.load %arg10[%swap3A_548, %swap3A_549] : memref<128x32xi32, #tpu.memory_space<vmem>>, vector<128x1xi32>
    %swap3A_551 = vector.shape_cast %swap3A_550 : vector<128x1xi32> to vector<128xi32>
    %swap3A_552 = vector.shape_cast %select_n3A_547 : vector<128xi32> to vector<128x1xi32>
    tpu.vector_store %arg10[%swap3A_548, %swap3A_549], %swap3A_552 {strides = array<i32>} : memref<128x32xi32, #tpu.memory_space<vmem>>, vector<128x1xi32>,
    %max3A_553 = arith.constant 1 : i32
    %max3A_554 = vector.broadcast %max3A_553 : i32 to vector<128x1xi32>
    %max3A_555 = arith.maxsi %while3A_48#1, %max3A_554 : vector<128x1xi32>
    %gt3A_556 = arith.constant 7 : i32
    %gt3A_557 = vector.broadcast %gt3A_556 : i32 to vector<128x1xi32>
    %gt3A_558 = arith.cmpi sgt, %max3A_555, %gt3A_557 : vector<128x1xi32>
    %get3A_559 = arith.constant 0 : index
    %get3A_560 = arith.constant 7 : index
    %get3A_561 = arith.constant 0 : index
    %get3A_562 = vector.load %arg8[%get3A_559, %get3A_560, %get3A_561] : memref<128x32x67xf32, #tpu.memory_space<vmem>>, vector<128x1x67xf32>
    %get3A_563 = vector.shape_cast %get3A_562 : vector<128x1x67xf32> to vector<128x67xf32>
    %broadcast_in_dim3A_564 = vector.shape_cast %gt3A_558 : vector<128x1xi1> to vector<128x1xi1>
    %broadcast_in_dim3A_565 = vector.broadcast %broadcast_in_dim3A_564 : vector<128x1xi1> to vector<128x67xi1>
    %select_n3A_566 = arith.select %broadcast_in_dim3A_565, %get3A_563, %get3A_55 : vector<128x67xi1>, vector<128x67xf32>
    %slice3A_567 = vector.extract_strided_slice %select_n3A_566 {offsets = [0, 0], sizes = [128, 1], strides = [1, 1]} : vector<128x67xf32> to vector<128x1xf32>
    %sub3A_568 = arith.subf %slice3A_567, %get3A_12 : vector<128x1xf32>
    %jit3A_569 = arith.constant 0.000000e+00 : f32
    %broadcast_in_dim3A_570 = vector.broadcast %jit3A_569 : f32 to vector<128x1xf32>
    %select_n3A_571 = arith.select %eq3A_50, %broadcast_in_dim3A_570, %sub3A_568 : vector<128x1xi1>, vector<128x1xf32>
    %slice3A_572 = vector.extract_strided_slice %select_n3A_566 {offsets = [0, 1], sizes = [128, 1], strides = [1, 1]} : vector<128x67xf32> to vector<128x1xf32>
    %sub3A_573 = arith.subf %slice3A_572, %get3A_17 : vector<128x1xf32>
    %jit3A_574 = arith.constant 0.000000e+00 : f32
    %broadcast_in_dim3A_575 = vector.broadcast %jit3A_574 : f32 to vector<128x1xf32>
    %select_n3A_576 = arith.select %eq3A_50, %broadcast_in_dim3A_575, %sub3A_573 : vector<128x1xi1>, vector<128x1xf32>
    %slice3A_577 = vector.extract_strided_slice %select_n3A_566 {offsets = [0, 2], sizes = [128, 1], strides = [1, 1]} : vector<128x67xf32> to vector<128x1xf32>
    %sub3A_578 = arith.subf %slice3A_577, %get3A_22 : vector<128x1xf32>
    %jit3A_579 = arith.constant 0.000000e+00 : f32
    %broadcast_in_dim3A_580 = vector.broadcast %jit3A_579 : f32 to vector<128x1xf32>
    %select_n3A_581 = arith.select %eq3A_50, %broadcast_in_dim3A_580, %sub3A_578 : vector<128x1xi1>, vector<128x1xf32>
    %mul3A_582 = arith.mulf %select_n3A_571, %select_n3A_571 : vector<128x1xf32>
    %mul3A_583 = arith.mulf %select_n3A_576, %select_n3A_576 : vector<128x1xf32>
    %add3A_584 = arith.addf %mul3A_582, %mul3A_583 : vector<128x1xf32>
    %mul3A_585 = arith.mulf %select_n3A_581, %select_n3A_581 : vector<128x1xf32>
    %add3A_586 = arith.addf %add3A_584, %mul3A_585 : vector<128x1xf32>
    %sqrt3A_587 = math.sqrt %add3A_586 : vector<128x1xf32>
    %sub3A_588 = arith.subf %sqrt3A_587, %get3A_27 : vector<128x1xf32>
    %div3A_589 = vector.broadcast %get3A_2 : f32 to vector<128x1xf32>
    %div3A_590 = arith.divf %sub3A_588, %div3A_589 : vector<128x1xf32>
    %logistic3A_591 = arith.negf %div3A_590 : vector<128x1xf32>
    %logistic3A_592 = math.exp %logistic3A_591 : vector<128x1xf32>
    %logistic3A_593 = arith.constant 1.000000e+00 : f32
    %logistic3A_594 = vector.broadcast %logistic3A_593 : f32 to vector<128x1xf32>
    %logistic3A_595 = arith.addf %logistic3A_594, %logistic3A_592 : vector<128x1xf32>
    %logistic3A_596 = arith.divf %logistic3A_594, %logistic3A_595 : vector<128x1xf32>
    %sub3A_597 = arith.constant 1.000000e+00 : f32
    %sub3A_598 = vector.broadcast %sub3A_597 : f32 to vector<128x1xf32>
    %sub3A_599 = arith.subf %sub3A_598, %logistic3A_596 : vector<128x1xf32>
    %slice3A_600 = vector.extract_strided_slice %select_n3A_566 {offsets = [0, 3], sizes = [128, 64], strides = [1, 1]} : vector<128x67xf32> to vector<128x64xf32>
    %concatenate3A_601 = tpu.concatenate %select_n3A_571, %select_n3A_576, %select_n3A_581, %slice3A_600 in 1 : vector<128x1xf32>, vector<128x1xf32>, vector<128x1xf32>, vector<128x64xf32> -> vector<128x67xf32>
    %swap3A_602 = arith.constant 0 : index
    %swap3A_603 = arith.constant 7 : index
    %swap3A_604 = arith.constant 0 : index
    %swap3A_605 = vector.load %arg8[%swap3A_602, %swap3A_603, %swap3A_604] : memref<128x32x67xf32, #tpu.memory_space<vmem>>, vector<128x1x67xf32>
    %swap3A_606 = vector.shape_cast %swap3A_605 : vector<128x1x67xf32> to vector<128x67xf32>
    %swap3A_607 = vector.shape_cast %concatenate3A_601 : vector<128x67xf32> to vector<128x1x67xf32>
    tpu.vector_store %arg8[%swap3A_602, %swap3A_603, %swap3A_604], %swap3A_607 {strides = array<i32>} : memref<128x32x67xf32, #tpu.memory_space<vmem>>, vector<128x1x67xf32>,
    %squeeze3A_608 = vector.shape_cast %sub3A_599 : vector<128x1xf32> to vector<128xf32>
    %swap3A_609 = arith.constant 0 : index
    %swap3A_610 = arith.constant 7 : index
    %swap3A_611 = vector.load %arg9[%swap3A_609, %swap3A_610] : memref<128x32xf32, #tpu.memory_space<vmem>>, vector<128x1xf32>
    %swap3A_612 = vector.shape_cast %swap3A_611 : vector<128x1xf32> to vector<128xf32>
    %swap3A_613 = vector.shape_cast %squeeze3A_608 : vector<128xf32> to vector<128x1xf32>
    tpu.vector_store %arg9[%swap3A_609, %swap3A_610], %swap3A_613 {strides = array<i32>} : memref<128x32xf32, #tpu.memory_space<vmem>>, vector<128x1xf32>,
    %squeeze3A_614 = vector.shape_cast %gt3A_558 : vector<128x1xi1> to vector<128xi1>
    %get3A_615 = arith.constant 0 : index
    %get3A_616 = arith.constant 7 : index
    %get3A_617 = vector.load %arg10[%get3A_615, %get3A_616] : memref<128x32xi32, #tpu.memory_space<vmem>>, vector<128x1xi32>
    %get3A_618 = vector.shape_cast %get3A_617 : vector<128x1xi32> to vector<128xi32>
    %select_n3A_619 = arith.select %squeeze3A_614, %get3A_618, %get3A_59 : vector<128xi1>, vector<128xi32>
    %swap3A_620 = arith.constant 0 : index
    %swap3A_621 = arith.constant 7 : index
    %swap3A_622 = vector.load %arg10[%swap3A_620, %swap3A_621] : memref<128x32xi32, #tpu.memory_space<vmem>>, vector<128x1xi32>
    %swap3A_623 = vector.shape_cast %swap3A_622 : vector<128x1xi32> to vector<128xi32>
    %swap3A_624 = vector.shape_cast %select_n3A_619 : vector<128xi32> to vector<128x1xi32>
    tpu.vector_store %arg10[%swap3A_620, %swap3A_621], %swap3A_624 {strides = array<i32>} : memref<128x32xi32, #tpu.memory_space<vmem>>, vector<128x1xi32>,
    %max3A_625 = arith.constant 1 : i32
    %max3A_626 = vector.broadcast %max3A_625 : i32 to vector<128x1xi32>
    %max3A_627 = arith.maxsi %while3A_48#1, %max3A_626 : vector<128x1xi32>
    %gt3A_628 = arith.constant 8 : i32
    %gt3A_629 = vector.broadcast %gt3A_628 : i32 to vector<128x1xi32>
    %gt3A_630 = arith.cmpi sgt, %max3A_627, %gt3A_629 : vector<128x1xi32>
    %get3A_631 = arith.constant 0 : index
    %get3A_632 = arith.constant 8 : index
    %get3A_633 = arith.constant 0 : index
    %get3A_634 = vector.load %arg8[%get3A_631, %get3A_632, %get3A_633] : memref<128x32x67xf32, #tpu.memory_space<vmem>>, vector<128x1x67xf32>
    %get3A_635 = vector.shape_cast %get3A_634 : vector<128x1x67xf32> to vector<128x67xf32>
    %broadcast_in_dim3A_636 = vector.shape_cast %gt3A_630 : vector<128x1xi1> to vector<128x1xi1>
    %broadcast_in_dim3A_637 = vector.broadcast %broadcast_in_dim3A_636 : vector<128x1xi1> to vector<128x67xi1>
    %select_n3A_638 = arith.select %broadcast_in_dim3A_637, %get3A_635, %get3A_55 : vector<128x67xi1>, vector<128x67xf32>
    %slice3A_639 = vector.extract_strided_slice %select_n3A_638 {offsets = [0, 0], sizes = [128, 1], strides = [1, 1]} : vector<128x67xf32> to vector<128x1xf32>
    %sub3A_640 = arith.subf %slice3A_639, %get3A_12 : vector<128x1xf32>
    %jit3A_641 = arith.constant 0.000000e+00 : f32
    %broadcast_in_dim3A_642 = vector.broadcast %jit3A_641 : f32 to vector<128x1xf32>
    %select_n3A_643 = arith.select %eq3A_50, %broadcast_in_dim3A_642, %sub3A_640 : vector<128x1xi1>, vector<128x1xf32>
    %slice3A_644 = vector.extract_strided_slice %select_n3A_638 {offsets = [0, 1], sizes = [128, 1], strides = [1, 1]} : vector<128x67xf32> to vector<128x1xf32>
    %sub3A_645 = arith.subf %slice3A_644, %get3A_17 : vector<128x1xf32>
    %jit3A_646 = arith.constant 0.000000e+00 : f32
    %broadcast_in_dim3A_647 = vector.broadcast %jit3A_646 : f32 to vector<128x1xf32>
    %select_n3A_648 = arith.select %eq3A_50, %broadcast_in_dim3A_647, %sub3A_645 : vector<128x1xi1>, vector<128x1xf32>
    %slice3A_649 = vector.extract_strided_slice %select_n3A_638 {offsets = [0, 2], sizes = [128, 1], strides = [1, 1]} : vector<128x67xf32> to vector<128x1xf32>
    %sub3A_650 = arith.subf %slice3A_649, %get3A_22 : vector<128x1xf32>
    %jit3A_651 = arith.constant 0.000000e+00 : f32
    %broadcast_in_dim3A_652 = vector.broadcast %jit3A_651 : f32 to vector<128x1xf32>
    %select_n3A_653 = arith.select %eq3A_50, %broadcast_in_dim3A_652, %sub3A_650 : vector<128x1xi1>, vector<128x1xf32>
    %mul3A_654 = arith.mulf %select_n3A_643, %select_n3A_643 : vector<128x1xf32>
    %mul3A_655 = arith.mulf %select_n3A_648, %select_n3A_648 : vector<128x1xf32>
    %add3A_656 = arith.addf %mul3A_654, %mul3A_655 : vector<128x1xf32>
    %mul3A_657 = arith.mulf %select_n3A_653, %select_n3A_653 : vector<128x1xf32>
    %add3A_658 = arith.addf %add3A_656, %mul3A_657 : vector<128x1xf32>
    %sqrt3A_659 = math.sqrt %add3A_658 : vector<128x1xf32>
    %sub3A_660 = arith.subf %sqrt3A_659, %get3A_27 : vector<128x1xf32>
    %div3A_661 = vector.broadcast %get3A_2 : f32 to vector<128x1xf32>
    %div3A_662 = arith.divf %sub3A_660, %div3A_661 : vector<128x1xf32>
    %logistic3A_663 = arith.negf %div3A_662 : vector<128x1xf32>
    %logistic3A_664 = math.exp %logistic3A_663 : vector<128x1xf32>
    %logistic3A_665 = arith.constant 1.000000e+00 : f32
    %logistic3A_666 = vector.broadcast %logistic3A_665 : f32 to vector<128x1xf32>
    %logistic3A_667 = arith.addf %logistic3A_666, %logistic3A_664 : vector<128x1xf32>
    %logistic3A_668 = arith.divf %logistic3A_666, %logistic3A_667 : vector<128x1xf32>
    %sub3A_669 = arith.constant 1.000000e+00 : f32
    %sub3A_670 = vector.broadcast %sub3A_669 : f32 to vector<128x1xf32>
    %sub3A_671 = arith.subf %sub3A_670, %logistic3A_668 : vector<128x1xf32>
    %slice3A_672 = vector.extract_strided_slice %select_n3A_638 {offsets = [0, 3], sizes = [128, 64], strides = [1, 1]} : vector<128x67xf32> to vector<128x64xf32>
    %concatenate3A_673 = tpu.concatenate %select_n3A_643, %select_n3A_648, %select_n3A_653, %slice3A_672 in 1 : vector<128x1xf32>, vector<128x1xf32>, vector<128x1xf32>, vector<128x64xf32> -> vector<128x67xf32>
    %swap3A_674 = arith.constant 0 : index
    %swap3A_675 = arith.constant 8 : index
    %swap3A_676 = arith.constant 0 : index
    %swap3A_677 = vector.load %arg8[%swap3A_674, %swap3A_675, %swap3A_676] : memref<128x32x67xf32, #tpu.memory_space<vmem>>, vector<128x1x67xf32>
    %swap3A_678 = vector.shape_cast %swap3A_677 : vector<128x1x67xf32> to vector<128x67xf32>
    %swap3A_679 = vector.shape_cast %concatenate3A_673 : vector<128x67xf32> to vector<128x1x67xf32>
    tpu.vector_store %arg8[%swap3A_674, %swap3A_675, %swap3A_676], %swap3A_679 {strides = array<i32>} : memref<128x32x67xf32, #tpu.memory_space<vmem>>, vector<128x1x67xf32>,
    %squeeze3A_680 = vector.shape_cast %sub3A_671 : vector<128x1xf32> to vector<128xf32>
    %swap3A_681 = arith.constant 0 : index
    %swap3A_682 = arith.constant 8 : index
    %swap3A_683 = vector.load %arg9[%swap3A_681, %swap3A_682] : memref<128x32xf32, #tpu.memory_space<vmem>>, vector<128x1xf32>
    %swap3A_684 = vector.shape_cast %swap3A_683 : vector<128x1xf32> to vector<128xf32>
    %swap3A_685 = vector.shape_cast %squeeze3A_680 : vector<128xf32> to vector<128x1xf32>
    tpu.vector_store %arg9[%swap3A_681, %swap3A_682], %swap3A_685 {strides = array<i32>} : memref<128x32xf32, #tpu.memory_space<vmem>>, vector<128x1xf32>,
    %squeeze3A_686 = vector.shape_cast %gt3A_630 : vector<128x1xi1> to vector<128xi1>
    %get3A_687 = arith.constant 0 : index
    %get3A_688 = arith.constant 8 : index
    %get3A_689 = vector.load %arg10[%get3A_687, %get3A_688] : memref<128x32xi32, #tpu.memory_space<vmem>>, vector<128x1xi32>
    %get3A_690 = vector.shape_cast %get3A_689 : vector<128x1xi32> to vector<128xi32>
    %select_n3A_691 = arith.select %squeeze3A_686, %get3A_690, %get3A_59 : vector<128xi1>, vector<128xi32>
    %swap3A_692 = arith.constant 0 : index
    %swap3A_693 = arith.constant 8 : index
    %swap3A_694 = vector.load %arg10[%swap3A_692, %swap3A_693] : memref<128x32xi32, #tpu.memory_space<vmem>>, vector<128x1xi32>
    %swap3A_695 = vector.shape_cast %swap3A_694 : vector<128x1xi32> to vector<128xi32>
    %swap3A_696 = vector.shape_cast %select_n3A_691 : vector<128xi32> to vector<128x1xi32>
    tpu.vector_store %arg10[%swap3A_692, %swap3A_693], %swap3A_696 {strides = array<i32>} : memref<128x32xi32, #tpu.memory_space<vmem>>, vector<128x1xi32>,
    %max3A_697 = arith.constant 1 : i32
    %max3A_698 = vector.broadcast %max3A_697 : i32 to vector<128x1xi32>
    %max3A_699 = arith.maxsi %while3A_48#1, %max3A_698 : vector<128x1xi32>
    %gt3A_700 = arith.constant 9 : i32
    %gt3A_701 = vector.broadcast %gt3A_700 : i32 to vector<128x1xi32>
    %gt3A_702 = arith.cmpi sgt, %max3A_699, %gt3A_701 : vector<128x1xi32>
    %get3A_703 = arith.constant 0 : index
    %get3A_704 = arith.constant 9 : index
    %get3A_705 = arith.constant 0 : index
    %get3A_706 = vector.load %arg8[%get3A_703, %get3A_704, %get3A_705] : memref<128x32x67xf32, #tpu.memory_space<vmem>>, vector<128x1x67xf32>
    %get3A_707 = vector.shape_cast %get3A_706 : vector<128x1x67xf32> to vector<128x67xf32>
    %broadcast_in_dim3A_708 = vector.shape_cast %gt3A_702 : vector<128x1xi1> to vector<128x1xi1>
    %broadcast_in_dim3A_709 = vector.broadcast %broadcast_in_dim3A_708 : vector<128x1xi1> to vector<128x67xi1>
    %select_n3A_710 = arith.select %broadcast_in_dim3A_709, %get3A_707, %get3A_55 : vector<128x67xi1>, vector<128x67xf32>
    %slice3A_711 = vector.extract_strided_slice %select_n3A_710 {offsets = [0, 0], sizes = [128, 1], strides = [1, 1]} : vector<128x67xf32> to vector<128x1xf32>
    %sub3A_712 = arith.subf %slice3A_711, %get3A_12 : vector<128x1xf32>
    %jit3A_713 = arith.constant 0.000000e+00 : f32
    %broadcast_in_dim3A_714 = vector.broadcast %jit3A_713 : f32 to vector<128x1xf32>
    %select_n3A_715 = arith.select %eq3A_50, %broadcast_in_dim3A_714, %sub3A_712 : vector<128x1xi1>, vector<128x1xf32>
    %slice3A_716 = vector.extract_strided_slice %select_n3A_710 {offsets = [0, 1], sizes = [128, 1], strides = [1, 1]} : vector<128x67xf32> to vector<128x1xf32>
    %sub3A_717 = arith.subf %slice3A_716, %get3A_17 : vector<128x1xf32>
    %jit3A_718 = arith.constant 0.000000e+00 : f32
    %broadcast_in_dim3A_719 = vector.broadcast %jit3A_718 : f32 to vector<128x1xf32>
    %select_n3A_720 = arith.select %eq3A_50, %broadcast_in_dim3A_719, %sub3A_717 : vector<128x1xi1>, vector<128x1xf32>
    %slice3A_721 = vector.extract_strided_slice %select_n3A_710 {offsets = [0, 2], sizes = [128, 1], strides = [1, 1]} : vector<128x67xf32> to vector<128x1xf32>
    %sub3A_722 = arith.subf %slice3A_721, %get3A_22 : vector<128x1xf32>
    %jit3A_723 = arith.constant 0.000000e+00 : f32
    %broadcast_in_dim3A_724 = vector.broadcast %jit3A_723 : f32 to vector<128x1xf32>
    %select_n3A_725 = arith.select %eq3A_50, %broadcast_in_dim3A_724, %sub3A_722 : vector<128x1xi1>, vector<128x1xf32>
    %mul3A_726 = arith.mulf %select_n3A_715, %select_n3A_715 : vector<128x1xf32>
    %mul3A_727 = arith.mulf %select_n3A_720, %select_n3A_720 : vector<128x1xf32>
    %add3A_728 = arith.addf %mul3A_726, %mul3A_727 : vector<128x1xf32>
    %mul3A_729 = arith.mulf %select_n3A_725, %select_n3A_725 : vector<128x1xf32>
    %add3A_730 = arith.addf %add3A_728, %mul3A_729 : vector<128x1xf32>
    %sqrt3A_731 = math.sqrt %add3A_730 : vector<128x1xf32>
    %sub3A_732 = arith.subf %sqrt3A_731, %get3A_27 : vector<128x1xf32>
    %div3A_733 = vector.broadcast %get3A_2 : f32 to vector<128x1xf32>
    %div3A_734 = arith.divf %sub3A_732, %div3A_733 : vector<128x1xf32>
    %logistic3A_735 = arith.negf %div3A_734 : vector<128x1xf32>
    %logistic3A_736 = math.exp %logistic3A_735 : vector<128x1xf32>
    %logistic3A_737 = arith.constant 1.000000e+00 : f32
    %logistic3A_738 = vector.broadcast %logistic3A_737 : f32 to vector<128x1xf32>
    %logistic3A_739 = arith.addf %logistic3A_738, %logistic3A_736 : vector<128x1xf32>
    %logistic3A_740 = arith.divf %logistic3A_738, %logistic3A_739 : vector<128x1xf32>
    %sub3A_741 = arith.constant 1.000000e+00 : f32
    %sub3A_742 = vector.broadcast %sub3A_741 : f32 to vector<128x1xf32>
    %sub3A_743 = arith.subf %sub3A_742, %logistic3A_740 : vector<128x1xf32>
    %slice3A_744 = vector.extract_strided_slice %select_n3A_710 {offsets = [0, 3], sizes = [128, 64], strides = [1, 1]} : vector<128x67xf32> to vector<128x64xf32>
    %concatenate3A_745 = tpu.concatenate %select_n3A_715, %select_n3A_720, %select_n3A_725, %slice3A_744 in 1 : vector<128x1xf32>, vector<128x1xf32>, vector<128x1xf32>, vector<128x64xf32> -> vector<128x67xf32>
    %swap3A_746 = arith.constant 0 : index
    %swap3A_747 = arith.constant 9 : index
    %swap3A_748 = arith.constant 0 : index
    %swap3A_749 = vector.load %arg8[%swap3A_746, %swap3A_747, %swap3A_748] : memref<128x32x67xf32, #tpu.memory_space<vmem>>, vector<128x1x67xf32>
    %swap3A_750 = vector.shape_cast %swap3A_749 : vector<128x1x67xf32> to vector<128x67xf32>
    %swap3A_751 = vector.shape_cast %concatenate3A_745 : vector<128x67xf32> to vector<128x1x67xf32>
    tpu.vector_store %arg8[%swap3A_746, %swap3A_747, %swap3A_748], %swap3A_751 {strides = array<i32>} : memref<128x32x67xf32, #tpu.memory_space<vmem>>, vector<128x1x67xf32>,
    %squeeze3A_752 = vector.shape_cast %sub3A_743 : vector<128x1xf32> to vector<128xf32>
    %swap3A_753 = arith.constant 0 : index
    %swap3A_754 = arith.constant 9 : index
    %swap3A_755 = vector.load %arg9[%swap3A_753, %swap3A_754] : memref<128x32xf32, #tpu.memory_space<vmem>>, vector<128x1xf32>
    %swap3A_756 = vector.shape_cast %swap3A_755 : vector<128x1xf32> to vector<128xf32>
    %swap3A_757 = vector.shape_cast %squeeze3A_752 : vector<128xf32> to vector<128x1xf32>
    tpu.vector_store %arg9[%swap3A_753, %swap3A_754], %swap3A_757 {strides = array<i32>} : memref<128x32xf32, #tpu.memory_space<vmem>>, vector<128x1xf32>,
    %squeeze3A_758 = vector.shape_cast %gt3A_702 : vector<128x1xi1> to vector<128xi1>
    %get3A_759 = arith.constant 0 : index
    %get3A_760 = arith.constant 9 : index
    %get3A_761 = vector.load %arg10[%get3A_759, %get3A_760] : memref<128x32xi32, #tpu.memory_space<vmem>>, vector<128x1xi32>
    %get3A_762 = vector.shape_cast %get3A_761 : vector<128x1xi32> to vector<128xi32>
    %select_n3A_763 = arith.select %squeeze3A_758, %get3A_762, %get3A_59 : vector<128xi1>, vector<128xi32>
    %swap3A_764 = arith.constant 0 : index
    %swap3A_765 = arith.constant 9 : index
    %swap3A_766 = vector.load %arg10[%swap3A_764, %swap3A_765] : memref<128x32xi32, #tpu.memory_space<vmem>>, vector<128x1xi32>
    %swap3A_767 = vector.shape_cast %swap3A_766 : vector<128x1xi32> to vector<128xi32>
    %swap3A_768 = vector.shape_cast %select_n3A_763 : vector<128xi32> to vector<128x1xi32>
    tpu.vector_store %arg10[%swap3A_764, %swap3A_765], %swap3A_768 {strides = array<i32>} : memref<128x32xi32, #tpu.memory_space<vmem>>, vector<128x1xi32>,
    %max3A_769 = arith.constant 1 : i32
    %max3A_770 = vector.broadcast %max3A_769 : i32 to vector<128x1xi32>
    %max3A_771 = arith.maxsi %while3A_48#1, %max3A_770 : vector<128x1xi32>
    %gt3A_772 = arith.constant 10 : i32
    %gt3A_773 = vector.broadcast %gt3A_772 : i32 to vector<128x1xi32>
    %gt3A_774 = arith.cmpi sgt, %max3A_771, %gt3A_773 : vector<128x1xi32>
    %get3A_775 = arith.constant 0 : index
    %get3A_776 = arith.constant 10 : index
    %get3A_777 = arith.constant 0 : index
    %get3A_778 = vector.load %arg8[%get3A_775, %get3A_776, %get3A_777] : memref<128x32x67xf32, #tpu.memory_space<vmem>>, vector<128x1x67xf32>
    %get3A_779 = vector.shape_cast %get3A_778 : vector<128x1x67xf32> to vector<128x67xf32>
    %broadcast_in_dim3A_780 = vector.shape_cast %gt3A_774 : vector<128x1xi1> to vector<128x1xi1>
    %broadcast_in_dim3A_781 = vector.broadcast %broadcast_in_dim3A_780 : vector<128x1xi1> to vector<128x67xi1>
    %select_n3A_782 = arith.select %broadcast_in_dim3A_781, %get3A_779, %get3A_55 : vector<128x67xi1>, vector<128x67xf32>
    %slice3A_783 = vector.extract_strided_slice %select_n3A_782 {offsets = [0, 0], sizes = [128, 1], strides = [1, 1]} : vector<128x67xf32> to vector<128x1xf32>
    %sub3A_784 = arith.subf %slice3A_783, %get3A_12 : vector<128x1xf32>
    %jit3A_785 = arith.constant 0.000000e+00 : f32
    %broadcast_in_dim3A_786 = vector.broadcast %jit3A_785 : f32 to vector<128x1xf32>
    %select_n3A_787 = arith.select %eq3A_50, %broadcast_in_dim3A_786, %sub3A_784 : vector<128x1xi1>, vector<128x1xf32>
    %slice3A_788 = vector.extract_strided_slice %select_n3A_782 {offsets = [0, 1], sizes = [128, 1], strides = [1, 1]} : vector<128x67xf32> to vector<128x1xf32>
    %sub3A_789 = arith.subf %slice3A_788, %get3A_17 : vector<128x1xf32>
    %jit3A_790 = arith.constant 0.000000e+00 : f32
    %broadcast_in_dim3A_791 = vector.broadcast %jit3A_790 : f32 to vector<128x1xf32>
    %select_n3A_792 = arith.select %eq3A_50, %broadcast_in_dim3A_791, %sub3A_789 : vector<128x1xi1>, vector<128x1xf32>
    %slice3A_793 = vector.extract_strided_slice %select_n3A_782 {offsets = [0, 2], sizes = [128, 1], strides = [1, 1]} : vector<128x67xf32> to vector<128x1xf32>
    %sub3A_794 = arith.subf %slice3A_793, %get3A_22 : vector<128x1xf32>
    %jit3A_795 = arith.constant 0.000000e+00 : f32
    %broadcast_in_dim3A_796 = vector.broadcast %jit3A_795 : f32 to vector<128x1xf32>
    %select_n3A_797 = arith.select %eq3A_50, %broadcast_in_dim3A_796, %sub3A_794 : vector<128x1xi1>, vector<128x1xf32>
    %mul3A_798 = arith.mulf %select_n3A_787, %select_n3A_787 : vector<128x1xf32>
    %mul3A_799 = arith.mulf %select_n3A_792, %select_n3A_792 : vector<128x1xf32>
    %add3A_800 = arith.addf %mul3A_798, %mul3A_799 : vector<128x1xf32>
    %mul3A_801 = arith.mulf %select_n3A_797, %select_n3A_797 : vector<128x1xf32>
    %add3A_802 = arith.addf %add3A_800, %mul3A_801 : vector<128x1xf32>
    %sqrt3A_803 = math.sqrt %add3A_802 : vector<128x1xf32>
    %sub3A_804 = arith.subf %sqrt3A_803, %get3A_27 : vector<128x1xf32>
    %div3A_805 = vector.broadcast %get3A_2 : f32 to vector<128x1xf32>
    %div3A_806 = arith.divf %sub3A_804, %div3A_805 : vector<128x1xf32>
    %logistic3A_807 = arith.negf %div3A_806 : vector<128x1xf32>
    %logistic3A_808 = math.exp %logistic3A_807 : vector<128x1xf32>
    %logistic3A_809 = arith.constant 1.000000e+00 : f32
    %logistic3A_810 = vector.broadcast %logistic3A_809 : f32 to vector<128x1xf32>
    %logistic3A_811 = arith.addf %logistic3A_810, %logistic3A_808 : vector<128x1xf32>
    %logistic3A_812 = arith.divf %logistic3A_810, %logistic3A_811 : vector<128x1xf32>
    %sub3A_813 = arith.constant 1.000000e+00 : f32
    %sub3A_814 = vector.broadcast %sub3A_813 : f32 to vector<128x1xf32>
    %sub3A_815 = arith.subf %sub3A_814, %logistic3A_812 : vector<128x1xf32>
    %slice3A_816 = vector.extract_strided_slice %select_n3A_782 {offsets = [0, 3], sizes = [128, 64], strides = [1, 1]} : vector<128x67xf32> to vector<128x64xf32>
    %concatenate3A_817 = tpu.concatenate %select_n3A_787, %select_n3A_792, %select_n3A_797, %slice3A_816 in 1 : vector<128x1xf32>, vector<128x1xf32>, vector<128x1xf32>, vector<128x64xf32> -> vector<128x67xf32>
    %swap3A_818 = arith.constant 0 : index
    %swap3A_819 = arith.constant 10 : index
    %swap3A_820 = arith.constant 0 : index
    %swap3A_821 = vector.load %arg8[%swap3A_818, %swap3A_819, %swap3A_820] : memref<128x32x67xf32, #tpu.memory_space<vmem>>, vector<128x1x67xf32>
    %swap3A_822 = vector.shape_cast %swap3A_821 : vector<128x1x67xf32> to vector<128x67xf32>
    %swap3A_823 = vector.shape_cast %concatenate3A_817 : vector<128x67xf32> to vector<128x1x67xf32>
    tpu.vector_store %arg8[%swap3A_818, %swap3A_819, %swap3A_820], %swap3A_823 {strides = array<i32>} : memref<128x32x67xf32, #tpu.memory_space<vmem>>, vector<128x1x67xf32>,
    %squeeze3A_824 = vector.shape_cast %sub3A_815 : vector<128x1xf32> to vector<128xf32>
    %swap3A_825 = arith.constant 0 : index
    %swap3A_826 = arith.constant 10 : index
    %swap3A_827 = vector.load %arg9[%swap3A_825, %swap3A_826] : memref<128x32xf32, #tpu.memory_space<vmem>>, vector<128x1xf32>
    %swap3A_828 = vector.shape_cast %swap3A_827 : vector<128x1xf32> to vector<128xf32>
    %swap3A_829 = vector.shape_cast %squeeze3A_824 : vector<128xf32> to vector<128x1xf32>
    tpu.vector_store %arg9[%swap3A_825, %swap3A_826], %swap3A_829 {strides = array<i32>} : memref<128x32xf32, #tpu.memory_space<vmem>>, vector<128x1xf32>,
    %squeeze3A_830 = vector.shape_cast %gt3A_774 : vector<128x1xi1> to vector<128xi1>
    %get3A_831 = arith.constant 0 : index
    %get3A_832 = arith.constant 10 : index
    %get3A_833 = vector.load %arg10[%get3A_831, %get3A_832] : memref<128x32xi32, #tpu.memory_space<vmem>>, vector<128x1xi32>
    %get3A_834 = vector.shape_cast %get3A_833 : vector<128x1xi32> to vector<128xi32>
    %select_n3A_835 = arith.select %squeeze3A_830, %get3A_834, %get3A_59 : vector<128xi1>, vector<128xi32>
    %swap3A_836 = arith.constant 0 : index
    %swap3A_837 = arith.constant 10 : index
    %swap3A_838 = vector.load %arg10[%swap3A_836, %swap3A_837] : memref<128x32xi32, #tpu.memory_space<vmem>>, vector<128x1xi32>
    %swap3A_839 = vector.shape_cast %swap3A_838 : vector<128x1xi32> to vector<128xi32>
    %swap3A_840 = vector.shape_cast %select_n3A_835 : vector<128xi32> to vector<128x1xi32>
    tpu.vector_store %arg10[%swap3A_836, %swap3A_837], %swap3A_840 {strides = array<i32>} : memref<128x32xi32, #tpu.memory_space<vmem>>, vector<128x1xi32>,
    %max3A_841 = arith.constant 1 : i32
    %max3A_842 = vector.broadcast %max3A_841 : i32 to vector<128x1xi32>
    %max3A_843 = arith.maxsi %while3A_48#1, %max3A_842 : vector<128x1xi32>
    %gt3A_844 = arith.constant 11 : i32
    %gt3A_845 = vector.broadcast %gt3A_844 : i32 to vector<128x1xi32>
    %gt3A_846 = arith.cmpi sgt, %max3A_843, %gt3A_845 : vector<128x1xi32>
    %get3A_847 = arith.constant 0 : index
    %get3A_848 = arith.constant 11 : index
    %get3A_849 = arith.constant 0 : index
    %get3A_850 = vector.load %arg8[%get3A_847, %get3A_848, %get3A_849] : memref<128x32x67xf32, #tpu.memory_space<vmem>>, vector<128x1x67xf32>
    %get3A_851 = vector.shape_cast %get3A_850 : vector<128x1x67xf32> to vector<128x67xf32>
    %broadcast_in_dim3A_852 = vector.shape_cast %gt3A_846 : vector<128x1xi1> to vector<128x1xi1>
    %broadcast_in_dim3A_853 = vector.broadcast %broadcast_in_dim3A_852 : vector<128x1xi1> to vector<128x67xi1>
    %select_n3A_854 = arith.select %broadcast_in_dim3A_853, %get3A_851, %get3A_55 : vector<128x67xi1>, vector<128x67xf32>
    %slice3A_855 = vector.extract_strided_slice %select_n3A_854 {offsets = [0, 0], sizes = [128, 1], strides = [1, 1]} : vector<128x67xf32> to vector<128x1xf32>
    %sub3A_856 = arith.subf %slice3A_855, %get3A_12 : vector<128x1xf32>
    %jit3A_857 = arith.constant 0.000000e+00 : f32
    %broadcast_in_dim3A_858 = vector.broadcast %jit3A_857 : f32 to vector<128x1xf32>
    %select_n3A_859 = arith.select %eq3A_50, %broadcast_in_dim3A_858, %sub3A_856 : vector<128x1xi1>, vector<128x1xf32>
    %slice3A_860 = vector.extract_strided_slice %select_n3A_854 {offsets = [0, 1], sizes = [128, 1], strides = [1, 1]} : vector<128x67xf32> to vector<128x1xf32>
    %sub3A_861 = arith.subf %slice3A_860, %get3A_17 : vector<128x1xf32>
    %jit3A_862 = arith.constant 0.000000e+00 : f32
    %broadcast_in_dim3A_863 = vector.broadcast %jit3A_862 : f32 to vector<128x1xf32>
    %select_n3A_864 = arith.select %eq3A_50, %broadcast_in_dim3A_863, %sub3A_861 : vector<128x1xi1>, vector<128x1xf32>
    %slice3A_865 = vector.extract_strided_slice %select_n3A_854 {offsets = [0, 2], sizes = [128, 1], strides = [1, 1]} : vector<128x67xf32> to vector<128x1xf32>
    %sub3A_866 = arith.subf %slice3A_865, %get3A_22 : vector<128x1xf32>
    %jit3A_867 = arith.constant 0.000000e+00 : f32
    %broadcast_in_dim3A_868 = vector.broadcast %jit3A_867 : f32 to vector<128x1xf32>
    %select_n3A_869 = arith.select %eq3A_50, %broadcast_in_dim3A_868, %sub3A_866 : vector<128x1xi1>, vector<128x1xf32>
    %mul3A_870 = arith.mulf %select_n3A_859, %select_n3A_859 : vector<128x1xf32>
    %mul3A_871 = arith.mulf %select_n3A_864, %select_n3A_864 : vector<128x1xf32>
    %add3A_872 = arith.addf %mul3A_870, %mul3A_871 : vector<128x1xf32>
    %mul3A_873 = arith.mulf %select_n3A_869, %select_n3A_869 : vector<128x1xf32>
    %add3A_874 = arith.addf %add3A_872, %mul3A_873 : vector<128x1xf32>
    %sqrt3A_875 = math.sqrt %add3A_874 : vector<128x1xf32>
    %sub3A_876 = arith.subf %sqrt3A_875, %get3A_27 : vector<128x1xf32>
    %div3A_877 = vector.broadcast %get3A_2 : f32 to vector<128x1xf32>
    %div3A_878 = arith.divf %sub3A_876, %div3A_877 : vector<128x1xf32>
    %logistic3A_879 = arith.negf %div3A_878 : vector<128x1xf32>
    %logistic3A_880 = math.exp %logistic3A_879 : vector<128x1xf32>
    %logistic3A_881 = arith.constant 1.000000e+00 : f32
    %logistic3A_882 = vector.broadcast %logistic3A_881 : f32 to vector<128x1xf32>
    %logistic3A_883 = arith.addf %logistic3A_882, %logistic3A_880 : vector<128x1xf32>
    %logistic3A_884 = arith.divf %logistic3A_882, %logistic3A_883 : vector<128x1xf32>
    %sub3A_885 = arith.constant 1.000000e+00 : f32
    %sub3A_886 = vector.broadcast %sub3A_885 : f32 to vector<128x1xf32>
    %sub3A_887 = arith.subf %sub3A_886, %logistic3A_884 : vector<128x1xf32>
    %slice3A_888 = vector.extract_strided_slice %select_n3A_854 {offsets = [0, 3], sizes = [128, 64], strides = [1, 1]} : vector<128x67xf32> to vector<128x64xf32>
    %concatenate3A_889 = tpu.concatenate %select_n3A_859, %select_n3A_864, %select_n3A_869, %slice3A_888 in 1 : vector<128x1xf32>, vector<128x1xf32>, vector<128x1xf32>, vector<128x64xf32> -> vector<128x67xf32>
    %swap3A_890 = arith.constant 0 : index
    %swap3A_891 = arith.constant 11 : index
    %swap3A_892 = arith.constant 0 : index
    %swap3A_893 = vector.load %arg8[%swap3A_890, %swap3A_891, %swap3A_892] : memref<128x32x67xf32, #tpu.memory_space<vmem>>, vector<128x1x67xf32>
    %swap3A_894 = vector.shape_cast %swap3A_893 : vector<128x1x67xf32> to vector<128x67xf32>
    %swap3A_895 = vector.shape_cast %concatenate3A_889 : vector<128x67xf32> to vector<128x1x67xf32>
    tpu.vector_store %arg8[%swap3A_890, %swap3A_891, %swap3A_892], %swap3A_895 {strides = array<i32>} : memref<128x32x67xf32, #tpu.memory_space<vmem>>, vector<128x1x67xf32>,
    %squeeze3A_896 = vector.shape_cast %sub3A_887 : vector<128x1xf32> to vector<128xf32>
    %swap3A_897 = arith.constant 0 : index
    %swap3A_898 = arith.constant 11 : index
    %swap3A_899 = vector.load %arg9[%swap3A_897, %swap3A_898] : memref<128x32xf32, #tpu.memory_space<vmem>>, vector<128x1xf32>
    %swap3A_900 = vector.shape_cast %swap3A_899 : vector<128x1xf32> to vector<128xf32>
    %swap3A_901 = vector.shape_cast %squeeze3A_896 : vector<128xf32> to vector<128x1xf32>
    tpu.vector_store %arg9[%swap3A_897, %swap3A_898], %swap3A_901 {strides = array<i32>} : memref<128x32xf32, #tpu.memory_space<vmem>>, vector<128x1xf32>,
    %squeeze3A_902 = vector.shape_cast %gt3A_846 : vector<128x1xi1> to vector<128xi1>
    %get3A_903 = arith.constant 0 : index
    %get3A_904 = arith.constant 11 : index
    %get3A_905 = vector.load %arg10[%get3A_903, %get3A_904] : memref<128x32xi32, #tpu.memory_space<vmem>>, vector<128x1xi32>
    %get3A_906 = vector.shape_cast %get3A_905 : vector<128x1xi32> to vector<128xi32>
    %select_n3A_907 = arith.select %squeeze3A_902, %get3A_906, %get3A_59 : vector<128xi1>, vector<128xi32>
    %swap3A_908 = arith.constant 0 : index
    %swap3A_909 = arith.constant 11 : index
    %swap3A_910 = vector.load %arg10[%swap3A_908, %swap3A_909] : memref<128x32xi32, #tpu.memory_space<vmem>>, vector<128x1xi32>
    %swap3A_911 = vector.shape_cast %swap3A_910 : vector<128x1xi32> to vector<128xi32>
    %swap3A_912 = vector.shape_cast %select_n3A_907 : vector<128xi32> to vector<128x1xi32>
    tpu.vector_store %arg10[%swap3A_908, %swap3A_909], %swap3A_912 {strides = array<i32>} : memref<128x32xi32, #tpu.memory_space<vmem>>, vector<128x1xi32>,
    %max3A_913 = arith.constant 1 : i32
    %max3A_914 = vector.broadcast %max3A_913 : i32 to vector<128x1xi32>
    %max3A_915 = arith.maxsi %while3A_48#1, %max3A_914 : vector<128x1xi32>
    %gt3A_916 = arith.constant 12 : i32
    %gt3A_917 = vector.broadcast %gt3A_916 : i32 to vector<128x1xi32>
    %gt3A_918 = arith.cmpi sgt, %max3A_915, %gt3A_917 : vector<128x1xi32>
    %get3A_919 = arith.constant 0 : index
    %get3A_920 = arith.constant 12 : index
    %get3A_921 = arith.constant 0 : index
    %get3A_922 = vector.load %arg8[%get3A_919, %get3A_920, %get3A_921] : memref<128x32x67xf32, #tpu.memory_space<vmem>>, vector<128x1x67xf32>
    %get3A_923 = vector.shape_cast %get3A_922 : vector<128x1x67xf32> to vector<128x67xf32>
    %broadcast_in_dim3A_924 = vector.shape_cast %gt3A_918 : vector<128x1xi1> to vector<128x1xi1>
    %broadcast_in_dim3A_925 = vector.broadcast %broadcast_in_dim3A_924 : vector<128x1xi1> to vector<128x67xi1>
    %select_n3A_926 = arith.select %broadcast_in_dim3A_925, %get3A_923, %get3A_55 : vector<128x67xi1>, vector<128x67xf32>
    %slice3A_927 = vector.extract_strided_slice %select_n3A_926 {offsets = [0, 0], sizes = [128, 1], strides = [1, 1]} : vector<128x67xf32> to vector<128x1xf32>
    %sub3A_928 = arith.subf %slice3A_927, %get3A_12 : vector<128x1xf32>
    %jit3A_929 = arith.constant 0.000000e+00 : f32
    %broadcast_in_dim3A_930 = vector.broadcast %jit3A_929 : f32 to vector<128x1xf32>
    %select_n3A_931 = arith.select %eq3A_50, %broadcast_in_dim3A_930, %sub3A_928 : vector<128x1xi1>, vector<128x1xf32>
    %slice3A_932 = vector.extract_strided_slice %select_n3A_926 {offsets = [0, 1], sizes = [128, 1], strides = [1, 1]} : vector<128x67xf32> to vector<128x1xf32>
    %sub3A_933 = arith.subf %slice3A_932, %get3A_17 : vector<128x1xf32>
    %jit3A_934 = arith.constant 0.000000e+00 : f32
    %broadcast_in_dim3A_935 = vector.broadcast %jit3A_934 : f32 to vector<128x1xf32>
    %select_n3A_936 = arith.select %eq3A_50, %broadcast_in_dim3A_935, %sub3A_933 : vector<128x1xi1>, vector<128x1xf32>
    %slice3A_937 = vector.extract_strided_slice %select_n3A_926 {offsets = [0, 2], sizes = [128, 1], strides = [1, 1]} : vector<128x67xf32> to vector<128x1xf32>
    %sub3A_938 = arith.subf %slice3A_937, %get3A_22 : vector<128x1xf32>
    %jit3A_939 = arith.constant 0.000000e+00 : f32
    %broadcast_in_dim3A_940 = vector.broadcast %jit3A_939 : f32 to vector<128x1xf32>
    %select_n3A_941 = arith.select %eq3A_50, %broadcast_in_dim3A_940, %sub3A_938 : vector<128x1xi1>, vector<128x1xf32>
    %mul3A_942 = arith.mulf %select_n3A_931, %select_n3A_931 : vector<128x1xf32>
    %mul3A_943 = arith.mulf %select_n3A_936, %select_n3A_936 : vector<128x1xf32>
    %add3A_944 = arith.addf %mul3A_942, %mul3A_943 : vector<128x1xf32>
    %mul3A_945 = arith.mulf %select_n3A_941, %select_n3A_941 : vector<128x1xf32>
    %add3A_946 = arith.addf %add3A_944, %mul3A_945 : vector<128x1xf32>
    %sqrt3A_947 = math.sqrt %add3A_946 : vector<128x1xf32>
    %sub3A_948 = arith.subf %sqrt3A_947, %get3A_27 : vector<128x1xf32>
    %div3A_949 = vector.broadcast %get3A_2 : f32 to vector<128x1xf32>
    %div3A_950 = arith.divf %sub3A_948, %div3A_949 : vector<128x1xf32>
    %logistic3A_951 = arith.negf %div3A_950 : vector<128x1xf32>
    %logistic3A_952 = math.exp %logistic3A_951 : vector<128x1xf32>
    %logistic3A_953 = arith.constant 1.000000e+00 : f32
    %logistic3A_954 = vector.broadcast %logistic3A_953 : f32 to vector<128x1xf32>
    %logistic3A_955 = arith.addf %logistic3A_954, %logistic3A_952 : vector<128x1xf32>
    %logistic3A_956 = arith.divf %logistic3A_954, %logistic3A_955 : vector<128x1xf32>
    %sub3A_957 = arith.constant 1.000000e+00 : f32
    %sub3A_958 = vector.broadcast %sub3A_957 : f32 to vector<128x1xf32>
    %sub3A_959 = arith.subf %sub3A_958, %logistic3A_956 : vector<128x1xf32>
    %slice3A_960 = vector.extract_strided_slice %select_n3A_926 {offsets = [0, 3], sizes = [128, 64], strides = [1, 1]} : vector<128x67xf32> to vector<128x64xf32>
    %concatenate3A_961 = tpu.concatenate %select_n3A_931, %select_n3A_936, %select_n3A_941, %slice3A_960 in 1 : vector<128x1xf32>, vector<128x1xf32>, vector<128x1xf32>, vector<128x64xf32> -> vector<128x67xf32>
    %swap3A_962 = arith.constant 0 : index
    %swap3A_963 = arith.constant 12 : index
    %swap3A_964 = arith.constant 0 : index
    %swap3A_965 = vector.load %arg8[%swap3A_962, %swap3A_963, %swap3A_964] : memref<128x32x67xf32, #tpu.memory_space<vmem>>, vector<128x1x67xf32>
    %swap3A_966 = vector.shape_cast %swap3A_965 : vector<128x1x67xf32> to vector<128x67xf32>
    %swap3A_967 = vector.shape_cast %concatenate3A_961 : vector<128x67xf32> to vector<128x1x67xf32>
    tpu.vector_store %arg8[%swap3A_962, %swap3A_963, %swap3A_964], %swap3A_967 {strides = array<i32>} : memref<128x32x67xf32, #tpu.memory_space<vmem>>, vector<128x1x67xf32>,
    %squeeze3A_968 = vector.shape_cast %sub3A_959 : vector<128x1xf32> to vector<128xf32>
    %swap3A_969 = arith.constant 0 : index
    %swap3A_970 = arith.constant 12 : index
    %swap3A_971 = vector.load %arg9[%swap3A_969, %swap3A_970] : memref<128x32xf32, #tpu.memory_space<vmem>>, vector<128x1xf32>
    %swap3A_972 = vector.shape_cast %swap3A_971 : vector<128x1xf32> to vector<128xf32>
    %swap3A_973 = vector.shape_cast %squeeze3A_968 : vector<128xf32> to vector<128x1xf32>
    tpu.vector_store %arg9[%swap3A_969, %swap3A_970], %swap3A_973 {strides = array<i32>} : memref<128x32xf32, #tpu.memory_space<vmem>>, vector<128x1xf32>,
    %squeeze3A_974 = vector.shape_cast %gt3A_918 : vector<128x1xi1> to vector<128xi1>
    %get3A_975 = arith.constant 0 : index
    %get3A_976 = arith.constant 12 : index
    %get3A_977 = vector.load %arg10[%get3A_975, %get3A_976] : memref<128x32xi32, #tpu.memory_space<vmem>>, vector<128x1xi32>
    %get3A_978 = vector.shape_cast %get3A_977 : vector<128x1xi32> to vector<128xi32>
    %select_n3A_979 = arith.select %squeeze3A_974, %get3A_978, %get3A_59 : vector<128xi1>, vector<128xi32>
    %swap3A_980 = arith.constant 0 : index
    %swap3A_981 = arith.constant 12 : index
    %swap3A_982 = vector.load %arg10[%swap3A_980, %swap3A_981] : memref<128x32xi32, #tpu.memory_space<vmem>>, vector<128x1xi32>
    %swap3A_983 = vector.shape_cast %swap3A_982 : vector<128x1xi32> to vector<128xi32>
    %swap3A_984 = vector.shape_cast %select_n3A_979 : vector<128xi32> to vector<128x1xi32>
    tpu.vector_store %arg10[%swap3A_980, %swap3A_981], %swap3A_984 {strides = array<i32>} : memref<128x32xi32, #tpu.memory_space<vmem>>, vector<128x1xi32>,
    %max3A_985 = arith.constant 1 : i32
    %max3A_986 = vector.broadcast %max3A_985 : i32 to vector<128x1xi32>
    %max3A_987 = arith.maxsi %while3A_48#1, %max3A_986 : vector<128x1xi32>
    %gt3A_988 = arith.constant 13 : i32
    %gt3A_989 = vector.broadcast %gt3A_988 : i32 to vector<128x1xi32>
    %gt3A_990 = arith.cmpi sgt, %max3A_987, %gt3A_989 : vector<128x1xi32>
    %get3A_991 = arith.constant 0 : index
    %get3A_992 = arith.constant 13 : index
    %get3A_993 = arith.constant 0 : index
    %get3A_994 = vector.load %arg8[%get3A_991, %get3A_992, %get3A_993] : memref<128x32x67xf32, #tpu.memory_space<vmem>>, vector<128x1x67xf32>
    %get3A_995 = vector.shape_cast %get3A_994 : vector<128x1x67xf32> to vector<128x67xf32>
    %broadcast_in_dim3A_996 = vector.shape_cast %gt3A_990 : vector<128x1xi1> to vector<128x1xi1>
    %broadcast_in_dim3A_997 = vector.broadcast %broadcast_in_dim3A_996 : vector<128x1xi1> to vector<128x67xi1>
    %select_n3A_998 = arith.select %broadcast_in_dim3A_997, %get3A_995, %get3A_55 : vector<128x67xi1>, vector<128x67xf32>
    %slice3A_999 = vector.extract_strided_slice %select_n3A_998 {offsets = [0, 0], sizes = [128, 1], strides = [1, 1]} : vector<128x67xf32> to vector<128x1xf32>
    %sub3A_1000 = arith.subf %slice3A_999, %get3A_12 : vector<128x1xf32>
    %jit3A_1001 = arith.constant 0.000000e+00 : f32
    %broadcast_in_dim3A_1002 = vector.broadcast %jit3A_1001 : f32 to vector<128x1xf32>
    %select_n3A_1003 = arith.select %eq3A_50, %broadcast_in_dim3A_1002, %sub3A_1000 : vector<128x1xi1>, vector<128x1xf32>
    %slice3A_1004 = vector.extract_strided_slice %select_n3A_998 {offsets = [0, 1], sizes = [128, 1], strides = [1, 1]} : vector<128x67xf32> to vector<128x1xf32>
    %sub3A_1005 = arith.subf %slice3A_1004, %get3A_17 : vector<128x1xf32>
    %jit3A_1006 = arith.constant 0.000000e+00 : f32
    %broadcast_in_dim3A_1007 = vector.broadcast %jit3A_1006 : f32 to vector<128x1xf32>
    %select_n3A_1008 = arith.select %eq3A_50, %broadcast_in_dim3A_1007, %sub3A_1005 : vector<128x1xi1>, vector<128x1xf32>
    %slice3A_1009 = vector.extract_strided_slice %select_n3A_998 {offsets = [0, 2], sizes = [128, 1], strides = [1, 1]} : vector<128x67xf32> to vector<128x1xf32>
    %sub3A_1010 = arith.subf %slice3A_1009, %get3A_22 : vector<128x1xf32>
    %jit3A_1011 = arith.constant 0.000000e+00 : f32
    %broadcast_in_dim3A_1012 = vector.broadcast %jit3A_1011 : f32 to vector<128x1xf32>
    %select_n3A_1013 = arith.select %eq3A_50, %broadcast_in_dim3A_1012, %sub3A_1010 : vector<128x1xi1>, vector<128x1xf32>
    %mul3A_1014 = arith.mulf %select_n3A_1003, %select_n3A_1003 : vector<128x1xf32>
    %mul3A_1015 = arith.mulf %select_n3A_1008, %select_n3A_1008 : vector<128x1xf32>
    %add3A_1016 = arith.addf %mul3A_1014, %mul3A_1015 : vector<128x1xf32>
    %mul3A_1017 = arith.mulf %select_n3A_1013, %select_n3A_1013 : vector<128x1xf32>
    %add3A_1018 = arith.addf %add3A_1016, %mul3A_1017 : vector<128x1xf32>
    %sqrt3A_1019 = math.sqrt %add3A_1018 : vector<128x1xf32>
    %sub3A_1020 = arith.subf %sqrt3A_1019, %get3A_27 : vector<128x1xf32>
    %div3A_1021 = vector.broadcast %get3A_2 : f32 to vector<128x1xf32>
    %div3A_1022 = arith.divf %sub3A_1020, %div3A_1021 : vector<128x1xf32>
    %logistic3A_1023 = arith.negf %div3A_1022 : vector<128x1xf32>
    %logistic3A_1024 = math.exp %logistic3A_1023 : vector<128x1xf32>
    %logistic3A_1025 = arith.constant 1.000000e+00 : f32
    %logistic3A_1026 = vector.broadcast %logistic3A_1025 : f32 to vector<128x1xf32>
    %logistic3A_1027 = arith.addf %logistic3A_1026, %logistic3A_1024 : vector<128x1xf32>
    %logistic3A_1028 = arith.divf %logistic3A_1026, %logistic3A_1027 : vector<128x1xf32>
    %sub3A_1029 = arith.constant 1.000000e+00 : f32
    %sub3A_1030 = vector.broadcast %sub3A_1029 : f32 to vector<128x1xf32>
    %sub3A_1031 = arith.subf %sub3A_1030, %logistic3A_1028 : vector<128x1xf32>
    %slice3A_1032 = vector.extract_strided_slice %select_n3A_998 {offsets = [0, 3], sizes = [128, 64], strides = [1, 1]} : vector<128x67xf32> to vector<128x64xf32>
    %concatenate3A_1033 = tpu.concatenate %select_n3A_1003, %select_n3A_1008, %select_n3A_1013, %slice3A_1032 in 1 : vector<128x1xf32>, vector<128x1xf32>, vector<128x1xf32>, vector<128x64xf32> -> vector<128x67xf32>
    %swap3A_1034 = arith.constant 0 : index
    %swap3A_1035 = arith.constant 13 : index
    %swap3A_1036 = arith.constant 0 : index
    %swap3A_1037 = vector.load %arg8[%swap3A_1034, %swap3A_1035, %swap3A_1036] : memref<128x32x67xf32, #tpu.memory_space<vmem>>, vector<128x1x67xf32>
    %swap3A_1038 = vector.shape_cast %swap3A_1037 : vector<128x1x67xf32> to vector<128x67xf32>
    %swap3A_1039 = vector.shape_cast %concatenate3A_1033 : vector<128x67xf32> to vector<128x1x67xf32>
    tpu.vector_store %arg8[%swap3A_1034, %swap3A_1035, %swap3A_1036], %swap3A_1039 {strides = array<i32>} : memref<128x32x67xf32, #tpu.memory_space<vmem>>, vector<128x1x67xf32>,
    %squeeze3A_1040 = vector.shape_cast %sub3A_1031 : vector<128x1xf32> to vector<128xf32>
    %swap3A_1041 = arith.constant 0 : index
    %swap3A_1042 = arith.constant 13 : index
    %swap3A_1043 = vector.load %arg9[%swap3A_1041, %swap3A_1042] : memref<128x32xf32, #tpu.memory_space<vmem>>, vector<128x1xf32>
    %swap3A_1044 = vector.shape_cast %swap3A_1043 : vector<128x1xf32> to vector<128xf32>
    %swap3A_1045 = vector.shape_cast %squeeze3A_1040 : vector<128xf32> to vector<128x1xf32>
    tpu.vector_store %arg9[%swap3A_1041, %swap3A_1042], %swap3A_1045 {strides = array<i32>} : memref<128x32xf32, #tpu.memory_space<vmem>>, vector<128x1xf32>,
    %squeeze3A_1046 = vector.shape_cast %gt3A_990 : vector<128x1xi1> to vector<128xi1>
    %get3A_1047 = arith.constant 0 : index
    %get3A_1048 = arith.constant 13 : index
    %get3A_1049 = vector.load %arg10[%get3A_1047, %get3A_1048] : memref<128x32xi32, #tpu.memory_space<vmem>>, vector<128x1xi32>
    %get3A_1050 = vector.shape_cast %get3A_1049 : vector<128x1xi32> to vector<128xi32>
    %select_n3A_1051 = arith.select %squeeze3A_1046, %get3A_1050, %get3A_59 : vector<128xi1>, vector<128xi32>
    %swap3A_1052 = arith.constant 0 : index
    %swap3A_1053 = arith.constant 13 : index
    %swap3A_1054 = vector.load %arg10[%swap3A_1052, %swap3A_1053] : memref<128x32xi32, #tpu.memory_space<vmem>>, vector<128x1xi32>
    %swap3A_1055 = vector.shape_cast %swap3A_1054 : vector<128x1xi32> to vector<128xi32>
    %swap3A_1056 = vector.shape_cast %select_n3A_1051 : vector<128xi32> to vector<128x1xi32>
    tpu.vector_store %arg10[%swap3A_1052, %swap3A_1053], %swap3A_1056 {strides = array<i32>} : memref<128x32xi32, #tpu.memory_space<vmem>>, vector<128x1xi32>,
    %max3A_1057 = arith.constant 1 : i32
    %max3A_1058 = vector.broadcast %max3A_1057 : i32 to vector<128x1xi32>
    %max3A_1059 = arith.maxsi %while3A_48#1, %max3A_1058 : vector<128x1xi32>
    %gt3A_1060 = arith.constant 14 : i32
    %gt3A_1061 = vector.broadcast %gt3A_1060 : i32 to vector<128x1xi32>
    %gt3A_1062 = arith.cmpi sgt, %max3A_1059, %gt3A_1061 : vector<128x1xi32>
    %get3A_1063 = arith.constant 0 : index
    %get3A_1064 = arith.constant 14 : index
    %get3A_1065 = arith.constant 0 : index
    %get3A_1066 = vector.load %arg8[%get3A_1063, %get3A_1064, %get3A_1065] : memref<128x32x67xf32, #tpu.memory_space<vmem>>, vector<128x1x67xf32>
    %get3A_1067 = vector.shape_cast %get3A_1066 : vector<128x1x67xf32> to vector<128x67xf32>
    %broadcast_in_dim3A_1068 = vector.shape_cast %gt3A_1062 : vector<128x1xi1> to vector<128x1xi1>
    %broadcast_in_dim3A_1069 = vector.broadcast %broadcast_in_dim3A_1068 : vector<128x1xi1> to vector<128x67xi1>
    %select_n3A_1070 = arith.select %broadcast_in_dim3A_1069, %get3A_1067, %get3A_55 : vector<128x67xi1>, vector<128x67xf32>
    %slice3A_1071 = vector.extract_strided_slice %select_n3A_1070 {offsets = [0, 0], sizes = [128, 1], strides = [1, 1]} : vector<128x67xf32> to vector<128x1xf32>
    %sub3A_1072 = arith.subf %slice3A_1071, %get3A_12 : vector<128x1xf32>
    %jit3A_1073 = arith.constant 0.000000e+00 : f32
    %broadcast_in_dim3A_1074 = vector.broadcast %jit3A_1073 : f32 to vector<128x1xf32>
    %select_n3A_1075 = arith.select %eq3A_50, %broadcast_in_dim3A_1074, %sub3A_1072 : vector<128x1xi1>, vector<128x1xf32>
    %slice3A_1076 = vector.extract_strided_slice %select_n3A_1070 {offsets = [0, 1], sizes = [128, 1], strides = [1, 1]} : vector<128x67xf32> to vector<128x1xf32>
    %sub3A_1077 = arith.subf %slice3A_1076, %get3A_17 : vector<128x1xf32>
    %jit3A_1078 = arith.constant 0.000000e+00 : f32
    %broadcast_in_dim3A_1079 = vector.broadcast %jit3A_1078 : f32 to vector<128x1xf32>
    %select_n3A_1080 = arith.select %eq3A_50, %broadcast_in_dim3A_1079, %sub3A_1077 : vector<128x1xi1>, vector<128x1xf32>
    %slice3A_1081 = vector.extract_strided_slice %select_n3A_1070 {offsets = [0, 2], sizes = [128, 1], strides = [1, 1]} : vector<128x67xf32> to vector<128x1xf32>
    %sub3A_1082 = arith.subf %slice3A_1081, %get3A_22 : vector<128x1xf32>
    %jit3A_1083 = arith.constant 0.000000e+00 : f32
    %broadcast_in_dim3A_1084 = vector.broadcast %jit3A_1083 : f32 to vector<128x1xf32>
    %select_n3A_1085 = arith.select %eq3A_50, %broadcast_in_dim3A_1084, %sub3A_1082 : vector<128x1xi1>, vector<128x1xf32>
    %mul3A_1086 = arith.mulf %select_n3A_1075, %select_n3A_1075 : vector<128x1xf32>
    %mul3A_1087 = arith.mulf %select_n3A_1080, %select_n3A_1080 : vector<128x1xf32>
    %add3A_1088 = arith.addf %mul3A_1086, %mul3A_1087 : vector<128x1xf32>
    %mul3A_1089 = arith.mulf %select_n3A_1085, %select_n3A_1085 : vector<128x1xf32>
    %add3A_1090 = arith.addf %add3A_1088, %mul3A_1089 : vector<128x1xf32>
    %sqrt3A_1091 = math.sqrt %add3A_1090 : vector<128x1xf32>
    %sub3A_1092 = arith.subf %sqrt3A_1091, %get3A_27 : vector<128x1xf32>
    %div3A_1093 = vector.broadcast %get3A_2 : f32 to vector<128x1xf32>
    %div3A_1094 = arith.divf %sub3A_1092, %div3A_1093 : vector<128x1xf32>
    %logistic3A_1095 = arith.negf %div3A_1094 : vector<128x1xf32>
    %logistic3A_1096 = math.exp %logistic3A_1095 : vector<128x1xf32>
    %logistic3A_1097 = arith.constant 1.000000e+00 : f32
    %logistic3A_1098 = vector.broadcast %logistic3A_1097 : f32 to vector<128x1xf32>
    %logistic3A_1099 = arith.addf %logistic3A_1098, %logistic3A_1096 : vector<128x1xf32>
    %logistic3A_1100 = arith.divf %logistic3A_1098, %logistic3A_1099 : vector<128x1xf32>
    %sub3A_1101 = arith.constant 1.000000e+00 : f32
    %sub3A_1102 = vector.broadcast %sub3A_1101 : f32 to vector<128x1xf32>
    %sub3A_1103 = arith.subf %sub3A_1102, %logistic3A_1100 : vector<128x1xf32>
    %slice3A_1104 = vector.extract_strided_slice %select_n3A_1070 {offsets = [0, 3], sizes = [128, 64], strides = [1, 1]} : vector<128x67xf32> to vector<128x64xf32>
    %concatenate3A_1105 = tpu.concatenate %select_n3A_1075, %select_n3A_1080, %select_n3A_1085, %slice3A_1104 in 1 : vector<128x1xf32>, vector<128x1xf32>, vector<128x1xf32>, vector<128x64xf32> -> vector<128x67xf32>
    %swap3A_1106 = arith.constant 0 : index
    %swap3A_1107 = arith.constant 14 : index
    %swap3A_1108 = arith.constant 0 : index
    %swap3A_1109 = vector.load %arg8[%swap3A_1106, %swap3A_1107, %swap3A_1108] : memref<128x32x67xf32, #tpu.memory_space<vmem>>, vector<128x1x67xf32>
    %swap3A_1110 = vector.shape_cast %swap3A_1109 : vector<128x1x67xf32> to vector<128x67xf32>
    %swap3A_1111 = vector.shape_cast %concatenate3A_1105 : vector<128x67xf32> to vector<128x1x67xf32>
    tpu.vector_store %arg8[%swap3A_1106, %swap3A_1107, %swap3A_1108], %swap3A_1111 {strides = array<i32>} : memref<128x32x67xf32, #tpu.memory_space<vmem>>, vector<128x1x67xf32>,
    %squeeze3A_1112 = vector.shape_cast %sub3A_1103 : vector<128x1xf32> to vector<128xf32>
    %swap3A_1113 = arith.constant 0 : index
    %swap3A_1114 = arith.constant 14 : index
    %swap3A_1115 = vector.load %arg9[%swap3A_1113, %swap3A_1114] : memref<128x32xf32, #tpu.memory_space<vmem>>, vector<128x1xf32>
    %swap3A_1116 = vector.shape_cast %swap3A_1115 : vector<128x1xf32> to vector<128xf32>
    %swap3A_1117 = vector.shape_cast %squeeze3A_1112 : vector<128xf32> to vector<128x1xf32>
    tpu.vector_store %arg9[%swap3A_1113, %swap3A_1114], %swap3A_1117 {strides = array<i32>} : memref<128x32xf32, #tpu.memory_space<vmem>>, vector<128x1xf32>,
    %squeeze3A_1118 = vector.shape_cast %gt3A_1062 : vector<128x1xi1> to vector<128xi1>
    %get3A_1119 = arith.constant 0 : index
    %get3A_1120 = arith.constant 14 : index
    %get3A_1121 = vector.load %arg10[%get3A_1119, %get3A_1120] : memref<128x32xi32, #tpu.memory_space<vmem>>, vector<128x1xi32>
    %get3A_1122 = vector.shape_cast %get3A_1121 : vector<128x1xi32> to vector<128xi32>
    %select_n3A_1123 = arith.select %squeeze3A_1118, %get3A_1122, %get3A_59 : vector<128xi1>, vector<128xi32>
    %swap3A_1124 = arith.constant 0 : index
    %swap3A_1125 = arith.constant 14 : index
    %swap3A_1126 = vector.load %arg10[%swap3A_1124, %swap3A_1125] : memref<128x32xi32, #tpu.memory_space<vmem>>, vector<128x1xi32>
    %swap3A_1127 = vector.shape_cast %swap3A_1126 : vector<128x1xi32> to vector<128xi32>
    %swap3A_1128 = vector.shape_cast %select_n3A_1123 : vector<128xi32> to vector<128x1xi32>
    tpu.vector_store %arg10[%swap3A_1124, %swap3A_1125], %swap3A_1128 {strides = array<i32>} : memref<128x32xi32, #tpu.memory_space<vmem>>, vector<128x1xi32>,
    %max3A_1129 = arith.constant 1 : i32
    %max3A_1130 = vector.broadcast %max3A_1129 : i32 to vector<128x1xi32>
    %max3A_1131 = arith.maxsi %while3A_48#1, %max3A_1130 : vector<128x1xi32>
    %gt3A_1132 = arith.constant 15 : i32
    %gt3A_1133 = vector.broadcast %gt3A_1132 : i32 to vector<128x1xi32>
    %gt3A_1134 = arith.cmpi sgt, %max3A_1131, %gt3A_1133 : vector<128x1xi32>
    %get3A_1135 = arith.constant 0 : index
    %get3A_1136 = arith.constant 15 : index
    %get3A_1137 = arith.constant 0 : index
    %get3A_1138 = vector.load %arg8[%get3A_1135, %get3A_1136, %get3A_1137] : memref<128x32x67xf32, #tpu.memory_space<vmem>>, vector<128x1x67xf32>
    %get3A_1139 = vector.shape_cast %get3A_1138 : vector<128x1x67xf32> to vector<128x67xf32>
    %broadcast_in_dim3A_1140 = vector.shape_cast %gt3A_1134 : vector<128x1xi1> to vector<128x1xi1>
    %broadcast_in_dim3A_1141 = vector.broadcast %broadcast_in_dim3A_1140 : vector<128x1xi1> to vector<128x67xi1>
    %select_n3A_1142 = arith.select %broadcast_in_dim3A_1141, %get3A_1139, %get3A_55 : vector<128x67xi1>, vector<128x67xf32>
    %slice3A_1143 = vector.extract_strided_slice %select_n3A_1142 {offsets = [0, 0], sizes = [128, 1], strides = [1, 1]} : vector<128x67xf32> to vector<128x1xf32>
    %sub3A_1144 = arith.subf %slice3A_1143, %get3A_12 : vector<128x1xf32>
    %jit3A_1145 = arith.constant 0.000000e+00 : f32
    %broadcast_in_dim3A_1146 = vector.broadcast %jit3A_1145 : f32 to vector<128x1xf32>
    %select_n3A_1147 = arith.select %eq3A_50, %broadcast_in_dim3A_1146, %sub3A_1144 : vector<128x1xi1>, vector<128x1xf32>
    %slice3A_1148 = vector.extract_strided_slice %select_n3A_1142 {offsets = [0, 1], sizes = [128, 1], strides = [1, 1]} : vector<128x67xf32> to vector<128x1xf32>
    %sub3A_1149 = arith.subf %slice3A_1148, %get3A_17 : vector<128x1xf32>
    %jit3A_1150 = arith.constant 0.000000e+00 : f32
    %broadcast_in_dim3A_1151 = vector.broadcast %jit3A_1150 : f32 to vector<128x1xf32>
    %select_n3A_1152 = arith.select %eq3A_50, %broadcast_in_dim3A_1151, %sub3A_1149 : vector<128x1xi1>, vector<128x1xf32>
    %slice3A_1153 = vector.extract_strided_slice %select_n3A_1142 {offsets = [0, 2], sizes = [128, 1], strides = [1, 1]} : vector<128x67xf32> to vector<128x1xf32>
    %sub3A_1154 = arith.subf %slice3A_1153, %get3A_22 : vector<128x1xf32>
    %jit3A_1155 = arith.constant 0.000000e+00 : f32
    %broadcast_in_dim3A_1156 = vector.broadcast %jit3A_1155 : f32 to vector<128x1xf32>
    %select_n3A_1157 = arith.select %eq3A_50, %broadcast_in_dim3A_1156, %sub3A_1154 : vector<128x1xi1>, vector<128x1xf32>
    %mul3A_1158 = arith.mulf %select_n3A_1147, %select_n3A_1147 : vector<128x1xf32>
    %mul3A_1159 = arith.mulf %select_n3A_1152, %select_n3A_1152 : vector<128x1xf32>
    %add3A_1160 = arith.addf %mul3A_1158, %mul3A_1159 : vector<128x1xf32>
    %mul3A_1161 = arith.mulf %select_n3A_1157, %select_n3A_1157 : vector<128x1xf32>
    %add3A_1162 = arith.addf %add3A_1160, %mul3A_1161 : vector<128x1xf32>
    %sqrt3A_1163 = math.sqrt %add3A_1162 : vector<128x1xf32>
    %sub3A_1164 = arith.subf %sqrt3A_1163, %get3A_27 : vector<128x1xf32>
    %div3A_1165 = vector.broadcast %get3A_2 : f32 to vector<128x1xf32>
    %div3A_1166 = arith.divf %sub3A_1164, %div3A_1165 : vector<128x1xf32>
    %logistic3A_1167 = arith.negf %div3A_1166 : vector<128x1xf32>
    %logistic3A_1168 = math.exp %logistic3A_1167 : vector<128x1xf32>
    %logistic3A_1169 = arith.constant 1.000000e+00 : f32
    %logistic3A_1170 = vector.broadcast %logistic3A_1169 : f32 to vector<128x1xf32>
    %logistic3A_1171 = arith.addf %logistic3A_1170, %logistic3A_1168 : vector<128x1xf32>
    %logistic3A_1172 = arith.divf %logistic3A_1170, %logistic3A_1171 : vector<128x1xf32>
    %sub3A_1173 = arith.constant 1.000000e+00 : f32
    %sub3A_1174 = vector.broadcast %sub3A_1173 : f32 to vector<128x1xf32>
    %sub3A_1175 = arith.subf %sub3A_1174, %logistic3A_1172 : vector<128x1xf32>
    %slice3A_1176 = vector.extract_strided_slice %select_n3A_1142 {offsets = [0, 3], sizes = [128, 64], strides = [1, 1]} : vector<128x67xf32> to vector<128x64xf32>
    %concatenate3A_1177 = tpu.concatenate %select_n3A_1147, %select_n3A_1152, %select_n3A_1157, %slice3A_1176 in 1 : vector<128x1xf32>, vector<128x1xf32>, vector<128x1xf32>, vector<128x64xf32> -> vector<128x67xf32>
    %swap3A_1178 = arith.constant 0 : index
    %swap3A_1179 = arith.constant 15 : index
    %swap3A_1180 = arith.constant 0 : index
    %swap3A_1181 = vector.load %arg8[%swap3A_1178, %swap3A_1179, %swap3A_1180] : memref<128x32x67xf32, #tpu.memory_space<vmem>>, vector<128x1x67xf32>
    %swap3A_1182 = vector.shape_cast %swap3A_1181 : vector<128x1x67xf32> to vector<128x67xf32>
    %swap3A_1183 = vector.shape_cast %concatenate3A_1177 : vector<128x67xf32> to vector<128x1x67xf32>
    tpu.vector_store %arg8[%swap3A_1178, %swap3A_1179, %swap3A_1180], %swap3A_1183 {strides = array<i32>} : memref<128x32x67xf32, #tpu.memory_space<vmem>>, vector<128x1x67xf32>,
    %squeeze3A_1184 = vector.shape_cast %sub3A_1175 : vector<128x1xf32> to vector<128xf32>
    %swap3A_1185 = arith.constant 0 : index
    %swap3A_1186 = arith.constant 15 : index
    %swap3A_1187 = vector.load %arg9[%swap3A_1185, %swap3A_1186] : memref<128x32xf32, #tpu.memory_space<vmem>>, vector<128x1xf32>
    %swap3A_1188 = vector.shape_cast %swap3A_1187 : vector<128x1xf32> to vector<128xf32>
    %swap3A_1189 = vector.shape_cast %squeeze3A_1184 : vector<128xf32> to vector<128x1xf32>
    tpu.vector_store %arg9[%swap3A_1185, %swap3A_1186], %swap3A_1189 {strides = array<i32>} : memref<128x32xf32, #tpu.memory_space<vmem>>, vector<128x1xf32>,
    %squeeze3A_1190 = vector.shape_cast %gt3A_1134 : vector<128x1xi1> to vector<128xi1>
    %get3A_1191 = arith.constant 0 : index
    %get3A_1192 = arith.constant 15 : index
    %get3A_1193 = vector.load %arg10[%get3A_1191, %get3A_1192] : memref<128x32xi32, #tpu.memory_space<vmem>>, vector<128x1xi32>
    %get3A_1194 = vector.shape_cast %get3A_1193 : vector<128x1xi32> to vector<128xi32>
    %select_n3A_1195 = arith.select %squeeze3A_1190, %get3A_1194, %get3A_59 : vector<128xi1>, vector<128xi32>
    %swap3A_1196 = arith.constant 0 : index
    %swap3A_1197 = arith.constant 15 : index
    %swap3A_1198 = vector.load %arg10[%swap3A_1196, %swap3A_1197] : memref<128x32xi32, #tpu.memory_space<vmem>>, vector<128x1xi32>
    %swap3A_1199 = vector.shape_cast %swap3A_1198 : vector<128x1xi32> to vector<128xi32>
    %swap3A_1200 = vector.shape_cast %select_n3A_1195 : vector<128xi32> to vector<128x1xi32>
    tpu.vector_store %arg10[%swap3A_1196, %swap3A_1197], %swap3A_1200 {strides = array<i32>} : memref<128x32xi32, #tpu.memory_space<vmem>>, vector<128x1xi32>,
    %max3A_1201 = arith.constant 1 : i32
    %max3A_1202 = vector.broadcast %max3A_1201 : i32 to vector<128x1xi32>
    %max3A_1203 = arith.maxsi %while3A_48#1, %max3A_1202 : vector<128x1xi32>
    %gt3A_1204 = arith.constant 16 : i32
    %gt3A_1205 = vector.broadcast %gt3A_1204 : i32 to vector<128x1xi32>
    %gt3A_1206 = arith.cmpi sgt, %max3A_1203, %gt3A_1205 : vector<128x1xi32>
    %get3A_1207 = arith.constant 0 : index
    %get3A_1208 = arith.constant 16 : index
    %get3A_1209 = arith.constant 0 : index
    %get3A_1210 = vector.load %arg8[%get3A_1207, %get3A_1208, %get3A_1209] : memref<128x32x67xf32, #tpu.memory_space<vmem>>, vector<128x1x67xf32>
    %get3A_1211 = vector.shape_cast %get3A_1210 : vector<128x1x67xf32> to vector<128x67xf32>
    %broadcast_in_dim3A_1212 = vector.shape_cast %gt3A_1206 : vector<128x1xi1> to vector<128x1xi1>
    %broadcast_in_dim3A_1213 = vector.broadcast %broadcast_in_dim3A_1212 : vector<128x1xi1> to vector<128x67xi1>
    %select_n3A_1214 = arith.select %broadcast_in_dim3A_1213, %get3A_1211, %get3A_55 : vector<128x67xi1>, vector<128x67xf32>
    %slice3A_1215 = vector.extract_strided_slice %select_n3A_1214 {offsets = [0, 0], sizes = [128, 1], strides = [1, 1]} : vector<128x67xf32> to vector<128x1xf32>
    %sub3A_1216 = arith.subf %slice3A_1215, %get3A_12 : vector<128x1xf32>
    %jit3A_1217 = arith.constant 0.000000e+00 : f32
    %broadcast_in_dim3A_1218 = vector.broadcast %jit3A_1217 : f32 to vector<128x1xf32>
    %select_n3A_1219 = arith.select %eq3A_50, %broadcast_in_dim3A_1218, %sub3A_1216 : vector<128x1xi1>, vector<128x1xf32>
    %slice3A_1220 = vector.extract_strided_slice %select_n3A_1214 {offsets = [0, 1], sizes = [128, 1], strides = [1, 1]} : vector<128x67xf32> to vector<128x1xf32>
    %sub3A_1221 = arith.subf %slice3A_1220, %get3A_17 : vector<128x1xf32>
    %jit3A_1222 = arith.constant 0.000000e+00 : f32
    %broadcast_in_dim3A_1223 = vector.broadcast %jit3A_1222 : f32 to vector<128x1xf32>
    %select_n3A_1224 = arith.select %eq3A_50, %broadcast_in_dim3A_1223, %sub3A_1221 : vector<128x1xi1>, vector<128x1xf32>
    %slice3A_1225 = vector.extract_strided_slice %select_n3A_1214 {offsets = [0, 2], sizes = [128, 1], strides = [1, 1]} : vector<128x67xf32> to vector<128x1xf32>
    %sub3A_1226 = arith.subf %slice3A_1225, %get3A_22 : vector<128x1xf32>
    %jit3A_1227 = arith.constant 0.000000e+00 : f32
    %broadcast_in_dim3A_1228 = vector.broadcast %jit3A_1227 : f32 to vector<128x1xf32>
    %select_n3A_1229 = arith.select %eq3A_50, %broadcast_in_dim3A_1228, %sub3A_1226 : vector<128x1xi1>, vector<128x1xf32>
    %mul3A_1230 = arith.mulf %select_n3A_1219, %select_n3A_1219 : vector<128x1xf32>
    %mul3A_1231 = arith.mulf %select_n3A_1224, %select_n3A_1224 : vector<128x1xf32>
    %add3A_1232 = arith.addf %mul3A_1230, %mul3A_1231 : vector<128x1xf32>
    %mul3A_1233 = arith.mulf %select_n3A_1229, %select_n3A_1229 : vector<128x1xf32>
    %add3A_1234 = arith.addf %add3A_1232, %mul3A_1233 : vector<128x1xf32>
    %sqrt3A_1235 = math.sqrt %add3A_1234 : vector<128x1xf32>
    %sub3A_1236 = arith.subf %sqrt3A_1235, %get3A_27 : vector<128x1xf32>
    %div3A_1237 = vector.broadcast %get3A_2 : f32 to vector<128x1xf32>
    %div3A_1238 = arith.divf %sub3A_1236, %div3A_1237 : vector<128x1xf32>
    %logistic3A_1239 = arith.negf %div3A_1238 : vector<128x1xf32>
    %logistic3A_1240 = math.exp %logistic3A_1239 : vector<128x1xf32>
    %logistic3A_1241 = arith.constant 1.000000e+00 : f32
    %logistic3A_1242 = vector.broadcast %logistic3A_1241 : f32 to vector<128x1xf32>
    %logistic3A_1243 = arith.addf %logistic3A_1242, %logistic3A_1240 : vector<128x1xf32>
    %logistic3A_1244 = arith.divf %logistic3A_1242, %logistic3A_1243 : vector<128x1xf32>
    %sub3A_1245 = arith.constant 1.000000e+00 : f32
    %sub3A_1246 = vector.broadcast %sub3A_1245 : f32 to vector<128x1xf32>
    %sub3A_1247 = arith.subf %sub3A_1246, %logistic3A_1244 : vector<128x1xf32>
    %slice3A_1248 = vector.extract_strided_slice %select_n3A_1214 {offsets = [0, 3], sizes = [128, 64], strides = [1, 1]} : vector<128x67xf32> to vector<128x64xf32>
    %concatenate3A_1249 = tpu.concatenate %select_n3A_1219, %select_n3A_1224, %select_n3A_1229, %slice3A_1248 in 1 : vector<128x1xf32>, vector<128x1xf32>, vector<128x1xf32>, vector<128x64xf32> -> vector<128x67xf32>
    %swap3A_1250 = arith.constant 0 : index
    %swap3A_1251 = arith.constant 16 : index
    %swap3A_1252 = arith.constant 0 : index
    %swap3A_1253 = vector.load %arg8[%swap3A_1250, %swap3A_1251, %swap3A_1252] : memref<128x32x67xf32, #tpu.memory_space<vmem>>, vector<128x1x67xf32>
    %swap3A_1254 = vector.shape_cast %swap3A_1253 : vector<128x1x67xf32> to vector<128x67xf32>
    %swap3A_1255 = vector.shape_cast %concatenate3A_1249 : vector<128x67xf32> to vector<128x1x67xf32>
    tpu.vector_store %arg8[%swap3A_1250, %swap3A_1251, %swap3A_1252], %swap3A_1255 {strides = array<i32>} : memref<128x32x67xf32, #tpu.memory_space<vmem>>, vector<128x1x67xf32>,
    %squeeze3A_1256 = vector.shape_cast %sub3A_1247 : vector<128x1xf32> to vector<128xf32>
    %swap3A_1257 = arith.constant 0 : index
    %swap3A_1258 = arith.constant 16 : index
    %swap3A_1259 = vector.load %arg9[%swap3A_1257, %swap3A_1258] : memref<128x32xf32, #tpu.memory_space<vmem>>, vector<128x1xf32>
    %swap3A_1260 = vector.shape_cast %swap3A_1259 : vector<128x1xf32> to vector<128xf32>
    %swap3A_1261 = vector.shape_cast %squeeze3A_1256 : vector<128xf32> to vector<128x1xf32>
    tpu.vector_store %arg9[%swap3A_1257, %swap3A_1258], %swap3A_1261 {strides = array<i32>} : memref<128x32xf32, #tpu.memory_space<vmem>>, vector<128x1xf32>,
    %squeeze3A_1262 = vector.shape_cast %gt3A_1206 : vector<128x1xi1> to vector<128xi1>
    %get3A_1263 = arith.constant 0 : index
    %get3A_1264 = arith.constant 16 : index
    %get3A_1265 = vector.load %arg10[%get3A_1263, %get3A_1264] : memref<128x32xi32, #tpu.memory_space<vmem>>, vector<128x1xi32>
    %get3A_1266 = vector.shape_cast %get3A_1265 : vector<128x1xi32> to vector<128xi32>
    %select_n3A_1267 = arith.select %squeeze3A_1262, %get3A_1266, %get3A_59 : vector<128xi1>, vector<128xi32>
    %swap3A_1268 = arith.constant 0 : index
    %swap3A_1269 = arith.constant 16 : index
    %swap3A_1270 = vector.load %arg10[%swap3A_1268, %swap3A_1269] : memref<128x32xi32, #tpu.memory_space<vmem>>, vector<128x1xi32>
    %swap3A_1271 = vector.shape_cast %swap3A_1270 : vector<128x1xi32> to vector<128xi32>
    %swap3A_1272 = vector.shape_cast %select_n3A_1267 : vector<128xi32> to vector<128x1xi32>
    tpu.vector_store %arg10[%swap3A_1268, %swap3A_1269], %swap3A_1272 {strides = array<i32>} : memref<128x32xi32, #tpu.memory_space<vmem>>, vector<128x1xi32>,
    %max3A_1273 = arith.constant 1 : i32
    %max3A_1274 = vector.broadcast %max3A_1273 : i32 to vector<128x1xi32>
    %max3A_1275 = arith.maxsi %while3A_48#1, %max3A_1274 : vector<128x1xi32>
    %gt3A_1276 = arith.constant 17 : i32
    %gt3A_1277 = vector.broadcast %gt3A_1276 : i32 to vector<128x1xi32>
    %gt3A_1278 = arith.cmpi sgt, %max3A_1275, %gt3A_1277 : vector<128x1xi32>
    %get3A_1279 = arith.constant 0 : index
    %get3A_1280 = arith.constant 17 : index
    %get3A_1281 = arith.constant 0 : index
    %get3A_1282 = vector.load %arg8[%get3A_1279, %get3A_1280, %get3A_1281] : memref<128x32x67xf32, #tpu.memory_space<vmem>>, vector<128x1x67xf32>
    %get3A_1283 = vector.shape_cast %get3A_1282 : vector<128x1x67xf32> to vector<128x67xf32>
    %broadcast_in_dim3A_1284 = vector.shape_cast %gt3A_1278 : vector<128x1xi1> to vector<128x1xi1>
    %broadcast_in_dim3A_1285 = vector.broadcast %broadcast_in_dim3A_1284 : vector<128x1xi1> to vector<128x67xi1>
    %select_n3A_1286 = arith.select %broadcast_in_dim3A_1285, %get3A_1283, %get3A_55 : vector<128x67xi1>, vector<128x67xf32>
    %slice3A_1287 = vector.extract_strided_slice %select_n3A_1286 {offsets = [0, 0], sizes = [128, 1], strides = [1, 1]} : vector<128x67xf32> to vector<128x1xf32>
    %sub3A_1288 = arith.subf %slice3A_1287, %get3A_12 : vector<128x1xf32>
    %jit3A_1289 = arith.constant 0.000000e+00 : f32
    %broadcast_in_dim3A_1290 = vector.broadcast %jit3A_1289 : f32 to vector<128x1xf32>
    %select_n3A_1291 = arith.select %eq3A_50, %broadcast_in_dim3A_1290, %sub3A_1288 : vector<128x1xi1>, vector<128x1xf32>
    %slice3A_1292 = vector.extract_strided_slice %select_n3A_1286 {offsets = [0, 1], sizes = [128, 1], strides = [1, 1]} : vector<128x67xf32> to vector<128x1xf32>
    %sub3A_1293 = arith.subf %slice3A_1292, %get3A_17 : vector<128x1xf32>
    %jit3A_1294 = arith.constant 0.000000e+00 : f32
    %broadcast_in_dim3A_1295 = vector.broadcast %jit3A_1294 : f32 to vector<128x1xf32>
    %select_n3A_1296 = arith.select %eq3A_50, %broadcast_in_dim3A_1295, %sub3A_1293 : vector<128x1xi1>, vector<128x1xf32>
    %slice3A_1297 = vector.extract_strided_slice %select_n3A_1286 {offsets = [0, 2], sizes = [128, 1], strides = [1, 1]} : vector<128x67xf32> to vector<128x1xf32>
    %sub3A_1298 = arith.subf %slice3A_1297, %get3A_22 : vector<128x1xf32>
    %jit3A_1299 = arith.constant 0.000000e+00 : f32
    %broadcast_in_dim3A_1300 = vector.broadcast %jit3A_1299 : f32 to vector<128x1xf32>
    %select_n3A_1301 = arith.select %eq3A_50, %broadcast_in_dim3A_1300, %sub3A_1298 : vector<128x1xi1>, vector<128x1xf32>
    %mul3A_1302 = arith.mulf %select_n3A_1291, %select_n3A_1291 : vector<128x1xf32>
    %mul3A_1303 = arith.mulf %select_n3A_1296, %select_n3A_1296 : vector<128x1xf32>
    %add3A_1304 = arith.addf %mul3A_1302, %mul3A_1303 : vector<128x1xf32>
    %mul3A_1305 = arith.mulf %select_n3A_1301, %select_n3A_1301 : vector<128x1xf32>
    %add3A_1306 = arith.addf %add3A_1304, %mul3A_1305 : vector<128x1xf32>
    %sqrt3A_1307 = math.sqrt %add3A_1306 : vector<128x1xf32>
    %sub3A_1308 = arith.subf %sqrt3A_1307, %get3A_27 : vector<128x1xf32>
    %div3A_1309 = vector.broadcast %get3A_2 : f32 to vector<128x1xf32>
    %div3A_1310 = arith.divf %sub3A_1308, %div3A_1309 : vector<128x1xf32>
    %logistic3A_1311 = arith.negf %div3A_1310 : vector<128x1xf32>
    %logistic3A_1312 = math.exp %logistic3A_1311 : vector<128x1xf32>
    %logistic3A_1313 = arith.constant 1.000000e+00 : f32
    %logistic3A_1314 = vector.broadcast %logistic3A_1313 : f32 to vector<128x1xf32>
    %logistic3A_1315 = arith.addf %logistic3A_1314, %logistic3A_1312 : vector<128x1xf32>
    %logistic3A_1316 = arith.divf %logistic3A_1314, %logistic3A_1315 : vector<128x1xf32>
    %sub3A_1317 = arith.constant 1.000000e+00 : f32
    %sub3A_1318 = vector.broadcast %sub3A_1317 : f32 to vector<128x1xf32>
    %sub3A_1319 = arith.subf %sub3A_1318, %logistic3A_1316 : vector<128x1xf32>
    %slice3A_1320 = vector.extract_strided_slice %select_n3A_1286 {offsets = [0, 3], sizes = [128, 64], strides = [1, 1]} : vector<128x67xf32> to vector<128x64xf32>
    %concatenate3A_1321 = tpu.concatenate %select_n3A_1291, %select_n3A_1296, %select_n3A_1301, %slice3A_1320 in 1 : vector<128x1xf32>, vector<128x1xf32>, vector<128x1xf32>, vector<128x64xf32> -> vector<128x67xf32>
    %swap3A_1322 = arith.constant 0 : index
    %swap3A_1323 = arith.constant 17 : index
    %swap3A_1324 = arith.constant 0 : index
    %swap3A_1325 = vector.load %arg8[%swap3A_1322, %swap3A_1323, %swap3A_1324] : memref<128x32x67xf32, #tpu.memory_space<vmem>>, vector<128x1x67xf32>
    %swap3A_1326 = vector.shape_cast %swap3A_1325 : vector<128x1x67xf32> to vector<128x67xf32>
    %swap3A_1327 = vector.shape_cast %concatenate3A_1321 : vector<128x67xf32> to vector<128x1x67xf32>
    tpu.vector_store %arg8[%swap3A_1322, %swap3A_1323, %swap3A_1324], %swap3A_1327 {strides = array<i32>} : memref<128x32x67xf32, #tpu.memory_space<vmem>>, vector<128x1x67xf32>,
    %squeeze3A_1328 = vector.shape_cast %sub3A_1319 : vector<128x1xf32> to vector<128xf32>
    %swap3A_1329 = arith.constant 0 : index
    %swap3A_1330 = arith.constant 17 : index
    %swap3A_1331 = vector.load %arg9[%swap3A_1329, %swap3A_1330] : memref<128x32xf32, #tpu.memory_space<vmem>>, vector<128x1xf32>
    %swap3A_1332 = vector.shape_cast %swap3A_1331 : vector<128x1xf32> to vector<128xf32>
    %swap3A_1333 = vector.shape_cast %squeeze3A_1328 : vector<128xf32> to vector<128x1xf32>
    tpu.vector_store %arg9[%swap3A_1329, %swap3A_1330], %swap3A_1333 {strides = array<i32>} : memref<128x32xf32, #tpu.memory_space<vmem>>, vector<128x1xf32>,
    %squeeze3A_1334 = vector.shape_cast %gt3A_1278 : vector<128x1xi1> to vector<128xi1>
    %get3A_1335 = arith.constant 0 : index
    %get3A_1336 = arith.constant 17 : index
    %get3A_1337 = vector.load %arg10[%get3A_1335, %get3A_1336] : memref<128x32xi32, #tpu.memory_space<vmem>>, vector<128x1xi32>
    %get3A_1338 = vector.shape_cast %get3A_1337 : vector<128x1xi32> to vector<128xi32>
    %select_n3A_1339 = arith.select %squeeze3A_1334, %get3A_1338, %get3A_59 : vector<128xi1>, vector<128xi32>
    %swap3A_1340 = arith.constant 0 : index
    %swap3A_1341 = arith.constant 17 : index
    %swap3A_1342 = vector.load %arg10[%swap3A_1340, %swap3A_1341] : memref<128x32xi32, #tpu.memory_space<vmem>>, vector<128x1xi32>
    %swap3A_1343 = vector.shape_cast %swap3A_1342 : vector<128x1xi32> to vector<128xi32>
    %swap3A_1344 = vector.shape_cast %select_n3A_1339 : vector<128xi32> to vector<128x1xi32>
    tpu.vector_store %arg10[%swap3A_1340, %swap3A_1341], %swap3A_1344 {strides = array<i32>} : memref<128x32xi32, #tpu.memory_space<vmem>>, vector<128x1xi32>,
    %max3A_1345 = arith.constant 1 : i32
    %max3A_1346 = vector.broadcast %max3A_1345 : i32 to vector<128x1xi32>
    %max3A_1347 = arith.maxsi %while3A_48#1, %max3A_1346 : vector<128x1xi32>
    %gt3A_1348 = arith.constant 18 : i32
    %gt3A_1349 = vector.broadcast %gt3A_1348 : i32 to vector<128x1xi32>
    %gt3A_1350 = arith.cmpi sgt, %max3A_1347, %gt3A_1349 : vector<128x1xi32>
    %get3A_1351 = arith.constant 0 : index
    %get3A_1352 = arith.constant 18 : index
    %get3A_1353 = arith.constant 0 : index
    %get3A_1354 = vector.load %arg8[%get3A_1351, %get3A_1352, %get3A_1353] : memref<128x32x67xf32, #tpu.memory_space<vmem>>, vector<128x1x67xf32>
    %get3A_1355 = vector.shape_cast %get3A_1354 : vector<128x1x67xf32> to vector<128x67xf32>
    %broadcast_in_dim3A_1356 = vector.shape_cast %gt3A_1350 : vector<128x1xi1> to vector<128x1xi1>
    %broadcast_in_dim3A_1357 = vector.broadcast %broadcast_in_dim3A_1356 : vector<128x1xi1> to vector<128x67xi1>
    %select_n3A_1358 = arith.select %broadcast_in_dim3A_1357, %get3A_1355, %get3A_55 : vector<128x67xi1>, vector<128x67xf32>
    %slice3A_1359 = vector.extract_strided_slice %select_n3A_1358 {offsets = [0, 0], sizes = [128, 1], strides = [1, 1]} : vector<128x67xf32> to vector<128x1xf32>
    %sub3A_1360 = arith.subf %slice3A_1359, %get3A_12 : vector<128x1xf32>
    %jit3A_1361 = arith.constant 0.000000e+00 : f32
    %broadcast_in_dim3A_1362 = vector.broadcast %jit3A_1361 : f32 to vector<128x1xf32>
    %select_n3A_1363 = arith.select %eq3A_50, %broadcast_in_dim3A_1362, %sub3A_1360 : vector<128x1xi1>, vector<128x1xf32>
    %slice3A_1364 = vector.extract_strided_slice %select_n3A_1358 {offsets = [0, 1], sizes = [128, 1], strides = [1, 1]} : vector<128x67xf32> to vector<128x1xf32>
    %sub3A_1365 = arith.subf %slice3A_1364, %get3A_17 : vector<128x1xf32>
    %jit3A_1366 = arith.constant 0.000000e+00 : f32
    %broadcast_in_dim3A_1367 = vector.broadcast %jit3A_1366 : f32 to vector<128x1xf32>
    %select_n3A_1368 = arith.select %eq3A_50, %broadcast_in_dim3A_1367, %sub3A_1365 : vector<128x1xi1>, vector<128x1xf32>
    %slice3A_1369 = vector.extract_strided_slice %select_n3A_1358 {offsets = [0, 2], sizes = [128, 1], strides = [1, 1]} : vector<128x67xf32> to vector<128x1xf32>
    %sub3A_1370 = arith.subf %slice3A_1369, %get3A_22 : vector<128x1xf32>
    %jit3A_1371 = arith.constant 0.000000e+00 : f32
    %broadcast_in_dim3A_1372 = vector.broadcast %jit3A_1371 : f32 to vector<128x1xf32>
    %select_n3A_1373 = arith.select %eq3A_50, %broadcast_in_dim3A_1372, %sub3A_1370 : vector<128x1xi1>, vector<128x1xf32>
    %mul3A_1374 = arith.mulf %select_n3A_1363, %select_n3A_1363 : vector<128x1xf32>
    %mul3A_1375 = arith.mulf %select_n3A_1368, %select_n3A_1368 : vector<128x1xf32>
    %add3A_1376 = arith.addf %mul3A_1374, %mul3A_1375 : vector<128x1xf32>
    %mul3A_1377 = arith.mulf %select_n3A_1373, %select_n3A_1373 : vector<128x1xf32>
    %add3A_1378 = arith.addf %add3A_1376, %mul3A_1377 : vector<128x1xf32>
    %sqrt3A_1379 = math.sqrt %add3A_1378 : vector<128x1xf32>
    %sub3A_1380 = arith.subf %sqrt3A_1379, %get3A_27 : vector<128x1xf32>
    %div3A_1381 = vector.broadcast %get3A_2 : f32 to vector<128x1xf32>
    %div3A_1382 = arith.divf %sub3A_1380, %div3A_1381 : vector<128x1xf32>
    %logistic3A_1383 = arith.negf %div3A_1382 : vector<128x1xf32>
    %logistic3A_1384 = math.exp %logistic3A_1383 : vector<128x1xf32>
    %logistic3A_1385 = arith.constant 1.000000e+00 : f32
    %logistic3A_1386 = vector.broadcast %logistic3A_1385 : f32 to vector<128x1xf32>
    %logistic3A_1387 = arith.addf %logistic3A_1386, %logistic3A_1384 : vector<128x1xf32>
    %logistic3A_1388 = arith.divf %logistic3A_1386, %logistic3A_1387 : vector<128x1xf32>
    %sub3A_1389 = arith.constant 1.000000e+00 : f32
    %sub3A_1390 = vector.broadcast %sub3A_1389 : f32 to vector<128x1xf32>
    %sub3A_1391 = arith.subf %sub3A_1390, %logistic3A_1388 : vector<128x1xf32>
    %slice3A_1392 = vector.extract_strided_slice %select_n3A_1358 {offsets = [0, 3], sizes = [128, 64], strides = [1, 1]} : vector<128x67xf32> to vector<128x64xf32>
    %concatenate3A_1393 = tpu.concatenate %select_n3A_1363, %select_n3A_1368, %select_n3A_1373, %slice3A_1392 in 1 : vector<128x1xf32>, vector<128x1xf32>, vector<128x1xf32>, vector<128x64xf32> -> vector<128x67xf32>
    %swap3A_1394 = arith.constant 0 : index
    %swap3A_1395 = arith.constant 18 : index
    %swap3A_1396 = arith.constant 0 : index
    %swap3A_1397 = vector.load %arg8[%swap3A_1394, %swap3A_1395, %swap3A_1396] : memref<128x32x67xf32, #tpu.memory_space<vmem>>, vector<128x1x67xf32>
    %swap3A_1398 = vector.shape_cast %swap3A_1397 : vector<128x1x67xf32> to vector<128x67xf32>
    %swap3A_1399 = vector.shape_cast %concatenate3A_1393 : vector<128x67xf32> to vector<128x1x67xf32>
    tpu.vector_store %arg8[%swap3A_1394, %swap3A_1395, %swap3A_1396], %swap3A_1399 {strides = array<i32>} : memref<128x32x67xf32, #tpu.memory_space<vmem>>, vector<128x1x67xf32>,
    %squeeze3A_1400 = vector.shape_cast %sub3A_1391 : vector<128x1xf32> to vector<128xf32>
    %swap3A_1401 = arith.constant 0 : index
    %swap3A_1402 = arith.constant 18 : index
    %swap3A_1403 = vector.load %arg9[%swap3A_1401, %swap3A_1402] : memref<128x32xf32, #tpu.memory_space<vmem>>, vector<128x1xf32>
    %swap3A_1404 = vector.shape_cast %swap3A_1403 : vector<128x1xf32> to vector<128xf32>
    %swap3A_1405 = vector.shape_cast %squeeze3A_1400 : vector<128xf32> to vector<128x1xf32>
    tpu.vector_store %arg9[%swap3A_1401, %swap3A_1402], %swap3A_1405 {strides = array<i32>} : memref<128x32xf32, #tpu.memory_space<vmem>>, vector<128x1xf32>,
    %squeeze3A_1406 = vector.shape_cast %gt3A_1350 : vector<128x1xi1> to vector<128xi1>
    %get3A_1407 = arith.constant 0 : index
    %get3A_1408 = arith.constant 18 : index
    %get3A_1409 = vector.load %arg10[%get3A_1407, %get3A_1408] : memref<128x32xi32, #tpu.memory_space<vmem>>, vector<128x1xi32>
    %get3A_1410 = vector.shape_cast %get3A_1409 : vector<128x1xi32> to vector<128xi32>
    %select_n3A_1411 = arith.select %squeeze3A_1406, %get3A_1410, %get3A_59 : vector<128xi1>, vector<128xi32>
    %swap3A_1412 = arith.constant 0 : index
    %swap3A_1413 = arith.constant 18 : index
    %swap3A_1414 = vector.load %arg10[%swap3A_1412, %swap3A_1413] : memref<128x32xi32, #tpu.memory_space<vmem>>, vector<128x1xi32>
    %swap3A_1415 = vector.shape_cast %swap3A_1414 : vector<128x1xi32> to vector<128xi32>
    %swap3A_1416 = vector.shape_cast %select_n3A_1411 : vector<128xi32> to vector<128x1xi32>
    tpu.vector_store %arg10[%swap3A_1412, %swap3A_1413], %swap3A_1416 {strides = array<i32>} : memref<128x32xi32, #tpu.memory_space<vmem>>, vector<128x1xi32>,
    %max3A_1417 = arith.constant 1 : i32
    %max3A_1418 = vector.broadcast %max3A_1417 : i32 to vector<128x1xi32>
    %max3A_1419 = arith.maxsi %while3A_48#1, %max3A_1418 : vector<128x1xi32>
    %gt3A_1420 = arith.constant 19 : i32
    %gt3A_1421 = vector.broadcast %gt3A_1420 : i32 to vector<128x1xi32>
    %gt3A_1422 = arith.cmpi sgt, %max3A_1419, %gt3A_1421 : vector<128x1xi32>
    %get3A_1423 = arith.constant 0 : index
    %get3A_1424 = arith.constant 19 : index
    %get3A_1425 = arith.constant 0 : index
    %get3A_1426 = vector.load %arg8[%get3A_1423, %get3A_1424, %get3A_1425] : memref<128x32x67xf32, #tpu.memory_space<vmem>>, vector<128x1x67xf32>
    %get3A_1427 = vector.shape_cast %get3A_1426 : vector<128x1x67xf32> to vector<128x67xf32>
    %broadcast_in_dim3A_1428 = vector.shape_cast %gt3A_1422 : vector<128x1xi1> to vector<128x1xi1>
    %broadcast_in_dim3A_1429 = vector.broadcast %broadcast_in_dim3A_1428 : vector<128x1xi1> to vector<128x67xi1>
    %select_n3A_1430 = arith.select %broadcast_in_dim3A_1429, %get3A_1427, %get3A_55 : vector<128x67xi1>, vector<128x67xf32>
    %slice3A_1431 = vector.extract_strided_slice %select_n3A_1430 {offsets = [0, 0], sizes = [128, 1], strides = [1, 1]} : vector<128x67xf32> to vector<128x1xf32>
    %sub3A_1432 = arith.subf %slice3A_1431, %get3A_12 : vector<128x1xf32>
    %jit3A_1433 = arith.constant 0.000000e+00 : f32
    %broadcast_in_dim3A_1434 = vector.broadcast %jit3A_1433 : f32 to vector<128x1xf32>
    %select_n3A_1435 = arith.select %eq3A_50, %broadcast_in_dim3A_1434, %sub3A_1432 : vector<128x1xi1>, vector<128x1xf32>
    %slice3A_1436 = vector.extract_strided_slice %select_n3A_1430 {offsets = [0, 1], sizes = [128, 1], strides = [1, 1]} : vector<128x67xf32> to vector<128x1xf32>
    %sub3A_1437 = arith.subf %slice3A_1436, %get3A_17 : vector<128x1xf32>
    %jit3A_1438 = arith.constant 0.000000e+00 : f32
    %broadcast_in_dim3A_1439 = vector.broadcast %jit3A_1438 : f32 to vector<128x1xf32>
    %select_n3A_1440 = arith.select %eq3A_50, %broadcast_in_dim3A_1439, %sub3A_1437 : vector<128x1xi1>, vector<128x1xf32>
    %slice3A_1441 = vector.extract_strided_slice %select_n3A_1430 {offsets = [0, 2], sizes = [128, 1], strides = [1, 1]} : vector<128x67xf32> to vector<128x1xf32>
    %sub3A_1442 = arith.subf %slice3A_1441, %get3A_22 : vector<128x1xf32>
    %jit3A_1443 = arith.constant 0.000000e+00 : f32
    %broadcast_in_dim3A_1444 = vector.broadcast %jit3A_1443 : f32 to vector<128x1xf32>
    %select_n3A_1445 = arith.select %eq3A_50, %broadcast_in_dim3A_1444, %sub3A_1442 : vector<128x1xi1>, vector<128x1xf32>
    %mul3A_1446 = arith.mulf %select_n3A_1435, %select_n3A_1435 : vector<128x1xf32>
    %mul3A_1447 = arith.mulf %select_n3A_1440, %select_n3A_1440 : vector<128x1xf32>
    %add3A_1448 = arith.addf %mul3A_1446, %mul3A_1447 : vector<128x1xf32>
    %mul3A_1449 = arith.mulf %select_n3A_1445, %select_n3A_1445 : vector<128x1xf32>
    %add3A_1450 = arith.addf %add3A_1448, %mul3A_1449 : vector<128x1xf32>
    %sqrt3A_1451 = math.sqrt %add3A_1450 : vector<128x1xf32>
    %sub3A_1452 = arith.subf %sqrt3A_1451, %get3A_27 : vector<128x1xf32>
    %div3A_1453 = vector.broadcast %get3A_2 : f32 to vector<128x1xf32>
    %div3A_1454 = arith.divf %sub3A_1452, %div3A_1453 : vector<128x1xf32>
    %logistic3A_1455 = arith.negf %div3A_1454 : vector<128x1xf32>
    %logistic3A_1456 = math.exp %logistic3A_1455 : vector<128x1xf32>
    %logistic3A_1457 = arith.constant 1.000000e+00 : f32
    %logistic3A_1458 = vector.broadcast %logistic3A_1457 : f32 to vector<128x1xf32>
    %logistic3A_1459 = arith.addf %logistic3A_1458, %logistic3A_1456 : vector<128x1xf32>
    %logistic3A_1460 = arith.divf %logistic3A_1458, %logistic3A_1459 : vector<128x1xf32>
    %sub3A_1461 = arith.constant 1.000000e+00 : f32
    %sub3A_1462 = vector.broadcast %sub3A_1461 : f32 to vector<128x1xf32>
    %sub3A_1463 = arith.subf %sub3A_1462, %logistic3A_1460 : vector<128x1xf32>
    %slice3A_1464 = vector.extract_strided_slice %select_n3A_1430 {offsets = [0, 3], sizes = [128, 64], strides = [1, 1]} : vector<128x67xf32> to vector<128x64xf32>
    %concatenate3A_1465 = tpu.concatenate %select_n3A_1435, %select_n3A_1440, %select_n3A_1445, %slice3A_1464 in 1 : vector<128x1xf32>, vector<128x1xf32>, vector<128x1xf32>, vector<128x64xf32> -> vector<128x67xf32>
    %swap3A_1466 = arith.constant 0 : index
    %swap3A_1467 = arith.constant 19 : index
    %swap3A_1468 = arith.constant 0 : index
    %swap3A_1469 = vector.load %arg8[%swap3A_1466, %swap3A_1467, %swap3A_1468] : memref<128x32x67xf32, #tpu.memory_space<vmem>>, vector<128x1x67xf32>
    %swap3A_1470 = vector.shape_cast %swap3A_1469 : vector<128x1x67xf32> to vector<128x67xf32>
    %swap3A_1471 = vector.shape_cast %concatenate3A_1465 : vector<128x67xf32> to vector<128x1x67xf32>
    tpu.vector_store %arg8[%swap3A_1466, %swap3A_1467, %swap3A_1468], %swap3A_1471 {strides = array<i32>} : memref<128x32x67xf32, #tpu.memory_space<vmem>>, vector<128x1x67xf32>,
    %squeeze3A_1472 = vector.shape_cast %sub3A_1463 : vector<128x1xf32> to vector<128xf32>
    %swap3A_1473 = arith.constant 0 : index
    %swap3A_1474 = arith.constant 19 : index
    %swap3A_1475 = vector.load %arg9[%swap3A_1473, %swap3A_1474] : memref<128x32xf32, #tpu.memory_space<vmem>>, vector<128x1xf32>
    %swap3A_1476 = vector.shape_cast %swap3A_1475 : vector<128x1xf32> to vector<128xf32>
    %swap3A_1477 = vector.shape_cast %squeeze3A_1472 : vector<128xf32> to vector<128x1xf32>
    tpu.vector_store %arg9[%swap3A_1473, %swap3A_1474], %swap3A_1477 {strides = array<i32>} : memref<128x32xf32, #tpu.memory_space<vmem>>, vector<128x1xf32>,
    %squeeze3A_1478 = vector.shape_cast %gt3A_1422 : vector<128x1xi1> to vector<128xi1>
    %get3A_1479 = arith.constant 0 : index
    %get3A_1480 = arith.constant 19 : index
    %get3A_1481 = vector.load %arg10[%get3A_1479, %get3A_1480] : memref<128x32xi32, #tpu.memory_space<vmem>>, vector<128x1xi32>
    %get3A_1482 = vector.shape_cast %get3A_1481 : vector<128x1xi32> to vector<128xi32>
    %select_n3A_1483 = arith.select %squeeze3A_1478, %get3A_1482, %get3A_59 : vector<128xi1>, vector<128xi32>
    %swap3A_1484 = arith.constant 0 : index
    %swap3A_1485 = arith.constant 19 : index
    %swap3A_1486 = vector.load %arg10[%swap3A_1484, %swap3A_1485] : memref<128x32xi32, #tpu.memory_space<vmem>>, vector<128x1xi32>
    %swap3A_1487 = vector.shape_cast %swap3A_1486 : vector<128x1xi32> to vector<128xi32>
    %swap3A_1488 = vector.shape_cast %select_n3A_1483 : vector<128xi32> to vector<128x1xi32>
    tpu.vector_store %arg10[%swap3A_1484, %swap3A_1485], %swap3A_1488 {strides = array<i32>} : memref<128x32xi32, #tpu.memory_space<vmem>>, vector<128x1xi32>,
    %max3A_1489 = arith.constant 1 : i32
    %max3A_1490 = vector.broadcast %max3A_1489 : i32 to vector<128x1xi32>
    %max3A_1491 = arith.maxsi %while3A_48#1, %max3A_1490 : vector<128x1xi32>
    %gt3A_1492 = arith.constant 20 : i32
    %gt3A_1493 = vector.broadcast %gt3A_1492 : i32 to vector<128x1xi32>
    %gt3A_1494 = arith.cmpi sgt, %max3A_1491, %gt3A_1493 : vector<128x1xi32>
    %get3A_1495 = arith.constant 0 : index
    %get3A_1496 = arith.constant 20 : index
    %get3A_1497 = arith.constant 0 : index
    %get3A_1498 = vector.load %arg8[%get3A_1495, %get3A_1496, %get3A_1497] : memref<128x32x67xf32, #tpu.memory_space<vmem>>, vector<128x1x67xf32>
    %get3A_1499 = vector.shape_cast %get3A_1498 : vector<128x1x67xf32> to vector<128x67xf32>
    %broadcast_in_dim3A_1500 = vector.shape_cast %gt3A_1494 : vector<128x1xi1> to vector<128x1xi1>
    %broadcast_in_dim3A_1501 = vector.broadcast %broadcast_in_dim3A_1500 : vector<128x1xi1> to vector<128x67xi1>
    %select_n3A_1502 = arith.select %broadcast_in_dim3A_1501, %get3A_1499, %get3A_55 : vector<128x67xi1>, vector<128x67xf32>
    %slice3A_1503 = vector.extract_strided_slice %select_n3A_1502 {offsets = [0, 0], sizes = [128, 1], strides = [1, 1]} : vector<128x67xf32> to vector<128x1xf32>
    %sub3A_1504 = arith.subf %slice3A_1503, %get3A_12 : vector<128x1xf32>
    %jit3A_1505 = arith.constant 0.000000e+00 : f32
    %broadcast_in_dim3A_1506 = vector.broadcast %jit3A_1505 : f32 to vector<128x1xf32>
    %select_n3A_1507 = arith.select %eq3A_50, %broadcast_in_dim3A_1506, %sub3A_1504 : vector<128x1xi1>, vector<128x1xf32>
    %slice3A_1508 = vector.extract_strided_slice %select_n3A_1502 {offsets = [0, 1], sizes = [128, 1], strides = [1, 1]} : vector<128x67xf32> to vector<128x1xf32>
    %sub3A_1509 = arith.subf %slice3A_1508, %get3A_17 : vector<128x1xf32>
    %jit3A_1510 = arith.constant 0.000000e+00 : f32
    %broadcast_in_dim3A_1511 = vector.broadcast %jit3A_1510 : f32 to vector<128x1xf32>
    %select_n3A_1512 = arith.select %eq3A_50, %broadcast_in_dim3A_1511, %sub3A_1509 : vector<128x1xi1>, vector<128x1xf32>
    %slice3A_1513 = vector.extract_strided_slice %select_n3A_1502 {offsets = [0, 2], sizes = [128, 1], strides = [1, 1]} : vector<128x67xf32> to vector<128x1xf32>
    %sub3A_1514 = arith.subf %slice3A_1513, %get3A_22 : vector<128x1xf32>
    %jit3A_1515 = arith.constant 0.000000e+00 : f32
    %broadcast_in_dim3A_1516 = vector.broadcast %jit3A_1515 : f32 to vector<128x1xf32>
    %select_n3A_1517 = arith.select %eq3A_50, %broadcast_in_dim3A_1516, %sub3A_1514 : vector<128x1xi1>, vector<128x1xf32>
    %mul3A_1518 = arith.mulf %select_n3A_1507, %select_n3A_1507 : vector<128x1xf32>
    %mul3A_1519 = arith.mulf %select_n3A_1512, %select_n3A_1512 : vector<128x1xf32>
    %add3A_1520 = arith.addf %mul3A_1518, %mul3A_1519 : vector<128x1xf32>
    %mul3A_1521 = arith.mulf %select_n3A_1517, %select_n3A_1517 : vector<128x1xf32>
    %add3A_1522 = arith.addf %add3A_1520, %mul3A_1521 : vector<128x1xf32>
    %sqrt3A_1523 = math.sqrt %add3A_1522 : vector<128x1xf32>
    %sub3A_1524 = arith.subf %sqrt3A_1523, %get3A_27 : vector<128x1xf32>
    %div3A_1525 = vector.broadcast %get3A_2 : f32 to vector<128x1xf32>
    %div3A_1526 = arith.divf %sub3A_1524, %div3A_1525 : vector<128x1xf32>
    %logistic3A_1527 = arith.negf %div3A_1526 : vector<128x1xf32>
    %logistic3A_1528 = math.exp %logistic3A_1527 : vector<128x1xf32>
    %logistic3A_1529 = arith.constant 1.000000e+00 : f32
    %logistic3A_1530 = vector.broadcast %logistic3A_1529 : f32 to vector<128x1xf32>
    %logistic3A_1531 = arith.addf %logistic3A_1530, %logistic3A_1528 : vector<128x1xf32>
    %logistic3A_1532 = arith.divf %logistic3A_1530, %logistic3A_1531 : vector<128x1xf32>
    %sub3A_1533 = arith.constant 1.000000e+00 : f32
    %sub3A_1534 = vector.broadcast %sub3A_1533 : f32 to vector<128x1xf32>
    %sub3A_1535 = arith.subf %sub3A_1534, %logistic3A_1532 : vector<128x1xf32>
    %slice3A_1536 = vector.extract_strided_slice %select_n3A_1502 {offsets = [0, 3], sizes = [128, 64], strides = [1, 1]} : vector<128x67xf32> to vector<128x64xf32>
    %concatenate3A_1537 = tpu.concatenate %select_n3A_1507, %select_n3A_1512, %select_n3A_1517, %slice3A_1536 in 1 : vector<128x1xf32>, vector<128x1xf32>, vector<128x1xf32>, vector<128x64xf32> -> vector<128x67xf32>
    %swap3A_1538 = arith.constant 0 : index
    %swap3A_1539 = arith.constant 20 : index
    %swap3A_1540 = arith.constant 0 : index
    %swap3A_1541 = vector.load %arg8[%swap3A_1538, %swap3A_1539, %swap3A_1540] : memref<128x32x67xf32, #tpu.memory_space<vmem>>, vector<128x1x67xf32>
    %swap3A_1542 = vector.shape_cast %swap3A_1541 : vector<128x1x67xf32> to vector<128x67xf32>
    %swap3A_1543 = vector.shape_cast %concatenate3A_1537 : vector<128x67xf32> to vector<128x1x67xf32>
    tpu.vector_store %arg8[%swap3A_1538, %swap3A_1539, %swap3A_1540], %swap3A_1543 {strides = array<i32>} : memref<128x32x67xf32, #tpu.memory_space<vmem>>, vector<128x1x67xf32>,
    %squeeze3A_1544 = vector.shape_cast %sub3A_1535 : vector<128x1xf32> to vector<128xf32>
    %swap3A_1545 = arith.constant 0 : index
    %swap3A_1546 = arith.constant 20 : index
    %swap3A_1547 = vector.load %arg9[%swap3A_1545, %swap3A_1546] : memref<128x32xf32, #tpu.memory_space<vmem>>, vector<128x1xf32>
    %swap3A_1548 = vector.shape_cast %swap3A_1547 : vector<128x1xf32> to vector<128xf32>
    %swap3A_1549 = vector.shape_cast %squeeze3A_1544 : vector<128xf32> to vector<128x1xf32>
    tpu.vector_store %arg9[%swap3A_1545, %swap3A_1546], %swap3A_1549 {strides = array<i32>} : memref<128x32xf32, #tpu.memory_space<vmem>>, vector<128x1xf32>,
    %squeeze3A_1550 = vector.shape_cast %gt3A_1494 : vector<128x1xi1> to vector<128xi1>
    %get3A_1551 = arith.constant 0 : index
    %get3A_1552 = arith.constant 20 : index
    %get3A_1553 = vector.load %arg10[%get3A_1551, %get3A_1552] : memref<128x32xi32, #tpu.memory_space<vmem>>, vector<128x1xi32>
    %get3A_1554 = vector.shape_cast %get3A_1553 : vector<128x1xi32> to vector<128xi32>
    %select_n3A_1555 = arith.select %squeeze3A_1550, %get3A_1554, %get3A_59 : vector<128xi1>, vector<128xi32>
    %swap3A_1556 = arith.constant 0 : index
    %swap3A_1557 = arith.constant 20 : index
    %swap3A_1558 = vector.load %arg10[%swap3A_1556, %swap3A_1557] : memref<128x32xi32, #tpu.memory_space<vmem>>, vector<128x1xi32>
    %swap3A_1559 = vector.shape_cast %swap3A_1558 : vector<128x1xi32> to vector<128xi32>
    %swap3A_1560 = vector.shape_cast %select_n3A_1555 : vector<128xi32> to vector<128x1xi32>
    tpu.vector_store %arg10[%swap3A_1556, %swap3A_1557], %swap3A_1560 {strides = array<i32>} : memref<128x32xi32, #tpu.memory_space<vmem>>, vector<128x1xi32>,
    %max3A_1561 = arith.constant 1 : i32
    %max3A_1562 = vector.broadcast %max3A_1561 : i32 to vector<128x1xi32>
    %max3A_1563 = arith.maxsi %while3A_48#1, %max3A_1562 : vector<128x1xi32>
    %gt3A_1564 = arith.constant 21 : i32
    %gt3A_1565 = vector.broadcast %gt3A_1564 : i32 to vector<128x1xi32>
    %gt3A_1566 = arith.cmpi sgt, %max3A_1563, %gt3A_1565 : vector<128x1xi32>
    %get3A_1567 = arith.constant 0 : index
    %get3A_1568 = arith.constant 21 : index
    %get3A_1569 = arith.constant 0 : index
    %get3A_1570 = vector.load %arg8[%get3A_1567, %get3A_1568, %get3A_1569] : memref<128x32x67xf32, #tpu.memory_space<vmem>>, vector<128x1x67xf32>
    %get3A_1571 = vector.shape_cast %get3A_1570 : vector<128x1x67xf32> to vector<128x67xf32>
    %broadcast_in_dim3A_1572 = vector.shape_cast %gt3A_1566 : vector<128x1xi1> to vector<128x1xi1>
    %broadcast_in_dim3A_1573 = vector.broadcast %broadcast_in_dim3A_1572 : vector<128x1xi1> to vector<128x67xi1>
    %select_n3A_1574 = arith.select %broadcast_in_dim3A_1573, %get3A_1571, %get3A_55 : vector<128x67xi1>, vector<128x67xf32>
    %slice3A_1575 = vector.extract_strided_slice %select_n3A_1574 {offsets = [0, 0], sizes = [128, 1], strides = [1, 1]} : vector<128x67xf32> to vector<128x1xf32>
    %sub3A_1576 = arith.subf %slice3A_1575, %get3A_12 : vector<128x1xf32>
    %jit3A_1577 = arith.constant 0.000000e+00 : f32
    %broadcast_in_dim3A_1578 = vector.broadcast %jit3A_1577 : f32 to vector<128x1xf32>
    %select_n3A_1579 = arith.select %eq3A_50, %broadcast_in_dim3A_1578, %sub3A_1576 : vector<128x1xi1>, vector<128x1xf32>
    %slice3A_1580 = vector.extract_strided_slice %select_n3A_1574 {offsets = [0, 1], sizes = [128, 1], strides = [1, 1]} : vector<128x67xf32> to vector<128x1xf32>
    %sub3A_1581 = arith.subf %slice3A_1580, %get3A_17 : vector<128x1xf32>
    %jit3A_1582 = arith.constant 0.000000e+00 : f32
    %broadcast_in_dim3A_1583 = vector.broadcast %jit3A_1582 : f32 to vector<128x1xf32>
    %select_n3A_1584 = arith.select %eq3A_50, %broadcast_in_dim3A_1583, %sub3A_1581 : vector<128x1xi1>, vector<128x1xf32>
    %slice3A_1585 = vector.extract_strided_slice %select_n3A_1574 {offsets = [0, 2], sizes = [128, 1], strides = [1, 1]} : vector<128x67xf32> to vector<128x1xf32>
    %sub3A_1586 = arith.subf %slice3A_1585, %get3A_22 : vector<128x1xf32>
    %jit3A_1587 = arith.constant 0.000000e+00 : f32
    %broadcast_in_dim3A_1588 = vector.broadcast %jit3A_1587 : f32 to vector<128x1xf32>
    %select_n3A_1589 = arith.select %eq3A_50, %broadcast_in_dim3A_1588, %sub3A_1586 : vector<128x1xi1>, vector<128x1xf32>
    %mul3A_1590 = arith.mulf %select_n3A_1579, %select_n3A_1579 : vector<128x1xf32>
    %mul3A_1591 = arith.mulf %select_n3A_1584, %select_n3A_1584 : vector<128x1xf32>
    %add3A_1592 = arith.addf %mul3A_1590, %mul3A_1591 : vector<128x1xf32>
    %mul3A_1593 = arith.mulf %select_n3A_1589, %select_n3A_1589 : vector<128x1xf32>
    %add3A_1594 = arith.addf %add3A_1592, %mul3A_1593 : vector<128x1xf32>
    %sqrt3A_1595 = math.sqrt %add3A_1594 : vector<128x1xf32>
    %sub3A_1596 = arith.subf %sqrt3A_1595, %get3A_27 : vector<128x1xf32>
    %div3A_1597 = vector.broadcast %get3A_2 : f32 to vector<128x1xf32>
    %div3A_1598 = arith.divf %sub3A_1596, %div3A_1597 : vector<128x1xf32>
    %logistic3A_1599 = arith.negf %div3A_1598 : vector<128x1xf32>
    %logistic3A_1600 = math.exp %logistic3A_1599 : vector<128x1xf32>
    %logistic3A_1601 = arith.constant 1.000000e+00 : f32
    %logistic3A_1602 = vector.broadcast %logistic3A_1601 : f32 to vector<128x1xf32>
    %logistic3A_1603 = arith.addf %logistic3A_1602, %logistic3A_1600 : vector<128x1xf32>
    %logistic3A_1604 = arith.divf %logistic3A_1602, %logistic3A_1603 : vector<128x1xf32>
    %sub3A_1605 = arith.constant 1.000000e+00 : f32
    %sub3A_1606 = vector.broadcast %sub3A_1605 : f32 to vector<128x1xf32>
    %sub3A_1607 = arith.subf %sub3A_1606, %logistic3A_1604 : vector<128x1xf32>
    %slice3A_1608 = vector.extract_strided_slice %select_n3A_1574 {offsets = [0, 3], sizes = [128, 64], strides = [1, 1]} : vector<128x67xf32> to vector<128x64xf32>
    %concatenate3A_1609 = tpu.concatenate %select_n3A_1579, %select_n3A_1584, %select_n3A_1589, %slice3A_1608 in 1 : vector<128x1xf32>, vector<128x1xf32>, vector<128x1xf32>, vector<128x64xf32> -> vector<128x67xf32>
    %swap3A_1610 = arith.constant 0 : index
    %swap3A_1611 = arith.constant 21 : index
    %swap3A_1612 = arith.constant 0 : index
    %swap3A_1613 = vector.load %arg8[%swap3A_1610, %swap3A_1611, %swap3A_1612] : memref<128x32x67xf32, #tpu.memory_space<vmem>>, vector<128x1x67xf32>
    %swap3A_1614 = vector.shape_cast %swap3A_1613 : vector<128x1x67xf32> to vector<128x67xf32>
    %swap3A_1615 = vector.shape_cast %concatenate3A_1609 : vector<128x67xf32> to vector<128x1x67xf32>
    tpu.vector_store %arg8[%swap3A_1610, %swap3A_1611, %swap3A_1612], %swap3A_1615 {strides = array<i32>} : memref<128x32x67xf32, #tpu.memory_space<vmem>>, vector<128x1x67xf32>,
    %squeeze3A_1616 = vector.shape_cast %sub3A_1607 : vector<128x1xf32> to vector<128xf32>
    %swap3A_1617 = arith.constant 0 : index
    %swap3A_1618 = arith.constant 21 : index
    %swap3A_1619 = vector.load %arg9[%swap3A_1617, %swap3A_1618] : memref<128x32xf32, #tpu.memory_space<vmem>>, vector<128x1xf32>
    %swap3A_1620 = vector.shape_cast %swap3A_1619 : vector<128x1xf32> to vector<128xf32>
    %swap3A_1621 = vector.shape_cast %squeeze3A_1616 : vector<128xf32> to vector<128x1xf32>
    tpu.vector_store %arg9[%swap3A_1617, %swap3A_1618], %swap3A_1621 {strides = array<i32>} : memref<128x32xf32, #tpu.memory_space<vmem>>, vector<128x1xf32>,
    %squeeze3A_1622 = vector.shape_cast %gt3A_1566 : vector<128x1xi1> to vector<128xi1>
    %get3A_1623 = arith.constant 0 : index
    %get3A_1624 = arith.constant 21 : index
    %get3A_1625 = vector.load %arg10[%get3A_1623, %get3A_1624] : memref<128x32xi32, #tpu.memory_space<vmem>>, vector<128x1xi32>
    %get3A_1626 = vector.shape_cast %get3A_1625 : vector<128x1xi32> to vector<128xi32>
    %select_n3A_1627 = arith.select %squeeze3A_1622, %get3A_1626, %get3A_59 : vector<128xi1>, vector<128xi32>
    %swap3A_1628 = arith.constant 0 : index
    %swap3A_1629 = arith.constant 21 : index
    %swap3A_1630 = vector.load %arg10[%swap3A_1628, %swap3A_1629] : memref<128x32xi32, #tpu.memory_space<vmem>>, vector<128x1xi32>
    %swap3A_1631 = vector.shape_cast %swap3A_1630 : vector<128x1xi32> to vector<128xi32>
    %swap3A_1632 = vector.shape_cast %select_n3A_1627 : vector<128xi32> to vector<128x1xi32>
    tpu.vector_store %arg10[%swap3A_1628, %swap3A_1629], %swap3A_1632 {strides = array<i32>} : memref<128x32xi32, #tpu.memory_space<vmem>>, vector<128x1xi32>,
    %max3A_1633 = arith.constant 1 : i32
    %max3A_1634 = vector.broadcast %max3A_1633 : i32 to vector<128x1xi32>
    %max3A_1635 = arith.maxsi %while3A_48#1, %max3A_1634 : vector<128x1xi32>
    %gt3A_1636 = arith.constant 22 : i32
    %gt3A_1637 = vector.broadcast %gt3A_1636 : i32 to vector<128x1xi32>
    %gt3A_1638 = arith.cmpi sgt, %max3A_1635, %gt3A_1637 : vector<128x1xi32>
    %get3A_1639 = arith.constant 0 : index
    %get3A_1640 = arith.constant 22 : index
    %get3A_1641 = arith.constant 0 : index
    %get3A_1642 = vector.load %arg8[%get3A_1639, %get3A_1640, %get3A_1641] : memref<128x32x67xf32, #tpu.memory_space<vmem>>, vector<128x1x67xf32>
    %get3A_1643 = vector.shape_cast %get3A_1642 : vector<128x1x67xf32> to vector<128x67xf32>
    %broadcast_in_dim3A_1644 = vector.shape_cast %gt3A_1638 : vector<128x1xi1> to vector<128x1xi1>
    %broadcast_in_dim3A_1645 = vector.broadcast %broadcast_in_dim3A_1644 : vector<128x1xi1> to vector<128x67xi1>
    %select_n3A_1646 = arith.select %broadcast_in_dim3A_1645, %get3A_1643, %get3A_55 : vector<128x67xi1>, vector<128x67xf32>
    %slice3A_1647 = vector.extract_strided_slice %select_n3A_1646 {offsets = [0, 0], sizes = [128, 1], strides = [1, 1]} : vector<128x67xf32> to vector<128x1xf32>
    %sub3A_1648 = arith.subf %slice3A_1647, %get3A_12 : vector<128x1xf32>
    %jit3A_1649 = arith.constant 0.000000e+00 : f32
    %broadcast_in_dim3A_1650 = vector.broadcast %jit3A_1649 : f32 to vector<128x1xf32>
    %select_n3A_1651 = arith.select %eq3A_50, %broadcast_in_dim3A_1650, %sub3A_1648 : vector<128x1xi1>, vector<128x1xf32>
    %slice3A_1652 = vector.extract_strided_slice %select_n3A_1646 {offsets = [0, 1], sizes = [128, 1], strides = [1, 1]} : vector<128x67xf32> to vector<128x1xf32>
    %sub3A_1653 = arith.subf %slice3A_1652, %get3A_17 : vector<128x1xf32>
    %jit3A_1654 = arith.constant 0.000000e+00 : f32
    %broadcast_in_dim3A_1655 = vector.broadcast %jit3A_1654 : f32 to vector<128x1xf32>
    %select_n3A_1656 = arith.select %eq3A_50, %broadcast_in_dim3A_1655, %sub3A_1653 : vector<128x1xi1>, vector<128x1xf32>
    %slice3A_1657 = vector.extract_strided_slice %select_n3A_1646 {offsets = [0, 2], sizes = [128, 1], strides = [1, 1]} : vector<128x67xf32> to vector<128x1xf32>
    %sub3A_1658 = arith.subf %slice3A_1657, %get3A_22 : vector<128x1xf32>
    %jit3A_1659 = arith.constant 0.000000e+00 : f32
    %broadcast_in_dim3A_1660 = vector.broadcast %jit3A_1659 : f32 to vector<128x1xf32>
    %select_n3A_1661 = arith.select %eq3A_50, %broadcast_in_dim3A_1660, %sub3A_1658 : vector<128x1xi1>, vector<128x1xf32>
    %mul3A_1662 = arith.mulf %select_n3A_1651, %select_n3A_1651 : vector<128x1xf32>
    %mul3A_1663 = arith.mulf %select_n3A_1656, %select_n3A_1656 : vector<128x1xf32>
    %add3A_1664 = arith.addf %mul3A_1662, %mul3A_1663 : vector<128x1xf32>
    %mul3A_1665 = arith.mulf %select_n3A_1661, %select_n3A_1661 : vector<128x1xf32>
    %add3A_1666 = arith.addf %add3A_1664, %mul3A_1665 : vector<128x1xf32>
    %sqrt3A_1667 = math.sqrt %add3A_1666 : vector<128x1xf32>
    %sub3A_1668 = arith.subf %sqrt3A_1667, %get3A_27 : vector<128x1xf32>
    %div3A_1669 = vector.broadcast %get3A_2 : f32 to vector<128x1xf32>
    %div3A_1670 = arith.divf %sub3A_1668, %div3A_1669 : vector<128x1xf32>
    %logistic3A_1671 = arith.negf %div3A_1670 : vector<128x1xf32>
    %logistic3A_1672 = math.exp %logistic3A_1671 : vector<128x1xf32>
    %logistic3A_1673 = arith.constant 1.000000e+00 : f32
    %logistic3A_1674 = vector.broadcast %logistic3A_1673 : f32 to vector<128x1xf32>
    %logistic3A_1675 = arith.addf %logistic3A_1674, %logistic3A_1672 : vector<128x1xf32>
    %logistic3A_1676 = arith.divf %logistic3A_1674, %logistic3A_1675 : vector<128x1xf32>
    %sub3A_1677 = arith.constant 1.000000e+00 : f32
    %sub3A_1678 = vector.broadcast %sub3A_1677 : f32 to vector<128x1xf32>
    %sub3A_1679 = arith.subf %sub3A_1678, %logistic3A_1676 : vector<128x1xf32>
    %slice3A_1680 = vector.extract_strided_slice %select_n3A_1646 {offsets = [0, 3], sizes = [128, 64], strides = [1, 1]} : vector<128x67xf32> to vector<128x64xf32>
    %concatenate3A_1681 = tpu.concatenate %select_n3A_1651, %select_n3A_1656, %select_n3A_1661, %slice3A_1680 in 1 : vector<128x1xf32>, vector<128x1xf32>, vector<128x1xf32>, vector<128x64xf32> -> vector<128x67xf32>
    %swap3A_1682 = arith.constant 0 : index
    %swap3A_1683 = arith.constant 22 : index
    %swap3A_1684 = arith.constant 0 : index
    %swap3A_1685 = vector.load %arg8[%swap3A_1682, %swap3A_1683, %swap3A_1684] : memref<128x32x67xf32, #tpu.memory_space<vmem>>, vector<128x1x67xf32>
    %swap3A_1686 = vector.shape_cast %swap3A_1685 : vector<128x1x67xf32> to vector<128x67xf32>
    %swap3A_1687 = vector.shape_cast %concatenate3A_1681 : vector<128x67xf32> to vector<128x1x67xf32>
    tpu.vector_store %arg8[%swap3A_1682, %swap3A_1683, %swap3A_1684], %swap3A_1687 {strides = array<i32>} : memref<128x32x67xf32, #tpu.memory_space<vmem>>, vector<128x1x67xf32>,
    %squeeze3A_1688 = vector.shape_cast %sub3A_1679 : vector<128x1xf32> to vector<128xf32>
    %swap3A_1689 = arith.constant 0 : index
    %swap3A_1690 = arith.constant 22 : index
    %swap3A_1691 = vector.load %arg9[%swap3A_1689, %swap3A_1690] : memref<128x32xf32, #tpu.memory_space<vmem>>, vector<128x1xf32>
    %swap3A_1692 = vector.shape_cast %swap3A_1691 : vector<128x1xf32> to vector<128xf32>
    %swap3A_1693 = vector.shape_cast %squeeze3A_1688 : vector<128xf32> to vector<128x1xf32>
    tpu.vector_store %arg9[%swap3A_1689, %swap3A_1690], %swap3A_1693 {strides = array<i32>} : memref<128x32xf32, #tpu.memory_space<vmem>>, vector<128x1xf32>,
    %squeeze3A_1694 = vector.shape_cast %gt3A_1638 : vector<128x1xi1> to vector<128xi1>
    %get3A_1695 = arith.constant 0 : index
    %get3A_1696 = arith.constant 22 : index
    %get3A_1697 = vector.load %arg10[%get3A_1695, %get3A_1696] : memref<128x32xi32, #tpu.memory_space<vmem>>, vector<128x1xi32>
    %get3A_1698 = vector.shape_cast %get3A_1697 : vector<128x1xi32> to vector<128xi32>
    %select_n3A_1699 = arith.select %squeeze3A_1694, %get3A_1698, %get3A_59 : vector<128xi1>, vector<128xi32>
    %swap3A_1700 = arith.constant 0 : index
    %swap3A_1701 = arith.constant 22 : index
    %swap3A_1702 = vector.load %arg10[%swap3A_1700, %swap3A_1701] : memref<128x32xi32, #tpu.memory_space<vmem>>, vector<128x1xi32>
    %swap3A_1703 = vector.shape_cast %swap3A_1702 : vector<128x1xi32> to vector<128xi32>
    %swap3A_1704 = vector.shape_cast %select_n3A_1699 : vector<128xi32> to vector<128x1xi32>
    tpu.vector_store %arg10[%swap3A_1700, %swap3A_1701], %swap3A_1704 {strides = array<i32>} : memref<128x32xi32, #tpu.memory_space<vmem>>, vector<128x1xi32>,
    %max3A_1705 = arith.constant 1 : i32
    %max3A_1706 = vector.broadcast %max3A_1705 : i32 to vector<128x1xi32>
    %max3A_1707 = arith.maxsi %while3A_48#1, %max3A_1706 : vector<128x1xi32>
    %gt3A_1708 = arith.constant 23 : i32
    %gt3A_1709 = vector.broadcast %gt3A_1708 : i32 to vector<128x1xi32>
    %gt3A_1710 = arith.cmpi sgt, %max3A_1707, %gt3A_1709 : vector<128x1xi32>
    %get3A_1711 = arith.constant 0 : index
    %get3A_1712 = arith.constant 23 : index
    %get3A_1713 = arith.constant 0 : index
    %get3A_1714 = vector.load %arg8[%get3A_1711, %get3A_1712, %get3A_1713] : memref<128x32x67xf32, #tpu.memory_space<vmem>>, vector<128x1x67xf32>
    %get3A_1715 = vector.shape_cast %get3A_1714 : vector<128x1x67xf32> to vector<128x67xf32>
    %broadcast_in_dim3A_1716 = vector.shape_cast %gt3A_1710 : vector<128x1xi1> to vector<128x1xi1>
    %broadcast_in_dim3A_1717 = vector.broadcast %broadcast_in_dim3A_1716 : vector<128x1xi1> to vector<128x67xi1>
    %select_n3A_1718 = arith.select %broadcast_in_dim3A_1717, %get3A_1715, %get3A_55 : vector<128x67xi1>, vector<128x67xf32>
    %slice3A_1719 = vector.extract_strided_slice %select_n3A_1718 {offsets = [0, 0], sizes = [128, 1], strides = [1, 1]} : vector<128x67xf32> to vector<128x1xf32>
    %sub3A_1720 = arith.subf %slice3A_1719, %get3A_12 : vector<128x1xf32>
    %jit3A_1721 = arith.constant 0.000000e+00 : f32
    %broadcast_in_dim3A_1722 = vector.broadcast %jit3A_1721 : f32 to vector<128x1xf32>
    %select_n3A_1723 = arith.select %eq3A_50, %broadcast_in_dim3A_1722, %sub3A_1720 : vector<128x1xi1>, vector<128x1xf32>
    %slice3A_1724 = vector.extract_strided_slice %select_n3A_1718 {offsets = [0, 1], sizes = [128, 1], strides = [1, 1]} : vector<128x67xf32> to vector<128x1xf32>
    %sub3A_1725 = arith.subf %slice3A_1724, %get3A_17 : vector<128x1xf32>
    %jit3A_1726 = arith.constant 0.000000e+00 : f32
    %broadcast_in_dim3A_1727 = vector.broadcast %jit3A_1726 : f32 to vector<128x1xf32>
    %select_n3A_1728 = arith.select %eq3A_50, %broadcast_in_dim3A_1727, %sub3A_1725 : vector<128x1xi1>, vector<128x1xf32>
    %slice3A_1729 = vector.extract_strided_slice %select_n3A_1718 {offsets = [0, 2], sizes = [128, 1], strides = [1, 1]} : vector<128x67xf32> to vector<128x1xf32>
    %sub3A_1730 = arith.subf %slice3A_1729, %get3A_22 : vector<128x1xf32>
    %jit3A_1731 = arith.constant 0.000000e+00 : f32
    %broadcast_in_dim3A_1732 = vector.broadcast %jit3A_1731 : f32 to vector<128x1xf32>
    %select_n3A_1733 = arith.select %eq3A_50, %broadcast_in_dim3A_1732, %sub3A_1730 : vector<128x1xi1>, vector<128x1xf32>
    %mul3A_1734 = arith.mulf %select_n3A_1723, %select_n3A_1723 : vector<128x1xf32>
    %mul3A_1735 = arith.mulf %select_n3A_1728, %select_n3A_1728 : vector<128x1xf32>
    %add3A_1736 = arith.addf %mul3A_1734, %mul3A_1735 : vector<128x1xf32>
    %mul3A_1737 = arith.mulf %select_n3A_1733, %select_n3A_1733 : vector<128x1xf32>
    %add3A_1738 = arith.addf %add3A_1736, %mul3A_1737 : vector<128x1xf32>
    %sqrt3A_1739 = math.sqrt %add3A_1738 : vector<128x1xf32>
    %sub3A_1740 = arith.subf %sqrt3A_1739, %get3A_27 : vector<128x1xf32>
    %div3A_1741 = vector.broadcast %get3A_2 : f32 to vector<128x1xf32>
    %div3A_1742 = arith.divf %sub3A_1740, %div3A_1741 : vector<128x1xf32>
    %logistic3A_1743 = arith.negf %div3A_1742 : vector<128x1xf32>
    %logistic3A_1744 = math.exp %logistic3A_1743 : vector<128x1xf32>
    %logistic3A_1745 = arith.constant 1.000000e+00 : f32
    %logistic3A_1746 = vector.broadcast %logistic3A_1745 : f32 to vector<128x1xf32>
    %logistic3A_1747 = arith.addf %logistic3A_1746, %logistic3A_1744 : vector<128x1xf32>
    %logistic3A_1748 = arith.divf %logistic3A_1746, %logistic3A_1747 : vector<128x1xf32>
    %sub3A_1749 = arith.constant 1.000000e+00 : f32
    %sub3A_1750 = vector.broadcast %sub3A_1749 : f32 to vector<128x1xf32>
    %sub3A_1751 = arith.subf %sub3A_1750, %logistic3A_1748 : vector<128x1xf32>
    %slice3A_1752 = vector.extract_strided_slice %select_n3A_1718 {offsets = [0, 3], sizes = [128, 64], strides = [1, 1]} : vector<128x67xf32> to vector<128x64xf32>
    %concatenate3A_1753 = tpu.concatenate %select_n3A_1723, %select_n3A_1728, %select_n3A_1733, %slice3A_1752 in 1 : vector<128x1xf32>, vector<128x1xf32>, vector<128x1xf32>, vector<128x64xf32> -> vector<128x67xf32>
    %swap3A_1754 = arith.constant 0 : index
    %swap3A_1755 = arith.constant 23 : index
    %swap3A_1756 = arith.constant 0 : index
    %swap3A_1757 = vector.load %arg8[%swap3A_1754, %swap3A_1755, %swap3A_1756] : memref<128x32x67xf32, #tpu.memory_space<vmem>>, vector<128x1x67xf32>
    %swap3A_1758 = vector.shape_cast %swap3A_1757 : vector<128x1x67xf32> to vector<128x67xf32>
    %swap3A_1759 = vector.shape_cast %concatenate3A_1753 : vector<128x67xf32> to vector<128x1x67xf32>
    tpu.vector_store %arg8[%swap3A_1754, %swap3A_1755, %swap3A_1756], %swap3A_1759 {strides = array<i32>} : memref<128x32x67xf32, #tpu.memory_space<vmem>>, vector<128x1x67xf32>,
    %squeeze3A_1760 = vector.shape_cast %sub3A_1751 : vector<128x1xf32> to vector<128xf32>
    %swap3A_1761 = arith.constant 0 : index
    %swap3A_1762 = arith.constant 23 : index
    %swap3A_1763 = vector.load %arg9[%swap3A_1761, %swap3A_1762] : memref<128x32xf32, #tpu.memory_space<vmem>>, vector<128x1xf32>
    %swap3A_1764 = vector.shape_cast %swap3A_1763 : vector<128x1xf32> to vector<128xf32>
    %swap3A_1765 = vector.shape_cast %squeeze3A_1760 : vector<128xf32> to vector<128x1xf32>
    tpu.vector_store %arg9[%swap3A_1761, %swap3A_1762], %swap3A_1765 {strides = array<i32>} : memref<128x32xf32, #tpu.memory_space<vmem>>, vector<128x1xf32>,
    %squeeze3A_1766 = vector.shape_cast %gt3A_1710 : vector<128x1xi1> to vector<128xi1>
    %get3A_1767 = arith.constant 0 : index
    %get3A_1768 = arith.constant 23 : index
    %get3A_1769 = vector.load %arg10[%get3A_1767, %get3A_1768] : memref<128x32xi32, #tpu.memory_space<vmem>>, vector<128x1xi32>
    %get3A_1770 = vector.shape_cast %get3A_1769 : vector<128x1xi32> to vector<128xi32>
    %select_n3A_1771 = arith.select %squeeze3A_1766, %get3A_1770, %get3A_59 : vector<128xi1>, vector<128xi32>
    %swap3A_1772 = arith.constant 0 : index
    %swap3A_1773 = arith.constant 23 : index
    %swap3A_1774 = vector.load %arg10[%swap3A_1772, %swap3A_1773] : memref<128x32xi32, #tpu.memory_space<vmem>>, vector<128x1xi32>
    %swap3A_1775 = vector.shape_cast %swap3A_1774 : vector<128x1xi32> to vector<128xi32>
    %swap3A_1776 = vector.shape_cast %select_n3A_1771 : vector<128xi32> to vector<128x1xi32>
    tpu.vector_store %arg10[%swap3A_1772, %swap3A_1773], %swap3A_1776 {strides = array<i32>} : memref<128x32xi32, #tpu.memory_space<vmem>>, vector<128x1xi32>,
    %max3A_1777 = arith.constant 1 : i32
    %max3A_1778 = vector.broadcast %max3A_1777 : i32 to vector<128x1xi32>
    %max3A_1779 = arith.maxsi %while3A_48#1, %max3A_1778 : vector<128x1xi32>
    %gt3A_1780 = arith.constant 24 : i32
    %gt3A_1781 = vector.broadcast %gt3A_1780 : i32 to vector<128x1xi32>
    %gt3A_1782 = arith.cmpi sgt, %max3A_1779, %gt3A_1781 : vector<128x1xi32>
    %get3A_1783 = arith.constant 0 : index
    %get3A_1784 = arith.constant 24 : index
    %get3A_1785 = arith.constant 0 : index
    %get3A_1786 = vector.load %arg8[%get3A_1783, %get3A_1784, %get3A_1785] : memref<128x32x67xf32, #tpu.memory_space<vmem>>, vector<128x1x67xf32>
    %get3A_1787 = vector.shape_cast %get3A_1786 : vector<128x1x67xf32> to vector<128x67xf32>
    %broadcast_in_dim3A_1788 = vector.shape_cast %gt3A_1782 : vector<128x1xi1> to vector<128x1xi1>
    %broadcast_in_dim3A_1789 = vector.broadcast %broadcast_in_dim3A_1788 : vector<128x1xi1> to vector<128x67xi1>
    %select_n3A_1790 = arith.select %broadcast_in_dim3A_1789, %get3A_1787, %get3A_55 : vector<128x67xi1>, vector<128x67xf32>
    %slice3A_1791 = vector.extract_strided_slice %select_n3A_1790 {offsets = [0, 0], sizes = [128, 1], strides = [1, 1]} : vector<128x67xf32> to vector<128x1xf32>
    %sub3A_1792 = arith.subf %slice3A_1791, %get3A_12 : vector<128x1xf32>
    %jit3A_1793 = arith.constant 0.000000e+00 : f32
    %broadcast_in_dim3A_1794 = vector.broadcast %jit3A_1793 : f32 to vector<128x1xf32>
    %select_n3A_1795 = arith.select %eq3A_50, %broadcast_in_dim3A_1794, %sub3A_1792 : vector<128x1xi1>, vector<128x1xf32>
    %slice3A_1796 = vector.extract_strided_slice %select_n3A_1790 {offsets = [0, 1], sizes = [128, 1], strides = [1, 1]} : vector<128x67xf32> to vector<128x1xf32>
    %sub3A_1797 = arith.subf %slice3A_1796, %get3A_17 : vector<128x1xf32>
    %jit3A_1798 = arith.constant 0.000000e+00 : f32
    %broadcast_in_dim3A_1799 = vector.broadcast %jit3A_1798 : f32 to vector<128x1xf32>
    %select_n3A_1800 = arith.select %eq3A_50, %broadcast_in_dim3A_1799, %sub3A_1797 : vector<128x1xi1>, vector<128x1xf32>
    %slice3A_1801 = vector.extract_strided_slice %select_n3A_1790 {offsets = [0, 2], sizes = [128, 1], strides = [1, 1]} : vector<128x67xf32> to vector<128x1xf32>
    %sub3A_1802 = arith.subf %slice3A_1801, %get3A_22 : vector<128x1xf32>
    %jit3A_1803 = arith.constant 0.000000e+00 : f32
    %broadcast_in_dim3A_1804 = vector.broadcast %jit3A_1803 : f32 to vector<128x1xf32>
    %select_n3A_1805 = arith.select %eq3A_50, %broadcast_in_dim3A_1804, %sub3A_1802 : vector<128x1xi1>, vector<128x1xf32>
    %mul3A_1806 = arith.mulf %select_n3A_1795, %select_n3A_1795 : vector<128x1xf32>
    %mul3A_1807 = arith.mulf %select_n3A_1800, %select_n3A_1800 : vector<128x1xf32>
    %add3A_1808 = arith.addf %mul3A_1806, %mul3A_1807 : vector<128x1xf32>
    %mul3A_1809 = arith.mulf %select_n3A_1805, %select_n3A_1805 : vector<128x1xf32>
    %add3A_1810 = arith.addf %add3A_1808, %mul3A_1809 : vector<128x1xf32>
    %sqrt3A_1811 = math.sqrt %add3A_1810 : vector<128x1xf32>
    %sub3A_1812 = arith.subf %sqrt3A_1811, %get3A_27 : vector<128x1xf32>
    %div3A_1813 = vector.broadcast %get3A_2 : f32 to vector<128x1xf32>
    %div3A_1814 = arith.divf %sub3A_1812, %div3A_1813 : vector<128x1xf32>
    %logistic3A_1815 = arith.negf %div3A_1814 : vector<128x1xf32>
    %logistic3A_1816 = math.exp %logistic3A_1815 : vector<128x1xf32>
    %logistic3A_1817 = arith.constant 1.000000e+00 : f32
    %logistic3A_1818 = vector.broadcast %logistic3A_1817 : f32 to vector<128x1xf32>
    %logistic3A_1819 = arith.addf %logistic3A_1818, %logistic3A_1816 : vector<128x1xf32>
    %logistic3A_1820 = arith.divf %logistic3A_1818, %logistic3A_1819 : vector<128x1xf32>
    %sub3A_1821 = arith.constant 1.000000e+00 : f32
    %sub3A_1822 = vector.broadcast %sub3A_1821 : f32 to vector<128x1xf32>
    %sub3A_1823 = arith.subf %sub3A_1822, %logistic3A_1820 : vector<128x1xf32>
    %slice3A_1824 = vector.extract_strided_slice %select_n3A_1790 {offsets = [0, 3], sizes = [128, 64], strides = [1, 1]} : vector<128x67xf32> to vector<128x64xf32>
    %concatenate3A_1825 = tpu.concatenate %select_n3A_1795, %select_n3A_1800, %select_n3A_1805, %slice3A_1824 in 1 : vector<128x1xf32>, vector<128x1xf32>, vector<128x1xf32>, vector<128x64xf32> -> vector<128x67xf32>
    %swap3A_1826 = arith.constant 0 : index
    %swap3A_1827 = arith.constant 24 : index
    %swap3A_1828 = arith.constant 0 : index
    %swap3A_1829 = vector.load %arg8[%swap3A_1826, %swap3A_1827, %swap3A_1828] : memref<128x32x67xf32, #tpu.memory_space<vmem>>, vector<128x1x67xf32>
    %swap3A_1830 = vector.shape_cast %swap3A_1829 : vector<128x1x67xf32> to vector<128x67xf32>
    %swap3A_1831 = vector.shape_cast %concatenate3A_1825 : vector<128x67xf32> to vector<128x1x67xf32>
    tpu.vector_store %arg8[%swap3A_1826, %swap3A_1827, %swap3A_1828], %swap3A_1831 {strides = array<i32>} : memref<128x32x67xf32, #tpu.memory_space<vmem>>, vector<128x1x67xf32>,
    %squeeze3A_1832 = vector.shape_cast %sub3A_1823 : vector<128x1xf32> to vector<128xf32>
    %swap3A_1833 = arith.constant 0 : index
    %swap3A_1834 = arith.constant 24 : index
    %swap3A_1835 = vector.load %arg9[%swap3A_1833, %swap3A_1834] : memref<128x32xf32, #tpu.memory_space<vmem>>, vector<128x1xf32>
    %swap3A_1836 = vector.shape_cast %swap3A_1835 : vector<128x1xf32> to vector<128xf32>
    %swap3A_1837 = vector.shape_cast %squeeze3A_1832 : vector<128xf32> to vector<128x1xf32>
    tpu.vector_store %arg9[%swap3A_1833, %swap3A_1834], %swap3A_1837 {strides = array<i32>} : memref<128x32xf32, #tpu.memory_space<vmem>>, vector<128x1xf32>,
    %squeeze3A_1838 = vector.shape_cast %gt3A_1782 : vector<128x1xi1> to vector<128xi1>
    %get3A_1839 = arith.constant 0 : index
    %get3A_1840 = arith.constant 24 : index
    %get3A_1841 = vector.load %arg10[%get3A_1839, %get3A_1840] : memref<128x32xi32, #tpu.memory_space<vmem>>, vector<128x1xi32>
    %get3A_1842 = vector.shape_cast %get3A_1841 : vector<128x1xi32> to vector<128xi32>
    %select_n3A_1843 = arith.select %squeeze3A_1838, %get3A_1842, %get3A_59 : vector<128xi1>, vector<128xi32>
    %swap3A_1844 = arith.constant 0 : index
    %swap3A_1845 = arith.constant 24 : index
    %swap3A_1846 = vector.load %arg10[%swap3A_1844, %swap3A_1845] : memref<128x32xi32, #tpu.memory_space<vmem>>, vector<128x1xi32>
    %swap3A_1847 = vector.shape_cast %swap3A_1846 : vector<128x1xi32> to vector<128xi32>
    %swap3A_1848 = vector.shape_cast %select_n3A_1843 : vector<128xi32> to vector<128x1xi32>
    tpu.vector_store %arg10[%swap3A_1844, %swap3A_1845], %swap3A_1848 {strides = array<i32>} : memref<128x32xi32, #tpu.memory_space<vmem>>, vector<128x1xi32>,
    %max3A_1849 = arith.constant 1 : i32
    %max3A_1850 = vector.broadcast %max3A_1849 : i32 to vector<128x1xi32>
    %max3A_1851 = arith.maxsi %while3A_48#1, %max3A_1850 : vector<128x1xi32>
    %gt3A_1852 = arith.constant 25 : i32
    %gt3A_1853 = vector.broadcast %gt3A_1852 : i32 to vector<128x1xi32>
    %gt3A_1854 = arith.cmpi sgt, %max3A_1851, %gt3A_1853 : vector<128x1xi32>
    %get3A_1855 = arith.constant 0 : index
    %get3A_1856 = arith.constant 25 : index
    %get3A_1857 = arith.constant 0 : index
    %get3A_1858 = vector.load %arg8[%get3A_1855, %get3A_1856, %get3A_1857] : memref<128x32x67xf32, #tpu.memory_space<vmem>>, vector<128x1x67xf32>
    %get3A_1859 = vector.shape_cast %get3A_1858 : vector<128x1x67xf32> to vector<128x67xf32>
    %broadcast_in_dim3A_1860 = vector.shape_cast %gt3A_1854 : vector<128x1xi1> to vector<128x1xi1>
    %broadcast_in_dim3A_1861 = vector.broadcast %broadcast_in_dim3A_1860 : vector<128x1xi1> to vector<128x67xi1>
    %select_n3A_1862 = arith.select %broadcast_in_dim3A_1861, %get3A_1859, %get3A_55 : vector<128x67xi1>, vector<128x67xf32>
    %slice3A_1863 = vector.extract_strided_slice %select_n3A_1862 {offsets = [0, 0], sizes = [128, 1], strides = [1, 1]} : vector<128x67xf32> to vector<128x1xf32>
    %sub3A_1864 = arith.subf %slice3A_1863, %get3A_12 : vector<128x1xf32>
    %jit3A_1865 = arith.constant 0.000000e+00 : f32
    %broadcast_in_dim3A_1866 = vector.broadcast %jit3A_1865 : f32 to vector<128x1xf32>
    %select_n3A_1867 = arith.select %eq3A_50, %broadcast_in_dim3A_1866, %sub3A_1864 : vector<128x1xi1>, vector<128x1xf32>
    %slice3A_1868 = vector.extract_strided_slice %select_n3A_1862 {offsets = [0, 1], sizes = [128, 1], strides = [1, 1]} : vector<128x67xf32> to vector<128x1xf32>
    %sub3A_1869 = arith.subf %slice3A_1868, %get3A_17 : vector<128x1xf32>
    %jit3A_1870 = arith.constant 0.000000e+00 : f32
    %broadcast_in_dim3A_1871 = vector.broadcast %jit3A_1870 : f32 to vector<128x1xf32>
    %select_n3A_1872 = arith.select %eq3A_50, %broadcast_in_dim3A_1871, %sub3A_1869 : vector<128x1xi1>, vector<128x1xf32>
    %slice3A_1873 = vector.extract_strided_slice %select_n3A_1862 {offsets = [0, 2], sizes = [128, 1], strides = [1, 1]} : vector<128x67xf32> to vector<128x1xf32>
    %sub3A_1874 = arith.subf %slice3A_1873, %get3A_22 : vector<128x1xf32>
    %jit3A_1875 = arith.constant 0.000000e+00 : f32
    %broadcast_in_dim3A_1876 = vector.broadcast %jit3A_1875 : f32 to vector<128x1xf32>
    %select_n3A_1877 = arith.select %eq3A_50, %broadcast_in_dim3A_1876, %sub3A_1874 : vector<128x1xi1>, vector<128x1xf32>
    %mul3A_1878 = arith.mulf %select_n3A_1867, %select_n3A_1867 : vector<128x1xf32>
    %mul3A_1879 = arith.mulf %select_n3A_1872, %select_n3A_1872 : vector<128x1xf32>
    %add3A_1880 = arith.addf %mul3A_1878, %mul3A_1879 : vector<128x1xf32>
    %mul3A_1881 = arith.mulf %select_n3A_1877, %select_n3A_1877 : vector<128x1xf32>
    %add3A_1882 = arith.addf %add3A_1880, %mul3A_1881 : vector<128x1xf32>
    %sqrt3A_1883 = math.sqrt %add3A_1882 : vector<128x1xf32>
    %sub3A_1884 = arith.subf %sqrt3A_1883, %get3A_27 : vector<128x1xf32>
    %div3A_1885 = vector.broadcast %get3A_2 : f32 to vector<128x1xf32>
    %div3A_1886 = arith.divf %sub3A_1884, %div3A_1885 : vector<128x1xf32>
    %logistic3A_1887 = arith.negf %div3A_1886 : vector<128x1xf32>
    %logistic3A_1888 = math.exp %logistic3A_1887 : vector<128x1xf32>
    %logistic3A_1889 = arith.constant 1.000000e+00 : f32
    %logistic3A_1890 = vector.broadcast %logistic3A_1889 : f32 to vector<128x1xf32>
    %logistic3A_1891 = arith.addf %logistic3A_1890, %logistic3A_1888 : vector<128x1xf32>
    %logistic3A_1892 = arith.divf %logistic3A_1890, %logistic3A_1891 : vector<128x1xf32>
    %sub3A_1893 = arith.constant 1.000000e+00 : f32
    %sub3A_1894 = vector.broadcast %sub3A_1893 : f32 to vector<128x1xf32>
    %sub3A_1895 = arith.subf %sub3A_1894, %logistic3A_1892 : vector<128x1xf32>
    %slice3A_1896 = vector.extract_strided_slice %select_n3A_1862 {offsets = [0, 3], sizes = [128, 64], strides = [1, 1]} : vector<128x67xf32> to vector<128x64xf32>
    %concatenate3A_1897 = tpu.concatenate %select_n3A_1867, %select_n3A_1872, %select_n3A_1877, %slice3A_1896 in 1 : vector<128x1xf32>, vector<128x1xf32>, vector<128x1xf32>, vector<128x64xf32> -> vector<128x67xf32>
    %swap3A_1898 = arith.constant 0 : index
    %swap3A_1899 = arith.constant 25 : index
    %swap3A_1900 = arith.constant 0 : index
    %swap3A_1901 = vector.load %arg8[%swap3A_1898, %swap3A_1899, %swap3A_1900] : memref<128x32x67xf32, #tpu.memory_space<vmem>>, vector<128x1x67xf32>
    %swap3A_1902 = vector.shape_cast %swap3A_1901 : vector<128x1x67xf32> to vector<128x67xf32>
    %swap3A_1903 = vector.shape_cast %concatenate3A_1897 : vector<128x67xf32> to vector<128x1x67xf32>
    tpu.vector_store %arg8[%swap3A_1898, %swap3A_1899, %swap3A_1900], %swap3A_1903 {strides = array<i32>} : memref<128x32x67xf32, #tpu.memory_space<vmem>>, vector<128x1x67xf32>,
    %squeeze3A_1904 = vector.shape_cast %sub3A_1895 : vector<128x1xf32> to vector<128xf32>
    %swap3A_1905 = arith.constant 0 : index
    %swap3A_1906 = arith.constant 25 : index
    %swap3A_1907 = vector.load %arg9[%swap3A_1905, %swap3A_1906] : memref<128x32xf32, #tpu.memory_space<vmem>>, vector<128x1xf32>
    %swap3A_1908 = vector.shape_cast %swap3A_1907 : vector<128x1xf32> to vector<128xf32>
    %swap3A_1909 = vector.shape_cast %squeeze3A_1904 : vector<128xf32> to vector<128x1xf32>
    tpu.vector_store %arg9[%swap3A_1905, %swap3A_1906], %swap3A_1909 {strides = array<i32>} : memref<128x32xf32, #tpu.memory_space<vmem>>, vector<128x1xf32>,
    %squeeze3A_1910 = vector.shape_cast %gt3A_1854 : vector<128x1xi1> to vector<128xi1>
    %get3A_1911 = arith.constant 0 : index
    %get3A_1912 = arith.constant 25 : index
    %get3A_1913 = vector.load %arg10[%get3A_1911, %get3A_1912] : memref<128x32xi32, #tpu.memory_space<vmem>>, vector<128x1xi32>
    %get3A_1914 = vector.shape_cast %get3A_1913 : vector<128x1xi32> to vector<128xi32>
    %select_n3A_1915 = arith.select %squeeze3A_1910, %get3A_1914, %get3A_59 : vector<128xi1>, vector<128xi32>
    %swap3A_1916 = arith.constant 0 : index
    %swap3A_1917 = arith.constant 25 : index
    %swap3A_1918 = vector.load %arg10[%swap3A_1916, %swap3A_1917] : memref<128x32xi32, #tpu.memory_space<vmem>>, vector<128x1xi32>
    %swap3A_1919 = vector.shape_cast %swap3A_1918 : vector<128x1xi32> to vector<128xi32>
    %swap3A_1920 = vector.shape_cast %select_n3A_1915 : vector<128xi32> to vector<128x1xi32>
    tpu.vector_store %arg10[%swap3A_1916, %swap3A_1917], %swap3A_1920 {strides = array<i32>} : memref<128x32xi32, #tpu.memory_space<vmem>>, vector<128x1xi32>,
    %max3A_1921 = arith.constant 1 : i32
    %max3A_1922 = vector.broadcast %max3A_1921 : i32 to vector<128x1xi32>
    %max3A_1923 = arith.maxsi %while3A_48#1, %max3A_1922 : vector<128x1xi32>
    %gt3A_1924 = arith.constant 26 : i32
    %gt3A_1925 = vector.broadcast %gt3A_1924 : i32 to vector<128x1xi32>
    %gt3A_1926 = arith.cmpi sgt, %max3A_1923, %gt3A_1925 : vector<128x1xi32>
    %get3A_1927 = arith.constant 0 : index
    %get3A_1928 = arith.constant 26 : index
    %get3A_1929 = arith.constant 0 : index
    %get3A_1930 = vector.load %arg8[%get3A_1927, %get3A_1928, %get3A_1929] : memref<128x32x67xf32, #tpu.memory_space<vmem>>, vector<128x1x67xf32>
    %get3A_1931 = vector.shape_cast %get3A_1930 : vector<128x1x67xf32> to vector<128x67xf32>
    %broadcast_in_dim3A_1932 = vector.shape_cast %gt3A_1926 : vector<128x1xi1> to vector<128x1xi1>
    %broadcast_in_dim3A_1933 = vector.broadcast %broadcast_in_dim3A_1932 : vector<128x1xi1> to vector<128x67xi1>
    %select_n3A_1934 = arith.select %broadcast_in_dim3A_1933, %get3A_1931, %get3A_55 : vector<128x67xi1>, vector<128x67xf32>
    %slice3A_1935 = vector.extract_strided_slice %select_n3A_1934 {offsets = [0, 0], sizes = [128, 1], strides = [1, 1]} : vector<128x67xf32> to vector<128x1xf32>
    %sub3A_1936 = arith.subf %slice3A_1935, %get3A_12 : vector<128x1xf32>
    %jit3A_1937 = arith.constant 0.000000e+00 : f32
    %broadcast_in_dim3A_1938 = vector.broadcast %jit3A_1937 : f32 to vector<128x1xf32>
    %select_n3A_1939 = arith.select %eq3A_50, %broadcast_in_dim3A_1938, %sub3A_1936 : vector<128x1xi1>, vector<128x1xf32>
    %slice3A_1940 = vector.extract_strided_slice %select_n3A_1934 {offsets = [0, 1], sizes = [128, 1], strides = [1, 1]} : vector<128x67xf32> to vector<128x1xf32>
    %sub3A_1941 = arith.subf %slice3A_1940, %get3A_17 : vector<128x1xf32>
    %jit3A_1942 = arith.constant 0.000000e+00 : f32
    %broadcast_in_dim3A_1943 = vector.broadcast %jit3A_1942 : f32 to vector<128x1xf32>
    %select_n3A_1944 = arith.select %eq3A_50, %broadcast_in_dim3A_1943, %sub3A_1941 : vector<128x1xi1>, vector<128x1xf32>
    %slice3A_1945 = vector.extract_strided_slice %select_n3A_1934 {offsets = [0, 2], sizes = [128, 1], strides = [1, 1]} : vector<128x67xf32> to vector<128x1xf32>
    %sub3A_1946 = arith.subf %slice3A_1945, %get3A_22 : vector<128x1xf32>
    %jit3A_1947 = arith.constant 0.000000e+00 : f32
    %broadcast_in_dim3A_1948 = vector.broadcast %jit3A_1947 : f32 to vector<128x1xf32>
    %select_n3A_1949 = arith.select %eq3A_50, %broadcast_in_dim3A_1948, %sub3A_1946 : vector<128x1xi1>, vector<128x1xf32>
    %mul3A_1950 = arith.mulf %select_n3A_1939, %select_n3A_1939 : vector<128x1xf32>
    %mul3A_1951 = arith.mulf %select_n3A_1944, %select_n3A_1944 : vector<128x1xf32>
    %add3A_1952 = arith.addf %mul3A_1950, %mul3A_1951 : vector<128x1xf32>
    %mul3A_1953 = arith.mulf %select_n3A_1949, %select_n3A_1949 : vector<128x1xf32>
    %add3A_1954 = arith.addf %add3A_1952, %mul3A_1953 : vector<128x1xf32>
    %sqrt3A_1955 = math.sqrt %add3A_1954 : vector<128x1xf32>
    %sub3A_1956 = arith.subf %sqrt3A_1955, %get3A_27 : vector<128x1xf32>
    %div3A_1957 = vector.broadcast %get3A_2 : f32 to vector<128x1xf32>
    %div3A_1958 = arith.divf %sub3A_1956, %div3A_1957 : vector<128x1xf32>
    %logistic3A_1959 = arith.negf %div3A_1958 : vector<128x1xf32>
    %logistic3A_1960 = math.exp %logistic3A_1959 : vector<128x1xf32>
    %logistic3A_1961 = arith.constant 1.000000e+00 : f32
    %logistic3A_1962 = vector.broadcast %logistic3A_1961 : f32 to vector<128x1xf32>
    %logistic3A_1963 = arith.addf %logistic3A_1962, %logistic3A_1960 : vector<128x1xf32>
    %logistic3A_1964 = arith.divf %logistic3A_1962, %logistic3A_1963 : vector<128x1xf32>
    %sub3A_1965 = arith.constant 1.000000e+00 : f32
    %sub3A_1966 = vector.broadcast %sub3A_1965 : f32 to vector<128x1xf32>
    %sub3A_1967 = arith.subf %sub3A_1966, %logistic3A_1964 : vector<128x1xf32>
    %slice3A_1968 = vector.extract_strided_slice %select_n3A_1934 {offsets = [0, 3], sizes = [128, 64], strides = [1, 1]} : vector<128x67xf32> to vector<128x64xf32>
    %concatenate3A_1969 = tpu.concatenate %select_n3A_1939, %select_n3A_1944, %select_n3A_1949, %slice3A_1968 in 1 : vector<128x1xf32>, vector<128x1xf32>, vector<128x1xf32>, vector<128x64xf32> -> vector<128x67xf32>
    %swap3A_1970 = arith.constant 0 : index
    %swap3A_1971 = arith.constant 26 : index
    %swap3A_1972 = arith.constant 0 : index
    %swap3A_1973 = vector.load %arg8[%swap3A_1970, %swap3A_1971, %swap3A_1972] : memref<128x32x67xf32, #tpu.memory_space<vmem>>, vector<128x1x67xf32>
    %swap3A_1974 = vector.shape_cast %swap3A_1973 : vector<128x1x67xf32> to vector<128x67xf32>
    %swap3A_1975 = vector.shape_cast %concatenate3A_1969 : vector<128x67xf32> to vector<128x1x67xf32>
    tpu.vector_store %arg8[%swap3A_1970, %swap3A_1971, %swap3A_1972], %swap3A_1975 {strides = array<i32>} : memref<128x32x67xf32, #tpu.memory_space<vmem>>, vector<128x1x67xf32>,
    %squeeze3A_1976 = vector.shape_cast %sub3A_1967 : vector<128x1xf32> to vector<128xf32>
    %swap3A_1977 = arith.constant 0 : index
    %swap3A_1978 = arith.constant 26 : index
    %swap3A_1979 = vector.load %arg9[%swap3A_1977, %swap3A_1978] : memref<128x32xf32, #tpu.memory_space<vmem>>, vector<128x1xf32>
    %swap3A_1980 = vector.shape_cast %swap3A_1979 : vector<128x1xf32> to vector<128xf32>
    %swap3A_1981 = vector.shape_cast %squeeze3A_1976 : vector<128xf32> to vector<128x1xf32>
    tpu.vector_store %arg9[%swap3A_1977, %swap3A_1978], %swap3A_1981 {strides = array<i32>} : memref<128x32xf32, #tpu.memory_space<vmem>>, vector<128x1xf32>,
    %squeeze3A_1982 = vector.shape_cast %gt3A_1926 : vector<128x1xi1> to vector<128xi1>
    %get3A_1983 = arith.constant 0 : index
    %get3A_1984 = arith.constant 26 : index
    %get3A_1985 = vector.load %arg10[%get3A_1983, %get3A_1984] : memref<128x32xi32, #tpu.memory_space<vmem>>, vector<128x1xi32>
    %get3A_1986 = vector.shape_cast %get3A_1985 : vector<128x1xi32> to vector<128xi32>
    %select_n3A_1987 = arith.select %squeeze3A_1982, %get3A_1986, %get3A_59 : vector<128xi1>, vector<128xi32>
    %swap3A_1988 = arith.constant 0 : index
    %swap3A_1989 = arith.constant 26 : index
    %swap3A_1990 = vector.load %arg10[%swap3A_1988, %swap3A_1989] : memref<128x32xi32, #tpu.memory_space<vmem>>, vector<128x1xi32>
    %swap3A_1991 = vector.shape_cast %swap3A_1990 : vector<128x1xi32> to vector<128xi32>
    %swap3A_1992 = vector.shape_cast %select_n3A_1987 : vector<128xi32> to vector<128x1xi32>
    tpu.vector_store %arg10[%swap3A_1988, %swap3A_1989], %swap3A_1992 {strides = array<i32>} : memref<128x32xi32, #tpu.memory_space<vmem>>, vector<128x1xi32>,
    %max3A_1993 = arith.constant 1 : i32
    %max3A_1994 = vector.broadcast %max3A_1993 : i32 to vector<128x1xi32>
    %max3A_1995 = arith.maxsi %while3A_48#1, %max3A_1994 : vector<128x1xi32>
    %gt3A_1996 = arith.constant 27 : i32
    %gt3A_1997 = vector.broadcast %gt3A_1996 : i32 to vector<128x1xi32>
    %gt3A_1998 = arith.cmpi sgt, %max3A_1995, %gt3A_1997 : vector<128x1xi32>
    %get3A_1999 = arith.constant 0 : index
    %get3A_2000 = arith.constant 27 : index
    %get3A_2001 = arith.constant 0 : index
    %get3A_2002 = vector.load %arg8[%get3A_1999, %get3A_2000, %get3A_2001] : memref<128x32x67xf32, #tpu.memory_space<vmem>>, vector<128x1x67xf32>
    %get3A_2003 = vector.shape_cast %get3A_2002 : vector<128x1x67xf32> to vector<128x67xf32>
    %broadcast_in_dim3A_2004 = vector.shape_cast %gt3A_1998 : vector<128x1xi1> to vector<128x1xi1>
    %broadcast_in_dim3A_2005 = vector.broadcast %broadcast_in_dim3A_2004 : vector<128x1xi1> to vector<128x67xi1>
    %select_n3A_2006 = arith.select %broadcast_in_dim3A_2005, %get3A_2003, %get3A_55 : vector<128x67xi1>, vector<128x67xf32>
    %slice3A_2007 = vector.extract_strided_slice %select_n3A_2006 {offsets = [0, 0], sizes = [128, 1], strides = [1, 1]} : vector<128x67xf32> to vector<128x1xf32>
    %sub3A_2008 = arith.subf %slice3A_2007, %get3A_12 : vector<128x1xf32>
    %jit3A_2009 = arith.constant 0.000000e+00 : f32
    %broadcast_in_dim3A_2010 = vector.broadcast %jit3A_2009 : f32 to vector<128x1xf32>
    %select_n3A_2011 = arith.select %eq3A_50, %broadcast_in_dim3A_2010, %sub3A_2008 : vector<128x1xi1>, vector<128x1xf32>
    %slice3A_2012 = vector.extract_strided_slice %select_n3A_2006 {offsets = [0, 1], sizes = [128, 1], strides = [1, 1]} : vector<128x67xf32> to vector<128x1xf32>
    %sub3A_2013 = arith.subf %slice3A_2012, %get3A_17 : vector<128x1xf32>
    %jit3A_2014 = arith.constant 0.000000e+00 : f32
    %broadcast_in_dim3A_2015 = vector.broadcast %jit3A_2014 : f32 to vector<128x1xf32>
    %select_n3A_2016 = arith.select %eq3A_50, %broadcast_in_dim3A_2015, %sub3A_2013 : vector<128x1xi1>, vector<128x1xf32>
    %slice3A_2017 = vector.extract_strided_slice %select_n3A_2006 {offsets = [0, 2], sizes = [128, 1], strides = [1, 1]} : vector<128x67xf32> to vector<128x1xf32>
    %sub3A_2018 = arith.subf %slice3A_2017, %get3A_22 : vector<128x1xf32>
    %jit3A_2019 = arith.constant 0.000000e+00 : f32
    %broadcast_in_dim3A_2020 = vector.broadcast %jit3A_2019 : f32 to vector<128x1xf32>
    %select_n3A_2021 = arith.select %eq3A_50, %broadcast_in_dim3A_2020, %sub3A_2018 : vector<128x1xi1>, vector<128x1xf32>
    %mul3A_2022 = arith.mulf %select_n3A_2011, %select_n3A_2011 : vector<128x1xf32>
    %mul3A_2023 = arith.mulf %select_n3A_2016, %select_n3A_2016 : vector<128x1xf32>
    %add3A_2024 = arith.addf %mul3A_2022, %mul3A_2023 : vector<128x1xf32>
    %mul3A_2025 = arith.mulf %select_n3A_2021, %select_n3A_2021 : vector<128x1xf32>
    %add3A_2026 = arith.addf %add3A_2024, %mul3A_2025 : vector<128x1xf32>
    %sqrt3A_2027 = math.sqrt %add3A_2026 : vector<128x1xf32>
    %sub3A_2028 = arith.subf %sqrt3A_2027, %get3A_27 : vector<128x1xf32>
    %div3A_2029 = vector.broadcast %get3A_2 : f32 to vector<128x1xf32>
    %div3A_2030 = arith.divf %sub3A_2028, %div3A_2029 : vector<128x1xf32>
    %logistic3A_2031 = arith.negf %div3A_2030 : vector<128x1xf32>
    %logistic3A_2032 = math.exp %logistic3A_2031 : vector<128x1xf32>
    %logistic3A_2033 = arith.constant 1.000000e+00 : f32
    %logistic3A_2034 = vector.broadcast %logistic3A_2033 : f32 to vector<128x1xf32>
    %logistic3A_2035 = arith.addf %logistic3A_2034, %logistic3A_2032 : vector<128x1xf32>
    %logistic3A_2036 = arith.divf %logistic3A_2034, %logistic3A_2035 : vector<128x1xf32>
    %sub3A_2037 = arith.constant 1.000000e+00 : f32
    %sub3A_2038 = vector.broadcast %sub3A_2037 : f32 to vector<128x1xf32>
    %sub3A_2039 = arith.subf %sub3A_2038, %logistic3A_2036 : vector<128x1xf32>
    %slice3A_2040 = vector.extract_strided_slice %select_n3A_2006 {offsets = [0, 3], sizes = [128, 64], strides = [1, 1]} : vector<128x67xf32> to vector<128x64xf32>
    %concatenate3A_2041 = tpu.concatenate %select_n3A_2011, %select_n3A_2016, %select_n3A_2021, %slice3A_2040 in 1 : vector<128x1xf32>, vector<128x1xf32>, vector<128x1xf32>, vector<128x64xf32> -> vector<128x67xf32>
    %swap3A_2042 = arith.constant 0 : index
    %swap3A_2043 = arith.constant 27 : index
    %swap3A_2044 = arith.constant 0 : index
    %swap3A_2045 = vector.load %arg8[%swap3A_2042, %swap3A_2043, %swap3A_2044] : memref<128x32x67xf32, #tpu.memory_space<vmem>>, vector<128x1x67xf32>
    %swap3A_2046 = vector.shape_cast %swap3A_2045 : vector<128x1x67xf32> to vector<128x67xf32>
    %swap3A_2047 = vector.shape_cast %concatenate3A_2041 : vector<128x67xf32> to vector<128x1x67xf32>
    tpu.vector_store %arg8[%swap3A_2042, %swap3A_2043, %swap3A_2044], %swap3A_2047 {strides = array<i32>} : memref<128x32x67xf32, #tpu.memory_space<vmem>>, vector<128x1x67xf32>,
    %squeeze3A_2048 = vector.shape_cast %sub3A_2039 : vector<128x1xf32> to vector<128xf32>
    %swap3A_2049 = arith.constant 0 : index
    %swap3A_2050 = arith.constant 27 : index
    %swap3A_2051 = vector.load %arg9[%swap3A_2049, %swap3A_2050] : memref<128x32xf32, #tpu.memory_space<vmem>>, vector<128x1xf32>
    %swap3A_2052 = vector.shape_cast %swap3A_2051 : vector<128x1xf32> to vector<128xf32>
    %swap3A_2053 = vector.shape_cast %squeeze3A_2048 : vector<128xf32> to vector<128x1xf32>
    tpu.vector_store %arg9[%swap3A_2049, %swap3A_2050], %swap3A_2053 {strides = array<i32>} : memref<128x32xf32, #tpu.memory_space<vmem>>, vector<128x1xf32>,
    %squeeze3A_2054 = vector.shape_cast %gt3A_1998 : vector<128x1xi1> to vector<128xi1>
    %get3A_2055 = arith.constant 0 : index
    %get3A_2056 = arith.constant 27 : index
    %get3A_2057 = vector.load %arg10[%get3A_2055, %get3A_2056] : memref<128x32xi32, #tpu.memory_space<vmem>>, vector<128x1xi32>
    %get3A_2058 = vector.shape_cast %get3A_2057 : vector<128x1xi32> to vector<128xi32>
    %select_n3A_2059 = arith.select %squeeze3A_2054, %get3A_2058, %get3A_59 : vector<128xi1>, vector<128xi32>
    %swap3A_2060 = arith.constant 0 : index
    %swap3A_2061 = arith.constant 27 : index
    %swap3A_2062 = vector.load %arg10[%swap3A_2060, %swap3A_2061] : memref<128x32xi32, #tpu.memory_space<vmem>>, vector<128x1xi32>
    %swap3A_2063 = vector.shape_cast %swap3A_2062 : vector<128x1xi32> to vector<128xi32>
    %swap3A_2064 = vector.shape_cast %select_n3A_2059 : vector<128xi32> to vector<128x1xi32>
    tpu.vector_store %arg10[%swap3A_2060, %swap3A_2061], %swap3A_2064 {strides = array<i32>} : memref<128x32xi32, #tpu.memory_space<vmem>>, vector<128x1xi32>,
    %max3A_2065 = arith.constant 1 : i32
    %max3A_2066 = vector.broadcast %max3A_2065 : i32 to vector<128x1xi32>
    %max3A_2067 = arith.maxsi %while3A_48#1, %max3A_2066 : vector<128x1xi32>
    %gt3A_2068 = arith.constant 28 : i32
    %gt3A_2069 = vector.broadcast %gt3A_2068 : i32 to vector<128x1xi32>
    %gt3A_2070 = arith.cmpi sgt, %max3A_2067, %gt3A_2069 : vector<128x1xi32>
    %get3A_2071 = arith.constant 0 : index
    %get3A_2072 = arith.constant 28 : index
    %get3A_2073 = arith.constant 0 : index
    %get3A_2074 = vector.load %arg8[%get3A_2071, %get3A_2072, %get3A_2073] : memref<128x32x67xf32, #tpu.memory_space<vmem>>, vector<128x1x67xf32>
    %get3A_2075 = vector.shape_cast %get3A_2074 : vector<128x1x67xf32> to vector<128x67xf32>
    %broadcast_in_dim3A_2076 = vector.shape_cast %gt3A_2070 : vector<128x1xi1> to vector<128x1xi1>
    %broadcast_in_dim3A_2077 = vector.broadcast %broadcast_in_dim3A_2076 : vector<128x1xi1> to vector<128x67xi1>
    %select_n3A_2078 = arith.select %broadcast_in_dim3A_2077, %get3A_2075, %get3A_55 : vector<128x67xi1>, vector<128x67xf32>
    %slice3A_2079 = vector.extract_strided_slice %select_n3A_2078 {offsets = [0, 0], sizes = [128, 1], strides = [1, 1]} : vector<128x67xf32> to vector<128x1xf32>
    %sub3A_2080 = arith.subf %slice3A_2079, %get3A_12 : vector<128x1xf32>
    %jit3A_2081 = arith.constant 0.000000e+00 : f32
    %broadcast_in_dim3A_2082 = vector.broadcast %jit3A_2081 : f32 to vector<128x1xf32>
    %select_n3A_2083 = arith.select %eq3A_50, %broadcast_in_dim3A_2082, %sub3A_2080 : vector<128x1xi1>, vector<128x1xf32>
    %slice3A_2084 = vector.extract_strided_slice %select_n3A_2078 {offsets = [0, 1], sizes = [128, 1], strides = [1, 1]} : vector<128x67xf32> to vector<128x1xf32>
    %sub3A_2085 = arith.subf %slice3A_2084, %get3A_17 : vector<128x1xf32>
    %jit3A_2086 = arith.constant 0.000000e+00 : f32
    %broadcast_in_dim3A_2087 = vector.broadcast %jit3A_2086 : f32 to vector<128x1xf32>
    %select_n3A_2088 = arith.select %eq3A_50, %broadcast_in_dim3A_2087, %sub3A_2085 : vector<128x1xi1>, vector<128x1xf32>
    %slice3A_2089 = vector.extract_strided_slice %select_n3A_2078 {offsets = [0, 2], sizes = [128, 1], strides = [1, 1]} : vector<128x67xf32> to vector<128x1xf32>
    %sub3A_2090 = arith.subf %slice3A_2089, %get3A_22 : vector<128x1xf32>
    %jit3A_2091 = arith.constant 0.000000e+00 : f32
    %broadcast_in_dim3A_2092 = vector.broadcast %jit3A_2091 : f32 to vector<128x1xf32>
    %select_n3A_2093 = arith.select %eq3A_50, %broadcast_in_dim3A_2092, %sub3A_2090 : vector<128x1xi1>, vector<128x1xf32>
    %mul3A_2094 = arith.mulf %select_n3A_2083, %select_n3A_2083 : vector<128x1xf32>
    %mul3A_2095 = arith.mulf %select_n3A_2088, %select_n3A_2088 : vector<128x1xf32>
    %add3A_2096 = arith.addf %mul3A_2094, %mul3A_2095 : vector<128x1xf32>
    %mul3A_2097 = arith.mulf %select_n3A_2093, %select_n3A_2093 : vector<128x1xf32>
    %add3A_2098 = arith.addf %add3A_2096, %mul3A_2097 : vector<128x1xf32>
    %sqrt3A_2099 = math.sqrt %add3A_2098 : vector<128x1xf32>
    %sub3A_2100 = arith.subf %sqrt3A_2099, %get3A_27 : vector<128x1xf32>
    %div3A_2101 = vector.broadcast %get3A_2 : f32 to vector<128x1xf32>
    %div3A_2102 = arith.divf %sub3A_2100, %div3A_2101 : vector<128x1xf32>
    %logistic3A_2103 = arith.negf %div3A_2102 : vector<128x1xf32>
    %logistic3A_2104 = math.exp %logistic3A_2103 : vector<128x1xf32>
    %logistic3A_2105 = arith.constant 1.000000e+00 : f32
    %logistic3A_2106 = vector.broadcast %logistic3A_2105 : f32 to vector<128x1xf32>
    %logistic3A_2107 = arith.addf %logistic3A_2106, %logistic3A_2104 : vector<128x1xf32>
    %logistic3A_2108 = arith.divf %logistic3A_2106, %logistic3A_2107 : vector<128x1xf32>
    %sub3A_2109 = arith.constant 1.000000e+00 : f32
    %sub3A_2110 = vector.broadcast %sub3A_2109 : f32 to vector<128x1xf32>
    %sub3A_2111 = arith.subf %sub3A_2110, %logistic3A_2108 : vector<128x1xf32>
    %slice3A_2112 = vector.extract_strided_slice %select_n3A_2078 {offsets = [0, 3], sizes = [128, 64], strides = [1, 1]} : vector<128x67xf32> to vector<128x64xf32>
    %concatenate3A_2113 = tpu.concatenate %select_n3A_2083, %select_n3A_2088, %select_n3A_2093, %slice3A_2112 in 1 : vector<128x1xf32>, vector<128x1xf32>, vector<128x1xf32>, vector<128x64xf32> -> vector<128x67xf32>
    %swap3A_2114 = arith.constant 0 : index
    %swap3A_2115 = arith.constant 28 : index
    %swap3A_2116 = arith.constant 0 : index
    %swap3A_2117 = vector.load %arg8[%swap3A_2114, %swap3A_2115, %swap3A_2116] : memref<128x32x67xf32, #tpu.memory_space<vmem>>, vector<128x1x67xf32>
    %swap3A_2118 = vector.shape_cast %swap3A_2117 : vector<128x1x67xf32> to vector<128x67xf32>
    %swap3A_2119 = vector.shape_cast %concatenate3A_2113 : vector<128x67xf32> to vector<128x1x67xf32>
    tpu.vector_store %arg8[%swap3A_2114, %swap3A_2115, %swap3A_2116], %swap3A_2119 {strides = array<i32>} : memref<128x32x67xf32, #tpu.memory_space<vmem>>, vector<128x1x67xf32>,
    %squeeze3A_2120 = vector.shape_cast %sub3A_2111 : vector<128x1xf32> to vector<128xf32>
    %swap3A_2121 = arith.constant 0 : index
    %swap3A_2122 = arith.constant 28 : index
    %swap3A_2123 = vector.load %arg9[%swap3A_2121, %swap3A_2122] : memref<128x32xf32, #tpu.memory_space<vmem>>, vector<128x1xf32>
    %swap3A_2124 = vector.shape_cast %swap3A_2123 : vector<128x1xf32> to vector<128xf32>
    %swap3A_2125 = vector.shape_cast %squeeze3A_2120 : vector<128xf32> to vector<128x1xf32>
    tpu.vector_store %arg9[%swap3A_2121, %swap3A_2122], %swap3A_2125 {strides = array<i32>} : memref<128x32xf32, #tpu.memory_space<vmem>>, vector<128x1xf32>,
    %squeeze3A_2126 = vector.shape_cast %gt3A_2070 : vector<128x1xi1> to vector<128xi1>
    %get3A_2127 = arith.constant 0 : index
    %get3A_2128 = arith.constant 28 : index
    %get3A_2129 = vector.load %arg10[%get3A_2127, %get3A_2128] : memref<128x32xi32, #tpu.memory_space<vmem>>, vector<128x1xi32>
    %get3A_2130 = vector.shape_cast %get3A_2129 : vector<128x1xi32> to vector<128xi32>
    %select_n3A_2131 = arith.select %squeeze3A_2126, %get3A_2130, %get3A_59 : vector<128xi1>, vector<128xi32>
    %swap3A_2132 = arith.constant 0 : index
    %swap3A_2133 = arith.constant 28 : index
    %swap3A_2134 = vector.load %arg10[%swap3A_2132, %swap3A_2133] : memref<128x32xi32, #tpu.memory_space<vmem>>, vector<128x1xi32>
    %swap3A_2135 = vector.shape_cast %swap3A_2134 : vector<128x1xi32> to vector<128xi32>
    %swap3A_2136 = vector.shape_cast %select_n3A_2131 : vector<128xi32> to vector<128x1xi32>
    tpu.vector_store %arg10[%swap3A_2132, %swap3A_2133], %swap3A_2136 {strides = array<i32>} : memref<128x32xi32, #tpu.memory_space<vmem>>, vector<128x1xi32>,
    %max3A_2137 = arith.constant 1 : i32
    %max3A_2138 = vector.broadcast %max3A_2137 : i32 to vector<128x1xi32>
    %max3A_2139 = arith.maxsi %while3A_48#1, %max3A_2138 : vector<128x1xi32>
    %gt3A_2140 = arith.constant 29 : i32
    %gt3A_2141 = vector.broadcast %gt3A_2140 : i32 to vector<128x1xi32>
    %gt3A_2142 = arith.cmpi sgt, %max3A_2139, %gt3A_2141 : vector<128x1xi32>
    %get3A_2143 = arith.constant 0 : index
    %get3A_2144 = arith.constant 29 : index
    %get3A_2145 = arith.constant 0 : index
    %get3A_2146 = vector.load %arg8[%get3A_2143, %get3A_2144, %get3A_2145] : memref<128x32x67xf32, #tpu.memory_space<vmem>>, vector<128x1x67xf32>
    %get3A_2147 = vector.shape_cast %get3A_2146 : vector<128x1x67xf32> to vector<128x67xf32>
    %broadcast_in_dim3A_2148 = vector.shape_cast %gt3A_2142 : vector<128x1xi1> to vector<128x1xi1>
    %broadcast_in_dim3A_2149 = vector.broadcast %broadcast_in_dim3A_2148 : vector<128x1xi1> to vector<128x67xi1>
    %select_n3A_2150 = arith.select %broadcast_in_dim3A_2149, %get3A_2147, %get3A_55 : vector<128x67xi1>, vector<128x67xf32>
    %slice3A_2151 = vector.extract_strided_slice %select_n3A_2150 {offsets = [0, 0], sizes = [128, 1], strides = [1, 1]} : vector<128x67xf32> to vector<128x1xf32>
    %sub3A_2152 = arith.subf %slice3A_2151, %get3A_12 : vector<128x1xf32>
    %jit3A_2153 = arith.constant 0.000000e+00 : f32
    %broadcast_in_dim3A_2154 = vector.broadcast %jit3A_2153 : f32 to vector<128x1xf32>
    %select_n3A_2155 = arith.select %eq3A_50, %broadcast_in_dim3A_2154, %sub3A_2152 : vector<128x1xi1>, vector<128x1xf32>
    %slice3A_2156 = vector.extract_strided_slice %select_n3A_2150 {offsets = [0, 1], sizes = [128, 1], strides = [1, 1]} : vector<128x67xf32> to vector<128x1xf32>
    %sub3A_2157 = arith.subf %slice3A_2156, %get3A_17 : vector<128x1xf32>
    %jit3A_2158 = arith.constant 0.000000e+00 : f32
    %broadcast_in_dim3A_2159 = vector.broadcast %jit3A_2158 : f32 to vector<128x1xf32>
    %select_n3A_2160 = arith.select %eq3A_50, %broadcast_in_dim3A_2159, %sub3A_2157 : vector<128x1xi1>, vector<128x1xf32>
    %slice3A_2161 = vector.extract_strided_slice %select_n3A_2150 {offsets = [0, 2], sizes = [128, 1], strides = [1, 1]} : vector<128x67xf32> to vector<128x1xf32>
    %sub3A_2162 = arith.subf %slice3A_2161, %get3A_22 : vector<128x1xf32>
    %jit3A_2163 = arith.constant 0.000000e+00 : f32
    %broadcast_in_dim3A_2164 = vector.broadcast %jit3A_2163 : f32 to vector<128x1xf32>
    %select_n3A_2165 = arith.select %eq3A_50, %broadcast_in_dim3A_2164, %sub3A_2162 : vector<128x1xi1>, vector<128x1xf32>
    %mul3A_2166 = arith.mulf %select_n3A_2155, %select_n3A_2155 : vector<128x1xf32>
    %mul3A_2167 = arith.mulf %select_n3A_2160, %select_n3A_2160 : vector<128x1xf32>
    %add3A_2168 = arith.addf %mul3A_2166, %mul3A_2167 : vector<128x1xf32>
    %mul3A_2169 = arith.mulf %select_n3A_2165, %select_n3A_2165 : vector<128x1xf32>
    %add3A_2170 = arith.addf %add3A_2168, %mul3A_2169 : vector<128x1xf32>
    %sqrt3A_2171 = math.sqrt %add3A_2170 : vector<128x1xf32>
    %sub3A_2172 = arith.subf %sqrt3A_2171, %get3A_27 : vector<128x1xf32>
    %div3A_2173 = vector.broadcast %get3A_2 : f32 to vector<128x1xf32>
    %div3A_2174 = arith.divf %sub3A_2172, %div3A_2173 : vector<128x1xf32>
    %logistic3A_2175 = arith.negf %div3A_2174 : vector<128x1xf32>
    %logistic3A_2176 = math.exp %logistic3A_2175 : vector<128x1xf32>
    %logistic3A_2177 = arith.constant 1.000000e+00 : f32
    %logistic3A_2178 = vector.broadcast %logistic3A_2177 : f32 to vector<128x1xf32>
    %logistic3A_2179 = arith.addf %logistic3A_2178, %logistic3A_2176 : vector<128x1xf32>
    %logistic3A_2180 = arith.divf %logistic3A_2178, %logistic3A_2179 : vector<128x1xf32>
    %sub3A_2181 = arith.constant 1.000000e+00 : f32
    %sub3A_2182 = vector.broadcast %sub3A_2181 : f32 to vector<128x1xf32>
    %sub3A_2183 = arith.subf %sub3A_2182, %logistic3A_2180 : vector<128x1xf32>
    %slice3A_2184 = vector.extract_strided_slice %select_n3A_2150 {offsets = [0, 3], sizes = [128, 64], strides = [1, 1]} : vector<128x67xf32> to vector<128x64xf32>
    %concatenate3A_2185 = tpu.concatenate %select_n3A_2155, %select_n3A_2160, %select_n3A_2165, %slice3A_2184 in 1 : vector<128x1xf32>, vector<128x1xf32>, vector<128x1xf32>, vector<128x64xf32> -> vector<128x67xf32>
    %swap3A_2186 = arith.constant 0 : index
    %swap3A_2187 = arith.constant 29 : index
    %swap3A_2188 = arith.constant 0 : index
    %swap3A_2189 = vector.load %arg8[%swap3A_2186, %swap3A_2187, %swap3A_2188] : memref<128x32x67xf32, #tpu.memory_space<vmem>>, vector<128x1x67xf32>
    %swap3A_2190 = vector.shape_cast %swap3A_2189 : vector<128x1x67xf32> to vector<128x67xf32>
    %swap3A_2191 = vector.shape_cast %concatenate3A_2185 : vector<128x67xf32> to vector<128x1x67xf32>
    tpu.vector_store %arg8[%swap3A_2186, %swap3A_2187, %swap3A_2188], %swap3A_2191 {strides = array<i32>} : memref<128x32x67xf32, #tpu.memory_space<vmem>>, vector<128x1x67xf32>,
    %squeeze3A_2192 = vector.shape_cast %sub3A_2183 : vector<128x1xf32> to vector<128xf32>
    %swap3A_2193 = arith.constant 0 : index
    %swap3A_2194 = arith.constant 29 : index
    %swap3A_2195 = vector.load %arg9[%swap3A_2193, %swap3A_2194] : memref<128x32xf32, #tpu.memory_space<vmem>>, vector<128x1xf32>
    %swap3A_2196 = vector.shape_cast %swap3A_2195 : vector<128x1xf32> to vector<128xf32>
    %swap3A_2197 = vector.shape_cast %squeeze3A_2192 : vector<128xf32> to vector<128x1xf32>
    tpu.vector_store %arg9[%swap3A_2193, %swap3A_2194], %swap3A_2197 {strides = array<i32>} : memref<128x32xf32, #tpu.memory_space<vmem>>, vector<128x1xf32>,
    %squeeze3A_2198 = vector.shape_cast %gt3A_2142 : vector<128x1xi1> to vector<128xi1>
    %get3A_2199 = arith.constant 0 : index
    %get3A_2200 = arith.constant 29 : index
    %get3A_2201 = vector.load %arg10[%get3A_2199, %get3A_2200] : memref<128x32xi32, #tpu.memory_space<vmem>>, vector<128x1xi32>
    %get3A_2202 = vector.shape_cast %get3A_2201 : vector<128x1xi32> to vector<128xi32>
    %select_n3A_2203 = arith.select %squeeze3A_2198, %get3A_2202, %get3A_59 : vector<128xi1>, vector<128xi32>
    %swap3A_2204 = arith.constant 0 : index
    %swap3A_2205 = arith.constant 29 : index
    %swap3A_2206 = vector.load %arg10[%swap3A_2204, %swap3A_2205] : memref<128x32xi32, #tpu.memory_space<vmem>>, vector<128x1xi32>
    %swap3A_2207 = vector.shape_cast %swap3A_2206 : vector<128x1xi32> to vector<128xi32>
    %swap3A_2208 = vector.shape_cast %select_n3A_2203 : vector<128xi32> to vector<128x1xi32>
    tpu.vector_store %arg10[%swap3A_2204, %swap3A_2205], %swap3A_2208 {strides = array<i32>} : memref<128x32xi32, #tpu.memory_space<vmem>>, vector<128x1xi32>,
    %max3A_2209 = arith.constant 1 : i32
    %max3A_2210 = vector.broadcast %max3A_2209 : i32 to vector<128x1xi32>
    %max3A_2211 = arith.maxsi %while3A_48#1, %max3A_2210 : vector<128x1xi32>
    %gt3A_2212 = arith.constant 30 : i32
    %gt3A_2213 = vector.broadcast %gt3A_2212 : i32 to vector<128x1xi32>
    %gt3A_2214 = arith.cmpi sgt, %max3A_2211, %gt3A_2213 : vector<128x1xi32>
    %get3A_2215 = arith.constant 0 : index
    %get3A_2216 = arith.constant 30 : index
    %get3A_2217 = arith.constant 0 : index
    %get3A_2218 = vector.load %arg8[%get3A_2215, %get3A_2216, %get3A_2217] : memref<128x32x67xf32, #tpu.memory_space<vmem>>, vector<128x1x67xf32>
    %get3A_2219 = vector.shape_cast %get3A_2218 : vector<128x1x67xf32> to vector<128x67xf32>
    %broadcast_in_dim3A_2220 = vector.shape_cast %gt3A_2214 : vector<128x1xi1> to vector<128x1xi1>
    %broadcast_in_dim3A_2221 = vector.broadcast %broadcast_in_dim3A_2220 : vector<128x1xi1> to vector<128x67xi1>
    %select_n3A_2222 = arith.select %broadcast_in_dim3A_2221, %get3A_2219, %get3A_55 : vector<128x67xi1>, vector<128x67xf32>
    %slice3A_2223 = vector.extract_strided_slice %select_n3A_2222 {offsets = [0, 0], sizes = [128, 1], strides = [1, 1]} : vector<128x67xf32> to vector<128x1xf32>
    %sub3A_2224 = arith.subf %slice3A_2223, %get3A_12 : vector<128x1xf32>
    %jit3A_2225 = arith.constant 0.000000e+00 : f32
    %broadcast_in_dim3A_2226 = vector.broadcast %jit3A_2225 : f32 to vector<128x1xf32>
    %select_n3A_2227 = arith.select %eq3A_50, %broadcast_in_dim3A_2226, %sub3A_2224 : vector<128x1xi1>, vector<128x1xf32>
    %slice3A_2228 = vector.extract_strided_slice %select_n3A_2222 {offsets = [0, 1], sizes = [128, 1], strides = [1, 1]} : vector<128x67xf32> to vector<128x1xf32>
    %sub3A_2229 = arith.subf %slice3A_2228, %get3A_17 : vector<128x1xf32>
    %jit3A_2230 = arith.constant 0.000000e+00 : f32
    %broadcast_in_dim3A_2231 = vector.broadcast %jit3A_2230 : f32 to vector<128x1xf32>
    %select_n3A_2232 = arith.select %eq3A_50, %broadcast_in_dim3A_2231, %sub3A_2229 : vector<128x1xi1>, vector<128x1xf32>
    %slice3A_2233 = vector.extract_strided_slice %select_n3A_2222 {offsets = [0, 2], sizes = [128, 1], strides = [1, 1]} : vector<128x67xf32> to vector<128x1xf32>
    %sub3A_2234 = arith.subf %slice3A_2233, %get3A_22 : vector<128x1xf32>
    %jit3A_2235 = arith.constant 0.000000e+00 : f32
    %broadcast_in_dim3A_2236 = vector.broadcast %jit3A_2235 : f32 to vector<128x1xf32>
    %select_n3A_2237 = arith.select %eq3A_50, %broadcast_in_dim3A_2236, %sub3A_2234 : vector<128x1xi1>, vector<128x1xf32>
    %mul3A_2238 = arith.mulf %select_n3A_2227, %select_n3A_2227 : vector<128x1xf32>
    %mul3A_2239 = arith.mulf %select_n3A_2232, %select_n3A_2232 : vector<128x1xf32>
    %add3A_2240 = arith.addf %mul3A_2238, %mul3A_2239 : vector<128x1xf32>
    %mul3A_2241 = arith.mulf %select_n3A_2237, %select_n3A_2237 : vector<128x1xf32>
    %add3A_2242 = arith.addf %add3A_2240, %mul3A_2241 : vector<128x1xf32>
    %sqrt3A_2243 = math.sqrt %add3A_2242 : vector<128x1xf32>
    %sub3A_2244 = arith.subf %sqrt3A_2243, %get3A_27 : vector<128x1xf32>
    %div3A_2245 = vector.broadcast %get3A_2 : f32 to vector<128x1xf32>
    %div3A_2246 = arith.divf %sub3A_2244, %div3A_2245 : vector<128x1xf32>
    %logistic3A_2247 = arith.negf %div3A_2246 : vector<128x1xf32>
    %logistic3A_2248 = math.exp %logistic3A_2247 : vector<128x1xf32>
    %logistic3A_2249 = arith.constant 1.000000e+00 : f32
    %logistic3A_2250 = vector.broadcast %logistic3A_2249 : f32 to vector<128x1xf32>
    %logistic3A_2251 = arith.addf %logistic3A_2250, %logistic3A_2248 : vector<128x1xf32>
    %logistic3A_2252 = arith.divf %logistic3A_2250, %logistic3A_2251 : vector<128x1xf32>
    %sub3A_2253 = arith.constant 1.000000e+00 : f32
    %sub3A_2254 = vector.broadcast %sub3A_2253 : f32 to vector<128x1xf32>
    %sub3A_2255 = arith.subf %sub3A_2254, %logistic3A_2252 : vector<128x1xf32>
    %slice3A_2256 = vector.extract_strided_slice %select_n3A_2222 {offsets = [0, 3], sizes = [128, 64], strides = [1, 1]} : vector<128x67xf32> to vector<128x64xf32>
    %concatenate3A_2257 = tpu.concatenate %select_n3A_2227, %select_n3A_2232, %select_n3A_2237, %slice3A_2256 in 1 : vector<128x1xf32>, vector<128x1xf32>, vector<128x1xf32>, vector<128x64xf32> -> vector<128x67xf32>
    %swap3A_2258 = arith.constant 0 : index
    %swap3A_2259 = arith.constant 30 : index
    %swap3A_2260 = arith.constant 0 : index
    %swap3A_2261 = vector.load %arg8[%swap3A_2258, %swap3A_2259, %swap3A_2260] : memref<128x32x67xf32, #tpu.memory_space<vmem>>, vector<128x1x67xf32>
    %swap3A_2262 = vector.shape_cast %swap3A_2261 : vector<128x1x67xf32> to vector<128x67xf32>
    %swap3A_2263 = vector.shape_cast %concatenate3A_2257 : vector<128x67xf32> to vector<128x1x67xf32>
    tpu.vector_store %arg8[%swap3A_2258, %swap3A_2259, %swap3A_2260], %swap3A_2263 {strides = array<i32>} : memref<128x32x67xf32, #tpu.memory_space<vmem>>, vector<128x1x67xf32>,
    %squeeze3A_2264 = vector.shape_cast %sub3A_2255 : vector<128x1xf32> to vector<128xf32>
    %swap3A_2265 = arith.constant 0 : index
    %swap3A_2266 = arith.constant 30 : index
    %swap3A_2267 = vector.load %arg9[%swap3A_2265, %swap3A_2266] : memref<128x32xf32, #tpu.memory_space<vmem>>, vector<128x1xf32>
    %swap3A_2268 = vector.shape_cast %swap3A_2267 : vector<128x1xf32> to vector<128xf32>
    %swap3A_2269 = vector.shape_cast %squeeze3A_2264 : vector<128xf32> to vector<128x1xf32>
    tpu.vector_store %arg9[%swap3A_2265, %swap3A_2266], %swap3A_2269 {strides = array<i32>} : memref<128x32xf32, #tpu.memory_space<vmem>>, vector<128x1xf32>,
    %squeeze3A_2270 = vector.shape_cast %gt3A_2214 : vector<128x1xi1> to vector<128xi1>
    %get3A_2271 = arith.constant 0 : index
    %get3A_2272 = arith.constant 30 : index
    %get3A_2273 = vector.load %arg10[%get3A_2271, %get3A_2272] : memref<128x32xi32, #tpu.memory_space<vmem>>, vector<128x1xi32>
    %get3A_2274 = vector.shape_cast %get3A_2273 : vector<128x1xi32> to vector<128xi32>
    %select_n3A_2275 = arith.select %squeeze3A_2270, %get3A_2274, %get3A_59 : vector<128xi1>, vector<128xi32>
    %swap3A_2276 = arith.constant 0 : index
    %swap3A_2277 = arith.constant 30 : index
    %swap3A_2278 = vector.load %arg10[%swap3A_2276, %swap3A_2277] : memref<128x32xi32, #tpu.memory_space<vmem>>, vector<128x1xi32>
    %swap3A_2279 = vector.shape_cast %swap3A_2278 : vector<128x1xi32> to vector<128xi32>
    %swap3A_2280 = vector.shape_cast %select_n3A_2275 : vector<128xi32> to vector<128x1xi32>
    tpu.vector_store %arg10[%swap3A_2276, %swap3A_2277], %swap3A_2280 {strides = array<i32>} : memref<128x32xi32, #tpu.memory_space<vmem>>, vector<128x1xi32>,
    %max3A_2281 = arith.constant 1 : i32
    %max3A_2282 = vector.broadcast %max3A_2281 : i32 to vector<128x1xi32>
    %max3A_2283 = arith.maxsi %while3A_48#1, %max3A_2282 : vector<128x1xi32>
    %gt3A_2284 = arith.constant 31 : i32
    %gt3A_2285 = vector.broadcast %gt3A_2284 : i32 to vector<128x1xi32>
    %gt3A_2286 = arith.cmpi sgt, %max3A_2283, %gt3A_2285 : vector<128x1xi32>
    %get3A_2287 = arith.constant 0 : index
    %get3A_2288 = arith.constant 31 : index
    %get3A_2289 = arith.constant 0 : index
    %get3A_2290 = vector.load %arg8[%get3A_2287, %get3A_2288, %get3A_2289] : memref<128x32x67xf32, #tpu.memory_space<vmem>>, vector<128x1x67xf32>
    %get3A_2291 = vector.shape_cast %get3A_2290 : vector<128x1x67xf32> to vector<128x67xf32>
    %broadcast_in_dim3A_2292 = vector.shape_cast %gt3A_2286 : vector<128x1xi1> to vector<128x1xi1>
    %broadcast_in_dim3A_2293 = vector.broadcast %broadcast_in_dim3A_2292 : vector<128x1xi1> to vector<128x67xi1>
    %select_n3A_2294 = arith.select %broadcast_in_dim3A_2293, %get3A_2291, %get3A_55 : vector<128x67xi1>, vector<128x67xf32>
    %slice3A_2295 = vector.extract_strided_slice %select_n3A_2294 {offsets = [0, 0], sizes = [128, 1], strides = [1, 1]} : vector<128x67xf32> to vector<128x1xf32>
    %sub3A_2296 = arith.subf %slice3A_2295, %get3A_12 : vector<128x1xf32>
    %jit3A_2297 = arith.constant 0.000000e+00 : f32
    %broadcast_in_dim3A_2298 = vector.broadcast %jit3A_2297 : f32 to vector<128x1xf32>
    %select_n3A_2299 = arith.select %eq3A_50, %broadcast_in_dim3A_2298, %sub3A_2296 : vector<128x1xi1>, vector<128x1xf32>
    %slice3A_2300 = vector.extract_strided_slice %select_n3A_2294 {offsets = [0, 1], sizes = [128, 1], strides = [1, 1]} : vector<128x67xf32> to vector<128x1xf32>
    %sub3A_2301 = arith.subf %slice3A_2300, %get3A_17 : vector<128x1xf32>
    %jit3A_2302 = arith.constant 0.000000e+00 : f32
    %broadcast_in_dim3A_2303 = vector.broadcast %jit3A_2302 : f32 to vector<128x1xf32>
    %select_n3A_2304 = arith.select %eq3A_50, %broadcast_in_dim3A_2303, %sub3A_2301 : vector<128x1xi1>, vector<128x1xf32>
    %slice3A_2305 = vector.extract_strided_slice %select_n3A_2294 {offsets = [0, 2], sizes = [128, 1], strides = [1, 1]} : vector<128x67xf32> to vector<128x1xf32>
    %sub3A_2306 = arith.subf %slice3A_2305, %get3A_22 : vector<128x1xf32>
    %jit3A_2307 = arith.constant 0.000000e+00 : f32
    %broadcast_in_dim3A_2308 = vector.broadcast %jit3A_2307 : f32 to vector<128x1xf32>
    %select_n3A_2309 = arith.select %eq3A_50, %broadcast_in_dim3A_2308, %sub3A_2306 : vector<128x1xi1>, vector<128x1xf32>
    %mul3A_2310 = arith.mulf %select_n3A_2299, %select_n3A_2299 : vector<128x1xf32>
    %mul3A_2311 = arith.mulf %select_n3A_2304, %select_n3A_2304 : vector<128x1xf32>
    %add3A_2312 = arith.addf %mul3A_2310, %mul3A_2311 : vector<128x1xf32>
    %mul3A_2313 = arith.mulf %select_n3A_2309, %select_n3A_2309 : vector<128x1xf32>
    %add3A_2314 = arith.addf %add3A_2312, %mul3A_2313 : vector<128x1xf32>
    %sqrt3A_2315 = math.sqrt %add3A_2314 : vector<128x1xf32>
    %sub3A_2316 = arith.subf %sqrt3A_2315, %get3A_27 : vector<128x1xf32>
    %div3A_2317 = vector.broadcast %get3A_2 : f32 to vector<128x1xf32>
    %div3A_2318 = arith.divf %sub3A_2316, %div3A_2317 : vector<128x1xf32>
    %logistic3A_2319 = arith.negf %div3A_2318 : vector<128x1xf32>
    %logistic3A_2320 = math.exp %logistic3A_2319 : vector<128x1xf32>
    %logistic3A_2321 = arith.constant 1.000000e+00 : f32
    %logistic3A_2322 = vector.broadcast %logistic3A_2321 : f32 to vector<128x1xf32>
    %logistic3A_2323 = arith.addf %logistic3A_2322, %logistic3A_2320 : vector<128x1xf32>
    %logistic3A_2324 = arith.divf %logistic3A_2322, %logistic3A_2323 : vector<128x1xf32>
    %sub3A_2325 = arith.constant 1.000000e+00 : f32
    %sub3A_2326 = vector.broadcast %sub3A_2325 : f32 to vector<128x1xf32>
    %sub3A_2327 = arith.subf %sub3A_2326, %logistic3A_2324 : vector<128x1xf32>
    %slice3A_2328 = vector.extract_strided_slice %select_n3A_2294 {offsets = [0, 3], sizes = [128, 64], strides = [1, 1]} : vector<128x67xf32> to vector<128x64xf32>
    %concatenate3A_2329 = tpu.concatenate %select_n3A_2299, %select_n3A_2304, %select_n3A_2309, %slice3A_2328 in 1 : vector<128x1xf32>, vector<128x1xf32>, vector<128x1xf32>, vector<128x64xf32> -> vector<128x67xf32>
    %swap3A_2330 = arith.constant 0 : index
    %swap3A_2331 = arith.constant 31 : index
    %swap3A_2332 = arith.constant 0 : index
    %swap3A_2333 = vector.load %arg8[%swap3A_2330, %swap3A_2331, %swap3A_2332] : memref<128x32x67xf32, #tpu.memory_space<vmem>>, vector<128x1x67xf32>
    %swap3A_2334 = vector.shape_cast %swap3A_2333 : vector<128x1x67xf32> to vector<128x67xf32>
    %swap3A_2335 = vector.shape_cast %concatenate3A_2329 : vector<128x67xf32> to vector<128x1x67xf32>
    tpu.vector_store %arg8[%swap3A_2330, %swap3A_2331, %swap3A_2332], %swap3A_2335 {strides = array<i32>} : memref<128x32x67xf32, #tpu.memory_space<vmem>>, vector<128x1x67xf32>,
    %squeeze3A_2336 = vector.shape_cast %sub3A_2327 : vector<128x1xf32> to vector<128xf32>
    %swap3A_2337 = arith.constant 0 : index
    %swap3A_2338 = arith.constant 31 : index
    %swap3A_2339 = vector.load %arg9[%swap3A_2337, %swap3A_2338] : memref<128x32xf32, #tpu.memory_space<vmem>>, vector<128x1xf32>
    %swap3A_2340 = vector.shape_cast %swap3A_2339 : vector<128x1xf32> to vector<128xf32>
    %swap3A_2341 = vector.shape_cast %squeeze3A_2336 : vector<128xf32> to vector<128x1xf32>
    tpu.vector_store %arg9[%swap3A_2337, %swap3A_2338], %swap3A_2341 {strides = array<i32>} : memref<128x32xf32, #tpu.memory_space<vmem>>, vector<128x1xf32>,
    %squeeze3A_2342 = vector.shape_cast %gt3A_2286 : vector<128x1xi1> to vector<128xi1>
    %get3A_2343 = arith.constant 0 : index
    %get3A_2344 = arith.constant 31 : index
    %get3A_2345 = vector.load %arg10[%get3A_2343, %get3A_2344] : memref<128x32xi32, #tpu.memory_space<vmem>>, vector<128x1xi32>
    %get3A_2346 = vector.shape_cast %get3A_2345 : vector<128x1xi32> to vector<128xi32>
    %select_n3A_2347 = arith.select %squeeze3A_2342, %get3A_2346, %get3A_59 : vector<128xi1>, vector<128xi32>
    %swap3A_2348 = arith.constant 0 : index
    %swap3A_2349 = arith.constant 31 : index
    %swap3A_2350 = vector.load %arg10[%swap3A_2348, %swap3A_2349] : memref<128x32xi32, #tpu.memory_space<vmem>>, vector<128x1xi32>
    %swap3A_2351 = vector.shape_cast %swap3A_2350 : vector<128x1xi32> to vector<128xi32>
    %swap3A_2352 = vector.shape_cast %select_n3A_2347 : vector<128xi32> to vector<128x1xi32>
    tpu.vector_store %arg10[%swap3A_2348, %swap3A_2349], %swap3A_2352 {strides = array<i32>} : memref<128x32xi32, #tpu.memory_space<vmem>>, vector<128x1xi32>,
    return
  }
  func.func @transform_0(%arg0: i32, %arg1: i32) -> (i32, i32) {
    %c0_i32 = arith.constant 0 : i32
    %c0_i32_0 = arith.constant 0 : i32
    %c0_i32_1 = arith.constant 0 : i32
    return %c0_i32, %c0_i32_0 : i32, i32
  }
  func.func @transform_1(%arg0: i32, %arg1: i32) -> (i32, i32, i32, i32) {
    %c0_i32 = arith.constant 0 : i32
    %c0_i32_0 = arith.constant 0 : i32
    %c0_i32_1 = arith.constant 0 : i32
    %c0_i32_2 = arith.constant 0 : i32
    return %arg0, %c0_i32, %c0_i32_0, %c0_i32_1 : i32, i32, i32, i32
  }
  func.func @transform_2(%arg0: i32, %arg1: i32) -> (i32, i32, i32, i32) {
    %c0_i32 = arith.constant 0 : i32
    %c0_i32_0 = arith.constant 0 : i32
    %c0_i32_1 = arith.constant 0 : i32
    %c0_i32_2 = arith.constant 0 : i32
    return %arg0, %c0_i32, %c0_i32_0, %c0_i32_1 : i32, i32, i32, i32
  }
  func.func @transform_3(%arg0: i32, %arg1: i32) -> (i32, i32, i32) {
    %c0_i32 = arith.constant 0 : i32
    %c0_i32_0 = arith.constant 0 : i32
    return %arg0, %arg1, %c0_i32 : i32, i32, i32
  }
  func.func @transform_4(%arg0: i32, %arg1: i32) -> (i32, i32, i32) {
    %c0_i32 = arith.constant 0 : i32
    %c0_i32_0 = arith.constant 0 : i32
    return %arg0, %arg1, %c0_i32 : i32, i32, i32
  }
  func.func @transform_5(%arg0: i32, %arg1: i32) -> (i32, i32, i32) {
    %c0_i32 = arith.constant 0 : i32
    %c0_i32_0 = arith.constant 0 : i32
    return %arg0, %arg1, %c0_i32 : i32, i32, i32
  }
  func.func @transform_6(%arg0: i32, %arg1: i32) -> (i32, i32, i32) {
    %mul3A = arith.constant 16 : i32
    %mul3A_0 = arith.muli %arg0, %mul3A : i32
    %add3A = arith.addi %mul3A_0, %arg1 : i32
    %c0_i32 = arith.constant 0 : i32
    %c0_i32_1 = arith.constant 0 : i32
    %c0_i32_2 = arith.constant 0 : i32
    return %add3A, %c0_i32, %c0_i32_1 : i32, i32, i32
  }
  func.func @transform_7(%arg0: i32, %arg1: i32) -> (i32, i32) {
    %mul3A = arith.constant 16 : i32
    %mul3A_0 = arith.muli %arg0, %mul3A : i32
    %add3A = arith.addi %mul3A_0, %arg1 : i32
    %c0_i32 = arith.constant 0 : i32
    %c0_i32_1 = arith.constant 0 : i32
    return %add3A, %c0_i32 : i32, i32
  }
  func.func @transform_8(%arg0: i32, %arg1: i32) -> (i32, i32) {
    %mul3A = arith.constant 16 : i32
    %mul3A_0 = arith.muli %arg0, %mul3A : i32
    %add3A = arith.addi %mul3A_0, %arg1 : i32
    %c0_i32 = arith.constant 0 : i32
    %c0_i32_1 = arith.constant 0 : i32
    return %add3A, %c0_i32 : i32, i32
  }
}

</mosaic_0001>

<sc_bundles>
// kernel: sparse-core-data-format-call.cloned.1.call-start
scs
called_computation_lowered:
.L_overlay_start_0:
0x0: {  	s2 =	sld [smem:$0x3FD9]  }
0x1: {  	s3 =	sld [smem:$0x3FFE];
	_ =	sdelay $0x1  }
0x2: {  	s1 =	srdreg.scid  }
0x3: {  	s0 =	sand.u32 $0x1, s1  }
0x4: {  	s15 =	sshll.u32 s0, $0xA;
	s2 =	sadd.s32 s3, s2  }
0x5: {  	s2 =	sadd.s32 s2, s15  }
0x6: {  	[smem:$0x3FC3] =	sst s2  }
0x7: {  	_ = 	snop  }
0x8: {  	s2 =	sld [smem:$0x3FD0];
	_ =	sdelay $0x2  }
0x9: {  	s16 =	simm.s32 $0xA;
	s4 =	simm.s32 $0x10  }
0xa: {  	[smem:s4], [sflag:s16] =	dma.local [hbm:s2], $0x1  }
0xb: {  	_ =	swait.eq [sflag:s16], $0x1  }
0xc: {  	[sflag:s16] =	ssyncset.done $0x0  }
0xd: {  	[sflag:s16] =	ssyncadd.s32 $0xFFFFFFFF  }
0xe: {  	s17 =	sld [smem:$0x10];
	(tm) =	ssettm $0x1  }
0xf: {  	s18 =	sld [smem:$0x3FFB];
	_ =	sdelay $0x3  }
0x10: {  	_ =	strace s18  }
0x11: {  	s3 =	sld [smem:$0x3FFC];
	_ =	sdelay $0x3  }
0x12: {  	_ =	strace s3  }
0x13: {  	s3 =	sld [smem:$0x3FFD];
	_ =	sdelay $0x3  }
0x14: {  	_ =	strace s3  }
0x15: {  	_ =	strace $0x8FFFFFFF  }
0x16: {  	s19 =	sld [smem:$0x3FDB];
	_ =	sdelay $0x1  }
0x17: {  	s20 =	simm.s32 $_scs_section_size  }
0x18: {  	s5 =	simm.s32 $_size__tile_overlayer_lowered;
	s6 =	simm.s32 $_tile_overlayer_lowered  }
0x19: {  	s23 =	simm.s32 $0x1BFF;
	s22 =	sshll.u32 s6, $0x1;
	s3 =	sadd.s32 s20, s19  }
0x1a: {  	s7 =	simm.s32 $0x0;
	s21 =	sshll.u32 s5, $0x1;
	s5 =	sadd.s32 s22, s3  }
0x1b: {  	[timem:s7], [sflag:s23] =	dma.local [hbm:s5], s21  }
0x1c: {  	_ =	swait.ge [sflag:s23], s21  }
0x1d: {  	s4 =	ssub.s32 $0x0, s21;
	[sflag:s23] =	ssyncset.done $0x0  }
0x1e: {  	[sflag:s23] =	ssyncadd.s32 s4;
	_ =	sdelay $0x1  }
0x1f: {  	s24 =	simm.s32 $0x1B8B  }
0x20: {  	_ =	swait.ge [sflag:s24], $0x1  }
0x21: {  	[sflag:s24] =	ssyncset.done $0x0  }
0x22: {  	s26 =	simm.s32 $0x1B8E;
	s25 =	sld [smem:$0x3FFE];
	[sflag:s24] =	ssyncadd.s32 $0xFFFFFFFF  }
0x23: {  	s27 =	simm.s32 $execute0_lowered;
	[smem:$0x3FD2] =	sst s26  }
0x24: {  	s5 =	sshll.u32 s27, $0x1;
	_ =	strace $0x80000046;
	[dreg:$0x1] =	wrdreg $0xFFFFFFFF  }
0x25: {  	s28 =	simm.s32 $_size_execute0_lowered;
	s3 =	sadd.s32 s3, s5;
	[dreg:$0x0] =	wrdreg $0x0  }
0x26: {  	s5 =	sshll.u32 s28, $0x1;
	[dreg:$0x2] =	wrdreg s3  }
0x27: {  	[dreg:$0x3] =	wrdreg s5  }
0x28: {  	[dreg:$0x4] =	wrdreg $0xC0  }
0x29: {  	_ =	task [dreg:s7], $0x5FFFF  }
0x2a: {  	[dreg:$0x1] =	wrdreg $0xFFFFFFFF  }
0x2b: {  	[dreg:$0x0] =	wrdreg $0x60  }
0x2c: {  	[dreg:$0x2] =	wrdreg s25  }
0x2d: {  	[dreg:$0x3] =	wrdreg s17  }
0x2e: {  	[dreg:$0x4] =	wrdreg $0x9  }
0x2f: {  	_ =	task.clear_ibuf [dreg:s7], $0x5FFFF;
	_ =	strace $0x90000046  }
0x30: {  	s29 =	simm.s32 $0x9;
	_ =	strace $0x80000048  }
0x31: {  	_ =	swait.ge [sflag:s29], $0x1  }
0x32: {  	[sflag:s29] =	ssyncadd.s32 $0xFFFFFFFF  }
0x33: {  	_ =	strace $0x90000048  }
0x34: {  	_ =	sfence  }
0x35: {  	s30 =	sld [smem:$0x0];
	_ =	sdelay $0x2  }
0x36: {  	s31 =	sshll.u32 s1, $0xD;
	s1 =	sshrl.u32 s1, $0x2  }
0x37: {  	s3 =	sand.u32 $0x4000, s31;
	s1 =	sadd.s32 s1, s30  }
0x38: {  	s0 =	sor.u32 s3, s0;
	s1 =	sshll.u32 s1, $0x11  }
0x39: {  	s0 =	sor.u32 s1, s0  }
0x3a: {  	s0 =	sadd.s32 $0x8F2B, s0  }
0x3b: {  	[sflag:s0] =	ssyncadd.remote.s32 $0x1  }
0x3c: {  	_ =	sfence.sel $0xFFFF  }
0x3d: {  	[dreg:$0x0] =	wrdreg $0xFFFFFFFF;
	(pc) =	sbr.abs _section_cstart, $3  }
0x3e: {  	[dreg:$0x1] =	wrdreg $0xFFFFFFFF  }
0x3f: {  	_ =	task.clear_ibuf [dreg:s7], $0x2FFFF;
	_ =	strace $0x9FFFFFFF  }
0x40: {  	(tm) =	ssettm $0x7FFFFFFF  }
0x41: {  	_ =	shalt  }
tec
execute0_lowered:
.L_overlay_start_1:
0x0: {  	(tag) =	ssettag $0x1  }
0x1: {  	s0 =	srdreg.scid;
	s5 =	rddreg [dreg:$0x0]  }
0x2: {  	s3 =	rddreg [dreg:$0x1];
	s1 =	sshll.u32 s0, $0x4  }
0x3: {  	s7 =	simm.s32 $0x1;
	s0 =	stileid.u32;
	s1 =	sand.u32 $0x10, s1  }
0x4: {  	s8 =	simm.s32 $0x2;
	s15 =	simm.s32 $0x0;
	s1 =	sor.u32 s0, s1  }
0x5: {  	s14 =	simm.s32 $0x0;
	s9 =	simm.s32 $0x0;
	s2 =	sshll.u32 s1, $0x7  }
0x6: {  	s10 =	simm.s32 $0x0;
	s11 =	simm.s32 $0x0;
	s6 =	ssub.s32 $0x2000, s2  }
0x7: {  	s13 =	simm.s32 $0x0;
	s5 =	sadd.s32 $0xE00, s5;
	s4 =	sand.u32 $0xF80, s6  }
.Ltmp0:
0x8: {  	s1 =	rddreg [dreg:$0x2];
	p0 =	sne.s32 s4, $0x0;
	(pc) =	sbr.rel .LBB1_1-.Ltmp0, $4  }
0x9: {  	_ =	strace $0x80000047;
	s6 =	sshrl.u32 s6, $0xC;
	s7 =	simm.s32 @!p0 $0x0  }
0xa: {  	s12 =	smov.u32 s2;
	s4 =	simm.s32 $0x1;
	s6 =	sadd.s32 s7, s6  }
0xb: {  	[sflag:s4] =	ssyncpa.u1 $0x0;
	p0 =	por $0x0, $0x0;
	s6 =	sshll.u32 s6, $0x5  }
0xc: {  	[sflag:s8] =	ssyncpa.u1 $0x0;
	s8 =	simm.s32 $0x40000;
	s7 =	sor.u32 $0x1, s6  }
.LBB1_4:
0xd: {  	s20 =	sshra.s32 s20, $0x2;
	p1 =	sgt.s32 s9, $0x1F  }
0xe: {  	s21 =	smov.u32 s9;
	s22 =	sshra.s32 s9, $0x1F;
	s29 =	sand.u32 $0x78, s10  }
0xf: {  	v5 =	vld [tilespmem:s17+$0xFFFFFFD0];
	s23 =	sshll.u32 s9, $0xD;
	s30 =	sshra.s32 s10, $0x1F;
	s31 =	sshll.u32 s10, $0x3  }
0x10: {  	[tilespmem:s18+$0x2040 ss:$0x81] =	vst.msk $0xffff, v4;
	v58 =	vld [tilespmem:s17+$0xFFFFFFE0];
	s27 =	sshll.u32 s9, $0x7;
	s19 =	sadd.s32 s20, s19;
	s21 =	simm.s32 @!p1 $0x1F  }
0x11: {  	[tilespmem:s18+$0x2850 ss:$0x81] =	vst.msk $0xffff, v3;
	v59 =	vld [tilespmem:s17+$0xFFFFFFF0];
	s28 =	sand.u32 s22, s9;
	p1 =	sgt.s32 s10, $0x1F80;
	s23 =	sand.u32 $0x30000, s23  }
0x12: {  	[tilespmem:s18+$0x3060 ss:$0x81] =	vst.msk $0xffff, v2;
	v60 =	vld [tilespmem:s17+$0x0];
	s25 =	sand.u32 $0x3FC00, s31;
	s20 =	ssub.s32 s21, s28;
	s21 =	smov.u32 s10  }
0x13: {  	[tilespmem:s18+$0x0 ss:$0x81] =	vst.msk $0xffff, v0;
	v61 =	vld [tilespmem:s17+$0x10];
	s18 =	sand.u32 $0x1C00, s31;
	s24 =	sadd.s32 $0xFFFFFFE1, s20;
	s21 =	simm.s32 @!p1 $0x1F80  }
0x14: {  	v62 =	vld [tilespmem:s17+$0x20];
	[tilespmem:s19+$0x3870 ss:$0x81] =	vst.msk $0xffff, v1;
	s20 =	ssub.s32 $0x20, s20;
	p1 =	sgt.s32 s24, $0x0;
	s24 =	sand.u32 s30, s10  }
0x15: {  	v63 =	vld [tilespmem:s17+$0xFFFFFFC0];
	s17 =	sand.u32 $0x380, s27;
	s20 =	smul.u32 $0x43, s20;
	s21 =	ssub.s32 s21, s24;
	[tilespmem:s19+$0x810 ss:$0x81] =	vst.msk $0xffff, v5  }
0x16: {  	s23 =	sadd.s32 s25, s23;
	s18 =	sor.u32 s29, s18;
	[tilespmem:s19+$0x1020 ss:$0x81] =	vst.msk $0xffff, v58;
	s26 =	sadd.s32 $0xFFFFE080, s21  }
0x17: {  	[tilespmem:s19+$0x1830 ss:$0x81] =	vst.msk $0xffff, v59;
	s20 =	simm.s32 @p1 $0x0;
	s21 =	ssub.s32 $0x2000, s21;
	p1 =	sgt.s32 s26, $0x7F  }
0x18: {  	s28 =	sand.u32 $0x3E000, s23;
	s17 =	sor.u32 s17, s18;
	[tilespmem:s19+$0x2040 ss:$0x81] =	vst.msk $0xffff, v60;
	s21 =	simm.s32 @p1 $0x0  }
0x19: {  	s17 =	sor.u32 s28, s17;
	s30 =	sand.u32 $0x7, s10;
	[tilespmem:s19+$0x2850 ss:$0x81] =	vst.msk $0xffff, v61;
	s29 =	smul.u32 s21, s20  }
0x1a: {  	[tilespmem:s19+$0x3060 ss:$0x81] =	vst.msk $0xffff, v62;
	s17 =	sshrl.u32 s17, $0x3;
	s20 =	sshll.u32 s30, $0x12  }
0x1b: {  	[tilespmem:s19+$0x0 ss:$0x81] =	vst.msk $0xffff, v63;
	s17 =	sadd.s32 s3, s17;
	s31 =	sor.u32 $0x80, s20;
	s18 =	sand.u32 $0x3FFFFFFF, s29  }
0x1c: {  	[hbm4b:s17+s31] =	stream.strided.scatter [tilespmem:s16], [sflag:$0x2], s18, s8, s31, $0x20;
	[tilespmem:$0x10100] =	vst v63  }
.LBB1_5:
0x1d: {  	p1 =	slt.u32 s13, $0x2  }
0x1e: {  	s17 =	smov.u32 s15;
	p2 =	sgt.s32 @!p1 s15, $0x1F;
	s16 =	sshra.s32 @!p1 s15, $0x1F  }
0x1f: {  	p3 =	sgt.s32 @!p1 s14, $0x1F80;
	s18 =	sshra.s32 @!p1 s14, $0x1F;
	p2 =	por !p2, p1  }
0x20: {  	s15 =	sand.u32 @!p1 s16, s15;
	p3 =	por !p3, p1;
	s16 =	smov.u32 s14  }
0x21: {  	s14 =	sand.u32 @!p1 s18, s14;
	s17 =	simm.s32 @p2 $0x1F;
	s16 =	simm.s32 @p3 $0x1F80  }
0x22: {  	s18 =	smov.u32 s12;
	s15 =	ssub.s32 @!p1 s17, s15;
	s14 =	ssub.s32 @!p1 s16, s14  }
0x23: {  	s16 =	sadd.s32 @!p1 $0xFFFFFFE1, s15;
	s15 =	ssub.s32 @!p1 $0x20, s15;
	s17 =	sadd.s32 @!p1 $0xFFFFE080, s14  }
0x24: {  	p2 =	sgt.s32 @!p1 s16, $0x0;
	s15 =	smul.u32 @!p1 $0x43, s15;
	p3 =	sgt.s32 @!p1 s17, $0x7F  }
0x25: {  	s14 =	ssub.s32 @!p1 $0x2000, s14;
	p2 =	por !p2, p1;
	p3 =	por !p3, p1  }
0x26: {  	s16 =	sadd.s32 $0x1, s11;
	s15 =	simm.s32 @!p2 $0x0;
	s14 =	simm.s32 @!p3 $0x0  }
0x27: {  	p2 =	sgt.s32 s16, $0x1F;
	s14 =	smul.u32 @!p1 s14, s15;
	s15 =	sadd.s32 $0x1000, s12  }
0x28: {  	s18 =	smov.u32 @p2 s15  }
0x29: {  	s16 =	simm.s32 @p2 $0x0;
	p2 =	sgt.s32 s18, $0x1FFF  }
0x2a: {  	s18 =	smov.u32 @p2 s2;
	p2 =	sne.s32 s13, s7  }
.Ltmp1:
0x2b: {  	p0 =	por !p0, !p0;
	s17 =	simm.s32 @!p1 $0x2;
	(pc) =	sbr.rel @!p2 .LBB1_6-.Ltmp1, $4  }
0x2c: {  	s15 =	smov.u32 s9;
	s9 =	smov.u32 s11;
	s14 =	sand.u32 @!p1 $0x3FFFFFFF, s14  }
0x2d: {  	s11 =	smov.u32 s16;
	_ =	swait.ge @!p1 [sflag:s17], s14;
	s19 =	ssub.s32 @!p1 $0x0, s14  }
0x2e: {  	s14 =	smov.u32 s10;
	s13 =	sadd.s32 $0x1, s13;
	[sflag:s17] =	ssyncset.done @!p1 $0x0  }
0x2f: {  	s10 =	smov.u32 s12;
	s12 =	smov.u32 s18;
	[sflag:s17] =	ssyncadd.s32 @!p1 s19  }
.LBB1_1:
0x30: {  	p1 =	sge.u32 s13, s6  }
0x31: {  	s31 =	sadd.s32 $0xFFFFFFFF, s13;
	s16 =	sxor.u32 @!p1 $0xFFFFFFFF, s13  }
0x32: {  	s17 =	sshll.u32 @!p1 s12, $0x9;
	s18 =	sshll.u32 @!p1 s11, $0x4;
	s19 =	simm.s32 @!p1 $0x1000  }
0x33: {  	s16 =	sshll.u32 @!p1 s16, $0xE;
	s18 =	sand.u32 @!p1 $0x1F0, s18;
	s17 =	sadd.s32 @!p1 s5, s17  }
0x34: {  	s16 =	sand.u32 @!p1 $0x4000, s16;
	s17 =	sadd.s32 @!p1 s18, s17;
	s18 =	simm.s32 @!p1 $0x80  }
0x35: {  	[tilespmem:s16], [sflag:$0x1] =	stream.strided.gather @!p1 [hbm4b:s17+s18], $0x4000, s19, s18, $0x38;
	[tilespmem:$0x10100] =	vst v63  }
0x36: {  	p1 =	sge.u32 s31, s6  }
.Ltmp2:
0x37: {  	_ = 	snop;
	(pc) =	sbr.rel @p1 .LBB1_5-.Ltmp2, $1  }
0x38: {  	_ =	sdelay $0x3  }
0x39: {  	s16 =	simm.s32 $0x1  }
0x3a: {  	_ =	swait.ge [sflag:s4], $0x4000;
	s16 =	simm.s32 @!p0 $0x0  }
0x3b: {  	[sflag:s4] =	ssyncset.done $0x0;
	s17 =	sshll.u32 s16, $0xE  }
0x3c: {  	[sflag:s4] =	ssyncadd.s32 $0xFFFFC000;
	s17 =	sor.u32 $0x40, s17  }
0x3d: {  	s16 =	smul.u32 $0x10200, s16;
	v0 =	vld [tilespmem:s17+$0x30]  }
0x3e: {  	v1 =	vld [tilespmem:s17+$0xFFFFFFD0]  }
0x3f: {  	s16 =	sshrl.u32 s16, $0x2;
	v5 =	vld [tilespmem:s17+$0xFFFFFFE0]  }
0x40: {  	v6 =	vld [tilespmem:s17+$0xFFFFFFF0];
	s19 =	sor.u32 $0x8000, s16  }
0x41: {  	s31 =	sand.u32 $0x1, s13;
	v4 =	vld [tilespmem:s17+$0x0];
	s18 =	sadd.s32 $0x0, s19  }
0x42: {  	v3 =	vld [tilespmem:s17+$0x10];
	s16 =	smul.u32 $0x10200, s31;
	[tilespmem:s18+$0x3870 ss:$0x81] =	vst.msk $0xffff, v0  }
0x43: {  	v2 =	vld [tilespmem:s17+$0x20];
	[tilespmem:s18+$0x810 ss:$0x81] =	vst.msk $0xffff, v1  }
0x44: {  	s16 =	sshrl.u32 s16, $0x2;
	v0 =	vld [tilespmem:s17+$0xFFFFFFC0];
	[tilespmem:s18+$0x1020 ss:$0x81] =	vst.msk $0xffff, v5;
	s17 =	sadd.s32 $0x80, s17  }
0x45: {  	s20 =	simm.s32 $0x4;
	s21 =	simm.s32 $0x8;
	s16 =	sor.u32 $0x8000, s16;
	[tilespmem:s18+$0x1830 ss:$0x81] =	vst.msk $0xffff, v6;
	v1 =	vld [tilespmem:s17+$0x30]  }
.LBB1_3:
0x46: {  	p1 =	sne.s32 s21, $0x1FC;
	v5 =	vld [tilespmem:s17+$0xFFFFFFD0];
	[tilespmem:s18+$0x2040 ss:$0x81] =	vst.msk $0xffff, v4  }
0x47: {  	v6 =	vld [tilespmem:s17+$0xFFFFFFE0];
	[tilespmem:s18+$0x2850 ss:$0x81] =	vst.msk $0xffff, v3  }
0x48: {  	s22 =	sshra.s32 s20, $0x2;
	s20 =	smov.u32 s21;
	v7 =	vld [tilespmem:s17+$0xFFFFFFF0];
	[tilespmem:s18+$0x3060 ss:$0x81] =	vst.msk $0xffff, v2  }
.Ltmp3:
0x49: {  	v4 =	vld [tilespmem:s17+$0x0];
	[tilespmem:s18+$0x0 ss:$0x81] =	vst.msk $0xffff, v0;
	s18 =	sadd.s32 s22, s19;
	(pc) =	sbr.rel @p1 .LBB1_3-.Ltmp3, $4  }
0x4a: {  	v3 =	vld [tilespmem:s17+$0x10];
	[tilespmem:s18+$0x3870 ss:$0x81] =	vst.msk $0xffff, v1  }
0x4b: {  	[tilespmem:s18+$0x810 ss:$0x81] =	vst.msk $0xffff, v5;
	v2 =	vld [tilespmem:s17+$0x20]  }
0x4c: {  	v0 =	vld [tilespmem:s17+$0xFFFFFFC0];
	[tilespmem:s18+$0x1020 ss:$0x81] =	vst.msk $0xffff, v6;
	s17 =	sadd.s32 $0x80, s17  }
0x4d: {  	s21 =	sadd.s32 $0x4, s21;
	v1 =	vld [tilespmem:s17+$0x30];
	[tilespmem:s18+$0x1830 ss:$0x81] =	vst.msk $0xffff, v7  }
.Ltmp4:
0x4e: {  	_ = 	snop;
	(pc) =	sbr.rel .LBB1_4-.Ltmp4, $1  }
0x4f: {  	_ =	sdelay $0x3  }
.LBB1_6:
0x50: {  	_ =	sfence.sel $0x180000  }
0x51: {  	s2 =	simm.s32 $0x1;
	[bflag:$0x0] =	sbarrier.arrive $0xFFFF  }
0x52: {  	s31 =	simm.s32 $0x2;
	[sflag:s2] =	ssyncpa.u1 $0x1  }
0x53: {  	[sflag:s31] =	ssyncpa.u1 $0x1  }
0x54: {  	p0 =	sne.s32 s0, $0x0;
	_ =	strace $0x90000047  }
0x55: {  	s0 =	sadd.s32 @!p0 $0x100000, s1;
	[bflag:$0x2] =	sbarrier.arrive $0xFFFF  }
0x56: {  	[sflag:s0] =	ssyncadd.tile.s32 @!p0 $0x1;
	_ =	shalt  }
.Lfunc_end1:
_tile_overlayer_lowered:
.L_overlay_start_2:
0x57: {  	(tag) =	ssettag $0x2  }
0x58: {  	s0 =	rddreg [dreg:$0x0];
	s2 =	stileid.u32  }
0x59: {  	s1 =	rddreg [dreg:$0x1];
	p0 =	sne.s32 s2, $0x0  }
0x5a: {  	s3 =	rddreg [dreg:$0x2];
	[bflag:$0x3] =	sbarrier.arrive $0xFFFF;
	s2 =	simm.s32 @!p0 $0x1C01  }
0x5b: {  	[timem:s3], [sflag:s2] =	dma.local @!p0 [hbm:s0], s1  }
0x5c: {  	s0 =	simm.s32 @!p0 $0x1  }
0x5d: {  	_ =	swait.ge @!p0 [sflag:s0], s1  }
0x5e: {  	s1 =	ssub.s32 @!p0 $0x0, s1;
	[sflag:s0] =	ssyncset.done @!p0 $0x0  }
0x5f: {  	[sflag:s0] =	ssyncadd.s32 @!p0 s1  }
0x60: {  	[bflag:$0x3] =	sbarrier.arrive $0xFFFF  }
0x61: {  	_ =	shalt  }

</sc_bundles>
